<compile_context>
chip_gen: v7x
topology: tpu7x:2x2x1
jax: 0.10.2.dev20260603
libtpu: 0.0.44.dev20260713+nightly
codegen_flags: <defaults>
</compile_context>

<pallas_src>
import functools

import jax
import jax.numpy as jnp
from jax import lax
from jax.experimental import pallas as pl
from jax.experimental.pallas import tpu as pltpu
from jax.experimental.pallas import tpu_sc as plsc

N = 10000
NP = 10240
E = 320000
D = 128
NC = 2
NS = 16
NW = NC * NS
EPW = E // NW
CH = 80
NCH = EPW // CH
SEC = 5
SCH = NCH // SEC
RPT = NP // NS


def _make_sc(with_cnt: bool):
    mesh = plsc.VectorSubcoreMesh(core_axis_name="c", subcore_axis_name="s")
    out_type = [jax.ShapeDtypeStruct((NC, NP, D), jnp.float32)]
    scratch = [
        pltpu.VMEM((2, SCH, CH), jnp.int32),
        pltpu.VMEM((2, SCH, CH), jnp.int32),
        pltpu.VMEM((CH, D), jnp.float32),
        pltpu.VMEM((CH, D), jnp.float32),
        pltpu.VMEM_SHARED((NP, D), jnp.float32),
        pltpu.SemaphoreType.DMA,
        pltpu.SemaphoreType.DMA,
        pltpu.SemaphoreType.DMA,
        pltpu.SemaphoreType.DMA,
        pltpu.SemaphoreType.DMA,
        pltpu.VMEM((RPT,), jnp.float32),
    ]
    if with_cnt:
        out_type.append(jax.ShapeDtypeStruct((NC, NP), jnp.float32))
        scratch += [
            pltpu.VMEM((CH,), jnp.float32),
            pltpu.VMEM_SHARED((NP,), jnp.float32),
        ]

    @functools.partial(pl.kernel, mesh=mesh, out_type=out_type,
                       scratch_types=scratch)
    def sc(x_hbm, ei_hbm, *refs):
        if with_cnt:
            (sums_hbm, cnt_hbm, src_sec, dst_sec, rows_a, rows_b, acc_sh,
             sem_a, sem_b, isem_0, isem_1, csem, zero_v,
             ones_v, cnt_sh) = refs
        else:
            (sums_hbm, src_sec, dst_sec, rows_a, rows_b, acc_sh,
             sem_a, sem_b, isem_0, isem_1, csem, zero_v) = refs
        isems = (isem_0, isem_1)
        c = lax.axis_index("c")
        s = lax.axis_index("s")
        wid = s * NC + c

        pltpu.async_copy(ei_hbm.at[0, wid, 0], src_sec.at[0], isem_0)
        pltpu.async_copy(ei_hbm.at[1, wid, 0], dst_sec.at[0], isem_0)

        def zfill(i, carry):
            for j in range(D // 16):
                rows_a[i, pl.ds(j * 16, 16)] = jnp.zeros((16,), jnp.float32)
            return carry
        lax.fori_loop(0, CH, zfill, 0)
        for m in range(RPT // CH):
            pltpu.async_copy(rows_a,
                             acc_sh.at[pl.ds(s * RPT + m * CH, CH)], csem)
        if with_cnt:
            def zfill1(i, carry):
                zero_v[pl.ds(i * 16, 16)] = jnp.zeros((16,), jnp.float32)
                return carry
            lax.fori_loop(0, RPT // 16, zfill1, 0)
            pltpu.async_copy(zero_v, cnt_sh.at[pl.ds(s * RPT, RPT)], csem)
            for j in range(CH // 16):
                ones_v[pl.ds(j * 16, 16)] = jnp.ones((16,), jnp.float32)
            pltpu.make_async_copy(zero_v, cnt_sh.at[pl.ds(s * RPT, RPT)],
                                  csem).wait()
        for m in range(RPT // CH):
            pltpu.make_async_copy(rows_a,
                                  acc_sh.at[pl.ds(s * RPT + m * CH, CH)],
                                  csem).wait()
        plsc.subcore_barrier()

        def leg(b, k, rows_v, sem):
            pltpu.make_async_copy(x_hbm.at[src_sec.at[b, 0]], rows_v,
                                  sem).wait()
            pltpu.sync_copy(rows_v, acc_sh.at[dst_sec.at[b, k]], add=True)
            if with_cnt:
                pltpu.async_copy(ones_v, cnt_sh.at[dst_sec.at[b, k]], csem,
                                 add=True)

            @pl.when(k + 2 < SCH)
            def _():
                pltpu.async_copy(x_hbm.at[src_sec.at[b, k + 2]], rows_v, sem)

        for s2 in range(SEC):
            b = s2 % 2
            nb = (s2 + 1) % 2
            if s2 + 1 < SEC:
                pltpu.async_copy(ei_hbm.at[0, wid, s2 + 1], src_sec.at[nb],
                                 isems[nb])
                pltpu.async_copy(ei_hbm.at[1, wid, s2 + 1], dst_sec.at[nb],
                                 isems[nb])
            pltpu.make_async_copy(ei_hbm.at[0, wid, 0], src_sec.at[b],
                                  isems[b]).wait()
            pltpu.make_async_copy(ei_hbm.at[1, wid, 0], dst_sec.at[b],
                                  isems[b]).wait()
            pltpu.async_copy(x_hbm.at[src_sec.at[b, 0]], rows_a, sem_a)
            pltpu.async_copy(x_hbm.at[src_sec.at[b, 1]], rows_b, sem_b)

            def pair(p, carry):
                k0 = 2 * p
                leg(b, k0, rows_a, sem_a)

                @pl.when(k0 + 1 < SCH)
                def _():
                    leg(b, k0 + 1, rows_b, sem_b)
                return carry

            lax.fori_loop(0, (SCH + 1) // 2, pair, 0)
        if with_cnt:
            def drain_cnt(k, carry):
                pltpu.make_async_copy(ones_v, cnt_sh.at[dst_sec.at[0, 0]],
                                      csem).wait()
                return carry
            lax.fori_loop(0, NCH, drain_cnt, 0)
        plsc.subcore_barrier()

        pltpu.sync_copy(acc_sh.at[pl.ds(s * RPT, RPT)],
                        sums_hbm.at[c, pl.ds(s * RPT, RPT)])
        if with_cnt:
            @pl.when(s == 0)
            def _():
                pltpu.sync_copy(cnt_sh, cnt_hbm.at[c])

    return sc


def _make_tc(final: bool):
    R = 2048
    grid = NP // R

    def body(sums_ref, cnt_ref, x_ref, wl_ref, bl_ref, wr_ref, br_ref, o_ref):
        sm = sums_ref[0] + sums_ref[1]
        ct = cnt_ref[0] + cnt_ref[1]
        mean = sm / jnp.clip(ct, 1.0, None)[:, None]
        dn = (((1,), (1,)), ((), ()))
        h = (lax.dot_general(mean, wl_ref[...], dn,
                             precision=lax.Precision.DEFAULT)
             + bl_ref[...]
             + lax.dot_general(x_ref[...], wr_ref[...], dn,
                               precision=lax.Precision.DEFAULT)
             + br_ref[...])
        h = jnp.where(h > 0, h, jnp.exp(jnp.minimum(h, 0.0)) - 1.0)
        if final:
            m = jnp.max(h, axis=-1, keepdims=True)
            sh = h - m
            h = sh - jnp.log(jnp.sum(jnp.exp(sh), axis=-1, keepdims=True))
        o_ref[...] = h

    return pl.pallas_call(
        body,
        grid=(grid,),
        in_specs=[
            pl.BlockSpec((NC, R, D), lambda i: (0, i, 0)),
            pl.BlockSpec((NC, R), lambda i: (0, i)),
            pl.BlockSpec((R, D), lambda i: (i, 0)),
            pl.BlockSpec((D, D), lambda i: (0, 0)),
            pl.BlockSpec((1, D), lambda i: (0, 0)),
            pl.BlockSpec((D, D), lambda i: (0, 0)),
            pl.BlockSpec((1, D), lambda i: (0, 0)),
        ],
        out_specs=pl.BlockSpec((R, D), lambda i: (i, 0)),
        out_shape=jax.ShapeDtypeStruct((N, D), jnp.float32),
    )


def kernel(x, edge_index, W1l, b1l, W1r, b1r, W2l, b2l, W2r, b2r):
    ei = edge_index.reshape(2, NW, SEC, SCH, CH)

    sc1 = _make_sc(with_cnt=True)
    sc2 = _make_sc(with_cnt=False)
    tc1 = _make_tc(final=False)
    tc2 = _make_tc(final=True)

    sums1, cnt = sc1(x, ei)
    h = tc1(sums1, cnt, x, W1l, b1l.reshape(1, D), W1r, b1r.reshape(1, D))
    (sums2,) = sc2(h, ei)
    return tc2(sums2, cnt, h, W2l, b2l.reshape(1, D), W2r, b2r.reshape(1, D))

# --- scband reference (transcript-rebuilt; emitter-appended) ---
"""Pipeline reference for scband-graph-sage-64355789963304 (READ-ONLY COPY).

The authoritative reference and input builder live on the scoring server;
editing this copy changes nothing except your own understanding.
"""

import jax, jax.numpy as jnp
import numpy as np

N = 10000
E = 320000
IN_DIM = 128
HID = 128
OUT = 128


def setup_inputs(seed: int = 0) -> dict:
    key = jax.random.key(seed)
    ks = jax.random.split(key, 12)
    x = jax.random.normal(ks[0], (N, IN_DIM), dtype=jnp.float32)
    edge_index = jax.random.randint(ks[1], (2, E), 0, N, dtype=jnp.int32)
    s_in = 1.0 / np.sqrt(IN_DIM)
    s_h = 1.0 / np.sqrt(HID)
    W1l = jax.random.uniform(ks[2], (HID, IN_DIM), jnp.float32, -s_in, s_in)
    b1l = jax.random.uniform(ks[3], (HID,), jnp.float32, -s_in, s_in)
    W1r = jax.random.uniform(ks[4], (HID, IN_DIM), jnp.float32, -s_in, s_in)
    b1r = jax.random.uniform(ks[5], (HID,), jnp.float32, -s_in, s_in)
    W2l = jax.random.uniform(ks[6], (OUT, HID), jnp.float32, -s_h, s_h)
    b2l = jax.random.uniform(ks[7], (OUT,), jnp.float32, -s_h, s_h)
    W2r = jax.random.uniform(ks[8], (OUT, HID), jnp.float32, -s_h, s_h)
    b2r = jax.random.uniform(ks[9], (OUT,), jnp.float32, -s_h, s_h)
    return {"x": x, "edge_index": edge_index, "W1l": W1l, "b1l": b1l,
            "W1r": W1r, "b1r": b1r, "W2l": W2l, "b2l": b2l,
            "W2r": W2r, "b2r": b2r}


def _sage_conv(x, edge_index, Wl, bl, Wr, br):
    # PyG SAGEConv with mean aggregation:
    # out = lin_l(mean_{j in N(i)} x_j) + lin_r(x_i)
    src = edge_index[0]
    dst = edge_index[1]
    msgs = jnp.take(x, src, axis=0)                      # gather  [E, d]
    summed = jax.ops.segment_sum(msgs, dst, num_segments=N)
    cnt = jax.ops.segment_sum(jnp.ones((E,), jnp.float32), dst, num_segments=N)
    mean = summed / jnp.clip(cnt, 1.0, None)[:, None]
    return mean @ Wl.T + bl + x @ Wr.T + br


def reference(x, edge_index, W1l, b1l, W1r, b1r, W2l, b2l, W2r, b2r):
    h = _sage_conv(x, edge_index, W1l, b1l, W1r, b1r)
    h = jax.nn.elu(h)
    # dropout is identity in deterministic/eval reference
    h = _sage_conv(h, edge_index, W2l, b2l, W2r, b2r)
    h = jax.nn.elu(h)
    return jax.nn.log_softmax(h, axis=-1)

if __name__ == "__main__":
    import jax
    _d = setup_inputs()
    print(jax.jit(kernel)(*tuple(_d.values())))

</pallas_src>

<mosaic_0001>
#map = affine_map<(d0, d1) -> (0, 0)>
#map1 = affine_map<(d0, d1) -> (0, 0, 0, 0, 0)>
#map2 = affine_map<(d0, d1) -> (0, 0, 0)>
module attributes {stable_mosaic.version = 14 : i64} {
  func.func @sc(%arg0: i32, %arg1: i32, %arg2: memref<10000x128xf32, #tpu.memory_space<hbm>>, %arg3: memref<2x32x5x25x80xi32, #tpu.memory_space<hbm>>, %arg4: memref<2x10240x128xf32, #tpu.memory_space<hbm>>, %arg5: memref<2x10240xf32, #tpu.memory_space<hbm>>, %arg6: memref<2x25x80xi32, #tpu.memory_space<vmem>>, %arg7: memref<2x25x80xi32, #tpu.memory_space<vmem>>, %arg8: memref<80x128xf32, #tpu.memory_space<vmem>>, %arg9: memref<80x128xf32, #tpu.memory_space<vmem>>, %arg10: memref<10240x128xf32, #tpu.memory_space<vmem_shared>>, %arg11: memref<!tpu.dma_semaphore, #tpu.memory_space<semaphore_mem>>, %arg12: memref<!tpu.dma_semaphore, #tpu.memory_space<semaphore_mem>>, %arg13: memref<!tpu.dma_semaphore, #tpu.memory_space<semaphore_mem>>, %arg14: memref<!tpu.dma_semaphore, #tpu.memory_space<semaphore_mem>>, %arg15: memref<!tpu.dma_semaphore, #tpu.memory_space<semaphore_mem>>, %arg16: memref<640xf32, #tpu.memory_space<vmem>>, %arg17: memref<80xf32, #tpu.memory_space<vmem>>, %arg18: memref<10240xf32, #tpu.memory_space<vmem_shared>>) attributes {dimension_semantics = [#tpu.dimension_semantics<core_parallel>, #tpu.dimension_semantics<subcore_parallel>], iteration_bounds = array<i64: 2, 16>, scalar_prefetch = 0 : i64, scratch_operands = 13 : i64, tpu.core_type = #tpu.core_type<sc_vector_subcore>, window_params = [{transform_indices = #map}, {transform_indices = #map1}, {transform_indices = #map2}, {transform_indices = #map}]} {
    %mul3A = arith.constant 2 : i32
    %mul3A_0 = arith.muli %arg1, %mul3A : i32
    %add3A = arith.addi %mul3A_0, %arg0 : i32
    %dma_start3A = arith.constant 0 : i32
    %dma_start3A_1 = arith.constant 0 : i32
    %dma_start3A_2 = arith.constant 0 : i32
    %dma_start3A_3 = arith.constant 0 : i32
    %dma_start3A_4 = arith.constant 0 : i32
    %dma_start3A_5 = tpu.memref_slice %arg6[%dma_start3A_2, %dma_start3A_3, %dma_start3A_4] : memref<2x25x80xi32, #tpu.memory_space<vmem>> -> memref<1x25x80xi32, #tpu.memory_space<vmem>>
    %dma_start3A_6 = tpu.memref_squeeze %dma_start3A_5 : memref<1x25x80xi32, #tpu.memory_space<vmem>> -> memref<25x80xi32, #tpu.memory_space<vmem>>
    %dma_start3A_7 = arith.constant 0 : i32
    %dma_start3A_8 = arith.constant 0 : i32
    %dma_start3A_9 = tpu.memref_slice %arg3[%dma_start3A, %add3A, %dma_start3A_1, %dma_start3A_7, %dma_start3A_8] : memref<2x32x5x25x80xi32, #tpu.memory_space<hbm>> -> memref<1x1x1x25x80xi32, #tpu.memory_space<hbm>>
    %dma_start3A_10 = tpu.memref_squeeze %dma_start3A_9 : memref<1x1x1x25x80xi32, #tpu.memory_space<hbm>> -> memref<25x80xi32, #tpu.memory_space<hbm>>
    %dma_start3A_11 = arith.constant 0 : i32
    %dma_start3A_12 = arith.constant 0 : i32
    %dma_start3A_13 = tpu.memref_slice %arg6[%dma_start3A_2, %dma_start3A_11, %dma_start3A_12] : memref<2x25x80xi32, #tpu.memory_space<vmem>> -> memref<1x25x80xi32, #tpu.memory_space<vmem>>
    %dma_start3A_14 = tpu.memref_squeeze %dma_start3A_13 : memref<1x25x80xi32, #tpu.memory_space<vmem>> -> memref<25x80xi32, #tpu.memory_space<vmem>>
    %dma_start3A_15 = arith.constant 0 : i32
    %dma_start3A_16 = arith.constant 0 : i32
    %dma_start3A_17 = tpu.memref_slice %arg3[%dma_start3A, %add3A, %dma_start3A_1, %dma_start3A_15, %dma_start3A_16] : memref<2x32x5x25x80xi32, #tpu.memory_space<hbm>> -> memref<1x1x1x25x80xi32, #tpu.memory_space<hbm>>
    %dma_start3A_18 = tpu.memref_squeeze %dma_start3A_17 : memref<1x1x1x25x80xi32, #tpu.memory_space<hbm>> -> memref<25x80xi32, #tpu.memory_space<hbm>>
    tpu.enqueue_dma source(%dma_start3A_18 : memref<25x80xi32, #tpu.memory_space<hbm>>) target(%dma_start3A_14 : memref<25x80xi32, #tpu.memory_space<vmem>>) target_semaphore(%arg13 : memref<!tpu.dma_semaphore, #tpu.memory_space<semaphore_mem>>)
    %dma_start3A_19 = arith.constant 1 : i32
    %dma_start3A_20 = arith.constant 0 : i32
    %dma_start3A_21 = arith.constant 0 : i32
    %dma_start3A_22 = arith.constant 0 : i32
    %dma_start3A_23 = arith.constant 0 : i32
    %dma_start3A_24 = tpu.memref_slice %arg7[%dma_start3A_21, %dma_start3A_22, %dma_start3A_23] : memref<2x25x80xi32, #tpu.memory_space<vmem>> -> memref<1x25x80xi32, #tpu.memory_space<vmem>>
    %dma_start3A_25 = tpu.memref_squeeze %dma_start3A_24 : memref<1x25x80xi32, #tpu.memory_space<vmem>> -> memref<25x80xi32, #tpu.memory_space<vmem>>
    %dma_start3A_26 = arith.constant 0 : i32
    %dma_start3A_27 = arith.constant 0 : i32
    %dma_start3A_28 = tpu.memref_slice %arg3[%dma_start3A_19, %add3A, %dma_start3A_20, %dma_start3A_26, %dma_start3A_27] : memref<2x32x5x25x80xi32, #tpu.memory_space<hbm>> -> memref<1x1x1x25x80xi32, #tpu.memory_space<hbm>>
    %dma_start3A_29 = tpu.memref_squeeze %dma_start3A_28 : memref<1x1x1x25x80xi32, #tpu.memory_space<hbm>> -> memref<25x80xi32, #tpu.memory_space<hbm>>
    %dma_start3A_30 = arith.constant 0 : i32
    %dma_start3A_31 = arith.constant 0 : i32
    %dma_start3A_32 = tpu.memref_slice %arg7[%dma_start3A_21, %dma_start3A_30, %dma_start3A_31] : memref<2x25x80xi32, #tpu.memory_space<vmem>> -> memref<1x25x80xi32, #tpu.memory_space<vmem>>
    %dma_start3A_33 = tpu.memref_squeeze %dma_start3A_32 : memref<1x25x80xi32, #tpu.memory_space<vmem>> -> memref<25x80xi32, #tpu.memory_space<vmem>>
    %dma_start3A_34 = arith.constant 0 : i32
    %dma_start3A_35 = arith.constant 0 : i32
    %dma_start3A_36 = tpu.memref_slice %arg3[%dma_start3A_19, %add3A, %dma_start3A_20, %dma_start3A_34, %dma_start3A_35] : memref<2x32x5x25x80xi32, #tpu.memory_space<hbm>> -> memref<1x1x1x25x80xi32, #tpu.memory_space<hbm>>
    %dma_start3A_37 = tpu.memref_squeeze %dma_start3A_36 : memref<1x1x1x25x80xi32, #tpu.memory_space<hbm>> -> memref<25x80xi32, #tpu.memory_space<hbm>>
    tpu.enqueue_dma source(%dma_start3A_37 : memref<25x80xi32, #tpu.memory_space<hbm>>) target(%dma_start3A_33 : memref<25x80xi32, #tpu.memory_space<vmem>>) target_semaphore(%arg13 : memref<!tpu.dma_semaphore, #tpu.memory_space<semaphore_mem>>)
    %scan3A = arith.constant 0 : i32
    %scan3A_38 = arith.constant 0 : i32
    %scan3A_39 = arith.constant 80 : i32
    %scan3A_40 = arith.addi %scan3A_38, %scan3A_39 : i32
    %scan3A_41 = arith.constant 1 : i32
    scf.for %scan3A_677 = %scan3A_38 to %scan3A_40 step %scan3A_41  : i32 {
      %broadcast_in_dim3A_678 = arith.constant 0.000000e+00 : f32
      %broadcast_in_dim3A_679 = vector.broadcast %broadcast_in_dim3A_678 : f32 to vector<16xf32>
      %swap3A_680 = arith.index_cast %scan3A_677 : i32 to index
      %swap3A_681 = arith.constant 0 : index
      %swap3A_682 = tpu.vector_load %arg8[%swap3A_680, %swap3A_681] {strides = array<i32>} : memref<80x128xf32, #tpu.memory_space<vmem>>, vector<1x16xf32>,
      %swap3A_683 = vector.shape_cast %swap3A_682 : vector<1x16xf32> to vector<16xf32>
      %swap3A_684 = vector.shape_cast %broadcast_in_dim3A_679 : vector<16xf32> to vector<1x16xf32>
      tpu.vector_store %arg8[%swap3A_680, %swap3A_681], %swap3A_684 {strides = array<i32>} : memref<80x128xf32, #tpu.memory_space<vmem>>, vector<1x16xf32>,
      %broadcast_in_dim3A_685 = arith.constant 0.000000e+00 : f32
      %broadcast_in_dim3A_686 = vector.broadcast %broadcast_in_dim3A_685 : f32 to vector<16xf32>
      %swap3A_687 = arith.index_cast %scan3A_677 : i32 to index
      %swap3A_688 = arith.constant 16 : index
      %swap3A_689 = tpu.vector_load %arg8[%swap3A_687, %swap3A_688] {strides = array<i32>} : memref<80x128xf32, #tpu.memory_space<vmem>>, vector<1x16xf32>,
      %swap3A_690 = vector.shape_cast %swap3A_689 : vector<1x16xf32> to vector<16xf32>
      %swap3A_691 = vector.shape_cast %broadcast_in_dim3A_686 : vector<16xf32> to vector<1x16xf32>
      tpu.vector_store %arg8[%swap3A_687, %swap3A_688], %swap3A_691 {strides = array<i32>} : memref<80x128xf32, #tpu.memory_space<vmem>>, vector<1x16xf32>,
      %broadcast_in_dim3A_692 = arith.constant 0.000000e+00 : f32
      %broadcast_in_dim3A_693 = vector.broadcast %broadcast_in_dim3A_692 : f32 to vector<16xf32>
      %swap3A_694 = arith.index_cast %scan3A_677 : i32 to index
      %swap3A_695 = arith.constant 32 : index
      %swap3A_696 = tpu.vector_load %arg8[%swap3A_694, %swap3A_695] {strides = array<i32>} : memref<80x128xf32, #tpu.memory_space<vmem>>, vector<1x16xf32>,
      %swap3A_697 = vector.shape_cast %swap3A_696 : vector<1x16xf32> to vector<16xf32>
      %swap3A_698 = vector.shape_cast %broadcast_in_dim3A_693 : vector<16xf32> to vector<1x16xf32>
      tpu.vector_store %arg8[%swap3A_694, %swap3A_695], %swap3A_698 {strides = array<i32>} : memref<80x128xf32, #tpu.memory_space<vmem>>, vector<1x16xf32>,
      %broadcast_in_dim3A_699 = arith.constant 0.000000e+00 : f32
      %broadcast_in_dim3A_700 = vector.broadcast %broadcast_in_dim3A_699 : f32 to vector<16xf32>
      %swap3A_701 = arith.index_cast %scan3A_677 : i32 to index
      %swap3A_702 = arith.constant 48 : index
      %swap3A_703 = tpu.vector_load %arg8[%swap3A_701, %swap3A_702] {strides = array<i32>} : memref<80x128xf32, #tpu.memory_space<vmem>>, vector<1x16xf32>,
      %swap3A_704 = vector.shape_cast %swap3A_703 : vector<1x16xf32> to vector<16xf32>
      %swap3A_705 = vector.shape_cast %broadcast_in_dim3A_700 : vector<16xf32> to vector<1x16xf32>
      tpu.vector_store %arg8[%swap3A_701, %swap3A_702], %swap3A_705 {strides = array<i32>} : memref<80x128xf32, #tpu.memory_space<vmem>>, vector<1x16xf32>,
      %broadcast_in_dim3A_706 = arith.constant 0.000000e+00 : f32
      %broadcast_in_dim3A_707 = vector.broadcast %broadcast_in_dim3A_706 : f32 to vector<16xf32>
      %swap3A_708 = arith.index_cast %scan3A_677 : i32 to index
      %swap3A_709 = arith.constant 64 : index
      %swap3A_710 = tpu.vector_load %arg8[%swap3A_708, %swap3A_709] {strides = array<i32>} : memref<80x128xf32, #tpu.memory_space<vmem>>, vector<1x16xf32>,
      %swap3A_711 = vector.shape_cast %swap3A_710 : vector<1x16xf32> to vector<16xf32>
      %swap3A_712 = vector.shape_cast %broadcast_in_dim3A_707 : vector<16xf32> to vector<1x16xf32>
      tpu.vector_store %arg8[%swap3A_708, %swap3A_709], %swap3A_712 {strides = array<i32>} : memref<80x128xf32, #tpu.memory_space<vmem>>, vector<1x16xf32>,
      %broadcast_in_dim3A_713 = arith.constant 0.000000e+00 : f32
      %broadcast_in_dim3A_714 = vector.broadcast %broadcast_in_dim3A_713 : f32 to vector<16xf32>
      %swap3A_715 = arith.index_cast %scan3A_677 : i32 to index
      %swap3A_716 = arith.constant 80 : index
      %swap3A_717 = tpu.vector_load %arg8[%swap3A_715, %swap3A_716] {strides = array<i32>} : memref<80x128xf32, #tpu.memory_space<vmem>>, vector<1x16xf32>,
      %swap3A_718 = vector.shape_cast %swap3A_717 : vector<1x16xf32> to vector<16xf32>
      %swap3A_719 = vector.shape_cast %broadcast_in_dim3A_714 : vector<16xf32> to vector<1x16xf32>
      tpu.vector_store %arg8[%swap3A_715, %swap3A_716], %swap3A_719 {strides = array<i32>} : memref<80x128xf32, #tpu.memory_space<vmem>>, vector<1x16xf32>,
      %broadcast_in_dim3A_720 = arith.constant 0.000000e+00 : f32
      %broadcast_in_dim3A_721 = vector.broadcast %broadcast_in_dim3A_720 : f32 to vector<16xf32>
      %swap3A_722 = arith.index_cast %scan3A_677 : i32 to index
      %swap3A_723 = arith.constant 96 : index
      %swap3A_724 = tpu.vector_load %arg8[%swap3A_722, %swap3A_723] {strides = array<i32>} : memref<80x128xf32, #tpu.memory_space<vmem>>, vector<1x16xf32>,
      %swap3A_725 = vector.shape_cast %swap3A_724 : vector<1x16xf32> to vector<16xf32>
      %swap3A_726 = vector.shape_cast %broadcast_in_dim3A_721 : vector<16xf32> to vector<1x16xf32>
      tpu.vector_store %arg8[%swap3A_722, %swap3A_723], %swap3A_726 {strides = array<i32>} : memref<80x128xf32, #tpu.memory_space<vmem>>, vector<1x16xf32>,
      %broadcast_in_dim3A_727 = arith.constant 0.000000e+00 : f32
      %broadcast_in_dim3A_728 = vector.broadcast %broadcast_in_dim3A_727 : f32 to vector<16xf32>
      %swap3A_729 = arith.index_cast %scan3A_677 : i32 to index
      %swap3A_730 = arith.constant 112 : index
      %swap3A_731 = tpu.vector_load %arg8[%swap3A_729, %swap3A_730] {strides = array<i32>} : memref<80x128xf32, #tpu.memory_space<vmem>>, vector<1x16xf32>,
      %swap3A_732 = vector.shape_cast %swap3A_731 : vector<1x16xf32> to vector<16xf32>
      %swap3A_733 = vector.shape_cast %broadcast_in_dim3A_728 : vector<16xf32> to vector<1x16xf32>
      tpu.vector_store %arg8[%swap3A_729, %swap3A_730], %swap3A_733 {strides = array<i32>} : memref<80x128xf32, #tpu.memory_space<vmem>>, vector<1x16xf32>,
    }
    %scan3A_42 = arith.constant 80 : i32
    %mul3A_43 = arith.constant 640 : i32
    %mul3A_44 = arith.muli %arg1, %mul3A_43 : i32
    %add3A_45 = arith.constant 0 : i32
    %add3A_46 = arith.addi %mul3A_44, %add3A_45 : i32
    %dma_start3A_47 = arith.constant 0 : i32
    %dma_start3A_48 = tpu.memref_slice %arg10[%add3A_46, %dma_start3A_47] : memref<10240x128xf32, #tpu.memory_space<vmem_shared>> -> memref<80x128xf32, #tpu.memory_space<vmem_shared>>
    %dma_start3A_49 = arith.constant 0 : i32
    %dma_start3A_50 = tpu.memref_slice %arg10[%add3A_46, %dma_start3A_49] : memref<10240x128xf32, #tpu.memory_space<vmem_shared>> -> memref<80x128xf32, #tpu.memory_space<vmem_shared>>
    tpu.enqueue_dma source(%arg8 : memref<80x128xf32, #tpu.memory_space<vmem>>) target(%dma_start3A_50 : memref<80x128xf32, #tpu.memory_space<vmem_shared>>) target_semaphore(%arg15 : memref<!tpu.dma_semaphore, #tpu.memory_space<semaphore_mem>>)
    %mul3A_51 = arith.constant 640 : i32
    %mul3A_52 = arith.muli %arg1, %mul3A_51 : i32
    %add3A_53 = arith.constant 80 : i32
    %add3A_54 = arith.addi %mul3A_52, %add3A_53 : i32
    %dma_start3A_55 = arith.constant 0 : i32
    %dma_start3A_56 = tpu.memref_slice %arg10[%add3A_54, %dma_start3A_55] : memref<10240x128xf32, #tpu.memory_space<vmem_shared>> -> memref<80x128xf32, #tpu.memory_space<vmem_shared>>
    %dma_start3A_57 = arith.constant 0 : i32
    %dma_start3A_58 = tpu.memref_slice %arg10[%add3A_54, %dma_start3A_57] : memref<10240x128xf32, #tpu.memory_space<vmem_shared>> -> memref<80x128xf32, #tpu.memory_space<vmem_shared>>
    tpu.enqueue_dma source(%arg8 : memref<80x128xf32, #tpu.memory_space<vmem>>) target(%dma_start3A_58 : memref<80x128xf32, #tpu.memory_space<vmem_shared>>) target_semaphore(%arg15 : memref<!tpu.dma_semaphore, #tpu.memory_space<semaphore_mem>>)
    %mul3A_59 = arith.constant 640 : i32
    %mul3A_60 = arith.muli %arg1, %mul3A_59 : i32
    %add3A_61 = arith.constant 160 : i32
    %add3A_62 = arith.addi %mul3A_60, %add3A_61 : i32
    %dma_start3A_63 = arith.constant 0 : i32
    %dma_start3A_64 = tpu.memref_slice %arg10[%add3A_62, %dma_start3A_63] : memref<10240x128xf32, #tpu.memory_space<vmem_shared>> -> memref<80x128xf32, #tpu.memory_space<vmem_shared>>
    %dma_start3A_65 = arith.constant 0 : i32
    %dma_start3A_66 = tpu.memref_slice %arg10[%add3A_62, %dma_start3A_65] : memref<10240x128xf32, #tpu.memory_space<vmem_shared>> -> memref<80x128xf32, #tpu.memory_space<vmem_shared>>
    tpu.enqueue_dma source(%arg8 : memref<80x128xf32, #tpu.memory_space<vmem>>) target(%dma_start3A_66 : memref<80x128xf32, #tpu.memory_space<vmem_shared>>) target_semaphore(%arg15 : memref<!tpu.dma_semaphore, #tpu.memory_space<semaphore_mem>>)
    %mul3A_67 = arith.constant 640 : i32
    %mul3A_68 = arith.muli %arg1, %mul3A_67 : i32
    %add3A_69 = arith.constant 240 : i32
    %add3A_70 = arith.addi %mul3A_68, %add3A_69 : i32
    %dma_start3A_71 = arith.constant 0 : i32
    %dma_start3A_72 = tpu.memref_slice %arg10[%add3A_70, %dma_start3A_71] : memref<10240x128xf32, #tpu.memory_space<vmem_shared>> -> memref<80x128xf32, #tpu.memory_space<vmem_shared>>
    %dma_start3A_73 = arith.constant 0 : i32
    %dma_start3A_74 = tpu.memref_slice %arg10[%add3A_70, %dma_start3A_73] : memref<10240x128xf32, #tpu.memory_space<vmem_shared>> -> memref<80x128xf32, #tpu.memory_space<vmem_shared>>
    tpu.enqueue_dma source(%arg8 : memref<80x128xf32, #tpu.memory_space<vmem>>) target(%dma_start3A_74 : memref<80x128xf32, #tpu.memory_space<vmem_shared>>) target_semaphore(%arg15 : memref<!tpu.dma_semaphore, #tpu.memory_space<semaphore_mem>>)
    %mul3A_75 = arith.constant 640 : i32
    %mul3A_76 = arith.muli %arg1, %mul3A_75 : i32
    %add3A_77 = arith.constant 320 : i32
    %add3A_78 = arith.addi %mul3A_76, %add3A_77 : i32
    %dma_start3A_79 = arith.constant 0 : i32
    %dma_start3A_80 = tpu.memref_slice %arg10[%add3A_78, %dma_start3A_79] : memref<10240x128xf32, #tpu.memory_space<vmem_shared>> -> memref<80x128xf32, #tpu.memory_space<vmem_shared>>
    %dma_start3A_81 = arith.constant 0 : i32
    %dma_start3A_82 = tpu.memref_slice %arg10[%add3A_78, %dma_start3A_81] : memref<10240x128xf32, #tpu.memory_space<vmem_shared>> -> memref<80x128xf32, #tpu.memory_space<vmem_shared>>
    tpu.enqueue_dma source(%arg8 : memref<80x128xf32, #tpu.memory_space<vmem>>) target(%dma_start3A_82 : memref<80x128xf32, #tpu.memory_space<vmem_shared>>) target_semaphore(%arg15 : memref<!tpu.dma_semaphore, #tpu.memory_space<semaphore_mem>>)
    %mul3A_83 = arith.constant 640 : i32
    %mul3A_84 = arith.muli %arg1, %mul3A_83 : i32
    %add3A_85 = arith.constant 400 : i32
    %add3A_86 = arith.addi %mul3A_84, %add3A_85 : i32
    %dma_start3A_87 = arith.constant 0 : i32
    %dma_start3A_88 = tpu.memref_slice %arg10[%add3A_86, %dma_start3A_87] : memref<10240x128xf32, #tpu.memory_space<vmem_shared>> -> memref<80x128xf32, #tpu.memory_space<vmem_shared>>
    %dma_start3A_89 = arith.constant 0 : i32
    %dma_start3A_90 = tpu.memref_slice %arg10[%add3A_86, %dma_start3A_89] : memref<10240x128xf32, #tpu.memory_space<vmem_shared>> -> memref<80x128xf32, #tpu.memory_space<vmem_shared>>
    tpu.enqueue_dma source(%arg8 : memref<80x128xf32, #tpu.memory_space<vmem>>) target(%dma_start3A_90 : memref<80x128xf32, #tpu.memory_space<vmem_shared>>) target_semaphore(%arg15 : memref<!tpu.dma_semaphore, #tpu.memory_space<semaphore_mem>>)
    %mul3A_91 = arith.constant 640 : i32
    %mul3A_92 = arith.muli %arg1, %mul3A_91 : i32
    %add3A_93 = arith.constant 480 : i32
    %add3A_94 = arith.addi %mul3A_92, %add3A_93 : i32
    %dma_start3A_95 = arith.constant 0 : i32
    %dma_start3A_96 = tpu.memref_slice %arg10[%add3A_94, %dma_start3A_95] : memref<10240x128xf32, #tpu.memory_space<vmem_shared>> -> memref<80x128xf32, #tpu.memory_space<vmem_shared>>
    %dma_start3A_97 = arith.constant 0 : i32
    %dma_start3A_98 = tpu.memref_slice %arg10[%add3A_94, %dma_start3A_97] : memref<10240x128xf32, #tpu.memory_space<vmem_shared>> -> memref<80x128xf32, #tpu.memory_space<vmem_shared>>
    tpu.enqueue_dma source(%arg8 : memref<80x128xf32, #tpu.memory_space<vmem>>) target(%dma_start3A_98 : memref<80x128xf32, #tpu.memory_space<vmem_shared>>) target_semaphore(%arg15 : memref<!tpu.dma_semaphore, #tpu.memory_space<semaphore_mem>>)
    %mul3A_99 = arith.constant 640 : i32
    %mul3A_100 = arith.muli %arg1, %mul3A_99 : i32
    %add3A_101 = arith.constant 560 : i32
    %add3A_102 = arith.addi %mul3A_100, %add3A_101 : i32
    %dma_start3A_103 = arith.constant 0 : i32
    %dma_start3A_104 = tpu.memref_slice %arg10[%add3A_102, %dma_start3A_103] : memref<10240x128xf32, #tpu.memory_space<vmem_shared>> -> memref<80x128xf32, #tpu.memory_space<vmem_shared>>
    %dma_start3A_105 = arith.constant 0 : i32
    %dma_start3A_106 = tpu.memref_slice %arg10[%add3A_102, %dma_start3A_105] : memref<10240x128xf32, #tpu.memory_space<vmem_shared>> -> memref<80x128xf32, #tpu.memory_space<vmem_shared>>
    tpu.enqueue_dma source(%arg8 : memref<80x128xf32, #tpu.memory_space<vmem>>) target(%dma_start3A_106 : memref<80x128xf32, #tpu.memory_space<vmem_shared>>) target_semaphore(%arg15 : memref<!tpu.dma_semaphore, #tpu.memory_space<semaphore_mem>>)
    %scan3A_107 = arith.constant 0 : i32
    %scan3A_108 = arith.constant 0 : i32
    %scan3A_109 = arith.constant 40 : i32
    %scan3A_110 = arith.addi %scan3A_108, %scan3A_109 : i32
    %scan3A_111 = arith.constant 1 : i32
    scf.for %scan3A_677 = %scan3A_108 to %scan3A_110 step %scan3A_111  : i32 {
      %broadcast_in_dim3A_678 = arith.constant 0.000000e+00 : f32
      %broadcast_in_dim3A_679 = vector.broadcast %broadcast_in_dim3A_678 : f32 to vector<16xf32>
      %mul3A_680 = arith.constant 16 : i32
      %mul3A_681 = arith.muli %scan3A_677, %mul3A_680 : i32
      %swap3A_682 = arith.index_cast %mul3A_681 : i32 to index
      %swap3A_683 = tpu.vector_load %arg16[%swap3A_682] {strides = array<i32>} : memref<640xf32, #tpu.memory_space<vmem>>, vector<16xf32>,
      %swap3A_684 = vector.shape_cast %swap3A_683 : vector<16xf32> to vector<16xf32>
      %swap3A_685 = vector.shape_cast %broadcast_in_dim3A_679 : vector<16xf32> to vector<16xf32>
      tpu.vector_store %arg16[%swap3A_682], %swap3A_685 {strides = array<i32>} : memref<640xf32, #tpu.memory_space<vmem>>, vector<16xf32>,
    }
    %scan3A_112 = arith.constant 40 : i32
    %mul3A_113 = arith.constant 640 : i32
    %mul3A_114 = arith.muli %arg1, %mul3A_113 : i32
    %dma_start3A_115 = tpu.memref_slice %arg18[%mul3A_114] : memref<10240xf32, #tpu.memory_space<vmem_shared>> -> memref<640xf32, #tpu.memory_space<vmem_shared>>
    %dma_start3A_116 = tpu.memref_slice %arg18[%mul3A_114] : memref<10240xf32, #tpu.memory_space<vmem_shared>> -> memref<640xf32, #tpu.memory_space<vmem_shared>>
    tpu.enqueue_dma source(%arg16 : memref<640xf32, #tpu.memory_space<vmem>>) target(%dma_start3A_116 : memref<640xf32, #tpu.memory_space<vmem_shared>>) target_semaphore(%arg15 : memref<!tpu.dma_semaphore, #tpu.memory_space<semaphore_mem>>)
    %broadcast_in_dim3A = arith.constant 1.000000e+00 : f32
    %broadcast_in_dim3A_117 = vector.broadcast %broadcast_in_dim3A : f32 to vector<16xf32>
    %swap3A = arith.constant 0 : index
    %swap3A_118 = tpu.vector_load %arg17[%swap3A] {strides = array<i32>} : memref<80xf32, #tpu.memory_space<vmem>>, vector<16xf32>,
    %swap3A_119 = vector.shape_cast %swap3A_118 : vector<16xf32> to vector<16xf32>
    %swap3A_120 = vector.shape_cast %broadcast_in_dim3A_117 : vector<16xf32> to vector<16xf32>
    tpu.vector_store %arg17[%swap3A], %swap3A_120 {strides = array<i32>} : memref<80xf32, #tpu.memory_space<vmem>>, vector<16xf32>,
    %broadcast_in_dim3A_121 = arith.constant 1.000000e+00 : f32
    %broadcast_in_dim3A_122 = vector.broadcast %broadcast_in_dim3A_121 : f32 to vector<16xf32>
    %swap3A_123 = arith.constant 16 : index
    %swap3A_124 = tpu.vector_load %arg17[%swap3A_123] {strides = array<i32>} : memref<80xf32, #tpu.memory_space<vmem>>, vector<16xf32>,
    %swap3A_125 = vector.shape_cast %swap3A_124 : vector<16xf32> to vector<16xf32>
    %swap3A_126 = vector.shape_cast %broadcast_in_dim3A_122 : vector<16xf32> to vector<16xf32>
    tpu.vector_store %arg17[%swap3A_123], %swap3A_126 {strides = array<i32>} : memref<80xf32, #tpu.memory_space<vmem>>, vector<16xf32>,
    %broadcast_in_dim3A_127 = arith.constant 1.000000e+00 : f32
    %broadcast_in_dim3A_128 = vector.broadcast %broadcast_in_dim3A_127 : f32 to vector<16xf32>
    %swap3A_129 = arith.constant 32 : index
    %swap3A_130 = tpu.vector_load %arg17[%swap3A_129] {strides = array<i32>} : memref<80xf32, #tpu.memory_space<vmem>>, vector<16xf32>,
    %swap3A_131 = vector.shape_cast %swap3A_130 : vector<16xf32> to vector<16xf32>
    %swap3A_132 = vector.shape_cast %broadcast_in_dim3A_128 : vector<16xf32> to vector<16xf32>
    tpu.vector_store %arg17[%swap3A_129], %swap3A_132 {strides = array<i32>} : memref<80xf32, #tpu.memory_space<vmem>>, vector<16xf32>,
    %broadcast_in_dim3A_133 = arith.constant 1.000000e+00 : f32
    %broadcast_in_dim3A_134 = vector.broadcast %broadcast_in_dim3A_133 : f32 to vector<16xf32>
    %swap3A_135 = arith.constant 48 : index
    %swap3A_136 = tpu.vector_load %arg17[%swap3A_135] {strides = array<i32>} : memref<80xf32, #tpu.memory_space<vmem>>, vector<16xf32>,
    %swap3A_137 = vector.shape_cast %swap3A_136 : vector<16xf32> to vector<16xf32>
    %swap3A_138 = vector.shape_cast %broadcast_in_dim3A_134 : vector<16xf32> to vector<16xf32>
    tpu.vector_store %arg17[%swap3A_135], %swap3A_138 {strides = array<i32>} : memref<80xf32, #tpu.memory_space<vmem>>, vector<16xf32>,
    %broadcast_in_dim3A_139 = arith.constant 1.000000e+00 : f32
    %broadcast_in_dim3A_140 = vector.broadcast %broadcast_in_dim3A_139 : f32 to vector<16xf32>
    %swap3A_141 = arith.constant 64 : index
    %swap3A_142 = tpu.vector_load %arg17[%swap3A_141] {strides = array<i32>} : memref<80xf32, #tpu.memory_space<vmem>>, vector<16xf32>,
    %swap3A_143 = vector.shape_cast %swap3A_142 : vector<16xf32> to vector<16xf32>
    %swap3A_144 = vector.shape_cast %broadcast_in_dim3A_140 : vector<16xf32> to vector<16xf32>
    tpu.vector_store %arg17[%swap3A_141], %swap3A_144 {strides = array<i32>} : memref<80xf32, #tpu.memory_space<vmem>>, vector<16xf32>,
    %mul3A_145 = arith.constant 640 : i32
    %mul3A_146 = arith.muli %arg1, %mul3A_145 : i32
    %dma_wait3A = tpu.memref_slice %arg18[%mul3A_146] : memref<10240xf32, #tpu.memory_space<vmem_shared>> -> memref<640xf32, #tpu.memory_space<vmem_shared>>
    %dma_wait3A_147 = tpu.memref_slice %arg18[%mul3A_146] : memref<10240xf32, #tpu.memory_space<vmem_shared>> -> memref<640xf32, #tpu.memory_space<vmem_shared>>
    tpu.wait_dma2 semaphore(%arg15 : memref<!tpu.dma_semaphore, #tpu.memory_space<semaphore_mem>>) src(%arg16 : memref<640xf32, #tpu.memory_space<vmem>>) dst(%dma_wait3A_147 : memref<640xf32, #tpu.memory_space<vmem_shared>>)
    %mul3A_148 = arith.constant 640 : i32
    %mul3A_149 = arith.muli %arg1, %mul3A_148 : i32
    %add3A_150 = arith.constant 0 : i32
    %add3A_151 = arith.addi %mul3A_149, %add3A_150 : i32
    %dma_wait3A_152 = arith.constant 0 : i32
    %dma_wait3A_153 = tpu.memref_slice %arg10[%add3A_151, %dma_wait3A_152] : memref<10240x128xf32, #tpu.memory_space<vmem_shared>> -> memref<80x128xf32, #tpu.memory_space<vmem_shared>>
    %dma_wait3A_154 = arith.constant 0 : i32
    %dma_wait3A_155 = tpu.memref_slice %arg10[%add3A_151, %dma_wait3A_154] : memref<10240x128xf32, #tpu.memory_space<vmem_shared>> -> memref<80x128xf32, #tpu.memory_space<vmem_shared>>
    tpu.wait_dma2 semaphore(%arg15 : memref<!tpu.dma_semaphore, #tpu.memory_space<semaphore_mem>>) src(%arg8 : memref<80x128xf32, #tpu.memory_space<vmem>>) dst(%dma_wait3A_155 : memref<80x128xf32, #tpu.memory_space<vmem_shared>>)
    %mul3A_156 = arith.constant 640 : i32
    %mul3A_157 = arith.muli %arg1, %mul3A_156 : i32
    %add3A_158 = arith.constant 80 : i32
    %add3A_159 = arith.addi %mul3A_157, %add3A_158 : i32
    %dma_wait3A_160 = arith.constant 0 : i32
    %dma_wait3A_161 = tpu.memref_slice %arg10[%add3A_159, %dma_wait3A_160] : memref<10240x128xf32, #tpu.memory_space<vmem_shared>> -> memref<80x128xf32, #tpu.memory_space<vmem_shared>>
    %dma_wait3A_162 = arith.constant 0 : i32
    %dma_wait3A_163 = tpu.memref_slice %arg10[%add3A_159, %dma_wait3A_162] : memref<10240x128xf32, #tpu.memory_space<vmem_shared>> -> memref<80x128xf32, #tpu.memory_space<vmem_shared>>
    tpu.wait_dma2 semaphore(%arg15 : memref<!tpu.dma_semaphore, #tpu.memory_space<semaphore_mem>>) src(%arg8 : memref<80x128xf32, #tpu.memory_space<vmem>>) dst(%dma_wait3A_163 : memref<80x128xf32, #tpu.memory_space<vmem_shared>>)
    %mul3A_164 = arith.constant 640 : i32
    %mul3A_165 = arith.muli %arg1, %mul3A_164 : i32
    %add3A_166 = arith.constant 160 : i32
    %add3A_167 = arith.addi %mul3A_165, %add3A_166 : i32
    %dma_wait3A_168 = arith.constant 0 : i32
    %dma_wait3A_169 = tpu.memref_slice %arg10[%add3A_167, %dma_wait3A_168] : memref<10240x128xf32, #tpu.memory_space<vmem_shared>> -> memref<80x128xf32, #tpu.memory_space<vmem_shared>>
    %dma_wait3A_170 = arith.constant 0 : i32
    %dma_wait3A_171 = tpu.memref_slice %arg10[%add3A_167, %dma_wait3A_170] : memref<10240x128xf32, #tpu.memory_space<vmem_shared>> -> memref<80x128xf32, #tpu.memory_space<vmem_shared>>
    tpu.wait_dma2 semaphore(%arg15 : memref<!tpu.dma_semaphore, #tpu.memory_space<semaphore_mem>>) src(%arg8 : memref<80x128xf32, #tpu.memory_space<vmem>>) dst(%dma_wait3A_171 : memref<80x128xf32, #tpu.memory_space<vmem_shared>>)
    %mul3A_172 = arith.constant 640 : i32
    %mul3A_173 = arith.muli %arg1, %mul3A_172 : i32
    %add3A_174 = arith.constant 240 : i32
    %add3A_175 = arith.addi %mul3A_173, %add3A_174 : i32
    %dma_wait3A_176 = arith.constant 0 : i32
    %dma_wait3A_177 = tpu.memref_slice %arg10[%add3A_175, %dma_wait3A_176] : memref<10240x128xf32, #tpu.memory_space<vmem_shared>> -> memref<80x128xf32, #tpu.memory_space<vmem_shared>>
    %dma_wait3A_178 = arith.constant 0 : i32
    %dma_wait3A_179 = tpu.memref_slice %arg10[%add3A_175, %dma_wait3A_178] : memref<10240x128xf32, #tpu.memory_space<vmem_shared>> -> memref<80x128xf32, #tpu.memory_space<vmem_shared>>
    tpu.wait_dma2 semaphore(%arg15 : memref<!tpu.dma_semaphore, #tpu.memory_space<semaphore_mem>>) src(%arg8 : memref<80x128xf32, #tpu.memory_space<vmem>>) dst(%dma_wait3A_179 : memref<80x128xf32, #tpu.memory_space<vmem_shared>>)
    %mul3A_180 = arith.constant 640 : i32
    %mul3A_181 = arith.muli %arg1, %mul3A_180 : i32
    %add3A_182 = arith.constant 320 : i32
    %add3A_183 = arith.addi %mul3A_181, %add3A_182 : i32
    %dma_wait3A_184 = arith.constant 0 : i32
    %dma_wait3A_185 = tpu.memref_slice %arg10[%add3A_183, %dma_wait3A_184] : memref<10240x128xf32, #tpu.memory_space<vmem_shared>> -> memref<80x128xf32, #tpu.memory_space<vmem_shared>>
    %dma_wait3A_186 = arith.constant 0 : i32
    %dma_wait3A_187 = tpu.memref_slice %arg10[%add3A_183, %dma_wait3A_186] : memref<10240x128xf32, #tpu.memory_space<vmem_shared>> -> memref<80x128xf32, #tpu.memory_space<vmem_shared>>
    tpu.wait_dma2 semaphore(%arg15 : memref<!tpu.dma_semaphore, #tpu.memory_space<semaphore_mem>>) src(%arg8 : memref<80x128xf32, #tpu.memory_space<vmem>>) dst(%dma_wait3A_187 : memref<80x128xf32, #tpu.memory_space<vmem_shared>>)
    %mul3A_188 = arith.constant 640 : i32
    %mul3A_189 = arith.muli %arg1, %mul3A_188 : i32
    %add3A_190 = arith.constant 400 : i32
    %add3A_191 = arith.addi %mul3A_189, %add3A_190 : i32
    %dma_wait3A_192 = arith.constant 0 : i32
    %dma_wait3A_193 = tpu.memref_slice %arg10[%add3A_191, %dma_wait3A_192] : memref<10240x128xf32, #tpu.memory_space<vmem_shared>> -> memref<80x128xf32, #tpu.memory_space<vmem_shared>>
    %dma_wait3A_194 = arith.constant 0 : i32
    %dma_wait3A_195 = tpu.memref_slice %arg10[%add3A_191, %dma_wait3A_194] : memref<10240x128xf32, #tpu.memory_space<vmem_shared>> -> memref<80x128xf32, #tpu.memory_space<vmem_shared>>
    tpu.wait_dma2 semaphore(%arg15 : memref<!tpu.dma_semaphore, #tpu.memory_space<semaphore_mem>>) src(%arg8 : memref<80x128xf32, #tpu.memory_space<vmem>>) dst(%dma_wait3A_195 : memref<80x128xf32, #tpu.memory_space<vmem_shared>>)
    %mul3A_196 = arith.constant 640 : i32
    %mul3A_197 = arith.muli %arg1, %mul3A_196 : i32
    %add3A_198 = arith.constant 480 : i32
    %add3A_199 = arith.addi %mul3A_197, %add3A_198 : i32
    %dma_wait3A_200 = arith.constant 0 : i32
    %dma_wait3A_201 = tpu.memref_slice %arg10[%add3A_199, %dma_wait3A_200] : memref<10240x128xf32, #tpu.memory_space<vmem_shared>> -> memref<80x128xf32, #tpu.memory_space<vmem_shared>>
    %dma_wait3A_202 = arith.constant 0 : i32
    %dma_wait3A_203 = tpu.memref_slice %arg10[%add3A_199, %dma_wait3A_202] : memref<10240x128xf32, #tpu.memory_space<vmem_shared>> -> memref<80x128xf32, #tpu.memory_space<vmem_shared>>
    tpu.wait_dma2 semaphore(%arg15 : memref<!tpu.dma_semaphore, #tpu.memory_space<semaphore_mem>>) src(%arg8 : memref<80x128xf32, #tpu.memory_space<vmem>>) dst(%dma_wait3A_203 : memref<80x128xf32, #tpu.memory_space<vmem_shared>>)
    %mul3A_204 = arith.constant 640 : i32
    %mul3A_205 = arith.muli %arg1, %mul3A_204 : i32
    %add3A_206 = arith.constant 560 : i32
    %add3A_207 = arith.addi %mul3A_205, %add3A_206 : i32
    %dma_wait3A_208 = arith.constant 0 : i32
    %dma_wait3A_209 = tpu.memref_slice %arg10[%add3A_207, %dma_wait3A_208] : memref<10240x128xf32, #tpu.memory_space<vmem_shared>> -> memref<80x128xf32, #tpu.memory_space<vmem_shared>>
    %dma_wait3A_210 = arith.constant 0 : i32
    %dma_wait3A_211 = tpu.memref_slice %arg10[%add3A_207, %dma_wait3A_210] : memref<10240x128xf32, #tpu.memory_space<vmem_shared>> -> memref<80x128xf32, #tpu.memory_space<vmem_shared>>
    tpu.wait_dma2 semaphore(%arg15 : memref<!tpu.dma_semaphore, #tpu.memory_space<semaphore_mem>>) src(%arg8 : memref<80x128xf32, #tpu.memory_space<vmem>>) dst(%dma_wait3A_211 : memref<80x128xf32, #tpu.memory_space<vmem_shared>>)
    %barrier3A = arith.constant 0 : index
    tpu.barrier barrier_id(%barrier3A)
    %dma_start3A_212 = arith.constant 0 : i32
    %dma_start3A_213 = arith.constant 1 : i32
    %dma_start3A_214 = arith.constant 1 : i32
    %dma_start3A_215 = arith.constant 0 : i32
    %dma_start3A_216 = arith.constant 0 : i32
    %dma_start3A_217 = tpu.memref_slice %arg6[%dma_start3A_214, %dma_start3A_215, %dma_start3A_216] : memref<2x25x80xi32, #tpu.memory_space<vmem>> -> memref<1x25x80xi32, #tpu.memory_space<vmem>>
    %dma_start3A_218 = tpu.memref_squeeze %dma_start3A_217 : memref<1x25x80xi32, #tpu.memory_space<vmem>> -> memref<25x80xi32, #tpu.memory_space<vmem>>
    %dma_start3A_219 = arith.constant 0 : i32
    %dma_start3A_220 = arith.constant 0 : i32
    %dma_start3A_221 = tpu.memref_slice %arg3[%dma_start3A_212, %add3A, %dma_start3A_213, %dma_start3A_219, %dma_start3A_220] : memref<2x32x5x25x80xi32, #tpu.memory_space<hbm>> -> memref<1x1x1x25x80xi32, #tpu.memory_space<hbm>>
    %dma_start3A_222 = tpu.memref_squeeze %dma_start3A_221 : memref<1x1x1x25x80xi32, #tpu.memory_space<hbm>> -> memref<25x80xi32, #tpu.memory_space<hbm>>
    %dma_start3A_223 = arith.constant 0 : i32
    %dma_start3A_224 = arith.constant 0 : i32
    %dma_start3A_225 = tpu.memref_slice %arg6[%dma_start3A_214, %dma_start3A_223, %dma_start3A_224] : memref<2x25x80xi32, #tpu.memory_space<vmem>> -> memref<1x25x80xi32, #tpu.memory_space<vmem>>
    %dma_start3A_226 = tpu.memref_squeeze %dma_start3A_225 : memref<1x25x80xi32, #tpu.memory_space<vmem>> -> memref<25x80xi32, #tpu.memory_space<vmem>>
    %dma_start3A_227 = arith.constant 0 : i32
    %dma_start3A_228 = arith.constant 0 : i32
    %dma_start3A_229 = tpu.memref_slice %arg3[%dma_start3A_212, %add3A, %dma_start3A_213, %dma_start3A_227, %dma_start3A_228] : memref<2x32x5x25x80xi32, #tpu.memory_space<hbm>> -> memref<1x1x1x25x80xi32, #tpu.memory_space<hbm>>
    %dma_start3A_230 = tpu.memref_squeeze %dma_start3A_229 : memref<1x1x1x25x80xi32, #tpu.memory_space<hbm>> -> memref<25x80xi32, #tpu.memory_space<hbm>>
    tpu.enqueue_dma source(%dma_start3A_230 : memref<25x80xi32, #tpu.memory_space<hbm>>) target(%dma_start3A_226 : memref<25x80xi32, #tpu.memory_space<vmem>>) target_semaphore(%arg14 : memref<!tpu.dma_semaphore, #tpu.memory_space<semaphore_mem>>)
    %dma_start3A_231 = arith.constant 1 : i32
    %dma_start3A_232 = arith.constant 1 : i32
    %dma_start3A_233 = arith.constant 1 : i32
    %dma_start3A_234 = arith.constant 0 : i32
    %dma_start3A_235 = arith.constant 0 : i32
    %dma_start3A_236 = tpu.memref_slice %arg7[%dma_start3A_233, %dma_start3A_234, %dma_start3A_235] : memref<2x25x80xi32, #tpu.memory_space<vmem>> -> memref<1x25x80xi32, #tpu.memory_space<vmem>>
    %dma_start3A_237 = tpu.memref_squeeze %dma_start3A_236 : memref<1x25x80xi32, #tpu.memory_space<vmem>> -> memref<25x80xi32, #tpu.memory_space<vmem>>
    %dma_start3A_238 = arith.constant 0 : i32
    %dma_start3A_239 = arith.constant 0 : i32
    %dma_start3A_240 = tpu.memref_slice %arg3[%dma_start3A_231, %add3A, %dma_start3A_232, %dma_start3A_238, %dma_start3A_239] : memref<2x32x5x25x80xi32, #tpu.memory_space<hbm>> -> memref<1x1x1x25x80xi32, #tpu.memory_space<hbm>>
    %dma_start3A_241 = tpu.memref_squeeze %dma_start3A_240 : memref<1x1x1x25x80xi32, #tpu.memory_space<hbm>> -> memref<25x80xi32, #tpu.memory_space<hbm>>
    %dma_start3A_242 = arith.constant 0 : i32
    %dma_start3A_243 = arith.constant 0 : i32
    %dma_start3A_244 = tpu.memref_slice %arg7[%dma_start3A_233, %dma_start3A_242, %dma_start3A_243] : memref<2x25x80xi32, #tpu.memory_space<vmem>> -> memref<1x25x80xi32, #tpu.memory_space<vmem>>
    %dma_start3A_245 = tpu.memref_squeeze %dma_start3A_244 : memref<1x25x80xi32, #tpu.memory_space<vmem>> -> memref<25x80xi32, #tpu.memory_space<vmem>>
    %dma_start3A_246 = arith.constant 0 : i32
    %dma_start3A_247 = arith.constant 0 : i32
    %dma_start3A_248 = tpu.memref_slice %arg3[%dma_start3A_231, %add3A, %dma_start3A_232, %dma_start3A_246, %dma_start3A_247] : memref<2x32x5x25x80xi32, #tpu.memory_space<hbm>> -> memref<1x1x1x25x80xi32, #tpu.memory_space<hbm>>
    %dma_start3A_249 = tpu.memref_squeeze %dma_start3A_248 : memref<1x1x1x25x80xi32, #tpu.memory_space<hbm>> -> memref<25x80xi32, #tpu.memory_space<hbm>>
    tpu.enqueue_dma source(%dma_start3A_249 : memref<25x80xi32, #tpu.memory_space<hbm>>) target(%dma_start3A_245 : memref<25x80xi32, #tpu.memory_space<vmem>>) target_semaphore(%arg14 : memref<!tpu.dma_semaphore, #tpu.memory_space<semaphore_mem>>)
    %dma_wait3A_250 = arith.constant 0 : i32
    %dma_wait3A_251 = arith.constant 0 : i32
    %dma_wait3A_252 = arith.constant 0 : i32
    %dma_wait3A_253 = arith.constant 0 : i32
    %dma_wait3A_254 = arith.constant 0 : i32
    %dma_wait3A_255 = tpu.memref_slice %arg6[%dma_wait3A_252, %dma_wait3A_253, %dma_wait3A_254] : memref<2x25x80xi32, #tpu.memory_space<vmem>> -> memref<1x25x80xi32, #tpu.memory_space<vmem>>
    %dma_wait3A_256 = tpu.memref_squeeze %dma_wait3A_255 : memref<1x25x80xi32, #tpu.memory_space<vmem>> -> memref<25x80xi32, #tpu.memory_space<vmem>>
    %dma_wait3A_257 = arith.constant 0 : i32
    %dma_wait3A_258 = arith.constant 0 : i32
    %dma_wait3A_259 = tpu.memref_slice %arg3[%dma_wait3A_250, %add3A, %dma_wait3A_251, %dma_wait3A_257, %dma_wait3A_258] : memref<2x32x5x25x80xi32, #tpu.memory_space<hbm>> -> memref<1x1x1x25x80xi32, #tpu.memory_space<hbm>>
    %dma_wait3A_260 = tpu.memref_squeeze %dma_wait3A_259 : memref<1x1x1x25x80xi32, #tpu.memory_space<hbm>> -> memref<25x80xi32, #tpu.memory_space<hbm>>
    %dma_wait3A_261 = arith.constant 0 : i32
    %dma_wait3A_262 = arith.constant 0 : i32
    %dma_wait3A_263 = tpu.memref_slice %arg6[%dma_wait3A_252, %dma_wait3A_261, %dma_wait3A_262] : memref<2x25x80xi32, #tpu.memory_space<vmem>> -> memref<1x25x80xi32, #tpu.memory_space<vmem>>
    %dma_wait3A_264 = tpu.memref_squeeze %dma_wait3A_263 : memref<1x25x80xi32, #tpu.memory_space<vmem>> -> memref<25x80xi32, #tpu.memory_space<vmem>>
    %dma_wait3A_265 = arith.constant 0 : i32
    %dma_wait3A_266 = arith.constant 0 : i32
    %dma_wait3A_267 = tpu.memref_slice %arg3[%dma_wait3A_250, %add3A, %dma_wait3A_251, %dma_wait3A_265, %dma_wait3A_266] : memref<2x32x5x25x80xi32, #tpu.memory_space<hbm>> -> memref<1x1x1x25x80xi32, #tpu.memory_space<hbm>>
    %dma_wait3A_268 = tpu.memref_squeeze %dma_wait3A_267 : memref<1x1x1x25x80xi32, #tpu.memory_space<hbm>> -> memref<25x80xi32, #tpu.memory_space<hbm>>
    tpu.wait_dma2 semaphore(%arg13 : memref<!tpu.dma_semaphore, #tpu.memory_space<semaphore_mem>>) src(%dma_wait3A_268 : memref<25x80xi32, #tpu.memory_space<hbm>>) dst(%dma_wait3A_264 : memref<25x80xi32, #tpu.memory_space<vmem>>)
    %dma_wait3A_269 = arith.constant 1 : i32
    %dma_wait3A_270 = arith.constant 0 : i32
    %dma_wait3A_271 = arith.constant 0 : i32
    %dma_wait3A_272 = arith.constant 0 : i32
    %dma_wait3A_273 = arith.constant 0 : i32
    %dma_wait3A_274 = tpu.memref_slice %arg7[%dma_wait3A_271, %dma_wait3A_272, %dma_wait3A_273] : memref<2x25x80xi32, #tpu.memory_space<vmem>> -> memref<1x25x80xi32, #tpu.memory_space<vmem>>
    %dma_wait3A_275 = tpu.memref_squeeze %dma_wait3A_274 : memref<1x25x80xi32, #tpu.memory_space<vmem>> -> memref<25x80xi32, #tpu.memory_space<vmem>>
    %dma_wait3A_276 = arith.constant 0 : i32
    %dma_wait3A_277 = arith.constant 0 : i32
    %dma_wait3A_278 = tpu.memref_slice %arg3[%dma_wait3A_269, %add3A, %dma_wait3A_270, %dma_wait3A_276, %dma_wait3A_277] : memref<2x32x5x25x80xi32, #tpu.memory_space<hbm>> -> memref<1x1x1x25x80xi32, #tpu.memory_space<hbm>>
    %dma_wait3A_279 = tpu.memref_squeeze %dma_wait3A_278 : memref<1x1x1x25x80xi32, #tpu.memory_space<hbm>> -> memref<25x80xi32, #tpu.memory_space<hbm>>
    %dma_wait3A_280 = arith.constant 0 : i32
    %dma_wait3A_281 = arith.constant 0 : i32
    %dma_wait3A_282 = tpu.memref_slice %arg7[%dma_wait3A_271, %dma_wait3A_280, %dma_wait3A_281] : memref<2x25x80xi32, #tpu.memory_space<vmem>> -> memref<1x25x80xi32, #tpu.memory_space<vmem>>
    %dma_wait3A_283 = tpu.memref_squeeze %dma_wait3A_282 : memref<1x25x80xi32, #tpu.memory_space<vmem>> -> memref<25x80xi32, #tpu.memory_space<vmem>>
    %dma_wait3A_284 = arith.constant 0 : i32
    %dma_wait3A_285 = arith.constant 0 : i32
    %dma_wait3A_286 = tpu.memref_slice %arg3[%dma_wait3A_269, %add3A, %dma_wait3A_270, %dma_wait3A_284, %dma_wait3A_285] : memref<2x32x5x25x80xi32, #tpu.memory_space<hbm>> -> memref<1x1x1x25x80xi32, #tpu.memory_space<hbm>>
    %dma_wait3A_287 = tpu.memref_squeeze %dma_wait3A_286 : memref<1x1x1x25x80xi32, #tpu.memory_space<hbm>> -> memref<25x80xi32, #tpu.memory_space<hbm>>
    tpu.wait_dma2 semaphore(%arg13 : memref<!tpu.dma_semaphore, #tpu.memory_space<semaphore_mem>>) src(%dma_wait3A_287 : memref<25x80xi32, #tpu.memory_space<hbm>>) dst(%dma_wait3A_283 : memref<25x80xi32, #tpu.memory_space<vmem>>)
    %dma_start3A_288 = arith.constant 0 : i32
    %dma_start3A_289 = arith.constant 0 : i32
    %dma_start3A_290 = arith.constant 0 : i32
    %dma_start3A_291 = tpu.memref_slice %arg6[%dma_start3A_288, %dma_start3A_289, %dma_start3A_290] : memref<2x25x80xi32, #tpu.memory_space<vmem>> -> memref<1x1x80xi32, #tpu.memory_space<vmem>>
    %dma_start3A_292 = tpu.memref_squeeze %dma_start3A_291 : memref<1x1x80xi32, #tpu.memory_space<vmem>> -> memref<80xi32, #tpu.memory_space<vmem>>
    %dma_start3A_293 = arith.constant 0 : i32
    %dma_start3A_294 = arith.constant 0 : i32
    %dma_start3A_295 = tpu.memref_slice %arg2[%dma_start3A_293, %dma_start3A_294] : memref<10000x128xf32, #tpu.memory_space<hbm>> -> memref<10000x128xf32, #tpu.memory_space<hbm>>
    tpu.enqueue_indirect_dma source(%dma_start3A_295 : memref<10000x128xf32, #tpu.memory_space<hbm>>) target(%arg8 : memref<80x128xf32, #tpu.memory_space<vmem>>) offsets(%dma_start3A_292 : memref<80xi32, #tpu.memory_space<vmem>>) semaphore(%arg11 : memref<!tpu.dma_semaphore, #tpu.memory_space<semaphore_mem>>)
    %dma_start3A_296 = arith.constant 0 : i32
    %dma_start3A_297 = arith.constant 1 : i32
    %dma_start3A_298 = arith.constant 0 : i32
    %dma_start3A_299 = tpu.memref_slice %arg6[%dma_start3A_296, %dma_start3A_297, %dma_start3A_298] : memref<2x25x80xi32, #tpu.memory_space<vmem>> -> memref<1x1x80xi32, #tpu.memory_space<vmem>>
    %dma_start3A_300 = tpu.memref_squeeze %dma_start3A_299 : memref<1x1x80xi32, #tpu.memory_space<vmem>> -> memref<80xi32, #tpu.memory_space<vmem>>
    %dma_start3A_301 = arith.constant 0 : i32
    %dma_start3A_302 = arith.constant 0 : i32
    %dma_start3A_303 = tpu.memref_slice %arg2[%dma_start3A_301, %dma_start3A_302] : memref<10000x128xf32, #tpu.memory_space<hbm>> -> memref<10000x128xf32, #tpu.memory_space<hbm>>
    tpu.enqueue_indirect_dma source(%dma_start3A_303 : memref<10000x128xf32, #tpu.memory_space<hbm>>) target(%arg9 : memref<80x128xf32, #tpu.memory_space<vmem>>) offsets(%dma_start3A_300 : memref<80xi32, #tpu.memory_space<vmem>>) semaphore(%arg12 : memref<!tpu.dma_semaphore, #tpu.memory_space<semaphore_mem>>)
    %scan3A_304 = arith.constant 0 : i32
    %scan3A_305 = arith.constant 0 : i32
    %scan3A_306 = arith.constant 13 : i32
    %scan3A_307 = arith.addi %scan3A_305, %scan3A_306 : i32
    %scan3A_308 = arith.constant 1 : i32
    scf.for %scan3A_677 = %scan3A_305 to %scan3A_307 step %scan3A_308  : i32 {
      %mul3A_678 = arith.constant 2 : i32
      %mul3A_679 = arith.muli %mul3A_678, %scan3A_677 : i32
      %dma_wait3A_680 = arith.constant 0 : i32
      %dma_wait3A_681 = arith.constant 0 : i32
      %dma_wait3A_682 = arith.constant 0 : i32
      %dma_wait3A_683 = tpu.memref_slice %arg6[%dma_wait3A_680, %dma_wait3A_681, %dma_wait3A_682] : memref<2x25x80xi32, #tpu.memory_space<vmem>> -> memref<1x1x80xi32, #tpu.memory_space<vmem>>
      %dma_wait3A_684 = tpu.memref_squeeze %dma_wait3A_683 : memref<1x1x80xi32, #tpu.memory_space<vmem>> -> memref<80xi32, #tpu.memory_space<vmem>>
      %dma_wait3A_685 = arith.constant 0 : i32
      %dma_wait3A_686 = arith.constant 0 : i32
      %dma_wait3A_687 = tpu.memref_slice %arg2[%dma_wait3A_685, %dma_wait3A_686] : memref<10000x128xf32, #tpu.memory_space<hbm>> -> memref<10000x128xf32, #tpu.memory_space<hbm>>
      tpu.wait_indirect_dma semaphore(%arg11 : memref<!tpu.dma_semaphore, #tpu.memory_space<semaphore_mem>>) src(%dma_wait3A_687 : memref<10000x128xf32, #tpu.memory_space<hbm>>) dst(%arg8 : memref<80x128xf32, #tpu.memory_space<vmem>>)
      %run_scoped3A = arith.constant 0 : i32
      "tpu.region"() ({
        %run_scoped3A_707 = tpu.sem_alloc : memref<!tpu.dma_semaphore, #tpu.memory_space<semaphore_mem>>
        %dma_start3A_708 = arith.constant 0 : i32
        %dma_start3A_709 = tpu.memref_slice %arg7[%run_scoped3A, %mul3A_679, %dma_start3A_708] : memref<2x25x80xi32, #tpu.memory_space<vmem>> -> memref<1x1x80xi32, #tpu.memory_space<vmem>>
        %dma_start3A_710 = tpu.memref_squeeze %dma_start3A_709 : memref<1x1x80xi32, #tpu.memory_space<vmem>> -> memref<80xi32, #tpu.memory_space<vmem>>
        %dma_start3A_711 = arith.constant 0 : i32
        %dma_start3A_712 = arith.constant 0 : i32
        %dma_start3A_713 = tpu.memref_slice %arg10[%dma_start3A_711, %dma_start3A_712] : memref<10240x128xf32, #tpu.memory_space<vmem_shared>> -> memref<10240x128xf32, #tpu.memory_space<vmem_shared>>
        tpu.enqueue_indirect_dma source(%arg8 : memref<80x128xf32, #tpu.memory_space<vmem>>) target(%dma_start3A_713 : memref<10240x128xf32, #tpu.memory_space<vmem_shared>>) offsets(%dma_start3A_710 : memref<80xi32, #tpu.memory_space<vmem>>) semaphore(%run_scoped3A_707 : memref<!tpu.dma_semaphore, #tpu.memory_space<semaphore_mem>>) {add = true}
        %dma_wait3A_714 = arith.constant 0 : i32
        %dma_wait3A_715 = tpu.memref_slice %arg7[%run_scoped3A, %mul3A_679, %dma_wait3A_714] : memref<2x25x80xi32, #tpu.memory_space<vmem>> -> memref<1x1x80xi32, #tpu.memory_space<vmem>>
        %dma_wait3A_716 = tpu.memref_squeeze %dma_wait3A_715 : memref<1x1x80xi32, #tpu.memory_space<vmem>> -> memref<80xi32, #tpu.memory_space<vmem>>
        %dma_wait3A_717 = arith.constant 0 : i32
        %dma_wait3A_718 = arith.constant 0 : i32
        %dma_wait3A_719 = tpu.memref_slice %arg10[%dma_wait3A_717, %dma_wait3A_718] : memref<10240x128xf32, #tpu.memory_space<vmem_shared>> -> memref<10240x128xf32, #tpu.memory_space<vmem_shared>>
        tpu.wait_indirect_dma semaphore(%run_scoped3A_707 : memref<!tpu.dma_semaphore, #tpu.memory_space<semaphore_mem>>) src(%arg8 : memref<80x128xf32, #tpu.memory_space<vmem>>) dst(%dma_wait3A_719 : memref<10240x128xf32, #tpu.memory_space<vmem_shared>>)
        tpu.yield
      }) : () -> ()
      %dma_start3A_688 = arith.constant 0 : i32
      %dma_start3A_689 = arith.constant 0 : i32
      %dma_start3A_690 = tpu.memref_slice %arg7[%dma_start3A_688, %mul3A_679, %dma_start3A_689] : memref<2x25x80xi32, #tpu.memory_space<vmem>> -> memref<1x1x80xi32, #tpu.memory_space<vmem>>
      %dma_start3A_691 = tpu.memref_squeeze %dma_start3A_690 : memref<1x1x80xi32, #tpu.memory_space<vmem>> -> memref<80xi32, #tpu.memory_space<vmem>>
      %dma_start3A_692 = arith.constant 0 : i32
      %dma_start3A_693 = tpu.memref_slice %arg18[%dma_start3A_692] : memref<10240xf32, #tpu.memory_space<vmem_shared>> -> memref<10240xf32, #tpu.memory_space<vmem_shared>>
      tpu.enqueue_indirect_dma source(%arg17 : memref<80xf32, #tpu.memory_space<vmem>>) target(%dma_start3A_693 : memref<10240xf32, #tpu.memory_space<vmem_shared>>) offsets(%dma_start3A_691 : memref<80xi32, #tpu.memory_space<vmem>>) semaphore(%arg15 : memref<!tpu.dma_semaphore, #tpu.memory_space<semaphore_mem>>) {add = true}
      %add3A_694 = arith.constant 2 : i32
      %add3A_695 = arith.addi %mul3A_679, %add3A_694 : i32
      %lt3A = arith.constant 25 : i32
      %lt3A_696 = arith.cmpi slt, %add3A_695, %lt3A : i32
      %convert_element_type3A_697 = arith.extui %lt3A_696 : i1 to i32
      %cond3A_698 = arith.constant 0 : i32
      %cond3A_699 = arith.cmpi ne, %convert_element_type3A_697, %cond3A_698 : i32
      scf.if %cond3A_699 {
        %add3A_707 = arith.constant 2 : i32
        %add3A_708 = arith.addi %mul3A_679, %add3A_707 : i32
        %dma_start3A_709 = arith.constant 0 : i32
        %dma_start3A_710 = arith.constant 0 : i32
        %dma_start3A_711 = tpu.memref_slice %arg6[%dma_start3A_709, %add3A_708, %dma_start3A_710] : memref<2x25x80xi32, #tpu.memory_space<vmem>> -> memref<1x1x80xi32, #tpu.memory_space<vmem>>
        %dma_start3A_712 = tpu.memref_squeeze %dma_start3A_711 : memref<1x1x80xi32, #tpu.memory_space<vmem>> -> memref<80xi32, #tpu.memory_space<vmem>>
        %dma_start3A_713 = arith.constant 0 : i32
        %dma_start3A_714 = arith.constant 0 : i32
        %dma_start3A_715 = tpu.memref_slice %arg2[%dma_start3A_713, %dma_start3A_714] : memref<10000x128xf32, #tpu.memory_space<hbm>> -> memref<10000x128xf32, #tpu.memory_space<hbm>>
        tpu.enqueue_indirect_dma source(%dma_start3A_715 : memref<10000x128xf32, #tpu.memory_space<hbm>>) target(%arg8 : memref<80x128xf32, #tpu.memory_space<vmem>>) offsets(%dma_start3A_712 : memref<80xi32, #tpu.memory_space<vmem>>) semaphore(%arg11 : memref<!tpu.dma_semaphore, #tpu.memory_space<semaphore_mem>>)
      } else {
      }
      %add3A_700 = arith.constant 1 : i32
      %add3A_701 = arith.addi %mul3A_679, %add3A_700 : i32
      %lt3A_702 = arith.constant 25 : i32
      %lt3A_703 = arith.cmpi slt, %add3A_701, %lt3A_702 : i32
      %convert_element_type3A_704 = arith.extui %lt3A_703 : i1 to i32
      %cond3A_705 = arith.constant 0 : i32
      %cond3A_706 = arith.cmpi ne, %convert_element_type3A_704, %cond3A_705 : i32
      scf.if %cond3A_706 {
        %add3A_707 = arith.constant 1 : i32
        %add3A_708 = arith.addi %mul3A_679, %add3A_707 : i32
        %dma_wait3A_709 = arith.constant 0 : i32
        %dma_wait3A_710 = arith.constant 0 : i32
        %dma_wait3A_711 = arith.constant 0 : i32
        %dma_wait3A_712 = tpu.memref_slice %arg6[%dma_wait3A_709, %dma_wait3A_710, %dma_wait3A_711] : memref<2x25x80xi32, #tpu.memory_space<vmem>> -> memref<1x1x80xi32, #tpu.memory_space<vmem>>
        %dma_wait3A_713 = tpu.memref_squeeze %dma_wait3A_712 : memref<1x1x80xi32, #tpu.memory_space<vmem>> -> memref<80xi32, #tpu.memory_space<vmem>>
        %dma_wait3A_714 = arith.constant 0 : i32
        %dma_wait3A_715 = arith.constant 0 : i32
        %dma_wait3A_716 = tpu.memref_slice %arg2[%dma_wait3A_714, %dma_wait3A_715] : memref<10000x128xf32, #tpu.memory_space<hbm>> -> memref<10000x128xf32, #tpu.memory_space<hbm>>
        tpu.wait_indirect_dma semaphore(%arg12 : memref<!tpu.dma_semaphore, #tpu.memory_space<semaphore_mem>>) src(%dma_wait3A_716 : memref<10000x128xf32, #tpu.memory_space<hbm>>) dst(%arg9 : memref<80x128xf32, #tpu.memory_space<vmem>>)
        %run_scoped3A_717 = arith.constant 0 : i32
        "tpu.region"() ({
          %run_scoped3A_731 = tpu.sem_alloc : memref<!tpu.dma_semaphore, #tpu.memory_space<semaphore_mem>>
          %dma_start3A_732 = arith.constant 0 : i32
          %dma_start3A_733 = tpu.memref_slice %arg7[%run_scoped3A_717, %add3A_708, %dma_start3A_732] : memref<2x25x80xi32, #tpu.memory_space<vmem>> -> memref<1x1x80xi32, #tpu.memory_space<vmem>>
          %dma_start3A_734 = tpu.memref_squeeze %dma_start3A_733 : memref<1x1x80xi32, #tpu.memory_space<vmem>> -> memref<80xi32, #tpu.memory_space<vmem>>
          %dma_start3A_735 = arith.constant 0 : i32
          %dma_start3A_736 = arith.constant 0 : i32
          %dma_start3A_737 = tpu.memref_slice %arg10[%dma_start3A_735, %dma_start3A_736] : memref<10240x128xf32, #tpu.memory_space<vmem_shared>> -> memref<10240x128xf32, #tpu.memory_space<vmem_shared>>
          tpu.enqueue_indirect_dma source(%arg9 : memref<80x128xf32, #tpu.memory_space<vmem>>) target(%dma_start3A_737 : memref<10240x128xf32, #tpu.memory_space<vmem_shared>>) offsets(%dma_start3A_734 : memref<80xi32, #tpu.memory_space<vmem>>) semaphore(%run_scoped3A_731 : memref<!tpu.dma_semaphore, #tpu.memory_space<semaphore_mem>>) {add = true}
          %dma_wait3A_738 = arith.constant 0 : i32
          %dma_wait3A_739 = tpu.memref_slice %arg7[%run_scoped3A_717, %add3A_708, %dma_wait3A_738] : memref<2x25x80xi32, #tpu.memory_space<vmem>> -> memref<1x1x80xi32, #tpu.memory_space<vmem>>
          %dma_wait3A_740 = tpu.memref_squeeze %dma_wait3A_739 : memref<1x1x80xi32, #tpu.memory_space<vmem>> -> memref<80xi32, #tpu.memory_space<vmem>>
          %dma_wait3A_741 = arith.constant 0 : i32
          %dma_wait3A_742 = arith.constant 0 : i32
          %dma_wait3A_743 = tpu.memref_slice %arg10[%dma_wait3A_741, %dma_wait3A_742] : memref<10240x128xf32, #tpu.memory_space<vmem_shared>> -> memref<10240x128xf32, #tpu.memory_space<vmem_shared>>
          tpu.wait_indirect_dma semaphore(%run_scoped3A_731 : memref<!tpu.dma_semaphore, #tpu.memory_space<semaphore_mem>>) src(%arg9 : memref<80x128xf32, #tpu.memory_space<vmem>>) dst(%dma_wait3A_743 : memref<10240x128xf32, #tpu.memory_space<vmem_shared>>)
          tpu.yield
        }) : () -> ()
        %dma_start3A_718 = arith.constant 0 : i32
        %dma_start3A_719 = arith.constant 0 : i32
        %dma_start3A_720 = tpu.memref_slice %arg7[%dma_start3A_718, %add3A_708, %dma_start3A_719] : memref<2x25x80xi32, #tpu.memory_space<vmem>> -> memref<1x1x80xi32, #tpu.memory_space<vmem>>
        %dma_start3A_721 = tpu.memref_squeeze %dma_start3A_720 : memref<1x1x80xi32, #tpu.memory_space<vmem>> -> memref<80xi32, #tpu.memory_space<vmem>>
        %dma_start3A_722 = arith.constant 0 : i32
        %dma_start3A_723 = tpu.memref_slice %arg18[%dma_start3A_722] : memref<10240xf32, #tpu.memory_space<vmem_shared>> -> memref<10240xf32, #tpu.memory_space<vmem_shared>>
        tpu.enqueue_indirect_dma source(%arg17 : memref<80xf32, #tpu.memory_space<vmem>>) target(%dma_start3A_723 : memref<10240xf32, #tpu.memory_space<vmem_shared>>) offsets(%dma_start3A_721 : memref<80xi32, #tpu.memory_space<vmem>>) semaphore(%arg15 : memref<!tpu.dma_semaphore, #tpu.memory_space<semaphore_mem>>) {add = true}
        %add3A_724 = arith.constant 2 : i32
        %add3A_725 = arith.addi %add3A_708, %add3A_724 : i32
        %lt3A_726 = arith.constant 25 : i32
        %lt3A_727 = arith.cmpi slt, %add3A_725, %lt3A_726 : i32
        %convert_element_type3A_728 = arith.extui %lt3A_727 : i1 to i32
        %cond3A_729 = arith.constant 0 : i32
        %cond3A_730 = arith.cmpi ne, %convert_element_type3A_728, %cond3A_729 : i32
        scf.if %cond3A_730 {
          %add3A_731 = arith.constant 2 : i32
          %add3A_732 = arith.addi %add3A_708, %add3A_731 : i32
          %dma_start3A_733 = arith.constant 0 : i32
          %dma_start3A_734 = arith.constant 0 : i32
          %dma_start3A_735 = tpu.memref_slice %arg6[%dma_start3A_733, %add3A_732, %dma_start3A_734] : memref<2x25x80xi32, #tpu.memory_space<vmem>> -> memref<1x1x80xi32, #tpu.memory_space<vmem>>
          %dma_start3A_736 = tpu.memref_squeeze %dma_start3A_735 : memref<1x1x80xi32, #tpu.memory_space<vmem>> -> memref<80xi32, #tpu.memory_space<vmem>>
          %dma_start3A_737 = arith.constant 0 : i32
          %dma_start3A_738 = arith.constant 0 : i32
          %dma_start3A_739 = tpu.memref_slice %arg2[%dma_start3A_737, %dma_start3A_738] : memref<10000x128xf32, #tpu.memory_space<hbm>> -> memref<10000x128xf32, #tpu.memory_space<hbm>>
          tpu.enqueue_indirect_dma source(%dma_start3A_739 : memref<10000x128xf32, #tpu.memory_space<hbm>>) target(%arg9 : memref<80x128xf32, #tpu.memory_space<vmem>>) offsets(%dma_start3A_736 : memref<80xi32, #tpu.memory_space<vmem>>) semaphore(%arg12 : memref<!tpu.dma_semaphore, #tpu.memory_space<semaphore_mem>>)
        } else {
        }
      } else {
      }
    }
    %scan3A_309 = arith.constant 13 : i32
    %dma_start3A_310 = arith.constant 0 : i32
    %dma_start3A_311 = arith.constant 2 : i32
    %dma_start3A_312 = arith.constant 0 : i32
    %dma_start3A_313 = arith.constant 0 : i32
    %dma_start3A_314 = arith.constant 0 : i32
    %dma_start3A_315 = tpu.memref_slice %arg6[%dma_start3A_312, %dma_start3A_313, %dma_start3A_314] : memref<2x25x80xi32, #tpu.memory_space<vmem>> -> memref<1x25x80xi32, #tpu.memory_space<vmem>>
    %dma_start3A_316 = tpu.memref_squeeze %dma_start3A_315 : memref<1x25x80xi32, #tpu.memory_space<vmem>> -> memref<25x80xi32, #tpu.memory_space<vmem>>
    %dma_start3A_317 = arith.constant 0 : i32
    %dma_start3A_318 = arith.constant 0 : i32
    %dma_start3A_319 = tpu.memref_slice %arg3[%dma_start3A_310, %add3A, %dma_start3A_311, %dma_start3A_317, %dma_start3A_318] : memref<2x32x5x25x80xi32, #tpu.memory_space<hbm>> -> memref<1x1x1x25x80xi32, #tpu.memory_space<hbm>>
    %dma_start3A_320 = tpu.memref_squeeze %dma_start3A_319 : memref<1x1x1x25x80xi32, #tpu.memory_space<hbm>> -> memref<25x80xi32, #tpu.memory_space<hbm>>
    %dma_start3A_321 = arith.constant 0 : i32
    %dma_start3A_322 = arith.constant 0 : i32
    %dma_start3A_323 = tpu.memref_slice %arg6[%dma_start3A_312, %dma_start3A_321, %dma_start3A_322] : memref<2x25x80xi32, #tpu.memory_space<vmem>> -> memref<1x25x80xi32, #tpu.memory_space<vmem>>
    %dma_start3A_324 = tpu.memref_squeeze %dma_start3A_323 : memref<1x25x80xi32, #tpu.memory_space<vmem>> -> memref<25x80xi32, #tpu.memory_space<vmem>>
    %dma_start3A_325 = arith.constant 0 : i32
    %dma_start3A_326 = arith.constant 0 : i32
    %dma_start3A_327 = tpu.memref_slice %arg3[%dma_start3A_310, %add3A, %dma_start3A_311, %dma_start3A_325, %dma_start3A_326] : memref<2x32x5x25x80xi32, #tpu.memory_space<hbm>> -> memref<1x1x1x25x80xi32, #tpu.memory_space<hbm>>
    %dma_start3A_328 = tpu.memref_squeeze %dma_start3A_327 : memref<1x1x1x25x80xi32, #tpu.memory_space<hbm>> -> memref<25x80xi32, #tpu.memory_space<hbm>>
    tpu.enqueue_dma source(%dma_start3A_328 : memref<25x80xi32, #tpu.memory_space<hbm>>) target(%dma_start3A_324 : memref<25x80xi32, #tpu.memory_space<vmem>>) target_semaphore(%arg13 : memref<!tpu.dma_semaphore, #tpu.memory_space<semaphore_mem>>)
    %dma_start3A_329 = arith.constant 1 : i32
    %dma_start3A_330 = arith.constant 2 : i32
    %dma_start3A_331 = arith.constant 0 : i32
    %dma_start3A_332 = arith.constant 0 : i32
    %dma_start3A_333 = arith.constant 0 : i32
    %dma_start3A_334 = tpu.memref_slice %arg7[%dma_start3A_331, %dma_start3A_332, %dma_start3A_333] : memref<2x25x80xi32, #tpu.memory_space<vmem>> -> memref<1x25x80xi32, #tpu.memory_space<vmem>>
    %dma_start3A_335 = tpu.memref_squeeze %dma_start3A_334 : memref<1x25x80xi32, #tpu.memory_space<vmem>> -> memref<25x80xi32, #tpu.memory_space<vmem>>
    %dma_start3A_336 = arith.constant 0 : i32
    %dma_start3A_337 = arith.constant 0 : i32
    %dma_start3A_338 = tpu.memref_slice %arg3[%dma_start3A_329, %add3A, %dma_start3A_330, %dma_start3A_336, %dma_start3A_337] : memref<2x32x5x25x80xi32, #tpu.memory_space<hbm>> -> memref<1x1x1x25x80xi32, #tpu.memory_space<hbm>>
    %dma_start3A_339 = tpu.memref_squeeze %dma_start3A_338 : memref<1x1x1x25x80xi32, #tpu.memory_space<hbm>> -> memref<25x80xi32, #tpu.memory_space<hbm>>
    %dma_start3A_340 = arith.constant 0 : i32
    %dma_start3A_341 = arith.constant 0 : i32
    %dma_start3A_342 = tpu.memref_slice %arg7[%dma_start3A_331, %dma_start3A_340, %dma_start3A_341] : memref<2x25x80xi32, #tpu.memory_space<vmem>> -> memref<1x25x80xi32, #tpu.memory_space<vmem>>
    %dma_start3A_343 = tpu.memref_squeeze %dma_start3A_342 : memref<1x25x80xi32, #tpu.memory_space<vmem>> -> memref<25x80xi32, #tpu.memory_space<vmem>>
    %dma_start3A_344 = arith.constant 0 : i32
    %dma_start3A_345 = arith.constant 0 : i32
    %dma_start3A_346 = tpu.memref_slice %arg3[%dma_start3A_329, %add3A, %dma_start3A_330, %dma_start3A_344, %dma_start3A_345] : memref<2x32x5x25x80xi32, #tpu.memory_space<hbm>> -> memref<1x1x1x25x80xi32, #tpu.memory_space<hbm>>
    %dma_start3A_347 = tpu.memref_squeeze %dma_start3A_346 : memref<1x1x1x25x80xi32, #tpu.memory_space<hbm>> -> memref<25x80xi32, #tpu.memory_space<hbm>>
    tpu.enqueue_dma source(%dma_start3A_347 : memref<25x80xi32, #tpu.memory_space<hbm>>) target(%dma_start3A_343 : memref<25x80xi32, #tpu.memory_space<vmem>>) target_semaphore(%arg13 : memref<!tpu.dma_semaphore, #tpu.memory_space<semaphore_mem>>)
    %dma_wait3A_348 = arith.constant 0 : i32
    %dma_wait3A_349 = arith.constant 0 : i32
    %dma_wait3A_350 = arith.constant 1 : i32
    %dma_wait3A_351 = arith.constant 0 : i32
    %dma_wait3A_352 = arith.constant 0 : i32
    %dma_wait3A_353 = tpu.memref_slice %arg6[%dma_wait3A_350, %dma_wait3A_351, %dma_wait3A_352] : memref<2x25x80xi32, #tpu.memory_space<vmem>> -> memref<1x25x80xi32, #tpu.memory_space<vmem>>
    %dma_wait3A_354 = tpu.memref_squeeze %dma_wait3A_353 : memref<1x25x80xi32, #tpu.memory_space<vmem>> -> memref<25x80xi32, #tpu.memory_space<vmem>>
    %dma_wait3A_355 = arith.constant 0 : i32
    %dma_wait3A_356 = arith.constant 0 : i32
    %dma_wait3A_357 = tpu.memref_slice %arg3[%dma_wait3A_348, %add3A, %dma_wait3A_349, %dma_wait3A_355, %dma_wait3A_356] : memref<2x32x5x25x80xi32, #tpu.memory_space<hbm>> -> memref<1x1x1x25x80xi32, #tpu.memory_space<hbm>>
    %dma_wait3A_358 = tpu.memref_squeeze %dma_wait3A_357 : memref<1x1x1x25x80xi32, #tpu.memory_space<hbm>> -> memref<25x80xi32, #tpu.memory_space<hbm>>
    %dma_wait3A_359 = arith.constant 0 : i32
    %dma_wait3A_360 = arith.constant 0 : i32
    %dma_wait3A_361 = tpu.memref_slice %arg6[%dma_wait3A_350, %dma_wait3A_359, %dma_wait3A_360] : memref<2x25x80xi32, #tpu.memory_space<vmem>> -> memref<1x25x80xi32, #tpu.memory_space<vmem>>
    %dma_wait3A_362 = tpu.memref_squeeze %dma_wait3A_361 : memref<1x25x80xi32, #tpu.memory_space<vmem>> -> memref<25x80xi32, #tpu.memory_space<vmem>>
    %dma_wait3A_363 = arith.constant 0 : i32
    %dma_wait3A_364 = arith.constant 0 : i32
    %dma_wait3A_365 = tpu.memref_slice %arg3[%dma_wait3A_348, %add3A, %dma_wait3A_349, %dma_wait3A_363, %dma_wait3A_364] : memref<2x32x5x25x80xi32, #tpu.memory_space<hbm>> -> memref<1x1x1x25x80xi32, #tpu.memory_space<hbm>>
    %dma_wait3A_366 = tpu.memref_squeeze %dma_wait3A_365 : memref<1x1x1x25x80xi32, #tpu.memory_space<hbm>> -> memref<25x80xi32, #tpu.memory_space<hbm>>
    tpu.wait_dma2 semaphore(%arg14 : memref<!tpu.dma_semaphore, #tpu.memory_space<semaphore_mem>>) src(%dma_wait3A_366 : memref<25x80xi32, #tpu.memory_space<hbm>>) dst(%dma_wait3A_362 : memref<25x80xi32, #tpu.memory_space<vmem>>)
    %dma_wait3A_367 = arith.constant 1 : i32
    %dma_wait3A_368 = arith.constant 0 : i32
    %dma_wait3A_369 = arith.constant 1 : i32
    %dma_wait3A_370 = arith.constant 0 : i32
    %dma_wait3A_371 = arith.constant 0 : i32
    %dma_wait3A_372 = tpu.memref_slice %arg7[%dma_wait3A_369, %dma_wait3A_370, %dma_wait3A_371] : memref<2x25x80xi32, #tpu.memory_space<vmem>> -> memref<1x25x80xi32, #tpu.memory_space<vmem>>
    %dma_wait3A_373 = tpu.memref_squeeze %dma_wait3A_372 : memref<1x25x80xi32, #tpu.memory_space<vmem>> -> memref<25x80xi32, #tpu.memory_space<vmem>>
    %dma_wait3A_374 = arith.constant 0 : i32
    %dma_wait3A_375 = arith.constant 0 : i32
    %dma_wait3A_376 = tpu.memref_slice %arg3[%dma_wait3A_367, %add3A, %dma_wait3A_368, %dma_wait3A_374, %dma_wait3A_375] : memref<2x32x5x25x80xi32, #tpu.memory_space<hbm>> -> memref<1x1x1x25x80xi32, #tpu.memory_space<hbm>>
    %dma_wait3A_377 = tpu.memref_squeeze %dma_wait3A_376 : memref<1x1x1x25x80xi32, #tpu.memory_space<hbm>> -> memref<25x80xi32, #tpu.memory_space<hbm>>
    %dma_wait3A_378 = arith.constant 0 : i32
    %dma_wait3A_379 = arith.constant 0 : i32
    %dma_wait3A_380 = tpu.memref_slice %arg7[%dma_wait3A_369, %dma_wait3A_378, %dma_wait3A_379] : memref<2x25x80xi32, #tpu.memory_space<vmem>> -> memref<1x25x80xi32, #tpu.memory_space<vmem>>
    %dma_wait3A_381 = tpu.memref_squeeze %dma_wait3A_380 : memref<1x25x80xi32, #tpu.memory_space<vmem>> -> memref<25x80xi32, #tpu.memory_space<vmem>>
    %dma_wait3A_382 = arith.constant 0 : i32
    %dma_wait3A_383 = arith.constant 0 : i32
    %dma_wait3A_384 = tpu.memref_slice %arg3[%dma_wait3A_367, %add3A, %dma_wait3A_368, %dma_wait3A_382, %dma_wait3A_383] : memref<2x32x5x25x80xi32, #tpu.memory_space<hbm>> -> memref<1x1x1x25x80xi32, #tpu.memory_space<hbm>>
    %dma_wait3A_385 = tpu.memref_squeeze %dma_wait3A_384 : memref<1x1x1x25x80xi32, #tpu.memory_space<hbm>> -> memref<25x80xi32, #tpu.memory_space<hbm>>
    tpu.wait_dma2 semaphore(%arg14 : memref<!tpu.dma_semaphore, #tpu.memory_space<semaphore_mem>>) src(%dma_wait3A_385 : memref<25x80xi32, #tpu.memory_space<hbm>>) dst(%dma_wait3A_381 : memref<25x80xi32, #tpu.memory_space<vmem>>)
    %dma_start3A_386 = arith.constant 1 : i32
    %dma_start3A_387 = arith.constant 0 : i32
    %dma_start3A_388 = arith.constant 0 : i32
    %dma_start3A_389 = tpu.memref_slice %arg6[%dma_start3A_386, %dma_start3A_387, %dma_start3A_388] : memref<2x25x80xi32, #tpu.memory_space<vmem>> -> memref<1x1x80xi32, #tpu.memory_space<vmem>>
    %dma_start3A_390 = tpu.memref_squeeze %dma_start3A_389 : memref<1x1x80xi32, #tpu.memory_space<vmem>> -> memref<80xi32, #tpu.memory_space<vmem>>
    %dma_start3A_391 = arith.constant 0 : i32
    %dma_start3A_392 = arith.constant 0 : i32
    %dma_start3A_393 = tpu.memref_slice %arg2[%dma_start3A_391, %dma_start3A_392] : memref<10000x128xf32, #tpu.memory_space<hbm>> -> memref<10000x128xf32, #tpu.memory_space<hbm>>
    tpu.enqueue_indirect_dma source(%dma_start3A_393 : memref<10000x128xf32, #tpu.memory_space<hbm>>) target(%arg8 : memref<80x128xf32, #tpu.memory_space<vmem>>) offsets(%dma_start3A_390 : memref<80xi32, #tpu.memory_space<vmem>>) semaphore(%arg11 : memref<!tpu.dma_semaphore, #tpu.memory_space<semaphore_mem>>)
    %dma_start3A_394 = arith.constant 1 : i32
    %dma_start3A_395 = arith.constant 1 : i32
    %dma_start3A_396 = arith.constant 0 : i32
    %dma_start3A_397 = tpu.memref_slice %arg6[%dma_start3A_394, %dma_start3A_395, %dma_start3A_396] : memref<2x25x80xi32, #tpu.memory_space<vmem>> -> memref<1x1x80xi32, #tpu.memory_space<vmem>>
    %dma_start3A_398 = tpu.memref_squeeze %dma_start3A_397 : memref<1x1x80xi32, #tpu.memory_space<vmem>> -> memref<80xi32, #tpu.memory_space<vmem>>
    %dma_start3A_399 = arith.constant 0 : i32
    %dma_start3A_400 = arith.constant 0 : i32
    %dma_start3A_401 = tpu.memref_slice %arg2[%dma_start3A_399, %dma_start3A_400] : memref<10000x128xf32, #tpu.memory_space<hbm>> -> memref<10000x128xf32, #tpu.memory_space<hbm>>
    tpu.enqueue_indirect_dma source(%dma_start3A_401 : memref<10000x128xf32, #tpu.memory_space<hbm>>) target(%arg9 : memref<80x128xf32, #tpu.memory_space<vmem>>) offsets(%dma_start3A_398 : memref<80xi32, #tpu.memory_space<vmem>>) semaphore(%arg12 : memref<!tpu.dma_semaphore, #tpu.memory_space<semaphore_mem>>)
    %scan3A_402 = arith.constant 0 : i32
    %scan3A_403 = arith.constant 0 : i32
    %scan3A_404 = arith.constant 13 : i32
    %scan3A_405 = arith.addi %scan3A_403, %scan3A_404 : i32
    %scan3A_406 = arith.constant 1 : i32
    scf.for %scan3A_677 = %scan3A_403 to %scan3A_405 step %scan3A_406  : i32 {
      %mul3A_678 = arith.constant 2 : i32
      %mul3A_679 = arith.muli %mul3A_678, %scan3A_677 : i32
      %dma_wait3A_680 = arith.constant 1 : i32
      %dma_wait3A_681 = arith.constant 0 : i32
      %dma_wait3A_682 = arith.constant 0 : i32
      %dma_wait3A_683 = tpu.memref_slice %arg6[%dma_wait3A_680, %dma_wait3A_681, %dma_wait3A_682] : memref<2x25x80xi32, #tpu.memory_space<vmem>> -> memref<1x1x80xi32, #tpu.memory_space<vmem>>
      %dma_wait3A_684 = tpu.memref_squeeze %dma_wait3A_683 : memref<1x1x80xi32, #tpu.memory_space<vmem>> -> memref<80xi32, #tpu.memory_space<vmem>>
      %dma_wait3A_685 = arith.constant 0 : i32
      %dma_wait3A_686 = arith.constant 0 : i32
      %dma_wait3A_687 = tpu.memref_slice %arg2[%dma_wait3A_685, %dma_wait3A_686] : memref<10000x128xf32, #tpu.memory_space<hbm>> -> memref<10000x128xf32, #tpu.memory_space<hbm>>
      tpu.wait_indirect_dma semaphore(%arg11 : memref<!tpu.dma_semaphore, #tpu.memory_space<semaphore_mem>>) src(%dma_wait3A_687 : memref<10000x128xf32, #tpu.memory_space<hbm>>) dst(%arg8 : memref<80x128xf32, #tpu.memory_space<vmem>>)
      %run_scoped3A = arith.constant 1 : i32
      "tpu.region"() ({
        %run_scoped3A_707 = tpu.sem_alloc : memref<!tpu.dma_semaphore, #tpu.memory_space<semaphore_mem>>
        %dma_start3A_708 = arith.constant 0 : i32
        %dma_start3A_709 = tpu.memref_slice %arg7[%run_scoped3A, %mul3A_679, %dma_start3A_708] : memref<2x25x80xi32, #tpu.memory_space<vmem>> -> memref<1x1x80xi32, #tpu.memory_space<vmem>>
        %dma_start3A_710 = tpu.memref_squeeze %dma_start3A_709 : memref<1x1x80xi32, #tpu.memory_space<vmem>> -> memref<80xi32, #tpu.memory_space<vmem>>
        %dma_start3A_711 = arith.constant 0 : i32
        %dma_start3A_712 = arith.constant 0 : i32
        %dma_start3A_713 = tpu.memref_slice %arg10[%dma_start3A_711, %dma_start3A_712] : memref<10240x128xf32, #tpu.memory_space<vmem_shared>> -> memref<10240x128xf32, #tpu.memory_space<vmem_shared>>
        tpu.enqueue_indirect_dma source(%arg8 : memref<80x128xf32, #tpu.memory_space<vmem>>) target(%dma_start3A_713 : memref<10240x128xf32, #tpu.memory_space<vmem_shared>>) offsets(%dma_start3A_710 : memref<80xi32, #tpu.memory_space<vmem>>) semaphore(%run_scoped3A_707 : memref<!tpu.dma_semaphore, #tpu.memory_space<semaphore_mem>>) {add = true}
        %dma_wait3A_714 = arith.constant 0 : i32
        %dma_wait3A_715 = tpu.memref_slice %arg7[%run_scoped3A, %mul3A_679, %dma_wait3A_714] : memref<2x25x80xi32, #tpu.memory_space<vmem>> -> memref<1x1x80xi32, #tpu.memory_space<vmem>>
        %dma_wait3A_716 = tpu.memref_squeeze %dma_wait3A_715 : memref<1x1x80xi32, #tpu.memory_space<vmem>> -> memref<80xi32, #tpu.memory_space<vmem>>
        %dma_wait3A_717 = arith.constant 0 : i32
        %dma_wait3A_718 = arith.constant 0 : i32
        %dma_wait3A_719 = tpu.memref_slice %arg10[%dma_wait3A_717, %dma_wait3A_718] : memref<10240x128xf32, #tpu.memory_space<vmem_shared>> -> memref<10240x128xf32, #tpu.memory_space<vmem_shared>>
        tpu.wait_indirect_dma semaphore(%run_scoped3A_707 : memref<!tpu.dma_semaphore, #tpu.memory_space<semaphore_mem>>) src(%arg8 : memref<80x128xf32, #tpu.memory_space<vmem>>) dst(%dma_wait3A_719 : memref<10240x128xf32, #tpu.memory_space<vmem_shared>>)
        tpu.yield
      }) : () -> ()
      %dma_start3A_688 = arith.constant 1 : i32
      %dma_start3A_689 = arith.constant 0 : i32
      %dma_start3A_690 = tpu.memref_slice %arg7[%dma_start3A_688, %mul3A_679, %dma_start3A_689] : memref<2x25x80xi32, #tpu.memory_space<vmem>> -> memref<1x1x80xi32, #tpu.memory_space<vmem>>
      %dma_start3A_691 = tpu.memref_squeeze %dma_start3A_690 : memref<1x1x80xi32, #tpu.memory_space<vmem>> -> memref<80xi32, #tpu.memory_space<vmem>>
      %dma_start3A_692 = arith.constant 0 : i32
      %dma_start3A_693 = tpu.memref_slice %arg18[%dma_start3A_692] : memref<10240xf32, #tpu.memory_space<vmem_shared>> -> memref<10240xf32, #tpu.memory_space<vmem_shared>>
      tpu.enqueue_indirect_dma source(%arg17 : memref<80xf32, #tpu.memory_space<vmem>>) target(%dma_start3A_693 : memref<10240xf32, #tpu.memory_space<vmem_shared>>) offsets(%dma_start3A_691 : memref<80xi32, #tpu.memory_space<vmem>>) semaphore(%arg15 : memref<!tpu.dma_semaphore, #tpu.memory_space<semaphore_mem>>) {add = true}
      %add3A_694 = arith.constant 2 : i32
      %add3A_695 = arith.addi %mul3A_679, %add3A_694 : i32
      %lt3A = arith.constant 25 : i32
      %lt3A_696 = arith.cmpi slt, %add3A_695, %lt3A : i32
      %convert_element_type3A_697 = arith.extui %lt3A_696 : i1 to i32
      %cond3A_698 = arith.constant 0 : i32
      %cond3A_699 = arith.cmpi ne, %convert_element_type3A_697, %cond3A_698 : i32
      scf.if %cond3A_699 {
        %add3A_707 = arith.constant 2 : i32
        %add3A_708 = arith.addi %mul3A_679, %add3A_707 : i32
        %dma_start3A_709 = arith.constant 1 : i32
        %dma_start3A_710 = arith.constant 0 : i32
        %dma_start3A_711 = tpu.memref_slice %arg6[%dma_start3A_709, %add3A_708, %dma_start3A_710] : memref<2x25x80xi32, #tpu.memory_space<vmem>> -> memref<1x1x80xi32, #tpu.memory_space<vmem>>
        %dma_start3A_712 = tpu.memref_squeeze %dma_start3A_711 : memref<1x1x80xi32, #tpu.memory_space<vmem>> -> memref<80xi32, #tpu.memory_space<vmem>>
        %dma_start3A_713 = arith.constant 0 : i32
        %dma_start3A_714 = arith.constant 0 : i32
        %dma_start3A_715 = tpu.memref_slice %arg2[%dma_start3A_713, %dma_start3A_714] : memref<10000x128xf32, #tpu.memory_space<hbm>> -> memref<10000x128xf32, #tpu.memory_space<hbm>>
        tpu.enqueue_indirect_dma source(%dma_start3A_715 : memref<10000x128xf32, #tpu.memory_space<hbm>>) target(%arg8 : memref<80x128xf32, #tpu.memory_space<vmem>>) offsets(%dma_start3A_712 : memref<80xi32, #tpu.memory_space<vmem>>) semaphore(%arg11 : memref<!tpu.dma_semaphore, #tpu.memory_space<semaphore_mem>>)
      } else {
      }
      %add3A_700 = arith.constant 1 : i32
      %add3A_701 = arith.addi %mul3A_679, %add3A_700 : i32
      %lt3A_702 = arith.constant 25 : i32
      %lt3A_703 = arith.cmpi slt, %add3A_701, %lt3A_702 : i32
      %convert_element_type3A_704 = arith.extui %lt3A_703 : i1 to i32
      %cond3A_705 = arith.constant 0 : i32
      %cond3A_706 = arith.cmpi ne, %convert_element_type3A_704, %cond3A_705 : i32
      scf.if %cond3A_706 {
        %add3A_707 = arith.constant 1 : i32
        %add3A_708 = arith.addi %mul3A_679, %add3A_707 : i32
        %dma_wait3A_709 = arith.constant 1 : i32
        %dma_wait3A_710 = arith.constant 0 : i32
        %dma_wait3A_711 = arith.constant 0 : i32
        %dma_wait3A_712 = tpu.memref_slice %arg6[%dma_wait3A_709, %dma_wait3A_710, %dma_wait3A_711] : memref<2x25x80xi32, #tpu.memory_space<vmem>> -> memref<1x1x80xi32, #tpu.memory_space<vmem>>
        %dma_wait3A_713 = tpu.memref_squeeze %dma_wait3A_712 : memref<1x1x80xi32, #tpu.memory_space<vmem>> -> memref<80xi32, #tpu.memory_space<vmem>>
        %dma_wait3A_714 = arith.constant 0 : i32
        %dma_wait3A_715 = arith.constant 0 : i32
        %dma_wait3A_716 = tpu.memref_slice %arg2[%dma_wait3A_714, %dma_wait3A_715] : memref<10000x128xf32, #tpu.memory_space<hbm>> -> memref<10000x128xf32, #tpu.memory_space<hbm>>
        tpu.wait_indirect_dma semaphore(%arg12 : memref<!tpu.dma_semaphore, #tpu.memory_space<semaphore_mem>>) src(%dma_wait3A_716 : memref<10000x128xf32, #tpu.memory_space<hbm>>) dst(%arg9 : memref<80x128xf32, #tpu.memory_space<vmem>>)
        %run_scoped3A_717 = arith.constant 1 : i32
        "tpu.region"() ({
          %run_scoped3A_731 = tpu.sem_alloc : memref<!tpu.dma_semaphore, #tpu.memory_space<semaphore_mem>>
          %dma_start3A_732 = arith.constant 0 : i32
          %dma_start3A_733 = tpu.memref_slice %arg7[%run_scoped3A_717, %add3A_708, %dma_start3A_732] : memref<2x25x80xi32, #tpu.memory_space<vmem>> -> memref<1x1x80xi32, #tpu.memory_space<vmem>>
          %dma_start3A_734 = tpu.memref_squeeze %dma_start3A_733 : memref<1x1x80xi32, #tpu.memory_space<vmem>> -> memref<80xi32, #tpu.memory_space<vmem>>
          %dma_start3A_735 = arith.constant 0 : i32
          %dma_start3A_736 = arith.constant 0 : i32
          %dma_start3A_737 = tpu.memref_slice %arg10[%dma_start3A_735, %dma_start3A_736] : memref<10240x128xf32, #tpu.memory_space<vmem_shared>> -> memref<10240x128xf32, #tpu.memory_space<vmem_shared>>
          tpu.enqueue_indirect_dma source(%arg9 : memref<80x128xf32, #tpu.memory_space<vmem>>) target(%dma_start3A_737 : memref<10240x128xf32, #tpu.memory_space<vmem_shared>>) offsets(%dma_start3A_734 : memref<80xi32, #tpu.memory_space<vmem>>) semaphore(%run_scoped3A_731 : memref<!tpu.dma_semaphore, #tpu.memory_space<semaphore_mem>>) {add = true}
          %dma_wait3A_738 = arith.constant 0 : i32
          %dma_wait3A_739 = tpu.memref_slice %arg7[%run_scoped3A_717, %add3A_708, %dma_wait3A_738] : memref<2x25x80xi32, #tpu.memory_space<vmem>> -> memref<1x1x80xi32, #tpu.memory_space<vmem>>
          %dma_wait3A_740 = tpu.memref_squeeze %dma_wait3A_739 : memref<1x1x80xi32, #tpu.memory_space<vmem>> -> memref<80xi32, #tpu.memory_space<vmem>>
          %dma_wait3A_741 = arith.constant 0 : i32
          %dma_wait3A_742 = arith.constant 0 : i32
          %dma_wait3A_743 = tpu.memref_slice %arg10[%dma_wait3A_741, %dma_wait3A_742] : memref<10240x128xf32, #tpu.memory_space<vmem_shared>> -> memref<10240x128xf32, #tpu.memory_space<vmem_shared>>
          tpu.wait_indirect_dma semaphore(%run_scoped3A_731 : memref<!tpu.dma_semaphore, #tpu.memory_space<semaphore_mem>>) src(%arg9 : memref<80x128xf32, #tpu.memory_space<vmem>>) dst(%dma_wait3A_743 : memref<10240x128xf32, #tpu.memory_space<vmem_shared>>)
          tpu.yield
        }) : () -> ()
        %dma_start3A_718 = arith.constant 1 : i32
        %dma_start3A_719 = arith.constant 0 : i32
        %dma_start3A_720 = tpu.memref_slice %arg7[%dma_start3A_718, %add3A_708, %dma_start3A_719] : memref<2x25x80xi32, #tpu.memory_space<vmem>> -> memref<1x1x80xi32, #tpu.memory_space<vmem>>
        %dma_start3A_721 = tpu.memref_squeeze %dma_start3A_720 : memref<1x1x80xi32, #tpu.memory_space<vmem>> -> memref<80xi32, #tpu.memory_space<vmem>>
        %dma_start3A_722 = arith.constant 0 : i32
        %dma_start3A_723 = tpu.memref_slice %arg18[%dma_start3A_722] : memref<10240xf32, #tpu.memory_space<vmem_shared>> -> memref<10240xf32, #tpu.memory_space<vmem_shared>>
        tpu.enqueue_indirect_dma source(%arg17 : memref<80xf32, #tpu.memory_space<vmem>>) target(%dma_start3A_723 : memref<10240xf32, #tpu.memory_space<vmem_shared>>) offsets(%dma_start3A_721 : memref<80xi32, #tpu.memory_space<vmem>>) semaphore(%arg15 : memref<!tpu.dma_semaphore, #tpu.memory_space<semaphore_mem>>) {add = true}
        %add3A_724 = arith.constant 2 : i32
        %add3A_725 = arith.addi %add3A_708, %add3A_724 : i32
        %lt3A_726 = arith.constant 25 : i32
        %lt3A_727 = arith.cmpi slt, %add3A_725, %lt3A_726 : i32
        %convert_element_type3A_728 = arith.extui %lt3A_727 : i1 to i32
        %cond3A_729 = arith.constant 0 : i32
        %cond3A_730 = arith.cmpi ne, %convert_element_type3A_728, %cond3A_729 : i32
        scf.if %cond3A_730 {
          %add3A_731 = arith.constant 2 : i32
          %add3A_732 = arith.addi %add3A_708, %add3A_731 : i32
          %dma_start3A_733 = arith.constant 1 : i32
          %dma_start3A_734 = arith.constant 0 : i32
          %dma_start3A_735 = tpu.memref_slice %arg6[%dma_start3A_733, %add3A_732, %dma_start3A_734] : memref<2x25x80xi32, #tpu.memory_space<vmem>> -> memref<1x1x80xi32, #tpu.memory_space<vmem>>
          %dma_start3A_736 = tpu.memref_squeeze %dma_start3A_735 : memref<1x1x80xi32, #tpu.memory_space<vmem>> -> memref<80xi32, #tpu.memory_space<vmem>>
          %dma_start3A_737 = arith.constant 0 : i32
          %dma_start3A_738 = arith.constant 0 : i32
          %dma_start3A_739 = tpu.memref_slice %arg2[%dma_start3A_737, %dma_start3A_738] : memref<10000x128xf32, #tpu.memory_space<hbm>> -> memref<10000x128xf32, #tpu.memory_space<hbm>>
          tpu.enqueue_indirect_dma source(%dma_start3A_739 : memref<10000x128xf32, #tpu.memory_space<hbm>>) target(%arg9 : memref<80x128xf32, #tpu.memory_space<vmem>>) offsets(%dma_start3A_736 : memref<80xi32, #tpu.memory_space<vmem>>) semaphore(%arg12 : memref<!tpu.dma_semaphore, #tpu.memory_space<semaphore_mem>>)
        } else {
        }
      } else {
      }
    }
    %scan3A_407 = arith.constant 13 : i32
    %dma_start3A_408 = arith.constant 0 : i32
    %dma_start3A_409 = arith.constant 3 : i32
    %dma_start3A_410 = arith.constant 1 : i32
    %dma_start3A_411 = arith.constant 0 : i32
    %dma_start3A_412 = arith.constant 0 : i32
    %dma_start3A_413 = tpu.memref_slice %arg6[%dma_start3A_410, %dma_start3A_411, %dma_start3A_412] : memref<2x25x80xi32, #tpu.memory_space<vmem>> -> memref<1x25x80xi32, #tpu.memory_space<vmem>>
    %dma_start3A_414 = tpu.memref_squeeze %dma_start3A_413 : memref<1x25x80xi32, #tpu.memory_space<vmem>> -> memref<25x80xi32, #tpu.memory_space<vmem>>
    %dma_start3A_415 = arith.constant 0 : i32
    %dma_start3A_416 = arith.constant 0 : i32
    %dma_start3A_417 = tpu.memref_slice %arg3[%dma_start3A_408, %add3A, %dma_start3A_409, %dma_start3A_415, %dma_start3A_416] : memref<2x32x5x25x80xi32, #tpu.memory_space<hbm>> -> memref<1x1x1x25x80xi32, #tpu.memory_space<hbm>>
    %dma_start3A_418 = tpu.memref_squeeze %dma_start3A_417 : memref<1x1x1x25x80xi32, #tpu.memory_space<hbm>> -> memref<25x80xi32, #tpu.memory_space<hbm>>
    %dma_start3A_419 = arith.constant 0 : i32
    %dma_start3A_420 = arith.constant 0 : i32
    %dma_start3A_421 = tpu.memref_slice %arg6[%dma_start3A_410, %dma_start3A_419, %dma_start3A_420] : memref<2x25x80xi32, #tpu.memory_space<vmem>> -> memref<1x25x80xi32, #tpu.memory_space<vmem>>
    %dma_start3A_422 = tpu.memref_squeeze %dma_start3A_421 : memref<1x25x80xi32, #tpu.memory_space<vmem>> -> memref<25x80xi32, #tpu.memory_space<vmem>>
    %dma_start3A_423 = arith.constant 0 : i32
    %dma_start3A_424 = arith.constant 0 : i32
    %dma_start3A_425 = tpu.memref_slice %arg3[%dma_start3A_408, %add3A, %dma_start3A_409, %dma_start3A_423, %dma_start3A_424] : memref<2x32x5x25x80xi32, #tpu.memory_space<hbm>> -> memref<1x1x1x25x80xi32, #tpu.memory_space<hbm>>
    %dma_start3A_426 = tpu.memref_squeeze %dma_start3A_425 : memref<1x1x1x25x80xi32, #tpu.memory_space<hbm>> -> memref<25x80xi32, #tpu.memory_space<hbm>>
    tpu.enqueue_dma source(%dma_start3A_426 : memref<25x80xi32, #tpu.memory_space<hbm>>) target(%dma_start3A_422 : memref<25x80xi32, #tpu.memory_space<vmem>>) target_semaphore(%arg14 : memref<!tpu.dma_semaphore, #tpu.memory_space<semaphore_mem>>)
    %dma_start3A_427 = arith.constant 1 : i32
    %dma_start3A_428 = arith.constant 3 : i32
    %dma_start3A_429 = arith.constant 1 : i32
    %dma_start3A_430 = arith.constant 0 : i32
    %dma_start3A_431 = arith.constant 0 : i32
    %dma_start3A_432 = tpu.memref_slice %arg7[%dma_start3A_429, %dma_start3A_430, %dma_start3A_431] : memref<2x25x80xi32, #tpu.memory_space<vmem>> -> memref<1x25x80xi32, #tpu.memory_space<vmem>>
    %dma_start3A_433 = tpu.memref_squeeze %dma_start3A_432 : memref<1x25x80xi32, #tpu.memory_space<vmem>> -> memref<25x80xi32, #tpu.memory_space<vmem>>
    %dma_start3A_434 = arith.constant 0 : i32
    %dma_start3A_435 = arith.constant 0 : i32
    %dma_start3A_436 = tpu.memref_slice %arg3[%dma_start3A_427, %add3A, %dma_start3A_428, %dma_start3A_434, %dma_start3A_435] : memref<2x32x5x25x80xi32, #tpu.memory_space<hbm>> -> memref<1x1x1x25x80xi32, #tpu.memory_space<hbm>>
    %dma_start3A_437 = tpu.memref_squeeze %dma_start3A_436 : memref<1x1x1x25x80xi32, #tpu.memory_space<hbm>> -> memref<25x80xi32, #tpu.memory_space<hbm>>
    %dma_start3A_438 = arith.constant 0 : i32
    %dma_start3A_439 = arith.constant 0 : i32
    %dma_start3A_440 = tpu.memref_slice %arg7[%dma_start3A_429, %dma_start3A_438, %dma_start3A_439] : memref<2x25x80xi32, #tpu.memory_space<vmem>> -> memref<1x25x80xi32, #tpu.memory_space<vmem>>
    %dma_start3A_441 = tpu.memref_squeeze %dma_start3A_440 : memref<1x25x80xi32, #tpu.memory_space<vmem>> -> memref<25x80xi32, #tpu.memory_space<vmem>>
    %dma_start3A_442 = arith.constant 0 : i32
    %dma_start3A_443 = arith.constant 0 : i32
    %dma_start3A_444 = tpu.memref_slice %arg3[%dma_start3A_427, %add3A, %dma_start3A_428, %dma_start3A_442, %dma_start3A_443] : memref<2x32x5x25x80xi32, #tpu.memory_space<hbm>> -> memref<1x1x1x25x80xi32, #tpu.memory_space<hbm>>
    %dma_start3A_445 = tpu.memref_squeeze %dma_start3A_444 : memref<1x1x1x25x80xi32, #tpu.memory_space<hbm>> -> memref<25x80xi32, #tpu.memory_space<hbm>>
    tpu.enqueue_dma source(%dma_start3A_445 : memref<25x80xi32, #tpu.memory_space<hbm>>) target(%dma_start3A_441 : memref<25x80xi32, #tpu.memory_space<vmem>>) target_semaphore(%arg14 : memref<!tpu.dma_semaphore, #tpu.memory_space<semaphore_mem>>)
    %dma_wait3A_446 = arith.constant 0 : i32
    %dma_wait3A_447 = arith.constant 0 : i32
    %dma_wait3A_448 = arith.constant 0 : i32
    %dma_wait3A_449 = arith.constant 0 : i32
    %dma_wait3A_450 = arith.constant 0 : i32
    %dma_wait3A_451 = tpu.memref_slice %arg6[%dma_wait3A_448, %dma_wait3A_449, %dma_wait3A_450] : memref<2x25x80xi32, #tpu.memory_space<vmem>> -> memref<1x25x80xi32, #tpu.memory_space<vmem>>
    %dma_wait3A_452 = tpu.memref_squeeze %dma_wait3A_451 : memref<1x25x80xi32, #tpu.memory_space<vmem>> -> memref<25x80xi32, #tpu.memory_space<vmem>>
    %dma_wait3A_453 = arith.constant 0 : i32
    %dma_wait3A_454 = arith.constant 0 : i32
    %dma_wait3A_455 = tpu.memref_slice %arg3[%dma_wait3A_446, %add3A, %dma_wait3A_447, %dma_wait3A_453, %dma_wait3A_454] : memref<2x32x5x25x80xi32, #tpu.memory_space<hbm>> -> memref<1x1x1x25x80xi32, #tpu.memory_space<hbm>>
    %dma_wait3A_456 = tpu.memref_squeeze %dma_wait3A_455 : memref<1x1x1x25x80xi32, #tpu.memory_space<hbm>> -> memref<25x80xi32, #tpu.memory_space<hbm>>
    %dma_wait3A_457 = arith.constant 0 : i32
    %dma_wait3A_458 = arith.constant 0 : i32
    %dma_wait3A_459 = tpu.memref_slice %arg6[%dma_wait3A_448, %dma_wait3A_457, %dma_wait3A_458] : memref<2x25x80xi32, #tpu.memory_space<vmem>> -> memref<1x25x80xi32, #tpu.memory_space<vmem>>
    %dma_wait3A_460 = tpu.memref_squeeze %dma_wait3A_459 : memref<1x25x80xi32, #tpu.memory_space<vmem>> -> memref<25x80xi32, #tpu.memory_space<vmem>>
    %dma_wait3A_461 = arith.constant 0 : i32
    %dma_wait3A_462 = arith.constant 0 : i32
    %dma_wait3A_463 = tpu.memref_slice %arg3[%dma_wait3A_446, %add3A, %dma_wait3A_447, %dma_wait3A_461, %dma_wait3A_462] : memref<2x32x5x25x80xi32, #tpu.memory_space<hbm>> -> memref<1x1x1x25x80xi32, #tpu.memory_space<hbm>>
    %dma_wait3A_464 = tpu.memref_squeeze %dma_wait3A_463 : memref<1x1x1x25x80xi32, #tpu.memory_space<hbm>> -> memref<25x80xi32, #tpu.memory_space<hbm>>
    tpu.wait_dma2 semaphore(%arg13 : memref<!tpu.dma_semaphore, #tpu.memory_space<semaphore_mem>>) src(%dma_wait3A_464 : memref<25x80xi32, #tpu.memory_space<hbm>>) dst(%dma_wait3A_460 : memref<25x80xi32, #tpu.memory_space<vmem>>)
    %dma_wait3A_465 = arith.constant 1 : i32
    %dma_wait3A_466 = arith.constant 0 : i32
    %dma_wait3A_467 = arith.constant 0 : i32
    %dma_wait3A_468 = arith.constant 0 : i32
    %dma_wait3A_469 = arith.constant 0 : i32
    %dma_wait3A_470 = tpu.memref_slice %arg7[%dma_wait3A_467, %dma_wait3A_468, %dma_wait3A_469] : memref<2x25x80xi32, #tpu.memory_space<vmem>> -> memref<1x25x80xi32, #tpu.memory_space<vmem>>
    %dma_wait3A_471 = tpu.memref_squeeze %dma_wait3A_470 : memref<1x25x80xi32, #tpu.memory_space<vmem>> -> memref<25x80xi32, #tpu.memory_space<vmem>>
    %dma_wait3A_472 = arith.constant 0 : i32
    %dma_wait3A_473 = arith.constant 0 : i32
    %dma_wait3A_474 = tpu.memref_slice %arg3[%dma_wait3A_465, %add3A, %dma_wait3A_466, %dma_wait3A_472, %dma_wait3A_473] : memref<2x32x5x25x80xi32, #tpu.memory_space<hbm>> -> memref<1x1x1x25x80xi32, #tpu.memory_space<hbm>>
    %dma_wait3A_475 = tpu.memref_squeeze %dma_wait3A_474 : memref<1x1x1x25x80xi32, #tpu.memory_space<hbm>> -> memref<25x80xi32, #tpu.memory_space<hbm>>
    %dma_wait3A_476 = arith.constant 0 : i32
    %dma_wait3A_477 = arith.constant 0 : i32
    %dma_wait3A_478 = tpu.memref_slice %arg7[%dma_wait3A_467, %dma_wait3A_476, %dma_wait3A_477] : memref<2x25x80xi32, #tpu.memory_space<vmem>> -> memref<1x25x80xi32, #tpu.memory_space<vmem>>
    %dma_wait3A_479 = tpu.memref_squeeze %dma_wait3A_478 : memref<1x25x80xi32, #tpu.memory_space<vmem>> -> memref<25x80xi32, #tpu.memory_space<vmem>>
    %dma_wait3A_480 = arith.constant 0 : i32
    %dma_wait3A_481 = arith.constant 0 : i32
    %dma_wait3A_482 = tpu.memref_slice %arg3[%dma_wait3A_465, %add3A, %dma_wait3A_466, %dma_wait3A_480, %dma_wait3A_481] : memref<2x32x5x25x80xi32, #tpu.memory_space<hbm>> -> memref<1x1x1x25x80xi32, #tpu.memory_space<hbm>>
    %dma_wait3A_483 = tpu.memref_squeeze %dma_wait3A_482 : memref<1x1x1x25x80xi32, #tpu.memory_space<hbm>> -> memref<25x80xi32, #tpu.memory_space<hbm>>
    tpu.wait_dma2 semaphore(%arg13 : memref<!tpu.dma_semaphore, #tpu.memory_space<semaphore_mem>>) src(%dma_wait3A_483 : memref<25x80xi32, #tpu.memory_space<hbm>>) dst(%dma_wait3A_479 : memref<25x80xi32, #tpu.memory_space<vmem>>)
    %dma_start3A_484 = arith.constant 0 : i32
    %dma_start3A_485 = arith.constant 0 : i32
    %dma_start3A_486 = arith.constant 0 : i32
    %dma_start3A_487 = tpu.memref_slice %arg6[%dma_start3A_484, %dma_start3A_485, %dma_start3A_486] : memref<2x25x80xi32, #tpu.memory_space<vmem>> -> memref<1x1x80xi32, #tpu.memory_space<vmem>>
    %dma_start3A_488 = tpu.memref_squeeze %dma_start3A_487 : memref<1x1x80xi32, #tpu.memory_space<vmem>> -> memref<80xi32, #tpu.memory_space<vmem>>
    %dma_start3A_489 = arith.constant 0 : i32
    %dma_start3A_490 = arith.constant 0 : i32
    %dma_start3A_491 = tpu.memref_slice %arg2[%dma_start3A_489, %dma_start3A_490] : memref<10000x128xf32, #tpu.memory_space<hbm>> -> memref<10000x128xf32, #tpu.memory_space<hbm>>
    tpu.enqueue_indirect_dma source(%dma_start3A_491 : memref<10000x128xf32, #tpu.memory_space<hbm>>) target(%arg8 : memref<80x128xf32, #tpu.memory_space<vmem>>) offsets(%dma_start3A_488 : memref<80xi32, #tpu.memory_space<vmem>>) semaphore(%arg11 : memref<!tpu.dma_semaphore, #tpu.memory_space<semaphore_mem>>)
    %dma_start3A_492 = arith.constant 0 : i32
    %dma_start3A_493 = arith.constant 1 : i32
    %dma_start3A_494 = arith.constant 0 : i32
    %dma_start3A_495 = tpu.memref_slice %arg6[%dma_start3A_492, %dma_start3A_493, %dma_start3A_494] : memref<2x25x80xi32, #tpu.memory_space<vmem>> -> memref<1x1x80xi32, #tpu.memory_space<vmem>>
    %dma_start3A_496 = tpu.memref_squeeze %dma_start3A_495 : memref<1x1x80xi32, #tpu.memory_space<vmem>> -> memref<80xi32, #tpu.memory_space<vmem>>
    %dma_start3A_497 = arith.constant 0 : i32
    %dma_start3A_498 = arith.constant 0 : i32
    %dma_start3A_499 = tpu.memref_slice %arg2[%dma_start3A_497, %dma_start3A_498] : memref<10000x128xf32, #tpu.memory_space<hbm>> -> memref<10000x128xf32, #tpu.memory_space<hbm>>
    tpu.enqueue_indirect_dma source(%dma_start3A_499 : memref<10000x128xf32, #tpu.memory_space<hbm>>) target(%arg9 : memref<80x128xf32, #tpu.memory_space<vmem>>) offsets(%dma_start3A_496 : memref<80xi32, #tpu.memory_space<vmem>>) semaphore(%arg12 : memref<!tpu.dma_semaphore, #tpu.memory_space<semaphore_mem>>)
    %scan3A_500 = arith.constant 0 : i32
    %scan3A_501 = arith.constant 0 : i32
    %scan3A_502 = arith.constant 13 : i32
    %scan3A_503 = arith.addi %scan3A_501, %scan3A_502 : i32
    %scan3A_504 = arith.constant 1 : i32
    scf.for %scan3A_677 = %scan3A_501 to %scan3A_503 step %scan3A_504  : i32 {
      %mul3A_678 = arith.constant 2 : i32
      %mul3A_679 = arith.muli %mul3A_678, %scan3A_677 : i32
      %dma_wait3A_680 = arith.constant 0 : i32
      %dma_wait3A_681 = arith.constant 0 : i32
      %dma_wait3A_682 = arith.constant 0 : i32
      %dma_wait3A_683 = tpu.memref_slice %arg6[%dma_wait3A_680, %dma_wait3A_681, %dma_wait3A_682] : memref<2x25x80xi32, #tpu.memory_space<vmem>> -> memref<1x1x80xi32, #tpu.memory_space<vmem>>
      %dma_wait3A_684 = tpu.memref_squeeze %dma_wait3A_683 : memref<1x1x80xi32, #tpu.memory_space<vmem>> -> memref<80xi32, #tpu.memory_space<vmem>>
      %dma_wait3A_685 = arith.constant 0 : i32
      %dma_wait3A_686 = arith.constant 0 : i32
      %dma_wait3A_687 = tpu.memref_slice %arg2[%dma_wait3A_685, %dma_wait3A_686] : memref<10000x128xf32, #tpu.memory_space<hbm>> -> memref<10000x128xf32, #tpu.memory_space<hbm>>
      tpu.wait_indirect_dma semaphore(%arg11 : memref<!tpu.dma_semaphore, #tpu.memory_space<semaphore_mem>>) src(%dma_wait3A_687 : memref<10000x128xf32, #tpu.memory_space<hbm>>) dst(%arg8 : memref<80x128xf32, #tpu.memory_space<vmem>>)
      %run_scoped3A = arith.constant 0 : i32
      "tpu.region"() ({
        %run_scoped3A_707 = tpu.sem_alloc : memref<!tpu.dma_semaphore, #tpu.memory_space<semaphore_mem>>
        %dma_start3A_708 = arith.constant 0 : i32
        %dma_start3A_709 = tpu.memref_slice %arg7[%run_scoped3A, %mul3A_679, %dma_start3A_708] : memref<2x25x80xi32, #tpu.memory_space<vmem>> -> memref<1x1x80xi32, #tpu.memory_space<vmem>>
        %dma_start3A_710 = tpu.memref_squeeze %dma_start3A_709 : memref<1x1x80xi32, #tpu.memory_space<vmem>> -> memref<80xi32, #tpu.memory_space<vmem>>
        %dma_start3A_711 = arith.constant 0 : i32
        %dma_start3A_712 = arith.constant 0 : i32
        %dma_start3A_713 = tpu.memref_slice %arg10[%dma_start3A_711, %dma_start3A_712] : memref<10240x128xf32, #tpu.memory_space<vmem_shared>> -> memref<10240x128xf32, #tpu.memory_space<vmem_shared>>
        tpu.enqueue_indirect_dma source(%arg8 : memref<80x128xf32, #tpu.memory_space<vmem>>) target(%dma_start3A_713 : memref<10240x128xf32, #tpu.memory_space<vmem_shared>>) offsets(%dma_start3A_710 : memref<80xi32, #tpu.memory_space<vmem>>) semaphore(%run_scoped3A_707 : memref<!tpu.dma_semaphore, #tpu.memory_space<semaphore_mem>>) {add = true}
        %dma_wait3A_714 = arith.constant 0 : i32
        %dma_wait3A_715 = tpu.memref_slice %arg7[%run_scoped3A, %mul3A_679, %dma_wait3A_714] : memref<2x25x80xi32, #tpu.memory_space<vmem>> -> memref<1x1x80xi32, #tpu.memory_space<vmem>>
        %dma_wait3A_716 = tpu.memref_squeeze %dma_wait3A_715 : memref<1x1x80xi32, #tpu.memory_space<vmem>> -> memref<80xi32, #tpu.memory_space<vmem>>
        %dma_wait3A_717 = arith.constant 0 : i32
        %dma_wait3A_718 = arith.constant 0 : i32
        %dma_wait3A_719 = tpu.memref_slice %arg10[%dma_wait3A_717, %dma_wait3A_718] : memref<10240x128xf32, #tpu.memory_space<vmem_shared>> -> memref<10240x128xf32, #tpu.memory_space<vmem_shared>>
        tpu.wait_indirect_dma semaphore(%run_scoped3A_707 : memref<!tpu.dma_semaphore, #tpu.memory_space<semaphore_mem>>) src(%arg8 : memref<80x128xf32, #tpu.memory_space<vmem>>) dst(%dma_wait3A_719 : memref<10240x128xf32, #tpu.memory_space<vmem_shared>>)
        tpu.yield
      }) : () -> ()
      %dma_start3A_688 = arith.constant 0 : i32
      %dma_start3A_689 = arith.constant 0 : i32
      %dma_start3A_690 = tpu.memref_slice %arg7[%dma_start3A_688, %mul3A_679, %dma_start3A_689] : memref<2x25x80xi32, #tpu.memory_space<vmem>> -> memref<1x1x80xi32, #tpu.memory_space<vmem>>
      %dma_start3A_691 = tpu.memref_squeeze %dma_start3A_690 : memref<1x1x80xi32, #tpu.memory_space<vmem>> -> memref<80xi32, #tpu.memory_space<vmem>>
      %dma_start3A_692 = arith.constant 0 : i32
      %dma_start3A_693 = tpu.memref_slice %arg18[%dma_start3A_692] : memref<10240xf32, #tpu.memory_space<vmem_shared>> -> memref<10240xf32, #tpu.memory_space<vmem_shared>>
      tpu.enqueue_indirect_dma source(%arg17 : memref<80xf32, #tpu.memory_space<vmem>>) target(%dma_start3A_693 : memref<10240xf32, #tpu.memory_space<vmem_shared>>) offsets(%dma_start3A_691 : memref<80xi32, #tpu.memory_space<vmem>>) semaphore(%arg15 : memref<!tpu.dma_semaphore, #tpu.memory_space<semaphore_mem>>) {add = true}
      %add3A_694 = arith.constant 2 : i32
      %add3A_695 = arith.addi %mul3A_679, %add3A_694 : i32
      %lt3A = arith.constant 25 : i32
      %lt3A_696 = arith.cmpi slt, %add3A_695, %lt3A : i32
      %convert_element_type3A_697 = arith.extui %lt3A_696 : i1 to i32
      %cond3A_698 = arith.constant 0 : i32
      %cond3A_699 = arith.cmpi ne, %convert_element_type3A_697, %cond3A_698 : i32
      scf.if %cond3A_699 {
        %add3A_707 = arith.constant 2 : i32
        %add3A_708 = arith.addi %mul3A_679, %add3A_707 : i32
        %dma_start3A_709 = arith.constant 0 : i32
        %dma_start3A_710 = arith.constant 0 : i32
        %dma_start3A_711 = tpu.memref_slice %arg6[%dma_start3A_709, %add3A_708, %dma_start3A_710] : memref<2x25x80xi32, #tpu.memory_space<vmem>> -> memref<1x1x80xi32, #tpu.memory_space<vmem>>
        %dma_start3A_712 = tpu.memref_squeeze %dma_start3A_711 : memref<1x1x80xi32, #tpu.memory_space<vmem>> -> memref<80xi32, #tpu.memory_space<vmem>>
        %dma_start3A_713 = arith.constant 0 : i32
        %dma_start3A_714 = arith.constant 0 : i32
        %dma_start3A_715 = tpu.memref_slice %arg2[%dma_start3A_713, %dma_start3A_714] : memref<10000x128xf32, #tpu.memory_space<hbm>> -> memref<10000x128xf32, #tpu.memory_space<hbm>>
        tpu.enqueue_indirect_dma source(%dma_start3A_715 : memref<10000x128xf32, #tpu.memory_space<hbm>>) target(%arg8 : memref<80x128xf32, #tpu.memory_space<vmem>>) offsets(%dma_start3A_712 : memref<80xi32, #tpu.memory_space<vmem>>) semaphore(%arg11 : memref<!tpu.dma_semaphore, #tpu.memory_space<semaphore_mem>>)
      } else {
      }
      %add3A_700 = arith.constant 1 : i32
      %add3A_701 = arith.addi %mul3A_679, %add3A_700 : i32
      %lt3A_702 = arith.constant 25 : i32
      %lt3A_703 = arith.cmpi slt, %add3A_701, %lt3A_702 : i32
      %convert_element_type3A_704 = arith.extui %lt3A_703 : i1 to i32
      %cond3A_705 = arith.constant 0 : i32
      %cond3A_706 = arith.cmpi ne, %convert_element_type3A_704, %cond3A_705 : i32
      scf.if %cond3A_706 {
        %add3A_707 = arith.constant 1 : i32
        %add3A_708 = arith.addi %mul3A_679, %add3A_707 : i32
        %dma_wait3A_709 = arith.constant 0 : i32
        %dma_wait3A_710 = arith.constant 0 : i32
        %dma_wait3A_711 = arith.constant 0 : i32
        %dma_wait3A_712 = tpu.memref_slice %arg6[%dma_wait3A_709, %dma_wait3A_710, %dma_wait3A_711] : memref<2x25x80xi32, #tpu.memory_space<vmem>> -> memref<1x1x80xi32, #tpu.memory_space<vmem>>
        %dma_wait3A_713 = tpu.memref_squeeze %dma_wait3A_712 : memref<1x1x80xi32, #tpu.memory_space<vmem>> -> memref<80xi32, #tpu.memory_space<vmem>>
        %dma_wait3A_714 = arith.constant 0 : i32
        %dma_wait3A_715 = arith.constant 0 : i32
        %dma_wait3A_716 = tpu.memref_slice %arg2[%dma_wait3A_714, %dma_wait3A_715] : memref<10000x128xf32, #tpu.memory_space<hbm>> -> memref<10000x128xf32, #tpu.memory_space<hbm>>
        tpu.wait_indirect_dma semaphore(%arg12 : memref<!tpu.dma_semaphore, #tpu.memory_space<semaphore_mem>>) src(%dma_wait3A_716 : memref<10000x128xf32, #tpu.memory_space<hbm>>) dst(%arg9 : memref<80x128xf32, #tpu.memory_space<vmem>>)
        %run_scoped3A_717 = arith.constant 0 : i32
        "tpu.region"() ({
          %run_scoped3A_731 = tpu.sem_alloc : memref<!tpu.dma_semaphore, #tpu.memory_space<semaphore_mem>>
          %dma_start3A_732 = arith.constant 0 : i32
          %dma_start3A_733 = tpu.memref_slice %arg7[%run_scoped3A_717, %add3A_708, %dma_start3A_732] : memref<2x25x80xi32, #tpu.memory_space<vmem>> -> memref<1x1x80xi32, #tpu.memory_space<vmem>>
          %dma_start3A_734 = tpu.memref_squeeze %dma_start3A_733 : memref<1x1x80xi32, #tpu.memory_space<vmem>> -> memref<80xi32, #tpu.memory_space<vmem>>
          %dma_start3A_735 = arith.constant 0 : i32
          %dma_start3A_736 = arith.constant 0 : i32
          %dma_start3A_737 = tpu.memref_slice %arg10[%dma_start3A_735, %dma_start3A_736] : memref<10240x128xf32, #tpu.memory_space<vmem_shared>> -> memref<10240x128xf32, #tpu.memory_space<vmem_shared>>
          tpu.enqueue_indirect_dma source(%arg9 : memref<80x128xf32, #tpu.memory_space<vmem>>) target(%dma_start3A_737 : memref<10240x128xf32, #tpu.memory_space<vmem_shared>>) offsets(%dma_start3A_734 : memref<80xi32, #tpu.memory_space<vmem>>) semaphore(%run_scoped3A_731 : memref<!tpu.dma_semaphore, #tpu.memory_space<semaphore_mem>>) {add = true}
          %dma_wait3A_738 = arith.constant 0 : i32
          %dma_wait3A_739 = tpu.memref_slice %arg7[%run_scoped3A_717, %add3A_708, %dma_wait3A_738] : memref<2x25x80xi32, #tpu.memory_space<vmem>> -> memref<1x1x80xi32, #tpu.memory_space<vmem>>
          %dma_wait3A_740 = tpu.memref_squeeze %dma_wait3A_739 : memref<1x1x80xi32, #tpu.memory_space<vmem>> -> memref<80xi32, #tpu.memory_space<vmem>>
          %dma_wait3A_741 = arith.constant 0 : i32
          %dma_wait3A_742 = arith.constant 0 : i32
          %dma_wait3A_743 = tpu.memref_slice %arg10[%dma_wait3A_741, %dma_wait3A_742] : memref<10240x128xf32, #tpu.memory_space<vmem_shared>> -> memref<10240x128xf32, #tpu.memory_space<vmem_shared>>
          tpu.wait_indirect_dma semaphore(%run_scoped3A_731 : memref<!tpu.dma_semaphore, #tpu.memory_space<semaphore_mem>>) src(%arg9 : memref<80x128xf32, #tpu.memory_space<vmem>>) dst(%dma_wait3A_743 : memref<10240x128xf32, #tpu.memory_space<vmem_shared>>)
          tpu.yield
        }) : () -> ()
        %dma_start3A_718 = arith.constant 0 : i32
        %dma_start3A_719 = arith.constant 0 : i32
        %dma_start3A_720 = tpu.memref_slice %arg7[%dma_start3A_718, %add3A_708, %dma_start3A_719] : memref<2x25x80xi32, #tpu.memory_space<vmem>> -> memref<1x1x80xi32, #tpu.memory_space<vmem>>
        %dma_start3A_721 = tpu.memref_squeeze %dma_start3A_720 : memref<1x1x80xi32, #tpu.memory_space<vmem>> -> memref<80xi32, #tpu.memory_space<vmem>>
        %dma_start3A_722 = arith.constant 0 : i32
        %dma_start3A_723 = tpu.memref_slice %arg18[%dma_start3A_722] : memref<10240xf32, #tpu.memory_space<vmem_shared>> -> memref<10240xf32, #tpu.memory_space<vmem_shared>>
        tpu.enqueue_indirect_dma source(%arg17 : memref<80xf32, #tpu.memory_space<vmem>>) target(%dma_start3A_723 : memref<10240xf32, #tpu.memory_space<vmem_shared>>) offsets(%dma_start3A_721 : memref<80xi32, #tpu.memory_space<vmem>>) semaphore(%arg15 : memref<!tpu.dma_semaphore, #tpu.memory_space<semaphore_mem>>) {add = true}
        %add3A_724 = arith.constant 2 : i32
        %add3A_725 = arith.addi %add3A_708, %add3A_724 : i32
        %lt3A_726 = arith.constant 25 : i32
        %lt3A_727 = arith.cmpi slt, %add3A_725, %lt3A_726 : i32
        %convert_element_type3A_728 = arith.extui %lt3A_727 : i1 to i32
        %cond3A_729 = arith.constant 0 : i32
        %cond3A_730 = arith.cmpi ne, %convert_element_type3A_728, %cond3A_729 : i32
        scf.if %cond3A_730 {
          %add3A_731 = arith.constant 2 : i32
          %add3A_732 = arith.addi %add3A_708, %add3A_731 : i32
          %dma_start3A_733 = arith.constant 0 : i32
          %dma_start3A_734 = arith.constant 0 : i32
          %dma_start3A_735 = tpu.memref_slice %arg6[%dma_start3A_733, %add3A_732, %dma_start3A_734] : memref<2x25x80xi32, #tpu.memory_space<vmem>> -> memref<1x1x80xi32, #tpu.memory_space<vmem>>
          %dma_start3A_736 = tpu.memref_squeeze %dma_start3A_735 : memref<1x1x80xi32, #tpu.memory_space<vmem>> -> memref<80xi32, #tpu.memory_space<vmem>>
          %dma_start3A_737 = arith.constant 0 : i32
          %dma_start3A_738 = arith.constant 0 : i32
          %dma_start3A_739 = tpu.memref_slice %arg2[%dma_start3A_737, %dma_start3A_738] : memref<10000x128xf32, #tpu.memory_space<hbm>> -> memref<10000x128xf32, #tpu.memory_space<hbm>>
          tpu.enqueue_indirect_dma source(%dma_start3A_739 : memref<10000x128xf32, #tpu.memory_space<hbm>>) target(%arg9 : memref<80x128xf32, #tpu.memory_space<vmem>>) offsets(%dma_start3A_736 : memref<80xi32, #tpu.memory_space<vmem>>) semaphore(%arg12 : memref<!tpu.dma_semaphore, #tpu.memory_space<semaphore_mem>>)
        } else {
        }
      } else {
      }
    }
    %scan3A_505 = arith.constant 13 : i32
    %dma_start3A_506 = arith.constant 0 : i32
    %dma_start3A_507 = arith.constant 4 : i32
    %dma_start3A_508 = arith.constant 0 : i32
    %dma_start3A_509 = arith.constant 0 : i32
    %dma_start3A_510 = arith.constant 0 : i32
    %dma_start3A_511 = tpu.memref_slice %arg6[%dma_start3A_508, %dma_start3A_509, %dma_start3A_510] : memref<2x25x80xi32, #tpu.memory_space<vmem>> -> memref<1x25x80xi32, #tpu.memory_space<vmem>>
    %dma_start3A_512 = tpu.memref_squeeze %dma_start3A_511 : memref<1x25x80xi32, #tpu.memory_space<vmem>> -> memref<25x80xi32, #tpu.memory_space<vmem>>
    %dma_start3A_513 = arith.constant 0 : i32
    %dma_start3A_514 = arith.constant 0 : i32
    %dma_start3A_515 = tpu.memref_slice %arg3[%dma_start3A_506, %add3A, %dma_start3A_507, %dma_start3A_513, %dma_start3A_514] : memref<2x32x5x25x80xi32, #tpu.memory_space<hbm>> -> memref<1x1x1x25x80xi32, #tpu.memory_space<hbm>>
    %dma_start3A_516 = tpu.memref_squeeze %dma_start3A_515 : memref<1x1x1x25x80xi32, #tpu.memory_space<hbm>> -> memref<25x80xi32, #tpu.memory_space<hbm>>
    %dma_start3A_517 = arith.constant 0 : i32
    %dma_start3A_518 = arith.constant 0 : i32
    %dma_start3A_519 = tpu.memref_slice %arg6[%dma_start3A_508, %dma_start3A_517, %dma_start3A_518] : memref<2x25x80xi32, #tpu.memory_space<vmem>> -> memref<1x25x80xi32, #tpu.memory_space<vmem>>
    %dma_start3A_520 = tpu.memref_squeeze %dma_start3A_519 : memref<1x25x80xi32, #tpu.memory_space<vmem>> -> memref<25x80xi32, #tpu.memory_space<vmem>>
    %dma_start3A_521 = arith.constant 0 : i32
    %dma_start3A_522 = arith.constant 0 : i32
    %dma_start3A_523 = tpu.memref_slice %arg3[%dma_start3A_506, %add3A, %dma_start3A_507, %dma_start3A_521, %dma_start3A_522] : memref<2x32x5x25x80xi32, #tpu.memory_space<hbm>> -> memref<1x1x1x25x80xi32, #tpu.memory_space<hbm>>
    %dma_start3A_524 = tpu.memref_squeeze %dma_start3A_523 : memref<1x1x1x25x80xi32, #tpu.memory_space<hbm>> -> memref<25x80xi32, #tpu.memory_space<hbm>>
    tpu.enqueue_dma source(%dma_start3A_524 : memref<25x80xi32, #tpu.memory_space<hbm>>) target(%dma_start3A_520 : memref<25x80xi32, #tpu.memory_space<vmem>>) target_semaphore(%arg13 : memref<!tpu.dma_semaphore, #tpu.memory_space<semaphore_mem>>)
    %dma_start3A_525 = arith.constant 1 : i32
    %dma_start3A_526 = arith.constant 4 : i32
    %dma_start3A_527 = arith.constant 0 : i32
    %dma_start3A_528 = arith.constant 0 : i32
    %dma_start3A_529 = arith.constant 0 : i32
    %dma_start3A_530 = tpu.memref_slice %arg7[%dma_start3A_527, %dma_start3A_528, %dma_start3A_529] : memref<2x25x80xi32, #tpu.memory_space<vmem>> -> memref<1x25x80xi32, #tpu.memory_space<vmem>>
    %dma_start3A_531 = tpu.memref_squeeze %dma_start3A_530 : memref<1x25x80xi32, #tpu.memory_space<vmem>> -> memref<25x80xi32, #tpu.memory_space<vmem>>
    %dma_start3A_532 = arith.constant 0 : i32
    %dma_start3A_533 = arith.constant 0 : i32
    %dma_start3A_534 = tpu.memref_slice %arg3[%dma_start3A_525, %add3A, %dma_start3A_526, %dma_start3A_532, %dma_start3A_533] : memref<2x32x5x25x80xi32, #tpu.memory_space<hbm>> -> memref<1x1x1x25x80xi32, #tpu.memory_space<hbm>>
    %dma_start3A_535 = tpu.memref_squeeze %dma_start3A_534 : memref<1x1x1x25x80xi32, #tpu.memory_space<hbm>> -> memref<25x80xi32, #tpu.memory_space<hbm>>
    %dma_start3A_536 = arith.constant 0 : i32
    %dma_start3A_537 = arith.constant 0 : i32
    %dma_start3A_538 = tpu.memref_slice %arg7[%dma_start3A_527, %dma_start3A_536, %dma_start3A_537] : memref<2x25x80xi32, #tpu.memory_space<vmem>> -> memref<1x25x80xi32, #tpu.memory_space<vmem>>
    %dma_start3A_539 = tpu.memref_squeeze %dma_start3A_538 : memref<1x25x80xi32, #tpu.memory_space<vmem>> -> memref<25x80xi32, #tpu.memory_space<vmem>>
    %dma_start3A_540 = arith.constant 0 : i32
    %dma_start3A_541 = arith.constant 0 : i32
    %dma_start3A_542 = tpu.memref_slice %arg3[%dma_start3A_525, %add3A, %dma_start3A_526, %dma_start3A_540, %dma_start3A_541] : memref<2x32x5x25x80xi32, #tpu.memory_space<hbm>> -> memref<1x1x1x25x80xi32, #tpu.memory_space<hbm>>
    %dma_start3A_543 = tpu.memref_squeeze %dma_start3A_542 : memref<1x1x1x25x80xi32, #tpu.memory_space<hbm>> -> memref<25x80xi32, #tpu.memory_space<hbm>>
    tpu.enqueue_dma source(%dma_start3A_543 : memref<25x80xi32, #tpu.memory_space<hbm>>) target(%dma_start3A_539 : memref<25x80xi32, #tpu.memory_space<vmem>>) target_semaphore(%arg13 : memref<!tpu.dma_semaphore, #tpu.memory_space<semaphore_mem>>)
    %dma_wait3A_544 = arith.constant 0 : i32
    %dma_wait3A_545 = arith.constant 0 : i32
    %dma_wait3A_546 = arith.constant 1 : i32
    %dma_wait3A_547 = arith.constant 0 : i32
    %dma_wait3A_548 = arith.constant 0 : i32
    %dma_wait3A_549 = tpu.memref_slice %arg6[%dma_wait3A_546, %dma_wait3A_547, %dma_wait3A_548] : memref<2x25x80xi32, #tpu.memory_space<vmem>> -> memref<1x25x80xi32, #tpu.memory_space<vmem>>
    %dma_wait3A_550 = tpu.memref_squeeze %dma_wait3A_549 : memref<1x25x80xi32, #tpu.memory_space<vmem>> -> memref<25x80xi32, #tpu.memory_space<vmem>>
    %dma_wait3A_551 = arith.constant 0 : i32
    %dma_wait3A_552 = arith.constant 0 : i32
    %dma_wait3A_553 = tpu.memref_slice %arg3[%dma_wait3A_544, %add3A, %dma_wait3A_545, %dma_wait3A_551, %dma_wait3A_552] : memref<2x32x5x25x80xi32, #tpu.memory_space<hbm>> -> memref<1x1x1x25x80xi32, #tpu.memory_space<hbm>>
    %dma_wait3A_554 = tpu.memref_squeeze %dma_wait3A_553 : memref<1x1x1x25x80xi32, #tpu.memory_space<hbm>> -> memref<25x80xi32, #tpu.memory_space<hbm>>
    %dma_wait3A_555 = arith.constant 0 : i32
    %dma_wait3A_556 = arith.constant 0 : i32
    %dma_wait3A_557 = tpu.memref_slice %arg6[%dma_wait3A_546, %dma_wait3A_555, %dma_wait3A_556] : memref<2x25x80xi32, #tpu.memory_space<vmem>> -> memref<1x25x80xi32, #tpu.memory_space<vmem>>
    %dma_wait3A_558 = tpu.memref_squeeze %dma_wait3A_557 : memref<1x25x80xi32, #tpu.memory_space<vmem>> -> memref<25x80xi32, #tpu.memory_space<vmem>>
    %dma_wait3A_559 = arith.constant 0 : i32
    %dma_wait3A_560 = arith.constant 0 : i32
    %dma_wait3A_561 = tpu.memref_slice %arg3[%dma_wait3A_544, %add3A, %dma_wait3A_545, %dma_wait3A_559, %dma_wait3A_560] : memref<2x32x5x25x80xi32, #tpu.memory_space<hbm>> -> memref<1x1x1x25x80xi32, #tpu.memory_space<hbm>>
    %dma_wait3A_562 = tpu.memref_squeeze %dma_wait3A_561 : memref<1x1x1x25x80xi32, #tpu.memory_space<hbm>> -> memref<25x80xi32, #tpu.memory_space<hbm>>
    tpu.wait_dma2 semaphore(%arg14 : memref<!tpu.dma_semaphore, #tpu.memory_space<semaphore_mem>>) src(%dma_wait3A_562 : memref<25x80xi32, #tpu.memory_space<hbm>>) dst(%dma_wait3A_558 : memref<25x80xi32, #tpu.memory_space<vmem>>)
    %dma_wait3A_563 = arith.constant 1 : i32
    %dma_wait3A_564 = arith.constant 0 : i32
    %dma_wait3A_565 = arith.constant 1 : i32
    %dma_wait3A_566 = arith.constant 0 : i32
    %dma_wait3A_567 = arith.constant 0 : i32
    %dma_wait3A_568 = tpu.memref_slice %arg7[%dma_wait3A_565, %dma_wait3A_566, %dma_wait3A_567] : memref<2x25x80xi32, #tpu.memory_space<vmem>> -> memref<1x25x80xi32, #tpu.memory_space<vmem>>
    %dma_wait3A_569 = tpu.memref_squeeze %dma_wait3A_568 : memref<1x25x80xi32, #tpu.memory_space<vmem>> -> memref<25x80xi32, #tpu.memory_space<vmem>>
    %dma_wait3A_570 = arith.constant 0 : i32
    %dma_wait3A_571 = arith.constant 0 : i32
    %dma_wait3A_572 = tpu.memref_slice %arg3[%dma_wait3A_563, %add3A, %dma_wait3A_564, %dma_wait3A_570, %dma_wait3A_571] : memref<2x32x5x25x80xi32, #tpu.memory_space<hbm>> -> memref<1x1x1x25x80xi32, #tpu.memory_space<hbm>>
    %dma_wait3A_573 = tpu.memref_squeeze %dma_wait3A_572 : memref<1x1x1x25x80xi32, #tpu.memory_space<hbm>> -> memref<25x80xi32, #tpu.memory_space<hbm>>
    %dma_wait3A_574 = arith.constant 0 : i32
    %dma_wait3A_575 = arith.constant 0 : i32
    %dma_wait3A_576 = tpu.memref_slice %arg7[%dma_wait3A_565, %dma_wait3A_574, %dma_wait3A_575] : memref<2x25x80xi32, #tpu.memory_space<vmem>> -> memref<1x25x80xi32, #tpu.memory_space<vmem>>
    %dma_wait3A_577 = tpu.memref_squeeze %dma_wait3A_576 : memref<1x25x80xi32, #tpu.memory_space<vmem>> -> memref<25x80xi32, #tpu.memory_space<vmem>>
    %dma_wait3A_578 = arith.constant 0 : i32
    %dma_wait3A_579 = arith.constant 0 : i32
    %dma_wait3A_580 = tpu.memref_slice %arg3[%dma_wait3A_563, %add3A, %dma_wait3A_564, %dma_wait3A_578, %dma_wait3A_579] : memref<2x32x5x25x80xi32, #tpu.memory_space<hbm>> -> memref<1x1x1x25x80xi32, #tpu.memory_space<hbm>>
    %dma_wait3A_581 = tpu.memref_squeeze %dma_wait3A_580 : memref<1x1x1x25x80xi32, #tpu.memory_space<hbm>> -> memref<25x80xi32, #tpu.memory_space<hbm>>
    tpu.wait_dma2 semaphore(%arg14 : memref<!tpu.dma_semaphore, #tpu.memory_space<semaphore_mem>>) src(%dma_wait3A_581 : memref<25x80xi32, #tpu.memory_space<hbm>>) dst(%dma_wait3A_577 : memref<25x80xi32, #tpu.memory_space<vmem>>)
    %dma_start3A_582 = arith.constant 1 : i32
    %dma_start3A_583 = arith.constant 0 : i32
    %dma_start3A_584 = arith.constant 0 : i32
    %dma_start3A_585 = tpu.memref_slice %arg6[%dma_start3A_582, %dma_start3A_583, %dma_start3A_584] : memref<2x25x80xi32, #tpu.memory_space<vmem>> -> memref<1x1x80xi32, #tpu.memory_space<vmem>>
    %dma_start3A_586 = tpu.memref_squeeze %dma_start3A_585 : memref<1x1x80xi32, #tpu.memory_space<vmem>> -> memref<80xi32, #tpu.memory_space<vmem>>
    %dma_start3A_587 = arith.constant 0 : i32
    %dma_start3A_588 = arith.constant 0 : i32
    %dma_start3A_589 = tpu.memref_slice %arg2[%dma_start3A_587, %dma_start3A_588] : memref<10000x128xf32, #tpu.memory_space<hbm>> -> memref<10000x128xf32, #tpu.memory_space<hbm>>
    tpu.enqueue_indirect_dma source(%dma_start3A_589 : memref<10000x128xf32, #tpu.memory_space<hbm>>) target(%arg8 : memref<80x128xf32, #tpu.memory_space<vmem>>) offsets(%dma_start3A_586 : memref<80xi32, #tpu.memory_space<vmem>>) semaphore(%arg11 : memref<!tpu.dma_semaphore, #tpu.memory_space<semaphore_mem>>)
    %dma_start3A_590 = arith.constant 1 : i32
    %dma_start3A_591 = arith.constant 1 : i32
    %dma_start3A_592 = arith.constant 0 : i32
    %dma_start3A_593 = tpu.memref_slice %arg6[%dma_start3A_590, %dma_start3A_591, %dma_start3A_592] : memref<2x25x80xi32, #tpu.memory_space<vmem>> -> memref<1x1x80xi32, #tpu.memory_space<vmem>>
    %dma_start3A_594 = tpu.memref_squeeze %dma_start3A_593 : memref<1x1x80xi32, #tpu.memory_space<vmem>> -> memref<80xi32, #tpu.memory_space<vmem>>
    %dma_start3A_595 = arith.constant 0 : i32
    %dma_start3A_596 = arith.constant 0 : i32
    %dma_start3A_597 = tpu.memref_slice %arg2[%dma_start3A_595, %dma_start3A_596] : memref<10000x128xf32, #tpu.memory_space<hbm>> -> memref<10000x128xf32, #tpu.memory_space<hbm>>
    tpu.enqueue_indirect_dma source(%dma_start3A_597 : memref<10000x128xf32, #tpu.memory_space<hbm>>) target(%arg9 : memref<80x128xf32, #tpu.memory_space<vmem>>) offsets(%dma_start3A_594 : memref<80xi32, #tpu.memory_space<vmem>>) semaphore(%arg12 : memref<!tpu.dma_semaphore, #tpu.memory_space<semaphore_mem>>)
    %scan3A_598 = arith.constant 0 : i32
    %scan3A_599 = arith.constant 0 : i32
    %scan3A_600 = arith.constant 13 : i32
    %scan3A_601 = arith.addi %scan3A_599, %scan3A_600 : i32
    %scan3A_602 = arith.constant 1 : i32
    scf.for %scan3A_677 = %scan3A_599 to %scan3A_601 step %scan3A_602  : i32 {
      %mul3A_678 = arith.constant 2 : i32
      %mul3A_679 = arith.muli %mul3A_678, %scan3A_677 : i32
      %dma_wait3A_680 = arith.constant 1 : i32
      %dma_wait3A_681 = arith.constant 0 : i32
      %dma_wait3A_682 = arith.constant 0 : i32
      %dma_wait3A_683 = tpu.memref_slice %arg6[%dma_wait3A_680, %dma_wait3A_681, %dma_wait3A_682] : memref<2x25x80xi32, #tpu.memory_space<vmem>> -> memref<1x1x80xi32, #tpu.memory_space<vmem>>
      %dma_wait3A_684 = tpu.memref_squeeze %dma_wait3A_683 : memref<1x1x80xi32, #tpu.memory_space<vmem>> -> memref<80xi32, #tpu.memory_space<vmem>>
      %dma_wait3A_685 = arith.constant 0 : i32
      %dma_wait3A_686 = arith.constant 0 : i32
      %dma_wait3A_687 = tpu.memref_slice %arg2[%dma_wait3A_685, %dma_wait3A_686] : memref<10000x128xf32, #tpu.memory_space<hbm>> -> memref<10000x128xf32, #tpu.memory_space<hbm>>
      tpu.wait_indirect_dma semaphore(%arg11 : memref<!tpu.dma_semaphore, #tpu.memory_space<semaphore_mem>>) src(%dma_wait3A_687 : memref<10000x128xf32, #tpu.memory_space<hbm>>) dst(%arg8 : memref<80x128xf32, #tpu.memory_space<vmem>>)
      %run_scoped3A = arith.constant 1 : i32
      "tpu.region"() ({
        %run_scoped3A_707 = tpu.sem_alloc : memref<!tpu.dma_semaphore, #tpu.memory_space<semaphore_mem>>
        %dma_start3A_708 = arith.constant 0 : i32
        %dma_start3A_709 = tpu.memref_slice %arg7[%run_scoped3A, %mul3A_679, %dma_start3A_708] : memref<2x25x80xi32, #tpu.memory_space<vmem>> -> memref<1x1x80xi32, #tpu.memory_space<vmem>>
        %dma_start3A_710 = tpu.memref_squeeze %dma_start3A_709 : memref<1x1x80xi32, #tpu.memory_space<vmem>> -> memref<80xi32, #tpu.memory_space<vmem>>
        %dma_start3A_711 = arith.constant 0 : i32
        %dma_start3A_712 = arith.constant 0 : i32
        %dma_start3A_713 = tpu.memref_slice %arg10[%dma_start3A_711, %dma_start3A_712] : memref<10240x128xf32, #tpu.memory_space<vmem_shared>> -> memref<10240x128xf32, #tpu.memory_space<vmem_shared>>
        tpu.enqueue_indirect_dma source(%arg8 : memref<80x128xf32, #tpu.memory_space<vmem>>) target(%dma_start3A_713 : memref<10240x128xf32, #tpu.memory_space<vmem_shared>>) offsets(%dma_start3A_710 : memref<80xi32, #tpu.memory_space<vmem>>) semaphore(%run_scoped3A_707 : memref<!tpu.dma_semaphore, #tpu.memory_space<semaphore_mem>>) {add = true}
        %dma_wait3A_714 = arith.constant 0 : i32
        %dma_wait3A_715 = tpu.memref_slice %arg7[%run_scoped3A, %mul3A_679, %dma_wait3A_714] : memref<2x25x80xi32, #tpu.memory_space<vmem>> -> memref<1x1x80xi32, #tpu.memory_space<vmem>>
        %dma_wait3A_716 = tpu.memref_squeeze %dma_wait3A_715 : memref<1x1x80xi32, #tpu.memory_space<vmem>> -> memref<80xi32, #tpu.memory_space<vmem>>
        %dma_wait3A_717 = arith.constant 0 : i32
        %dma_wait3A_718 = arith.constant 0 : i32
        %dma_wait3A_719 = tpu.memref_slice %arg10[%dma_wait3A_717, %dma_wait3A_718] : memref<10240x128xf32, #tpu.memory_space<vmem_shared>> -> memref<10240x128xf32, #tpu.memory_space<vmem_shared>>
        tpu.wait_indirect_dma semaphore(%run_scoped3A_707 : memref<!tpu.dma_semaphore, #tpu.memory_space<semaphore_mem>>) src(%arg8 : memref<80x128xf32, #tpu.memory_space<vmem>>) dst(%dma_wait3A_719 : memref<10240x128xf32, #tpu.memory_space<vmem_shared>>)
        tpu.yield
      }) : () -> ()
      %dma_start3A_688 = arith.constant 1 : i32
      %dma_start3A_689 = arith.constant 0 : i32
      %dma_start3A_690 = tpu.memref_slice %arg7[%dma_start3A_688, %mul3A_679, %dma_start3A_689] : memref<2x25x80xi32, #tpu.memory_space<vmem>> -> memref<1x1x80xi32, #tpu.memory_space<vmem>>
      %dma_start3A_691 = tpu.memref_squeeze %dma_start3A_690 : memref<1x1x80xi32, #tpu.memory_space<vmem>> -> memref<80xi32, #tpu.memory_space<vmem>>
      %dma_start3A_692 = arith.constant 0 : i32
      %dma_start3A_693 = tpu.memref_slice %arg18[%dma_start3A_692] : memref<10240xf32, #tpu.memory_space<vmem_shared>> -> memref<10240xf32, #tpu.memory_space<vmem_shared>>
      tpu.enqueue_indirect_dma source(%arg17 : memref<80xf32, #tpu.memory_space<vmem>>) target(%dma_start3A_693 : memref<10240xf32, #tpu.memory_space<vmem_shared>>) offsets(%dma_start3A_691 : memref<80xi32, #tpu.memory_space<vmem>>) semaphore(%arg15 : memref<!tpu.dma_semaphore, #tpu.memory_space<semaphore_mem>>) {add = true}
      %add3A_694 = arith.constant 2 : i32
      %add3A_695 = arith.addi %mul3A_679, %add3A_694 : i32
      %lt3A = arith.constant 25 : i32
      %lt3A_696 = arith.cmpi slt, %add3A_695, %lt3A : i32
      %convert_element_type3A_697 = arith.extui %lt3A_696 : i1 to i32
      %cond3A_698 = arith.constant 0 : i32
      %cond3A_699 = arith.cmpi ne, %convert_element_type3A_697, %cond3A_698 : i32
      scf.if %cond3A_699 {
        %add3A_707 = arith.constant 2 : i32
        %add3A_708 = arith.addi %mul3A_679, %add3A_707 : i32
        %dma_start3A_709 = arith.constant 1 : i32
        %dma_start3A_710 = arith.constant 0 : i32
        %dma_start3A_711 = tpu.memref_slice %arg6[%dma_start3A_709, %add3A_708, %dma_start3A_710] : memref<2x25x80xi32, #tpu.memory_space<vmem>> -> memref<1x1x80xi32, #tpu.memory_space<vmem>>
        %dma_start3A_712 = tpu.memref_squeeze %dma_start3A_711 : memref<1x1x80xi32, #tpu.memory_space<vmem>> -> memref<80xi32, #tpu.memory_space<vmem>>
        %dma_start3A_713 = arith.constant 0 : i32
        %dma_start3A_714 = arith.constant 0 : i32
        %dma_start3A_715 = tpu.memref_slice %arg2[%dma_start3A_713, %dma_start3A_714] : memref<10000x128xf32, #tpu.memory_space<hbm>> -> memref<10000x128xf32, #tpu.memory_space<hbm>>
        tpu.enqueue_indirect_dma source(%dma_start3A_715 : memref<10000x128xf32, #tpu.memory_space<hbm>>) target(%arg8 : memref<80x128xf32, #tpu.memory_space<vmem>>) offsets(%dma_start3A_712 : memref<80xi32, #tpu.memory_space<vmem>>) semaphore(%arg11 : memref<!tpu.dma_semaphore, #tpu.memory_space<semaphore_mem>>)
      } else {
      }
      %add3A_700 = arith.constant 1 : i32
      %add3A_701 = arith.addi %mul3A_679, %add3A_700 : i32
      %lt3A_702 = arith.constant 25 : i32
      %lt3A_703 = arith.cmpi slt, %add3A_701, %lt3A_702 : i32
      %convert_element_type3A_704 = arith.extui %lt3A_703 : i1 to i32
      %cond3A_705 = arith.constant 0 : i32
      %cond3A_706 = arith.cmpi ne, %convert_element_type3A_704, %cond3A_705 : i32
      scf.if %cond3A_706 {
        %add3A_707 = arith.constant 1 : i32
        %add3A_708 = arith.addi %mul3A_679, %add3A_707 : i32
        %dma_wait3A_709 = arith.constant 1 : i32
        %dma_wait3A_710 = arith.constant 0 : i32
        %dma_wait3A_711 = arith.constant 0 : i32
        %dma_wait3A_712 = tpu.memref_slice %arg6[%dma_wait3A_709, %dma_wait3A_710, %dma_wait3A_711] : memref<2x25x80xi32, #tpu.memory_space<vmem>> -> memref<1x1x80xi32, #tpu.memory_space<vmem>>
        %dma_wait3A_713 = tpu.memref_squeeze %dma_wait3A_712 : memref<1x1x80xi32, #tpu.memory_space<vmem>> -> memref<80xi32, #tpu.memory_space<vmem>>
        %dma_wait3A_714 = arith.constant 0 : i32
        %dma_wait3A_715 = arith.constant 0 : i32
        %dma_wait3A_716 = tpu.memref_slice %arg2[%dma_wait3A_714, %dma_wait3A_715] : memref<10000x128xf32, #tpu.memory_space<hbm>> -> memref<10000x128xf32, #tpu.memory_space<hbm>>
        tpu.wait_indirect_dma semaphore(%arg12 : memref<!tpu.dma_semaphore, #tpu.memory_space<semaphore_mem>>) src(%dma_wait3A_716 : memref<10000x128xf32, #tpu.memory_space<hbm>>) dst(%arg9 : memref<80x128xf32, #tpu.memory_space<vmem>>)
        %run_scoped3A_717 = arith.constant 1 : i32
        "tpu.region"() ({
          %run_scoped3A_731 = tpu.sem_alloc : memref<!tpu.dma_semaphore, #tpu.memory_space<semaphore_mem>>
          %dma_start3A_732 = arith.constant 0 : i32
          %dma_start3A_733 = tpu.memref_slice %arg7[%run_scoped3A_717, %add3A_708, %dma_start3A_732] : memref<2x25x80xi32, #tpu.memory_space<vmem>> -> memref<1x1x80xi32, #tpu.memory_space<vmem>>
          %dma_start3A_734 = tpu.memref_squeeze %dma_start3A_733 : memref<1x1x80xi32, #tpu.memory_space<vmem>> -> memref<80xi32, #tpu.memory_space<vmem>>
          %dma_start3A_735 = arith.constant 0 : i32
          %dma_start3A_736 = arith.constant 0 : i32
          %dma_start3A_737 = tpu.memref_slice %arg10[%dma_start3A_735, %dma_start3A_736] : memref<10240x128xf32, #tpu.memory_space<vmem_shared>> -> memref<10240x128xf32, #tpu.memory_space<vmem_shared>>
          tpu.enqueue_indirect_dma source(%arg9 : memref<80x128xf32, #tpu.memory_space<vmem>>) target(%dma_start3A_737 : memref<10240x128xf32, #tpu.memory_space<vmem_shared>>) offsets(%dma_start3A_734 : memref<80xi32, #tpu.memory_space<vmem>>) semaphore(%run_scoped3A_731 : memref<!tpu.dma_semaphore, #tpu.memory_space<semaphore_mem>>) {add = true}
          %dma_wait3A_738 = arith.constant 0 : i32
          %dma_wait3A_739 = tpu.memref_slice %arg7[%run_scoped3A_717, %add3A_708, %dma_wait3A_738] : memref<2x25x80xi32, #tpu.memory_space<vmem>> -> memref<1x1x80xi32, #tpu.memory_space<vmem>>
          %dma_wait3A_740 = tpu.memref_squeeze %dma_wait3A_739 : memref<1x1x80xi32, #tpu.memory_space<vmem>> -> memref<80xi32, #tpu.memory_space<vmem>>
          %dma_wait3A_741 = arith.constant 0 : i32
          %dma_wait3A_742 = arith.constant 0 : i32
          %dma_wait3A_743 = tpu.memref_slice %arg10[%dma_wait3A_741, %dma_wait3A_742] : memref<10240x128xf32, #tpu.memory_space<vmem_shared>> -> memref<10240x128xf32, #tpu.memory_space<vmem_shared>>
          tpu.wait_indirect_dma semaphore(%run_scoped3A_731 : memref<!tpu.dma_semaphore, #tpu.memory_space<semaphore_mem>>) src(%arg9 : memref<80x128xf32, #tpu.memory_space<vmem>>) dst(%dma_wait3A_743 : memref<10240x128xf32, #tpu.memory_space<vmem_shared>>)
          tpu.yield
        }) : () -> ()
        %dma_start3A_718 = arith.constant 1 : i32
        %dma_start3A_719 = arith.constant 0 : i32
        %dma_start3A_720 = tpu.memref_slice %arg7[%dma_start3A_718, %add3A_708, %dma_start3A_719] : memref<2x25x80xi32, #tpu.memory_space<vmem>> -> memref<1x1x80xi32, #tpu.memory_space<vmem>>
        %dma_start3A_721 = tpu.memref_squeeze %dma_start3A_720 : memref<1x1x80xi32, #tpu.memory_space<vmem>> -> memref<80xi32, #tpu.memory_space<vmem>>
        %dma_start3A_722 = arith.constant 0 : i32
        %dma_start3A_723 = tpu.memref_slice %arg18[%dma_start3A_722] : memref<10240xf32, #tpu.memory_space<vmem_shared>> -> memref<10240xf32, #tpu.memory_space<vmem_shared>>
        tpu.enqueue_indirect_dma source(%arg17 : memref<80xf32, #tpu.memory_space<vmem>>) target(%dma_start3A_723 : memref<10240xf32, #tpu.memory_space<vmem_shared>>) offsets(%dma_start3A_721 : memref<80xi32, #tpu.memory_space<vmem>>) semaphore(%arg15 : memref<!tpu.dma_semaphore, #tpu.memory_space<semaphore_mem>>) {add = true}
        %add3A_724 = arith.constant 2 : i32
        %add3A_725 = arith.addi %add3A_708, %add3A_724 : i32
        %lt3A_726 = arith.constant 25 : i32
        %lt3A_727 = arith.cmpi slt, %add3A_725, %lt3A_726 : i32
        %convert_element_type3A_728 = arith.extui %lt3A_727 : i1 to i32
        %cond3A_729 = arith.constant 0 : i32
        %cond3A_730 = arith.cmpi ne, %convert_element_type3A_728, %cond3A_729 : i32
        scf.if %cond3A_730 {
          %add3A_731 = arith.constant 2 : i32
          %add3A_732 = arith.addi %add3A_708, %add3A_731 : i32
          %dma_start3A_733 = arith.constant 1 : i32
          %dma_start3A_734 = arith.constant 0 : i32
          %dma_start3A_735 = tpu.memref_slice %arg6[%dma_start3A_733, %add3A_732, %dma_start3A_734] : memref<2x25x80xi32, #tpu.memory_space<vmem>> -> memref<1x1x80xi32, #tpu.memory_space<vmem>>
          %dma_start3A_736 = tpu.memref_squeeze %dma_start3A_735 : memref<1x1x80xi32, #tpu.memory_space<vmem>> -> memref<80xi32, #tpu.memory_space<vmem>>
          %dma_start3A_737 = arith.constant 0 : i32
          %dma_start3A_738 = arith.constant 0 : i32
          %dma_start3A_739 = tpu.memref_slice %arg2[%dma_start3A_737, %dma_start3A_738] : memref<10000x128xf32, #tpu.memory_space<hbm>> -> memref<10000x128xf32, #tpu.memory_space<hbm>>
          tpu.enqueue_indirect_dma source(%dma_start3A_739 : memref<10000x128xf32, #tpu.memory_space<hbm>>) target(%arg9 : memref<80x128xf32, #tpu.memory_space<vmem>>) offsets(%dma_start3A_736 : memref<80xi32, #tpu.memory_space<vmem>>) semaphore(%arg12 : memref<!tpu.dma_semaphore, #tpu.memory_space<semaphore_mem>>)
        } else {
        }
      } else {
      }
    }
    %scan3A_603 = arith.constant 13 : i32
    %dma_wait3A_604 = arith.constant 0 : i32
    %dma_wait3A_605 = arith.constant 0 : i32
    %dma_wait3A_606 = arith.constant 0 : i32
    %dma_wait3A_607 = arith.constant 0 : i32
    %dma_wait3A_608 = arith.constant 0 : i32
    %dma_wait3A_609 = tpu.memref_slice %arg6[%dma_wait3A_606, %dma_wait3A_607, %dma_wait3A_608] : memref<2x25x80xi32, #tpu.memory_space<vmem>> -> memref<1x25x80xi32, #tpu.memory_space<vmem>>
    %dma_wait3A_610 = tpu.memref_squeeze %dma_wait3A_609 : memref<1x25x80xi32, #tpu.memory_space<vmem>> -> memref<25x80xi32, #tpu.memory_space<vmem>>
    %dma_wait3A_611 = arith.constant 0 : i32
    %dma_wait3A_612 = arith.constant 0 : i32
    %dma_wait3A_613 = tpu.memref_slice %arg3[%dma_wait3A_604, %add3A, %dma_wait3A_605, %dma_wait3A_611, %dma_wait3A_612] : memref<2x32x5x25x80xi32, #tpu.memory_space<hbm>> -> memref<1x1x1x25x80xi32, #tpu.memory_space<hbm>>
    %dma_wait3A_614 = tpu.memref_squeeze %dma_wait3A_613 : memref<1x1x1x25x80xi32, #tpu.memory_space<hbm>> -> memref<25x80xi32, #tpu.memory_space<hbm>>
    %dma_wait3A_615 = arith.constant 0 : i32
    %dma_wait3A_616 = arith.constant 0 : i32
    %dma_wait3A_617 = tpu.memref_slice %arg6[%dma_wait3A_606, %dma_wait3A_615, %dma_wait3A_616] : memref<2x25x80xi32, #tpu.memory_space<vmem>> -> memref<1x25x80xi32, #tpu.memory_space<vmem>>
    %dma_wait3A_618 = tpu.memref_squeeze %dma_wait3A_617 : memref<1x25x80xi32, #tpu.memory_space<vmem>> -> memref<25x80xi32, #tpu.memory_space<vmem>>
    %dma_wait3A_619 = arith.constant 0 : i32
    %dma_wait3A_620 = arith.constant 0 : i32
    %dma_wait3A_621 = tpu.memref_slice %arg3[%dma_wait3A_604, %add3A, %dma_wait3A_605, %dma_wait3A_619, %dma_wait3A_620] : memref<2x32x5x25x80xi32, #tpu.memory_space<hbm>> -> memref<1x1x1x25x80xi32, #tpu.memory_space<hbm>>
    %dma_wait3A_622 = tpu.memref_squeeze %dma_wait3A_621 : memref<1x1x1x25x80xi32, #tpu.memory_space<hbm>> -> memref<25x80xi32, #tpu.memory_space<hbm>>
    tpu.wait_dma2 semaphore(%arg13 : memref<!tpu.dma_semaphore, #tpu.memory_space<semaphore_mem>>) src(%dma_wait3A_622 : memref<25x80xi32, #tpu.memory_space<hbm>>) dst(%dma_wait3A_618 : memref<25x80xi32, #tpu.memory_space<vmem>>)
    %dma_wait3A_623 = arith.constant 1 : i32
    %dma_wait3A_624 = arith.constant 0 : i32
    %dma_wait3A_625 = arith.constant 0 : i32
    %dma_wait3A_626 = arith.constant 0 : i32
    %dma_wait3A_627 = arith.constant 0 : i32
    %dma_wait3A_628 = tpu.memref_slice %arg7[%dma_wait3A_625, %dma_wait3A_626, %dma_wait3A_627] : memref<2x25x80xi32, #tpu.memory_space<vmem>> -> memref<1x25x80xi32, #tpu.memory_space<vmem>>
    %dma_wait3A_629 = tpu.memref_squeeze %dma_wait3A_628 : memref<1x25x80xi32, #tpu.memory_space<vmem>> -> memref<25x80xi32, #tpu.memory_space<vmem>>
    %dma_wait3A_630 = arith.constant 0 : i32
    %dma_wait3A_631 = arith.constant 0 : i32
    %dma_wait3A_632 = tpu.memref_slice %arg3[%dma_wait3A_623, %add3A, %dma_wait3A_624, %dma_wait3A_630, %dma_wait3A_631] : memref<2x32x5x25x80xi32, #tpu.memory_space<hbm>> -> memref<1x1x1x25x80xi32, #tpu.memory_space<hbm>>
    %dma_wait3A_633 = tpu.memref_squeeze %dma_wait3A_632 : memref<1x1x1x25x80xi32, #tpu.memory_space<hbm>> -> memref<25x80xi32, #tpu.memory_space<hbm>>
    %dma_wait3A_634 = arith.constant 0 : i32
    %dma_wait3A_635 = arith.constant 0 : i32
    %dma_wait3A_636 = tpu.memref_slice %arg7[%dma_wait3A_625, %dma_wait3A_634, %dma_wait3A_635] : memref<2x25x80xi32, #tpu.memory_space<vmem>> -> memref<1x25x80xi32, #tpu.memory_space<vmem>>
    %dma_wait3A_637 = tpu.memref_squeeze %dma_wait3A_636 : memref<1x25x80xi32, #tpu.memory_space<vmem>> -> memref<25x80xi32, #tpu.memory_space<vmem>>
    %dma_wait3A_638 = arith.constant 0 : i32
    %dma_wait3A_639 = arith.constant 0 : i32
    %dma_wait3A_640 = tpu.memref_slice %arg3[%dma_wait3A_623, %add3A, %dma_wait3A_624, %dma_wait3A_638, %dma_wait3A_639] : memref<2x32x5x25x80xi32, #tpu.memory_space<hbm>> -> memref<1x1x1x25x80xi32, #tpu.memory_space<hbm>>
    %dma_wait3A_641 = tpu.memref_squeeze %dma_wait3A_640 : memref<1x1x1x25x80xi32, #tpu.memory_space<hbm>> -> memref<25x80xi32, #tpu.memory_space<hbm>>
    tpu.wait_dma2 semaphore(%arg13 : memref<!tpu.dma_semaphore, #tpu.memory_space<semaphore_mem>>) src(%dma_wait3A_641 : memref<25x80xi32, #tpu.memory_space<hbm>>) dst(%dma_wait3A_637 : memref<25x80xi32, #tpu.memory_space<vmem>>)
    %dma_start3A_642 = arith.constant 0 : i32
    %dma_start3A_643 = arith.constant 0 : i32
    %dma_start3A_644 = arith.constant 0 : i32
    %dma_start3A_645 = tpu.memref_slice %arg6[%dma_start3A_642, %dma_start3A_643, %dma_start3A_644] : memref<2x25x80xi32, #tpu.memory_space<vmem>> -> memref<1x1x80xi32, #tpu.memory_space<vmem>>
    %dma_start3A_646 = tpu.memref_squeeze %dma_start3A_645 : memref<1x1x80xi32, #tpu.memory_space<vmem>> -> memref<80xi32, #tpu.memory_space<vmem>>
    %dma_start3A_647 = arith.constant 0 : i32
    %dma_start3A_648 = arith.constant 0 : i32
    %dma_start3A_649 = tpu.memref_slice %arg2[%dma_start3A_647, %dma_start3A_648] : memref<10000x128xf32, #tpu.memory_space<hbm>> -> memref<10000x128xf32, #tpu.memory_space<hbm>>
    tpu.enqueue_indirect_dma source(%dma_start3A_649 : memref<10000x128xf32, #tpu.memory_space<hbm>>) target(%arg8 : memref<80x128xf32, #tpu.memory_space<vmem>>) offsets(%dma_start3A_646 : memref<80xi32, #tpu.memory_space<vmem>>) semaphore(%arg11 : memref<!tpu.dma_semaphore, #tpu.memory_space<semaphore_mem>>)
    %dma_start3A_650 = arith.constant 0 : i32
    %dma_start3A_651 = arith.constant 1 : i32
    %dma_start3A_652 = arith.constant 0 : i32
    %dma_start3A_653 = tpu.memref_slice %arg6[%dma_start3A_650, %dma_start3A_651, %dma_start3A_652] : memref<2x25x80xi32, #tpu.memory_space<vmem>> -> memref<1x1x80xi32, #tpu.memory_space<vmem>>
    %dma_start3A_654 = tpu.memref_squeeze %dma_start3A_653 : memref<1x1x80xi32, #tpu.memory_space<vmem>> -> memref<80xi32, #tpu.memory_space<vmem>>
    %dma_start3A_655 = arith.constant 0 : i32
    %dma_start3A_656 = arith.constant 0 : i32
    %dma_start3A_657 = tpu.memref_slice %arg2[%dma_start3A_655, %dma_start3A_656] : memref<10000x128xf32, #tpu.memory_space<hbm>> -> memref<10000x128xf32, #tpu.memory_space<hbm>>
    tpu.enqueue_indirect_dma source(%dma_start3A_657 : memref<10000x128xf32, #tpu.memory_space<hbm>>) target(%arg9 : memref<80x128xf32, #tpu.memory_space<vmem>>) offsets(%dma_start3A_654 : memref<80xi32, #tpu.memory_space<vmem>>) semaphore(%arg12 : memref<!tpu.dma_semaphore, #tpu.memory_space<semaphore_mem>>)
    %scan3A_658 = arith.constant 0 : i32
    %scan3A_659 = arith.constant 0 : i32
    %scan3A_660 = arith.constant 13 : i32
    %scan3A_661 = arith.addi %scan3A_659, %scan3A_660 : i32
    %scan3A_662 = arith.constant 1 : i32
    scf.for %scan3A_677 = %scan3A_659 to %scan3A_661 step %scan3A_662  : i32 {
      %mul3A_678 = arith.constant 2 : i32
      %mul3A_679 = arith.muli %mul3A_678, %scan3A_677 : i32
      %dma_wait3A_680 = arith.constant 0 : i32
      %dma_wait3A_681 = arith.constant 0 : i32
      %dma_wait3A_682 = arith.constant 0 : i32
      %dma_wait3A_683 = tpu.memref_slice %arg6[%dma_wait3A_680, %dma_wait3A_681, %dma_wait3A_682] : memref<2x25x80xi32, #tpu.memory_space<vmem>> -> memref<1x1x80xi32, #tpu.memory_space<vmem>>
      %dma_wait3A_684 = tpu.memref_squeeze %dma_wait3A_683 : memref<1x1x80xi32, #tpu.memory_space<vmem>> -> memref<80xi32, #tpu.memory_space<vmem>>
      %dma_wait3A_685 = arith.constant 0 : i32
      %dma_wait3A_686 = arith.constant 0 : i32
      %dma_wait3A_687 = tpu.memref_slice %arg2[%dma_wait3A_685, %dma_wait3A_686] : memref<10000x128xf32, #tpu.memory_space<hbm>> -> memref<10000x128xf32, #tpu.memory_space<hbm>>
      tpu.wait_indirect_dma semaphore(%arg11 : memref<!tpu.dma_semaphore, #tpu.memory_space<semaphore_mem>>) src(%dma_wait3A_687 : memref<10000x128xf32, #tpu.memory_space<hbm>>) dst(%arg8 : memref<80x128xf32, #tpu.memory_space<vmem>>)
      %run_scoped3A = arith.constant 0 : i32
      "tpu.region"() ({
        %run_scoped3A_707 = tpu.sem_alloc : memref<!tpu.dma_semaphore, #tpu.memory_space<semaphore_mem>>
        %dma_start3A_708 = arith.constant 0 : i32
        %dma_start3A_709 = tpu.memref_slice %arg7[%run_scoped3A, %mul3A_679, %dma_start3A_708] : memref<2x25x80xi32, #tpu.memory_space<vmem>> -> memref<1x1x80xi32, #tpu.memory_space<vmem>>
        %dma_start3A_710 = tpu.memref_squeeze %dma_start3A_709 : memref<1x1x80xi32, #tpu.memory_space<vmem>> -> memref<80xi32, #tpu.memory_space<vmem>>
        %dma_start3A_711 = arith.constant 0 : i32
        %dma_start3A_712 = arith.constant 0 : i32
        %dma_start3A_713 = tpu.memref_slice %arg10[%dma_start3A_711, %dma_start3A_712] : memref<10240x128xf32, #tpu.memory_space<vmem_shared>> -> memref<10240x128xf32, #tpu.memory_space<vmem_shared>>
        tpu.enqueue_indirect_dma source(%arg8 : memref<80x128xf32, #tpu.memory_space<vmem>>) target(%dma_start3A_713 : memref<10240x128xf32, #tpu.memory_space<vmem_shared>>) offsets(%dma_start3A_710 : memref<80xi32, #tpu.memory_space<vmem>>) semaphore(%run_scoped3A_707 : memref<!tpu.dma_semaphore, #tpu.memory_space<semaphore_mem>>) {add = true}
        %dma_wait3A_714 = arith.constant 0 : i32
        %dma_wait3A_715 = tpu.memref_slice %arg7[%run_scoped3A, %mul3A_679, %dma_wait3A_714] : memref<2x25x80xi32, #tpu.memory_space<vmem>> -> memref<1x1x80xi32, #tpu.memory_space<vmem>>
        %dma_wait3A_716 = tpu.memref_squeeze %dma_wait3A_715 : memref<1x1x80xi32, #tpu.memory_space<vmem>> -> memref<80xi32, #tpu.memory_space<vmem>>
        %dma_wait3A_717 = arith.constant 0 : i32
        %dma_wait3A_718 = arith.constant 0 : i32
        %dma_wait3A_719 = tpu.memref_slice %arg10[%dma_wait3A_717, %dma_wait3A_718] : memref<10240x128xf32, #tpu.memory_space<vmem_shared>> -> memref<10240x128xf32, #tpu.memory_space<vmem_shared>>
        tpu.wait_indirect_dma semaphore(%run_scoped3A_707 : memref<!tpu.dma_semaphore, #tpu.memory_space<semaphore_mem>>) src(%arg8 : memref<80x128xf32, #tpu.memory_space<vmem>>) dst(%dma_wait3A_719 : memref<10240x128xf32, #tpu.memory_space<vmem_shared>>)
        tpu.yield
      }) : () -> ()
      %dma_start3A_688 = arith.constant 0 : i32
      %dma_start3A_689 = arith.constant 0 : i32
      %dma_start3A_690 = tpu.memref_slice %arg7[%dma_start3A_688, %mul3A_679, %dma_start3A_689] : memref<2x25x80xi32, #tpu.memory_space<vmem>> -> memref<1x1x80xi32, #tpu.memory_space<vmem>>
      %dma_start3A_691 = tpu.memref_squeeze %dma_start3A_690 : memref<1x1x80xi32, #tpu.memory_space<vmem>> -> memref<80xi32, #tpu.memory_space<vmem>>
      %dma_start3A_692 = arith.constant 0 : i32
      %dma_start3A_693 = tpu.memref_slice %arg18[%dma_start3A_692] : memref<10240xf32, #tpu.memory_space<vmem_shared>> -> memref<10240xf32, #tpu.memory_space<vmem_shared>>
      tpu.enqueue_indirect_dma source(%arg17 : memref<80xf32, #tpu.memory_space<vmem>>) target(%dma_start3A_693 : memref<10240xf32, #tpu.memory_space<vmem_shared>>) offsets(%dma_start3A_691 : memref<80xi32, #tpu.memory_space<vmem>>) semaphore(%arg15 : memref<!tpu.dma_semaphore, #tpu.memory_space<semaphore_mem>>) {add = true}
      %add3A_694 = arith.constant 2 : i32
      %add3A_695 = arith.addi %mul3A_679, %add3A_694 : i32
      %lt3A = arith.constant 25 : i32
      %lt3A_696 = arith.cmpi slt, %add3A_695, %lt3A : i32
      %convert_element_type3A_697 = arith.extui %lt3A_696 : i1 to i32
      %cond3A_698 = arith.constant 0 : i32
      %cond3A_699 = arith.cmpi ne, %convert_element_type3A_697, %cond3A_698 : i32
      scf.if %cond3A_699 {
        %add3A_707 = arith.constant 2 : i32
        %add3A_708 = arith.addi %mul3A_679, %add3A_707 : i32
        %dma_start3A_709 = arith.constant 0 : i32
        %dma_start3A_710 = arith.constant 0 : i32
        %dma_start3A_711 = tpu.memref_slice %arg6[%dma_start3A_709, %add3A_708, %dma_start3A_710] : memref<2x25x80xi32, #tpu.memory_space<vmem>> -> memref<1x1x80xi32, #tpu.memory_space<vmem>>
        %dma_start3A_712 = tpu.memref_squeeze %dma_start3A_711 : memref<1x1x80xi32, #tpu.memory_space<vmem>> -> memref<80xi32, #tpu.memory_space<vmem>>
        %dma_start3A_713 = arith.constant 0 : i32
        %dma_start3A_714 = arith.constant 0 : i32
        %dma_start3A_715 = tpu.memref_slice %arg2[%dma_start3A_713, %dma_start3A_714] : memref<10000x128xf32, #tpu.memory_space<hbm>> -> memref<10000x128xf32, #tpu.memory_space<hbm>>
        tpu.enqueue_indirect_dma source(%dma_start3A_715 : memref<10000x128xf32, #tpu.memory_space<hbm>>) target(%arg8 : memref<80x128xf32, #tpu.memory_space<vmem>>) offsets(%dma_start3A_712 : memref<80xi32, #tpu.memory_space<vmem>>) semaphore(%arg11 : memref<!tpu.dma_semaphore, #tpu.memory_space<semaphore_mem>>)
      } else {
      }
      %add3A_700 = arith.constant 1 : i32
      %add3A_701 = arith.addi %mul3A_679, %add3A_700 : i32
      %lt3A_702 = arith.constant 25 : i32
      %lt3A_703 = arith.cmpi slt, %add3A_701, %lt3A_702 : i32
      %convert_element_type3A_704 = arith.extui %lt3A_703 : i1 to i32
      %cond3A_705 = arith.constant 0 : i32
      %cond3A_706 = arith.cmpi ne, %convert_element_type3A_704, %cond3A_705 : i32
      scf.if %cond3A_706 {
        %add3A_707 = arith.constant 1 : i32
        %add3A_708 = arith.addi %mul3A_679, %add3A_707 : i32
        %dma_wait3A_709 = arith.constant 0 : i32
        %dma_wait3A_710 = arith.constant 0 : i32
        %dma_wait3A_711 = arith.constant 0 : i32
        %dma_wait3A_712 = tpu.memref_slice %arg6[%dma_wait3A_709, %dma_wait3A_710, %dma_wait3A_711] : memref<2x25x80xi32, #tpu.memory_space<vmem>> -> memref<1x1x80xi32, #tpu.memory_space<vmem>>
        %dma_wait3A_713 = tpu.memref_squeeze %dma_wait3A_712 : memref<1x1x80xi32, #tpu.memory_space<vmem>> -> memref<80xi32, #tpu.memory_space<vmem>>
        %dma_wait3A_714 = arith.constant 0 : i32
        %dma_wait3A_715 = arith.constant 0 : i32
        %dma_wait3A_716 = tpu.memref_slice %arg2[%dma_wait3A_714, %dma_wait3A_715] : memref<10000x128xf32, #tpu.memory_space<hbm>> -> memref<10000x128xf32, #tpu.memory_space<hbm>>
        tpu.wait_indirect_dma semaphore(%arg12 : memref<!tpu.dma_semaphore, #tpu.memory_space<semaphore_mem>>) src(%dma_wait3A_716 : memref<10000x128xf32, #tpu.memory_space<hbm>>) dst(%arg9 : memref<80x128xf32, #tpu.memory_space<vmem>>)
        %run_scoped3A_717 = arith.constant 0 : i32
        "tpu.region"() ({
          %run_scoped3A_731 = tpu.sem_alloc : memref<!tpu.dma_semaphore, #tpu.memory_space<semaphore_mem>>
          %dma_start3A_732 = arith.constant 0 : i32
          %dma_start3A_733 = tpu.memref_slice %arg7[%run_scoped3A_717, %add3A_708, %dma_start3A_732] : memref<2x25x80xi32, #tpu.memory_space<vmem>> -> memref<1x1x80xi32, #tpu.memory_space<vmem>>
          %dma_start3A_734 = tpu.memref_squeeze %dma_start3A_733 : memref<1x1x80xi32, #tpu.memory_space<vmem>> -> memref<80xi32, #tpu.memory_space<vmem>>
          %dma_start3A_735 = arith.constant 0 : i32
          %dma_start3A_736 = arith.constant 0 : i32
          %dma_start3A_737 = tpu.memref_slice %arg10[%dma_start3A_735, %dma_start3A_736] : memref<10240x128xf32, #tpu.memory_space<vmem_shared>> -> memref<10240x128xf32, #tpu.memory_space<vmem_shared>>
          tpu.enqueue_indirect_dma source(%arg9 : memref<80x128xf32, #tpu.memory_space<vmem>>) target(%dma_start3A_737 : memref<10240x128xf32, #tpu.memory_space<vmem_shared>>) offsets(%dma_start3A_734 : memref<80xi32, #tpu.memory_space<vmem>>) semaphore(%run_scoped3A_731 : memref<!tpu.dma_semaphore, #tpu.memory_space<semaphore_mem>>) {add = true}
          %dma_wait3A_738 = arith.constant 0 : i32
          %dma_wait3A_739 = tpu.memref_slice %arg7[%run_scoped3A_717, %add3A_708, %dma_wait3A_738] : memref<2x25x80xi32, #tpu.memory_space<vmem>> -> memref<1x1x80xi32, #tpu.memory_space<vmem>>
          %dma_wait3A_740 = tpu.memref_squeeze %dma_wait3A_739 : memref<1x1x80xi32, #tpu.memory_space<vmem>> -> memref<80xi32, #tpu.memory_space<vmem>>
          %dma_wait3A_741 = arith.constant 0 : i32
          %dma_wait3A_742 = arith.constant 0 : i32
          %dma_wait3A_743 = tpu.memref_slice %arg10[%dma_wait3A_741, %dma_wait3A_742] : memref<10240x128xf32, #tpu.memory_space<vmem_shared>> -> memref<10240x128xf32, #tpu.memory_space<vmem_shared>>
          tpu.wait_indirect_dma semaphore(%run_scoped3A_731 : memref<!tpu.dma_semaphore, #tpu.memory_space<semaphore_mem>>) src(%arg9 : memref<80x128xf32, #tpu.memory_space<vmem>>) dst(%dma_wait3A_743 : memref<10240x128xf32, #tpu.memory_space<vmem_shared>>)
          tpu.yield
        }) : () -> ()
        %dma_start3A_718 = arith.constant 0 : i32
        %dma_start3A_719 = arith.constant 0 : i32
        %dma_start3A_720 = tpu.memref_slice %arg7[%dma_start3A_718, %add3A_708, %dma_start3A_719] : memref<2x25x80xi32, #tpu.memory_space<vmem>> -> memref<1x1x80xi32, #tpu.memory_space<vmem>>
        %dma_start3A_721 = tpu.memref_squeeze %dma_start3A_720 : memref<1x1x80xi32, #tpu.memory_space<vmem>> -> memref<80xi32, #tpu.memory_space<vmem>>
        %dma_start3A_722 = arith.constant 0 : i32
        %dma_start3A_723 = tpu.memref_slice %arg18[%dma_start3A_722] : memref<10240xf32, #tpu.memory_space<vmem_shared>> -> memref<10240xf32, #tpu.memory_space<vmem_shared>>
        tpu.enqueue_indirect_dma source(%arg17 : memref<80xf32, #tpu.memory_space<vmem>>) target(%dma_start3A_723 : memref<10240xf32, #tpu.memory_space<vmem_shared>>) offsets(%dma_start3A_721 : memref<80xi32, #tpu.memory_space<vmem>>) semaphore(%arg15 : memref<!tpu.dma_semaphore, #tpu.memory_space<semaphore_mem>>) {add = true}
        %add3A_724 = arith.constant 2 : i32
        %add3A_725 = arith.addi %add3A_708, %add3A_724 : i32
        %lt3A_726 = arith.constant 25 : i32
        %lt3A_727 = arith.cmpi slt, %add3A_725, %lt3A_726 : i32
        %convert_element_type3A_728 = arith.extui %lt3A_727 : i1 to i32
        %cond3A_729 = arith.constant 0 : i32
        %cond3A_730 = arith.cmpi ne, %convert_element_type3A_728, %cond3A_729 : i32
        scf.if %cond3A_730 {
          %add3A_731 = arith.constant 2 : i32
          %add3A_732 = arith.addi %add3A_708, %add3A_731 : i32
          %dma_start3A_733 = arith.constant 0 : i32
          %dma_start3A_734 = arith.constant 0 : i32
          %dma_start3A_735 = tpu.memref_slice %arg6[%dma_start3A_733, %add3A_732, %dma_start3A_734] : memref<2x25x80xi32, #tpu.memory_space<vmem>> -> memref<1x1x80xi32, #tpu.memory_space<vmem>>
          %dma_start3A_736 = tpu.memref_squeeze %dma_start3A_735 : memref<1x1x80xi32, #tpu.memory_space<vmem>> -> memref<80xi32, #tpu.memory_space<vmem>>
          %dma_start3A_737 = arith.constant 0 : i32
          %dma_start3A_738 = arith.constant 0 : i32
          %dma_start3A_739 = tpu.memref_slice %arg2[%dma_start3A_737, %dma_start3A_738] : memref<10000x128xf32, #tpu.memory_space<hbm>> -> memref<10000x128xf32, #tpu.memory_space<hbm>>
          tpu.enqueue_indirect_dma source(%dma_start3A_739 : memref<10000x128xf32, #tpu.memory_space<hbm>>) target(%arg9 : memref<80x128xf32, #tpu.memory_space<vmem>>) offsets(%dma_start3A_736 : memref<80xi32, #tpu.memory_space<vmem>>) semaphore(%arg12 : memref<!tpu.dma_semaphore, #tpu.memory_space<semaphore_mem>>)
        } else {
        }
      } else {
      }
    }
    %scan3A_663 = arith.constant 13 : i32
    %scan3A_664 = arith.constant 0 : i32
    %scan3A_665 = arith.constant 0 : i32
    %scan3A_666 = arith.constant 125 : i32
    %scan3A_667 = arith.addi %scan3A_665, %scan3A_666 : i32
    %scan3A_668 = arith.constant 1 : i32
    scf.for %scan3A_677 = %scan3A_665 to %scan3A_667 step %scan3A_668  : i32 {
      %dma_wait3A_678 = arith.constant 0 : i32
      %dma_wait3A_679 = arith.constant 0 : i32
      %dma_wait3A_680 = arith.constant 0 : i32
      %dma_wait3A_681 = tpu.memref_slice %arg7[%dma_wait3A_678, %dma_wait3A_679, %dma_wait3A_680] : memref<2x25x80xi32, #tpu.memory_space<vmem>> -> memref<1x1x80xi32, #tpu.memory_space<vmem>>
      %dma_wait3A_682 = tpu.memref_squeeze %dma_wait3A_681 : memref<1x1x80xi32, #tpu.memory_space<vmem>> -> memref<80xi32, #tpu.memory_space<vmem>>
      %dma_wait3A_683 = arith.constant 0 : i32
      %dma_wait3A_684 = tpu.memref_slice %arg18[%dma_wait3A_683] : memref<10240xf32, #tpu.memory_space<vmem_shared>> -> memref<10240xf32, #tpu.memory_space<vmem_shared>>
      tpu.wait_indirect_dma semaphore(%arg15 : memref<!tpu.dma_semaphore, #tpu.memory_space<semaphore_mem>>) src(%arg17 : memref<80xf32, #tpu.memory_space<vmem>>) dst(%dma_wait3A_684 : memref<10240xf32, #tpu.memory_space<vmem_shared>>)
    }
    %scan3A_669 = arith.constant 125 : i32
    %barrier3A_670 = arith.constant 0 : index
    tpu.barrier barrier_id(%barrier3A_670)
    %mul3A_671 = arith.constant 640 : i32
    %mul3A_672 = arith.muli %arg1, %mul3A_671 : i32
    %mul3A_673 = arith.constant 640 : i32
    %mul3A_674 = arith.muli %arg1, %mul3A_673 : i32
    "tpu.region"() ({
      %run_scoped3A = tpu.sem_alloc : memref<!tpu.dma_semaphore, #tpu.memory_space<semaphore_mem>>
      %dma_start3A_677 = arith.constant 0 : i32
      %dma_start3A_678 = tpu.memref_slice %arg4[%arg0, %mul3A_674, %dma_start3A_677] : memref<2x10240x128xf32, #tpu.memory_space<hbm>> -> memref<1x640x128xf32, #tpu.memory_space<hbm>>
      %dma_start3A_679 = tpu.memref_squeeze %dma_start3A_678 : memref<1x640x128xf32, #tpu.memory_space<hbm>> -> memref<640x128xf32, #tpu.memory_space<hbm>>
      %dma_start3A_680 = arith.constant 0 : i32
      %dma_start3A_681 = tpu.memref_slice %arg10[%mul3A_672, %dma_start3A_680] : memref<10240x128xf32, #tpu.memory_space<vmem_shared>> -> memref<640x128xf32, #tpu.memory_space<vmem_shared>>
      tpu.enqueue_dma source(%dma_start3A_681 : memref<640x128xf32, #tpu.memory_space<vmem_shared>>) target(%dma_start3A_679 : memref<640x128xf32, #tpu.memory_space<hbm>>) target_semaphore(%run_scoped3A : memref<!tpu.dma_semaphore, #tpu.memory_space<semaphore_mem>>)
      %dma_wait3A_682 = arith.constant 0 : i32
      %dma_wait3A_683 = tpu.memref_slice %arg4[%arg0, %mul3A_674, %dma_wait3A_682] : memref<2x10240x128xf32, #tpu.memory_space<hbm>> -> memref<1x640x128xf32, #tpu.memory_space<hbm>>
      %dma_wait3A_684 = tpu.memref_squeeze %dma_wait3A_683 : memref<1x640x128xf32, #tpu.memory_space<hbm>> -> memref<640x128xf32, #tpu.memory_space<hbm>>
      %dma_wait3A_685 = arith.constant 0 : i32
      %dma_wait3A_686 = tpu.memref_slice %arg10[%mul3A_672, %dma_wait3A_685] : memref<10240x128xf32, #tpu.memory_space<vmem_shared>> -> memref<640x128xf32, #tpu.memory_space<vmem_shared>>
      tpu.wait_dma2 semaphore(%run_scoped3A : memref<!tpu.dma_semaphore, #tpu.memory_space<semaphore_mem>>) src(%dma_wait3A_686 : memref<640x128xf32, #tpu.memory_space<vmem_shared>>) dst(%dma_wait3A_684 : memref<640x128xf32, #tpu.memory_space<hbm>>)
      tpu.yield
    }) : () -> ()
    %eq3A = arith.constant 0 : i32
    %eq3A_675 = arith.cmpi eq, %arg1, %eq3A : i32
    %convert_element_type3A = arith.extui %eq3A_675 : i1 to i32
    %cond3A = arith.constant 0 : i32
    %cond3A_676 = arith.cmpi ne, %convert_element_type3A, %cond3A : i32
    scf.if %cond3A_676 {
      "tpu.region"() ({
        %run_scoped3A = tpu.sem_alloc : memref<!tpu.dma_semaphore, #tpu.memory_space<semaphore_mem>>
        %dma_start3A_677 = arith.constant 0 : i32
        %dma_start3A_678 = tpu.memref_slice %arg5[%arg0, %dma_start3A_677] : memref<2x10240xf32, #tpu.memory_space<hbm>> -> memref<1x10240xf32, #tpu.memory_space<hbm>>
        %dma_start3A_679 = tpu.memref_squeeze %dma_start3A_678 : memref<1x10240xf32, #tpu.memory_space<hbm>> -> memref<10240xf32, #tpu.memory_space<hbm>>
        tpu.enqueue_dma source(%arg18 : memref<10240xf32, #tpu.memory_space<vmem_shared>>) target(%dma_start3A_679 : memref<10240xf32, #tpu.memory_space<hbm>>) target_semaphore(%run_scoped3A : memref<!tpu.dma_semaphore, #tpu.memory_space<semaphore_mem>>)
        %dma_wait3A_680 = arith.constant 0 : i32
        %dma_wait3A_681 = tpu.memref_slice %arg5[%arg0, %dma_wait3A_680] : memref<2x10240xf32, #tpu.memory_space<hbm>> -> memref<1x10240xf32, #tpu.memory_space<hbm>>
        %dma_wait3A_682 = tpu.memref_squeeze %dma_wait3A_681 : memref<1x10240xf32, #tpu.memory_space<hbm>> -> memref<10240xf32, #tpu.memory_space<hbm>>
        tpu.wait_dma2 semaphore(%run_scoped3A : memref<!tpu.dma_semaphore, #tpu.memory_space<semaphore_mem>>) src(%arg18 : memref<10240xf32, #tpu.memory_space<vmem_shared>>) dst(%dma_wait3A_682 : memref<10240xf32, #tpu.memory_space<hbm>>)
        tpu.yield
      }) : () -> ()
    } else {
    }
    return
  }
}

#map = affine_map<(d0, d1) -> (0, 0)>
#map1 = affine_map<(d0, d1) -> (0, 0, 0, 0, 0)>
#map2 = affine_map<(d0, d1) -> (0, 0, 0)>
module attributes {stable_mosaic.version = 14 : i64} {
  func.func @sc(%arg0: i32, %arg1: i32, %arg2: memref<10000x128xf32, #tpu.memory_space<hbm>>, %arg3: memref<2x32x5x25x80xi32, #tpu.memory_space<hbm>>, %arg4: memref<2x10240x128xf32, #tpu.memory_space<hbm>>, %arg5: memref<2x25x80xi32, #tpu.memory_space<vmem>>, %arg6: memref<2x25x80xi32, #tpu.memory_space<vmem>>, %arg7: memref<80x128xf32, #tpu.memory_space<vmem>>, %arg8: memref<80x128xf32, #tpu.memory_space<vmem>>, %arg9: memref<10240x128xf32, #tpu.memory_space<vmem_shared>>, %arg10: memref<!tpu.dma_semaphore, #tpu.memory_space<semaphore_mem>>, %arg11: memref<!tpu.dma_semaphore, #tpu.memory_space<semaphore_mem>>, %arg12: memref<!tpu.dma_semaphore, #tpu.memory_space<semaphore_mem>>, %arg13: memref<!tpu.dma_semaphore, #tpu.memory_space<semaphore_mem>>, %arg14: memref<!tpu.dma_semaphore, #tpu.memory_space<semaphore_mem>>, %arg15: memref<640xf32, #tpu.memory_space<vmem>>) attributes {dimension_semantics = [#tpu.dimension_semantics<core_parallel>, #tpu.dimension_semantics<subcore_parallel>], iteration_bounds = array<i64: 2, 16>, scalar_prefetch = 0 : i64, scratch_operands = 11 : i64, tpu.core_type = #tpu.core_type<sc_vector_subcore>, window_params = [{transform_indices = #map}, {transform_indices = #map1}, {transform_indices = #map2}]} {
    %mul3A = arith.constant 2 : i32
    %mul3A_0 = arith.muli %arg1, %mul3A : i32
    %add3A = arith.addi %mul3A_0, %arg0 : i32
    %dma_start3A = arith.constant 0 : i32
    %dma_start3A_1 = arith.constant 0 : i32
    %dma_start3A_2 = arith.constant 0 : i32
    %dma_start3A_3 = arith.constant 0 : i32
    %dma_start3A_4 = arith.constant 0 : i32
    %dma_start3A_5 = tpu.memref_slice %arg5[%dma_start3A_2, %dma_start3A_3, %dma_start3A_4] : memref<2x25x80xi32, #tpu.memory_space<vmem>> -> memref<1x25x80xi32, #tpu.memory_space<vmem>>
    %dma_start3A_6 = tpu.memref_squeeze %dma_start3A_5 : memref<1x25x80xi32, #tpu.memory_space<vmem>> -> memref<25x80xi32, #tpu.memory_space<vmem>>
    %dma_start3A_7 = arith.constant 0 : i32
    %dma_start3A_8 = arith.constant 0 : i32
    %dma_start3A_9 = tpu.memref_slice %arg3[%dma_start3A, %add3A, %dma_start3A_1, %dma_start3A_7, %dma_start3A_8] : memref<2x32x5x25x80xi32, #tpu.memory_space<hbm>> -> memref<1x1x1x25x80xi32, #tpu.memory_space<hbm>>
    %dma_start3A_10 = tpu.memref_squeeze %dma_start3A_9 : memref<1x1x1x25x80xi32, #tpu.memory_space<hbm>> -> memref<25x80xi32, #tpu.memory_space<hbm>>
    %dma_start3A_11 = arith.constant 0 : i32
    %dma_start3A_12 = arith.constant 0 : i32
    %dma_start3A_13 = tpu.memref_slice %arg5[%dma_start3A_2, %dma_start3A_11, %dma_start3A_12] : memref<2x25x80xi32, #tpu.memory_space<vmem>> -> memref<1x25x80xi32, #tpu.memory_space<vmem>>
    %dma_start3A_14 = tpu.memref_squeeze %dma_start3A_13 : memref<1x25x80xi32, #tpu.memory_space<vmem>> -> memref<25x80xi32, #tpu.memory_space<vmem>>
    %dma_start3A_15 = arith.constant 0 : i32
    %dma_start3A_16 = arith.constant 0 : i32
    %dma_start3A_17 = tpu.memref_slice %arg3[%dma_start3A, %add3A, %dma_start3A_1, %dma_start3A_15, %dma_start3A_16] : memref<2x32x5x25x80xi32, #tpu.memory_space<hbm>> -> memref<1x1x1x25x80xi32, #tpu.memory_space<hbm>>
    %dma_start3A_18 = tpu.memref_squeeze %dma_start3A_17 : memref<1x1x1x25x80xi32, #tpu.memory_space<hbm>> -> memref<25x80xi32, #tpu.memory_space<hbm>>
    tpu.enqueue_dma source(%dma_start3A_18 : memref<25x80xi32, #tpu.memory_space<hbm>>) target(%dma_start3A_14 : memref<25x80xi32, #tpu.memory_space<vmem>>) target_semaphore(%arg12 : memref<!tpu.dma_semaphore, #tpu.memory_space<semaphore_mem>>)
    %dma_start3A_19 = arith.constant 1 : i32
    %dma_start3A_20 = arith.constant 0 : i32
    %dma_start3A_21 = arith.constant 0 : i32
    %dma_start3A_22 = arith.constant 0 : i32
    %dma_start3A_23 = arith.constant 0 : i32
    %dma_start3A_24 = tpu.memref_slice %arg6[%dma_start3A_21, %dma_start3A_22, %dma_start3A_23] : memref<2x25x80xi32, #tpu.memory_space<vmem>> -> memref<1x25x80xi32, #tpu.memory_space<vmem>>
    %dma_start3A_25 = tpu.memref_squeeze %dma_start3A_24 : memref<1x25x80xi32, #tpu.memory_space<vmem>> -> memref<25x80xi32, #tpu.memory_space<vmem>>
    %dma_start3A_26 = arith.constant 0 : i32
    %dma_start3A_27 = arith.constant 0 : i32
    %dma_start3A_28 = tpu.memref_slice %arg3[%dma_start3A_19, %add3A, %dma_start3A_20, %dma_start3A_26, %dma_start3A_27] : memref<2x32x5x25x80xi32, #tpu.memory_space<hbm>> -> memref<1x1x1x25x80xi32, #tpu.memory_space<hbm>>
    %dma_start3A_29 = tpu.memref_squeeze %dma_start3A_28 : memref<1x1x1x25x80xi32, #tpu.memory_space<hbm>> -> memref<25x80xi32, #tpu.memory_space<hbm>>
    %dma_start3A_30 = arith.constant 0 : i32
    %dma_start3A_31 = arith.constant 0 : i32
    %dma_start3A_32 = tpu.memref_slice %arg6[%dma_start3A_21, %dma_start3A_30, %dma_start3A_31] : memref<2x25x80xi32, #tpu.memory_space<vmem>> -> memref<1x25x80xi32, #tpu.memory_space<vmem>>
    %dma_start3A_33 = tpu.memref_squeeze %dma_start3A_32 : memref<1x25x80xi32, #tpu.memory_space<vmem>> -> memref<25x80xi32, #tpu.memory_space<vmem>>
    %dma_start3A_34 = arith.constant 0 : i32
    %dma_start3A_35 = arith.constant 0 : i32
    %dma_start3A_36 = tpu.memref_slice %arg3[%dma_start3A_19, %add3A, %dma_start3A_20, %dma_start3A_34, %dma_start3A_35] : memref<2x32x5x25x80xi32, #tpu.memory_space<hbm>> -> memref<1x1x1x25x80xi32, #tpu.memory_space<hbm>>
    %dma_start3A_37 = tpu.memref_squeeze %dma_start3A_36 : memref<1x1x1x25x80xi32, #tpu.memory_space<hbm>> -> memref<25x80xi32, #tpu.memory_space<hbm>>
    tpu.enqueue_dma source(%dma_start3A_37 : memref<25x80xi32, #tpu.memory_space<hbm>>) target(%dma_start3A_33 : memref<25x80xi32, #tpu.memory_space<vmem>>) target_semaphore(%arg12 : memref<!tpu.dma_semaphore, #tpu.memory_space<semaphore_mem>>)
    %scan3A = arith.constant 0 : i32
    %scan3A_38 = arith.constant 0 : i32
    %scan3A_39 = arith.constant 80 : i32
    %scan3A_40 = arith.addi %scan3A_38, %scan3A_39 : i32
    %scan3A_41 = arith.constant 1 : i32
    scf.for %scan3A_627 = %scan3A_38 to %scan3A_40 step %scan3A_41  : i32 {
      %broadcast_in_dim3A = arith.constant 0.000000e+00 : f32
      %broadcast_in_dim3A_628 = vector.broadcast %broadcast_in_dim3A : f32 to vector<16xf32>
      %swap3A = arith.index_cast %scan3A_627 : i32 to index
      %swap3A_629 = arith.constant 0 : index
      %swap3A_630 = tpu.vector_load %arg7[%swap3A, %swap3A_629] {strides = array<i32>} : memref<80x128xf32, #tpu.memory_space<vmem>>, vector<1x16xf32>,
      %swap3A_631 = vector.shape_cast %swap3A_630 : vector<1x16xf32> to vector<16xf32>
      %swap3A_632 = vector.shape_cast %broadcast_in_dim3A_628 : vector<16xf32> to vector<1x16xf32>
      tpu.vector_store %arg7[%swap3A, %swap3A_629], %swap3A_632 {strides = array<i32>} : memref<80x128xf32, #tpu.memory_space<vmem>>, vector<1x16xf32>,
      %broadcast_in_dim3A_633 = arith.constant 0.000000e+00 : f32
      %broadcast_in_dim3A_634 = vector.broadcast %broadcast_in_dim3A_633 : f32 to vector<16xf32>
      %swap3A_635 = arith.index_cast %scan3A_627 : i32 to index
      %swap3A_636 = arith.constant 16 : index
      %swap3A_637 = tpu.vector_load %arg7[%swap3A_635, %swap3A_636] {strides = array<i32>} : memref<80x128xf32, #tpu.memory_space<vmem>>, vector<1x16xf32>,
      %swap3A_638 = vector.shape_cast %swap3A_637 : vector<1x16xf32> to vector<16xf32>
      %swap3A_639 = vector.shape_cast %broadcast_in_dim3A_634 : vector<16xf32> to vector<1x16xf32>
      tpu.vector_store %arg7[%swap3A_635, %swap3A_636], %swap3A_639 {strides = array<i32>} : memref<80x128xf32, #tpu.memory_space<vmem>>, vector<1x16xf32>,
      %broadcast_in_dim3A_640 = arith.constant 0.000000e+00 : f32
      %broadcast_in_dim3A_641 = vector.broadcast %broadcast_in_dim3A_640 : f32 to vector<16xf32>
      %swap3A_642 = arith.index_cast %scan3A_627 : i32 to index
      %swap3A_643 = arith.constant 32 : index
      %swap3A_644 = tpu.vector_load %arg7[%swap3A_642, %swap3A_643] {strides = array<i32>} : memref<80x128xf32, #tpu.memory_space<vmem>>, vector<1x16xf32>,
      %swap3A_645 = vector.shape_cast %swap3A_644 : vector<1x16xf32> to vector<16xf32>
      %swap3A_646 = vector.shape_cast %broadcast_in_dim3A_641 : vector<16xf32> to vector<1x16xf32>
      tpu.vector_store %arg7[%swap3A_642, %swap3A_643], %swap3A_646 {strides = array<i32>} : memref<80x128xf32, #tpu.memory_space<vmem>>, vector<1x16xf32>,
      %broadcast_in_dim3A_647 = arith.constant 0.000000e+00 : f32
      %broadcast_in_dim3A_648 = vector.broadcast %broadcast_in_dim3A_647 : f32 to vector<16xf32>
      %swap3A_649 = arith.index_cast %scan3A_627 : i32 to index
      %swap3A_650 = arith.constant 48 : index
      %swap3A_651 = tpu.vector_load %arg7[%swap3A_649, %swap3A_650] {strides = array<i32>} : memref<80x128xf32, #tpu.memory_space<vmem>>, vector<1x16xf32>,
      %swap3A_652 = vector.shape_cast %swap3A_651 : vector<1x16xf32> to vector<16xf32>
      %swap3A_653 = vector.shape_cast %broadcast_in_dim3A_648 : vector<16xf32> to vector<1x16xf32>
      tpu.vector_store %arg7[%swap3A_649, %swap3A_650], %swap3A_653 {strides = array<i32>} : memref<80x128xf32, #tpu.memory_space<vmem>>, vector<1x16xf32>,
      %broadcast_in_dim3A_654 = arith.constant 0.000000e+00 : f32
      %broadcast_in_dim3A_655 = vector.broadcast %broadcast_in_dim3A_654 : f32 to vector<16xf32>
      %swap3A_656 = arith.index_cast %scan3A_627 : i32 to index
      %swap3A_657 = arith.constant 64 : index
      %swap3A_658 = tpu.vector_load %arg7[%swap3A_656, %swap3A_657] {strides = array<i32>} : memref<80x128xf32, #tpu.memory_space<vmem>>, vector<1x16xf32>,
      %swap3A_659 = vector.shape_cast %swap3A_658 : vector<1x16xf32> to vector<16xf32>
      %swap3A_660 = vector.shape_cast %broadcast_in_dim3A_655 : vector<16xf32> to vector<1x16xf32>
      tpu.vector_store %arg7[%swap3A_656, %swap3A_657], %swap3A_660 {strides = array<i32>} : memref<80x128xf32, #tpu.memory_space<vmem>>, vector<1x16xf32>,
      %broadcast_in_dim3A_661 = arith.constant 0.000000e+00 : f32
      %broadcast_in_dim3A_662 = vector.broadcast %broadcast_in_dim3A_661 : f32 to vector<16xf32>
      %swap3A_663 = arith.index_cast %scan3A_627 : i32 to index
      %swap3A_664 = arith.constant 80 : index
      %swap3A_665 = tpu.vector_load %arg7[%swap3A_663, %swap3A_664] {strides = array<i32>} : memref<80x128xf32, #tpu.memory_space<vmem>>, vector<1x16xf32>,
      %swap3A_666 = vector.shape_cast %swap3A_665 : vector<1x16xf32> to vector<16xf32>
      %swap3A_667 = vector.shape_cast %broadcast_in_dim3A_662 : vector<16xf32> to vector<1x16xf32>
      tpu.vector_store %arg7[%swap3A_663, %swap3A_664], %swap3A_667 {strides = array<i32>} : memref<80x128xf32, #tpu.memory_space<vmem>>, vector<1x16xf32>,
      %broadcast_in_dim3A_668 = arith.constant 0.000000e+00 : f32
      %broadcast_in_dim3A_669 = vector.broadcast %broadcast_in_dim3A_668 : f32 to vector<16xf32>
      %swap3A_670 = arith.index_cast %scan3A_627 : i32 to index
      %swap3A_671 = arith.constant 96 : index
      %swap3A_672 = tpu.vector_load %arg7[%swap3A_670, %swap3A_671] {strides = array<i32>} : memref<80x128xf32, #tpu.memory_space<vmem>>, vector<1x16xf32>,
      %swap3A_673 = vector.shape_cast %swap3A_672 : vector<1x16xf32> to vector<16xf32>
      %swap3A_674 = vector.shape_cast %broadcast_in_dim3A_669 : vector<16xf32> to vector<1x16xf32>
      tpu.vector_store %arg7[%swap3A_670, %swap3A_671], %swap3A_674 {strides = array<i32>} : memref<80x128xf32, #tpu.memory_space<vmem>>, vector<1x16xf32>,
      %broadcast_in_dim3A_675 = arith.constant 0.000000e+00 : f32
      %broadcast_in_dim3A_676 = vector.broadcast %broadcast_in_dim3A_675 : f32 to vector<16xf32>
      %swap3A_677 = arith.index_cast %scan3A_627 : i32 to index
      %swap3A_678 = arith.constant 112 : index
      %swap3A_679 = tpu.vector_load %arg7[%swap3A_677, %swap3A_678] {strides = array<i32>} : memref<80x128xf32, #tpu.memory_space<vmem>>, vector<1x16xf32>,
      %swap3A_680 = vector.shape_cast %swap3A_679 : vector<1x16xf32> to vector<16xf32>
      %swap3A_681 = vector.shape_cast %broadcast_in_dim3A_676 : vector<16xf32> to vector<1x16xf32>
      tpu.vector_store %arg7[%swap3A_677, %swap3A_678], %swap3A_681 {strides = array<i32>} : memref<80x128xf32, #tpu.memory_space<vmem>>, vector<1x16xf32>,
    }
    %scan3A_42 = arith.constant 80 : i32
    %mul3A_43 = arith.constant 640 : i32
    %mul3A_44 = arith.muli %arg1, %mul3A_43 : i32
    %add3A_45 = arith.constant 0 : i32
    %add3A_46 = arith.addi %mul3A_44, %add3A_45 : i32
    %dma_start3A_47 = arith.constant 0 : i32
    %dma_start3A_48 = tpu.memref_slice %arg9[%add3A_46, %dma_start3A_47] : memref<10240x128xf32, #tpu.memory_space<vmem_shared>> -> memref<80x128xf32, #tpu.memory_space<vmem_shared>>
    %dma_start3A_49 = arith.constant 0 : i32
    %dma_start3A_50 = tpu.memref_slice %arg9[%add3A_46, %dma_start3A_49] : memref<10240x128xf32, #tpu.memory_space<vmem_shared>> -> memref<80x128xf32, #tpu.memory_space<vmem_shared>>
    tpu.enqueue_dma source(%arg7 : memref<80x128xf32, #tpu.memory_space<vmem>>) target(%dma_start3A_50 : memref<80x128xf32, #tpu.memory_space<vmem_shared>>) target_semaphore(%arg14 : memref<!tpu.dma_semaphore, #tpu.memory_space<semaphore_mem>>)
    %mul3A_51 = arith.constant 640 : i32
    %mul3A_52 = arith.muli %arg1, %mul3A_51 : i32
    %add3A_53 = arith.constant 80 : i32
    %add3A_54 = arith.addi %mul3A_52, %add3A_53 : i32
    %dma_start3A_55 = arith.constant 0 : i32
    %dma_start3A_56 = tpu.memref_slice %arg9[%add3A_54, %dma_start3A_55] : memref<10240x128xf32, #tpu.memory_space<vmem_shared>> -> memref<80x128xf32, #tpu.memory_space<vmem_shared>>
    %dma_start3A_57 = arith.constant 0 : i32
    %dma_start3A_58 = tpu.memref_slice %arg9[%add3A_54, %dma_start3A_57] : memref<10240x128xf32, #tpu.memory_space<vmem_shared>> -> memref<80x128xf32, #tpu.memory_space<vmem_shared>>
    tpu.enqueue_dma source(%arg7 : memref<80x128xf32, #tpu.memory_space<vmem>>) target(%dma_start3A_58 : memref<80x128xf32, #tpu.memory_space<vmem_shared>>) target_semaphore(%arg14 : memref<!tpu.dma_semaphore, #tpu.memory_space<semaphore_mem>>)
    %mul3A_59 = arith.constant 640 : i32
    %mul3A_60 = arith.muli %arg1, %mul3A_59 : i32
    %add3A_61 = arith.constant 160 : i32
    %add3A_62 = arith.addi %mul3A_60, %add3A_61 : i32
    %dma_start3A_63 = arith.constant 0 : i32
    %dma_start3A_64 = tpu.memref_slice %arg9[%add3A_62, %dma_start3A_63] : memref<10240x128xf32, #tpu.memory_space<vmem_shared>> -> memref<80x128xf32, #tpu.memory_space<vmem_shared>>
    %dma_start3A_65 = arith.constant 0 : i32
    %dma_start3A_66 = tpu.memref_slice %arg9[%add3A_62, %dma_start3A_65] : memref<10240x128xf32, #tpu.memory_space<vmem_shared>> -> memref<80x128xf32, #tpu.memory_space<vmem_shared>>
    tpu.enqueue_dma source(%arg7 : memref<80x128xf32, #tpu.memory_space<vmem>>) target(%dma_start3A_66 : memref<80x128xf32, #tpu.memory_space<vmem_shared>>) target_semaphore(%arg14 : memref<!tpu.dma_semaphore, #tpu.memory_space<semaphore_mem>>)
    %mul3A_67 = arith.constant 640 : i32
    %mul3A_68 = arith.muli %arg1, %mul3A_67 : i32
    %add3A_69 = arith.constant 240 : i32
    %add3A_70 = arith.addi %mul3A_68, %add3A_69 : i32
    %dma_start3A_71 = arith.constant 0 : i32
    %dma_start3A_72 = tpu.memref_slice %arg9[%add3A_70, %dma_start3A_71] : memref<10240x128xf32, #tpu.memory_space<vmem_shared>> -> memref<80x128xf32, #tpu.memory_space<vmem_shared>>
    %dma_start3A_73 = arith.constant 0 : i32
    %dma_start3A_74 = tpu.memref_slice %arg9[%add3A_70, %dma_start3A_73] : memref<10240x128xf32, #tpu.memory_space<vmem_shared>> -> memref<80x128xf32, #tpu.memory_space<vmem_shared>>
    tpu.enqueue_dma source(%arg7 : memref<80x128xf32, #tpu.memory_space<vmem>>) target(%dma_start3A_74 : memref<80x128xf32, #tpu.memory_space<vmem_shared>>) target_semaphore(%arg14 : memref<!tpu.dma_semaphore, #tpu.memory_space<semaphore_mem>>)
    %mul3A_75 = arith.constant 640 : i32
    %mul3A_76 = arith.muli %arg1, %mul3A_75 : i32
    %add3A_77 = arith.constant 320 : i32
    %add3A_78 = arith.addi %mul3A_76, %add3A_77 : i32
    %dma_start3A_79 = arith.constant 0 : i32
    %dma_start3A_80 = tpu.memref_slice %arg9[%add3A_78, %dma_start3A_79] : memref<10240x128xf32, #tpu.memory_space<vmem_shared>> -> memref<80x128xf32, #tpu.memory_space<vmem_shared>>
    %dma_start3A_81 = arith.constant 0 : i32
    %dma_start3A_82 = tpu.memref_slice %arg9[%add3A_78, %dma_start3A_81] : memref<10240x128xf32, #tpu.memory_space<vmem_shared>> -> memref<80x128xf32, #tpu.memory_space<vmem_shared>>
    tpu.enqueue_dma source(%arg7 : memref<80x128xf32, #tpu.memory_space<vmem>>) target(%dma_start3A_82 : memref<80x128xf32, #tpu.memory_space<vmem_shared>>) target_semaphore(%arg14 : memref<!tpu.dma_semaphore, #tpu.memory_space<semaphore_mem>>)
    %mul3A_83 = arith.constant 640 : i32
    %mul3A_84 = arith.muli %arg1, %mul3A_83 : i32
    %add3A_85 = arith.constant 400 : i32
    %add3A_86 = arith.addi %mul3A_84, %add3A_85 : i32
    %dma_start3A_87 = arith.constant 0 : i32
    %dma_start3A_88 = tpu.memref_slice %arg9[%add3A_86, %dma_start3A_87] : memref<10240x128xf32, #tpu.memory_space<vmem_shared>> -> memref<80x128xf32, #tpu.memory_space<vmem_shared>>
    %dma_start3A_89 = arith.constant 0 : i32
    %dma_start3A_90 = tpu.memref_slice %arg9[%add3A_86, %dma_start3A_89] : memref<10240x128xf32, #tpu.memory_space<vmem_shared>> -> memref<80x128xf32, #tpu.memory_space<vmem_shared>>
    tpu.enqueue_dma source(%arg7 : memref<80x128xf32, #tpu.memory_space<vmem>>) target(%dma_start3A_90 : memref<80x128xf32, #tpu.memory_space<vmem_shared>>) target_semaphore(%arg14 : memref<!tpu.dma_semaphore, #tpu.memory_space<semaphore_mem>>)
    %mul3A_91 = arith.constant 640 : i32
    %mul3A_92 = arith.muli %arg1, %mul3A_91 : i32
    %add3A_93 = arith.constant 480 : i32
    %add3A_94 = arith.addi %mul3A_92, %add3A_93 : i32
    %dma_start3A_95 = arith.constant 0 : i32
    %dma_start3A_96 = tpu.memref_slice %arg9[%add3A_94, %dma_start3A_95] : memref<10240x128xf32, #tpu.memory_space<vmem_shared>> -> memref<80x128xf32, #tpu.memory_space<vmem_shared>>
    %dma_start3A_97 = arith.constant 0 : i32
    %dma_start3A_98 = tpu.memref_slice %arg9[%add3A_94, %dma_start3A_97] : memref<10240x128xf32, #tpu.memory_space<vmem_shared>> -> memref<80x128xf32, #tpu.memory_space<vmem_shared>>
    tpu.enqueue_dma source(%arg7 : memref<80x128xf32, #tpu.memory_space<vmem>>) target(%dma_start3A_98 : memref<80x128xf32, #tpu.memory_space<vmem_shared>>) target_semaphore(%arg14 : memref<!tpu.dma_semaphore, #tpu.memory_space<semaphore_mem>>)
    %mul3A_99 = arith.constant 640 : i32
    %mul3A_100 = arith.muli %arg1, %mul3A_99 : i32
    %add3A_101 = arith.constant 560 : i32
    %add3A_102 = arith.addi %mul3A_100, %add3A_101 : i32
    %dma_start3A_103 = arith.constant 0 : i32
    %dma_start3A_104 = tpu.memref_slice %arg9[%add3A_102, %dma_start3A_103] : memref<10240x128xf32, #tpu.memory_space<vmem_shared>> -> memref<80x128xf32, #tpu.memory_space<vmem_shared>>
    %dma_start3A_105 = arith.constant 0 : i32
    %dma_start3A_106 = tpu.memref_slice %arg9[%add3A_102, %dma_start3A_105] : memref<10240x128xf32, #tpu.memory_space<vmem_shared>> -> memref<80x128xf32, #tpu.memory_space<vmem_shared>>
    tpu.enqueue_dma source(%arg7 : memref<80x128xf32, #tpu.memory_space<vmem>>) target(%dma_start3A_106 : memref<80x128xf32, #tpu.memory_space<vmem_shared>>) target_semaphore(%arg14 : memref<!tpu.dma_semaphore, #tpu.memory_space<semaphore_mem>>)
    %mul3A_107 = arith.constant 640 : i32
    %mul3A_108 = arith.muli %arg1, %mul3A_107 : i32
    %add3A_109 = arith.constant 0 : i32
    %add3A_110 = arith.addi %mul3A_108, %add3A_109 : i32
    %dma_wait3A = arith.constant 0 : i32
    %dma_wait3A_111 = tpu.memref_slice %arg9[%add3A_110, %dma_wait3A] : memref<10240x128xf32, #tpu.memory_space<vmem_shared>> -> memref<80x128xf32, #tpu.memory_space<vmem_shared>>
    %dma_wait3A_112 = arith.constant 0 : i32
    %dma_wait3A_113 = tpu.memref_slice %arg9[%add3A_110, %dma_wait3A_112] : memref<10240x128xf32, #tpu.memory_space<vmem_shared>> -> memref<80x128xf32, #tpu.memory_space<vmem_shared>>
    tpu.wait_dma2 semaphore(%arg14 : memref<!tpu.dma_semaphore, #tpu.memory_space<semaphore_mem>>) src(%arg7 : memref<80x128xf32, #tpu.memory_space<vmem>>) dst(%dma_wait3A_113 : memref<80x128xf32, #tpu.memory_space<vmem_shared>>)
    %mul3A_114 = arith.constant 640 : i32
    %mul3A_115 = arith.muli %arg1, %mul3A_114 : i32
    %add3A_116 = arith.constant 80 : i32
    %add3A_117 = arith.addi %mul3A_115, %add3A_116 : i32
    %dma_wait3A_118 = arith.constant 0 : i32
    %dma_wait3A_119 = tpu.memref_slice %arg9[%add3A_117, %dma_wait3A_118] : memref<10240x128xf32, #tpu.memory_space<vmem_shared>> -> memref<80x128xf32, #tpu.memory_space<vmem_shared>>
    %dma_wait3A_120 = arith.constant 0 : i32
    %dma_wait3A_121 = tpu.memref_slice %arg9[%add3A_117, %dma_wait3A_120] : memref<10240x128xf32, #tpu.memory_space<vmem_shared>> -> memref<80x128xf32, #tpu.memory_space<vmem_shared>>
    tpu.wait_dma2 semaphore(%arg14 : memref<!tpu.dma_semaphore, #tpu.memory_space<semaphore_mem>>) src(%arg7 : memref<80x128xf32, #tpu.memory_space<vmem>>) dst(%dma_wait3A_121 : memref<80x128xf32, #tpu.memory_space<vmem_shared>>)
    %mul3A_122 = arith.constant 640 : i32
    %mul3A_123 = arith.muli %arg1, %mul3A_122 : i32
    %add3A_124 = arith.constant 160 : i32
    %add3A_125 = arith.addi %mul3A_123, %add3A_124 : i32
    %dma_wait3A_126 = arith.constant 0 : i32
    %dma_wait3A_127 = tpu.memref_slice %arg9[%add3A_125, %dma_wait3A_126] : memref<10240x128xf32, #tpu.memory_space<vmem_shared>> -> memref<80x128xf32, #tpu.memory_space<vmem_shared>>
    %dma_wait3A_128 = arith.constant 0 : i32
    %dma_wait3A_129 = tpu.memref_slice %arg9[%add3A_125, %dma_wait3A_128] : memref<10240x128xf32, #tpu.memory_space<vmem_shared>> -> memref<80x128xf32, #tpu.memory_space<vmem_shared>>
    tpu.wait_dma2 semaphore(%arg14 : memref<!tpu.dma_semaphore, #tpu.memory_space<semaphore_mem>>) src(%arg7 : memref<80x128xf32, #tpu.memory_space<vmem>>) dst(%dma_wait3A_129 : memref<80x128xf32, #tpu.memory_space<vmem_shared>>)
    %mul3A_130 = arith.constant 640 : i32
    %mul3A_131 = arith.muli %arg1, %mul3A_130 : i32
    %add3A_132 = arith.constant 240 : i32
    %add3A_133 = arith.addi %mul3A_131, %add3A_132 : i32
    %dma_wait3A_134 = arith.constant 0 : i32
    %dma_wait3A_135 = tpu.memref_slice %arg9[%add3A_133, %dma_wait3A_134] : memref<10240x128xf32, #tpu.memory_space<vmem_shared>> -> memref<80x128xf32, #tpu.memory_space<vmem_shared>>
    %dma_wait3A_136 = arith.constant 0 : i32
    %dma_wait3A_137 = tpu.memref_slice %arg9[%add3A_133, %dma_wait3A_136] : memref<10240x128xf32, #tpu.memory_space<vmem_shared>> -> memref<80x128xf32, #tpu.memory_space<vmem_shared>>
    tpu.wait_dma2 semaphore(%arg14 : memref<!tpu.dma_semaphore, #tpu.memory_space<semaphore_mem>>) src(%arg7 : memref<80x128xf32, #tpu.memory_space<vmem>>) dst(%dma_wait3A_137 : memref<80x128xf32, #tpu.memory_space<vmem_shared>>)
    %mul3A_138 = arith.constant 640 : i32
    %mul3A_139 = arith.muli %arg1, %mul3A_138 : i32
    %add3A_140 = arith.constant 320 : i32
    %add3A_141 = arith.addi %mul3A_139, %add3A_140 : i32
    %dma_wait3A_142 = arith.constant 0 : i32
    %dma_wait3A_143 = tpu.memref_slice %arg9[%add3A_141, %dma_wait3A_142] : memref<10240x128xf32, #tpu.memory_space<vmem_shared>> -> memref<80x128xf32, #tpu.memory_space<vmem_shared>>
    %dma_wait3A_144 = arith.constant 0 : i32
    %dma_wait3A_145 = tpu.memref_slice %arg9[%add3A_141, %dma_wait3A_144] : memref<10240x128xf32, #tpu.memory_space<vmem_shared>> -> memref<80x128xf32, #tpu.memory_space<vmem_shared>>
    tpu.wait_dma2 semaphore(%arg14 : memref<!tpu.dma_semaphore, #tpu.memory_space<semaphore_mem>>) src(%arg7 : memref<80x128xf32, #tpu.memory_space<vmem>>) dst(%dma_wait3A_145 : memref<80x128xf32, #tpu.memory_space<vmem_shared>>)
    %mul3A_146 = arith.constant 640 : i32
    %mul3A_147 = arith.muli %arg1, %mul3A_146 : i32
    %add3A_148 = arith.constant 400 : i32
    %add3A_149 = arith.addi %mul3A_147, %add3A_148 : i32
    %dma_wait3A_150 = arith.constant 0 : i32
    %dma_wait3A_151 = tpu.memref_slice %arg9[%add3A_149, %dma_wait3A_150] : memref<10240x128xf32, #tpu.memory_space<vmem_shared>> -> memref<80x128xf32, #tpu.memory_space<vmem_shared>>
    %dma_wait3A_152 = arith.constant 0 : i32
    %dma_wait3A_153 = tpu.memref_slice %arg9[%add3A_149, %dma_wait3A_152] : memref<10240x128xf32, #tpu.memory_space<vmem_shared>> -> memref<80x128xf32, #tpu.memory_space<vmem_shared>>
    tpu.wait_dma2 semaphore(%arg14 : memref<!tpu.dma_semaphore, #tpu.memory_space<semaphore_mem>>) src(%arg7 : memref<80x128xf32, #tpu.memory_space<vmem>>) dst(%dma_wait3A_153 : memref<80x128xf32, #tpu.memory_space<vmem_shared>>)
    %mul3A_154 = arith.constant 640 : i32
    %mul3A_155 = arith.muli %arg1, %mul3A_154 : i32
    %add3A_156 = arith.constant 480 : i32
    %add3A_157 = arith.addi %mul3A_155, %add3A_156 : i32
    %dma_wait3A_158 = arith.constant 0 : i32
    %dma_wait3A_159 = tpu.memref_slice %arg9[%add3A_157, %dma_wait3A_158] : memref<10240x128xf32, #tpu.memory_space<vmem_shared>> -> memref<80x128xf32, #tpu.memory_space<vmem_shared>>
    %dma_wait3A_160 = arith.constant 0 : i32
    %dma_wait3A_161 = tpu.memref_slice %arg9[%add3A_157, %dma_wait3A_160] : memref<10240x128xf32, #tpu.memory_space<vmem_shared>> -> memref<80x128xf32, #tpu.memory_space<vmem_shared>>
    tpu.wait_dma2 semaphore(%arg14 : memref<!tpu.dma_semaphore, #tpu.memory_space<semaphore_mem>>) src(%arg7 : memref<80x128xf32, #tpu.memory_space<vmem>>) dst(%dma_wait3A_161 : memref<80x128xf32, #tpu.memory_space<vmem_shared>>)
    %mul3A_162 = arith.constant 640 : i32
    %mul3A_163 = arith.muli %arg1, %mul3A_162 : i32
    %add3A_164 = arith.constant 560 : i32
    %add3A_165 = arith.addi %mul3A_163, %add3A_164 : i32
    %dma_wait3A_166 = arith.constant 0 : i32
    %dma_wait3A_167 = tpu.memref_slice %arg9[%add3A_165, %dma_wait3A_166] : memref<10240x128xf32, #tpu.memory_space<vmem_shared>> -> memref<80x128xf32, #tpu.memory_space<vmem_shared>>
    %dma_wait3A_168 = arith.constant 0 : i32
    %dma_wait3A_169 = tpu.memref_slice %arg9[%add3A_165, %dma_wait3A_168] : memref<10240x128xf32, #tpu.memory_space<vmem_shared>> -> memref<80x128xf32, #tpu.memory_space<vmem_shared>>
    tpu.wait_dma2 semaphore(%arg14 : memref<!tpu.dma_semaphore, #tpu.memory_space<semaphore_mem>>) src(%arg7 : memref<80x128xf32, #tpu.memory_space<vmem>>) dst(%dma_wait3A_169 : memref<80x128xf32, #tpu.memory_space<vmem_shared>>)
    %barrier3A = arith.constant 0 : index
    tpu.barrier barrier_id(%barrier3A)
    %dma_start3A_170 = arith.constant 0 : i32
    %dma_start3A_171 = arith.constant 1 : i32
    %dma_start3A_172 = arith.constant 1 : i32
    %dma_start3A_173 = arith.constant 0 : i32
    %dma_start3A_174 = arith.constant 0 : i32
    %dma_start3A_175 = tpu.memref_slice %arg5[%dma_start3A_172, %dma_start3A_173, %dma_start3A_174] : memref<2x25x80xi32, #tpu.memory_space<vmem>> -> memref<1x25x80xi32, #tpu.memory_space<vmem>>
    %dma_start3A_176 = tpu.memref_squeeze %dma_start3A_175 : memref<1x25x80xi32, #tpu.memory_space<vmem>> -> memref<25x80xi32, #tpu.memory_space<vmem>>
    %dma_start3A_177 = arith.constant 0 : i32
    %dma_start3A_178 = arith.constant 0 : i32
    %dma_start3A_179 = tpu.memref_slice %arg3[%dma_start3A_170, %add3A, %dma_start3A_171, %dma_start3A_177, %dma_start3A_178] : memref<2x32x5x25x80xi32, #tpu.memory_space<hbm>> -> memref<1x1x1x25x80xi32, #tpu.memory_space<hbm>>
    %dma_start3A_180 = tpu.memref_squeeze %dma_start3A_179 : memref<1x1x1x25x80xi32, #tpu.memory_space<hbm>> -> memref<25x80xi32, #tpu.memory_space<hbm>>
    %dma_start3A_181 = arith.constant 0 : i32
    %dma_start3A_182 = arith.constant 0 : i32
    %dma_start3A_183 = tpu.memref_slice %arg5[%dma_start3A_172, %dma_start3A_181, %dma_start3A_182] : memref<2x25x80xi32, #tpu.memory_space<vmem>> -> memref<1x25x80xi32, #tpu.memory_space<vmem>>
    %dma_start3A_184 = tpu.memref_squeeze %dma_start3A_183 : memref<1x25x80xi32, #tpu.memory_space<vmem>> -> memref<25x80xi32, #tpu.memory_space<vmem>>
    %dma_start3A_185 = arith.constant 0 : i32
    %dma_start3A_186 = arith.constant 0 : i32
    %dma_start3A_187 = tpu.memref_slice %arg3[%dma_start3A_170, %add3A, %dma_start3A_171, %dma_start3A_185, %dma_start3A_186] : memref<2x32x5x25x80xi32, #tpu.memory_space<hbm>> -> memref<1x1x1x25x80xi32, #tpu.memory_space<hbm>>
    %dma_start3A_188 = tpu.memref_squeeze %dma_start3A_187 : memref<1x1x1x25x80xi32, #tpu.memory_space<hbm>> -> memref<25x80xi32, #tpu.memory_space<hbm>>
    tpu.enqueue_dma source(%dma_start3A_188 : memref<25x80xi32, #tpu.memory_space<hbm>>) target(%dma_start3A_184 : memref<25x80xi32, #tpu.memory_space<vmem>>) target_semaphore(%arg13 : memref<!tpu.dma_semaphore, #tpu.memory_space<semaphore_mem>>)
    %dma_start3A_189 = arith.constant 1 : i32
    %dma_start3A_190 = arith.constant 1 : i32
    %dma_start3A_191 = arith.constant 1 : i32
    %dma_start3A_192 = arith.constant 0 : i32
    %dma_start3A_193 = arith.constant 0 : i32
    %dma_start3A_194 = tpu.memref_slice %arg6[%dma_start3A_191, %dma_start3A_192, %dma_start3A_193] : memref<2x25x80xi32, #tpu.memory_space<vmem>> -> memref<1x25x80xi32, #tpu.memory_space<vmem>>
    %dma_start3A_195 = tpu.memref_squeeze %dma_start3A_194 : memref<1x25x80xi32, #tpu.memory_space<vmem>> -> memref<25x80xi32, #tpu.memory_space<vmem>>
    %dma_start3A_196 = arith.constant 0 : i32
    %dma_start3A_197 = arith.constant 0 : i32
    %dma_start3A_198 = tpu.memref_slice %arg3[%dma_start3A_189, %add3A, %dma_start3A_190, %dma_start3A_196, %dma_start3A_197] : memref<2x32x5x25x80xi32, #tpu.memory_space<hbm>> -> memref<1x1x1x25x80xi32, #tpu.memory_space<hbm>>
    %dma_start3A_199 = tpu.memref_squeeze %dma_start3A_198 : memref<1x1x1x25x80xi32, #tpu.memory_space<hbm>> -> memref<25x80xi32, #tpu.memory_space<hbm>>
    %dma_start3A_200 = arith.constant 0 : i32
    %dma_start3A_201 = arith.constant 0 : i32
    %dma_start3A_202 = tpu.memref_slice %arg6[%dma_start3A_191, %dma_start3A_200, %dma_start3A_201] : memref<2x25x80xi32, #tpu.memory_space<vmem>> -> memref<1x25x80xi32, #tpu.memory_space<vmem>>
    %dma_start3A_203 = tpu.memref_squeeze %dma_start3A_202 : memref<1x25x80xi32, #tpu.memory_space<vmem>> -> memref<25x80xi32, #tpu.memory_space<vmem>>
    %dma_start3A_204 = arith.constant 0 : i32
    %dma_start3A_205 = arith.constant 0 : i32
    %dma_start3A_206 = tpu.memref_slice %arg3[%dma_start3A_189, %add3A, %dma_start3A_190, %dma_start3A_204, %dma_start3A_205] : memref<2x32x5x25x80xi32, #tpu.memory_space<hbm>> -> memref<1x1x1x25x80xi32, #tpu.memory_space<hbm>>
    %dma_start3A_207 = tpu.memref_squeeze %dma_start3A_206 : memref<1x1x1x25x80xi32, #tpu.memory_space<hbm>> -> memref<25x80xi32, #tpu.memory_space<hbm>>
    tpu.enqueue_dma source(%dma_start3A_207 : memref<25x80xi32, #tpu.memory_space<hbm>>) target(%dma_start3A_203 : memref<25x80xi32, #tpu.memory_space<vmem>>) target_semaphore(%arg13 : memref<!tpu.dma_semaphore, #tpu.memory_space<semaphore_mem>>)
    %dma_wait3A_208 = arith.constant 0 : i32
    %dma_wait3A_209 = arith.constant 0 : i32
    %dma_wait3A_210 = arith.constant 0 : i32
    %dma_wait3A_211 = arith.constant 0 : i32
    %dma_wait3A_212 = arith.constant 0 : i32
    %dma_wait3A_213 = tpu.memref_slice %arg5[%dma_wait3A_210, %dma_wait3A_211, %dma_wait3A_212] : memref<2x25x80xi32, #tpu.memory_space<vmem>> -> memref<1x25x80xi32, #tpu.memory_space<vmem>>
    %dma_wait3A_214 = tpu.memref_squeeze %dma_wait3A_213 : memref<1x25x80xi32, #tpu.memory_space<vmem>> -> memref<25x80xi32, #tpu.memory_space<vmem>>
    %dma_wait3A_215 = arith.constant 0 : i32
    %dma_wait3A_216 = arith.constant 0 : i32
    %dma_wait3A_217 = tpu.memref_slice %arg3[%dma_wait3A_208, %add3A, %dma_wait3A_209, %dma_wait3A_215, %dma_wait3A_216] : memref<2x32x5x25x80xi32, #tpu.memory_space<hbm>> -> memref<1x1x1x25x80xi32, #tpu.memory_space<hbm>>
    %dma_wait3A_218 = tpu.memref_squeeze %dma_wait3A_217 : memref<1x1x1x25x80xi32, #tpu.memory_space<hbm>> -> memref<25x80xi32, #tpu.memory_space<hbm>>
    %dma_wait3A_219 = arith.constant 0 : i32
    %dma_wait3A_220 = arith.constant 0 : i32
    %dma_wait3A_221 = tpu.memref_slice %arg5[%dma_wait3A_210, %dma_wait3A_219, %dma_wait3A_220] : memref<2x25x80xi32, #tpu.memory_space<vmem>> -> memref<1x25x80xi32, #tpu.memory_space<vmem>>
    %dma_wait3A_222 = tpu.memref_squeeze %dma_wait3A_221 : memref<1x25x80xi32, #tpu.memory_space<vmem>> -> memref<25x80xi32, #tpu.memory_space<vmem>>
    %dma_wait3A_223 = arith.constant 0 : i32
    %dma_wait3A_224 = arith.constant 0 : i32
    %dma_wait3A_225 = tpu.memref_slice %arg3[%dma_wait3A_208, %add3A, %dma_wait3A_209, %dma_wait3A_223, %dma_wait3A_224] : memref<2x32x5x25x80xi32, #tpu.memory_space<hbm>> -> memref<1x1x1x25x80xi32, #tpu.memory_space<hbm>>
    %dma_wait3A_226 = tpu.memref_squeeze %dma_wait3A_225 : memref<1x1x1x25x80xi32, #tpu.memory_space<hbm>> -> memref<25x80xi32, #tpu.memory_space<hbm>>
    tpu.wait_dma2 semaphore(%arg12 : memref<!tpu.dma_semaphore, #tpu.memory_space<semaphore_mem>>) src(%dma_wait3A_226 : memref<25x80xi32, #tpu.memory_space<hbm>>) dst(%dma_wait3A_222 : memref<25x80xi32, #tpu.memory_space<vmem>>)
    %dma_wait3A_227 = arith.constant 1 : i32
    %dma_wait3A_228 = arith.constant 0 : i32
    %dma_wait3A_229 = arith.constant 0 : i32
    %dma_wait3A_230 = arith.constant 0 : i32
    %dma_wait3A_231 = arith.constant 0 : i32
    %dma_wait3A_232 = tpu.memref_slice %arg6[%dma_wait3A_229, %dma_wait3A_230, %dma_wait3A_231] : memref<2x25x80xi32, #tpu.memory_space<vmem>> -> memref<1x25x80xi32, #tpu.memory_space<vmem>>
    %dma_wait3A_233 = tpu.memref_squeeze %dma_wait3A_232 : memref<1x25x80xi32, #tpu.memory_space<vmem>> -> memref<25x80xi32, #tpu.memory_space<vmem>>
    %dma_wait3A_234 = arith.constant 0 : i32
    %dma_wait3A_235 = arith.constant 0 : i32
    %dma_wait3A_236 = tpu.memref_slice %arg3[%dma_wait3A_227, %add3A, %dma_wait3A_228, %dma_wait3A_234, %dma_wait3A_235] : memref<2x32x5x25x80xi32, #tpu.memory_space<hbm>> -> memref<1x1x1x25x80xi32, #tpu.memory_space<hbm>>
    %dma_wait3A_237 = tpu.memref_squeeze %dma_wait3A_236 : memref<1x1x1x25x80xi32, #tpu.memory_space<hbm>> -> memref<25x80xi32, #tpu.memory_space<hbm>>
    %dma_wait3A_238 = arith.constant 0 : i32
    %dma_wait3A_239 = arith.constant 0 : i32
    %dma_wait3A_240 = tpu.memref_slice %arg6[%dma_wait3A_229, %dma_wait3A_238, %dma_wait3A_239] : memref<2x25x80xi32, #tpu.memory_space<vmem>> -> memref<1x25x80xi32, #tpu.memory_space<vmem>>
    %dma_wait3A_241 = tpu.memref_squeeze %dma_wait3A_240 : memref<1x25x80xi32, #tpu.memory_space<vmem>> -> memref<25x80xi32, #tpu.memory_space<vmem>>
    %dma_wait3A_242 = arith.constant 0 : i32
    %dma_wait3A_243 = arith.constant 0 : i32
    %dma_wait3A_244 = tpu.memref_slice %arg3[%dma_wait3A_227, %add3A, %dma_wait3A_228, %dma_wait3A_242, %dma_wait3A_243] : memref<2x32x5x25x80xi32, #tpu.memory_space<hbm>> -> memref<1x1x1x25x80xi32, #tpu.memory_space<hbm>>
    %dma_wait3A_245 = tpu.memref_squeeze %dma_wait3A_244 : memref<1x1x1x25x80xi32, #tpu.memory_space<hbm>> -> memref<25x80xi32, #tpu.memory_space<hbm>>
    tpu.wait_dma2 semaphore(%arg12 : memref<!tpu.dma_semaphore, #tpu.memory_space<semaphore_mem>>) src(%dma_wait3A_245 : memref<25x80xi32, #tpu.memory_space<hbm>>) dst(%dma_wait3A_241 : memref<25x80xi32, #tpu.memory_space<vmem>>)
    %dma_start3A_246 = arith.constant 0 : i32
    %dma_start3A_247 = arith.constant 0 : i32
    %dma_start3A_248 = arith.constant 0 : i32
    %dma_start3A_249 = tpu.memref_slice %arg5[%dma_start3A_246, %dma_start3A_247, %dma_start3A_248] : memref<2x25x80xi32, #tpu.memory_space<vmem>> -> memref<1x1x80xi32, #tpu.memory_space<vmem>>
    %dma_start3A_250 = tpu.memref_squeeze %dma_start3A_249 : memref<1x1x80xi32, #tpu.memory_space<vmem>> -> memref<80xi32, #tpu.memory_space<vmem>>
    %dma_start3A_251 = arith.constant 0 : i32
    %dma_start3A_252 = arith.constant 0 : i32
    %dma_start3A_253 = tpu.memref_slice %arg2[%dma_start3A_251, %dma_start3A_252] : memref<10000x128xf32, #tpu.memory_space<hbm>> -> memref<10000x128xf32, #tpu.memory_space<hbm>>
    tpu.enqueue_indirect_dma source(%dma_start3A_253 : memref<10000x128xf32, #tpu.memory_space<hbm>>) target(%arg7 : memref<80x128xf32, #tpu.memory_space<vmem>>) offsets(%dma_start3A_250 : memref<80xi32, #tpu.memory_space<vmem>>) semaphore(%arg10 : memref<!tpu.dma_semaphore, #tpu.memory_space<semaphore_mem>>)
    %dma_start3A_254 = arith.constant 0 : i32
    %dma_start3A_255 = arith.constant 1 : i32
    %dma_start3A_256 = arith.constant 0 : i32
    %dma_start3A_257 = tpu.memref_slice %arg5[%dma_start3A_254, %dma_start3A_255, %dma_start3A_256] : memref<2x25x80xi32, #tpu.memory_space<vmem>> -> memref<1x1x80xi32, #tpu.memory_space<vmem>>
    %dma_start3A_258 = tpu.memref_squeeze %dma_start3A_257 : memref<1x1x80xi32, #tpu.memory_space<vmem>> -> memref<80xi32, #tpu.memory_space<vmem>>
    %dma_start3A_259 = arith.constant 0 : i32
    %dma_start3A_260 = arith.constant 0 : i32
    %dma_start3A_261 = tpu.memref_slice %arg2[%dma_start3A_259, %dma_start3A_260] : memref<10000x128xf32, #tpu.memory_space<hbm>> -> memref<10000x128xf32, #tpu.memory_space<hbm>>
    tpu.enqueue_indirect_dma source(%dma_start3A_261 : memref<10000x128xf32, #tpu.memory_space<hbm>>) target(%arg8 : memref<80x128xf32, #tpu.memory_space<vmem>>) offsets(%dma_start3A_258 : memref<80xi32, #tpu.memory_space<vmem>>) semaphore(%arg11 : memref<!tpu.dma_semaphore, #tpu.memory_space<semaphore_mem>>)
    %scan3A_262 = arith.constant 0 : i32
    %scan3A_263 = arith.constant 0 : i32
    %scan3A_264 = arith.constant 13 : i32
    %scan3A_265 = arith.addi %scan3A_263, %scan3A_264 : i32
    %scan3A_266 = arith.constant 1 : i32
    scf.for %scan3A_627 = %scan3A_263 to %scan3A_265 step %scan3A_266  : i32 {
      %mul3A_628 = arith.constant 2 : i32
      %mul3A_629 = arith.muli %mul3A_628, %scan3A_627 : i32
      %dma_wait3A_630 = arith.constant 0 : i32
      %dma_wait3A_631 = arith.constant 0 : i32
      %dma_wait3A_632 = arith.constant 0 : i32
      %dma_wait3A_633 = tpu.memref_slice %arg5[%dma_wait3A_630, %dma_wait3A_631, %dma_wait3A_632] : memref<2x25x80xi32, #tpu.memory_space<vmem>> -> memref<1x1x80xi32, #tpu.memory_space<vmem>>
      %dma_wait3A_634 = tpu.memref_squeeze %dma_wait3A_633 : memref<1x1x80xi32, #tpu.memory_space<vmem>> -> memref<80xi32, #tpu.memory_space<vmem>>
      %dma_wait3A_635 = arith.constant 0 : i32
      %dma_wait3A_636 = arith.constant 0 : i32
      %dma_wait3A_637 = tpu.memref_slice %arg2[%dma_wait3A_635, %dma_wait3A_636] : memref<10000x128xf32, #tpu.memory_space<hbm>> -> memref<10000x128xf32, #tpu.memory_space<hbm>>
      tpu.wait_indirect_dma semaphore(%arg10 : memref<!tpu.dma_semaphore, #tpu.memory_space<semaphore_mem>>) src(%dma_wait3A_637 : memref<10000x128xf32, #tpu.memory_space<hbm>>) dst(%arg7 : memref<80x128xf32, #tpu.memory_space<vmem>>)
      %run_scoped3A = arith.constant 0 : i32
      "tpu.region"() ({
        %run_scoped3A_649 = tpu.sem_alloc : memref<!tpu.dma_semaphore, #tpu.memory_space<semaphore_mem>>
        %dma_start3A_650 = arith.constant 0 : i32
        %dma_start3A_651 = tpu.memref_slice %arg6[%run_scoped3A, %mul3A_629, %dma_start3A_650] : memref<2x25x80xi32, #tpu.memory_space<vmem>> -> memref<1x1x80xi32, #tpu.memory_space<vmem>>
        %dma_start3A_652 = tpu.memref_squeeze %dma_start3A_651 : memref<1x1x80xi32, #tpu.memory_space<vmem>> -> memref<80xi32, #tpu.memory_space<vmem>>
        %dma_start3A_653 = arith.constant 0 : i32
        %dma_start3A_654 = arith.constant 0 : i32
        %dma_start3A_655 = tpu.memref_slice %arg9[%dma_start3A_653, %dma_start3A_654] : memref<10240x128xf32, #tpu.memory_space<vmem_shared>> -> memref<10240x128xf32, #tpu.memory_space<vmem_shared>>
        tpu.enqueue_indirect_dma source(%arg7 : memref<80x128xf32, #tpu.memory_space<vmem>>) target(%dma_start3A_655 : memref<10240x128xf32, #tpu.memory_space<vmem_shared>>) offsets(%dma_start3A_652 : memref<80xi32, #tpu.memory_space<vmem>>) semaphore(%run_scoped3A_649 : memref<!tpu.dma_semaphore, #tpu.memory_space<semaphore_mem>>) {add = true}
        %dma_wait3A_656 = arith.constant 0 : i32
        %dma_wait3A_657 = tpu.memref_slice %arg6[%run_scoped3A, %mul3A_629, %dma_wait3A_656] : memref<2x25x80xi32, #tpu.memory_space<vmem>> -> memref<1x1x80xi32, #tpu.memory_space<vmem>>
        %dma_wait3A_658 = tpu.memref_squeeze %dma_wait3A_657 : memref<1x1x80xi32, #tpu.memory_space<vmem>> -> memref<80xi32, #tpu.memory_space<vmem>>
        %dma_wait3A_659 = arith.constant 0 : i32
        %dma_wait3A_660 = arith.constant 0 : i32
        %dma_wait3A_661 = tpu.memref_slice %arg9[%dma_wait3A_659, %dma_wait3A_660] : memref<10240x128xf32, #tpu.memory_space<vmem_shared>> -> memref<10240x128xf32, #tpu.memory_space<vmem_shared>>
        tpu.wait_indirect_dma semaphore(%run_scoped3A_649 : memref<!tpu.dma_semaphore, #tpu.memory_space<semaphore_mem>>) src(%arg7 : memref<80x128xf32, #tpu.memory_space<vmem>>) dst(%dma_wait3A_661 : memref<10240x128xf32, #tpu.memory_space<vmem_shared>>)
        tpu.yield
      }) : () -> ()
      %add3A_638 = arith.constant 2 : i32
      %add3A_639 = arith.addi %mul3A_629, %add3A_638 : i32
      %lt3A = arith.constant 25 : i32
      %lt3A_640 = arith.cmpi slt, %add3A_639, %lt3A : i32
      %convert_element_type3A = arith.extui %lt3A_640 : i1 to i32
      %cond3A = arith.constant 0 : i32
      %cond3A_641 = arith.cmpi ne, %convert_element_type3A, %cond3A : i32
      scf.if %cond3A_641 {
        %add3A_649 = arith.constant 2 : i32
        %add3A_650 = arith.addi %mul3A_629, %add3A_649 : i32
        %dma_start3A_651 = arith.constant 0 : i32
        %dma_start3A_652 = arith.constant 0 : i32
        %dma_start3A_653 = tpu.memref_slice %arg5[%dma_start3A_651, %add3A_650, %dma_start3A_652] : memref<2x25x80xi32, #tpu.memory_space<vmem>> -> memref<1x1x80xi32, #tpu.memory_space<vmem>>
        %dma_start3A_654 = tpu.memref_squeeze %dma_start3A_653 : memref<1x1x80xi32, #tpu.memory_space<vmem>> -> memref<80xi32, #tpu.memory_space<vmem>>
        %dma_start3A_655 = arith.constant 0 : i32
        %dma_start3A_656 = arith.constant 0 : i32
        %dma_start3A_657 = tpu.memref_slice %arg2[%dma_start3A_655, %dma_start3A_656] : memref<10000x128xf32, #tpu.memory_space<hbm>> -> memref<10000x128xf32, #tpu.memory_space<hbm>>
        tpu.enqueue_indirect_dma source(%dma_start3A_657 : memref<10000x128xf32, #tpu.memory_space<hbm>>) target(%arg7 : memref<80x128xf32, #tpu.memory_space<vmem>>) offsets(%dma_start3A_654 : memref<80xi32, #tpu.memory_space<vmem>>) semaphore(%arg10 : memref<!tpu.dma_semaphore, #tpu.memory_space<semaphore_mem>>)
      } else {
      }
      %add3A_642 = arith.constant 1 : i32
      %add3A_643 = arith.addi %mul3A_629, %add3A_642 : i32
      %lt3A_644 = arith.constant 25 : i32
      %lt3A_645 = arith.cmpi slt, %add3A_643, %lt3A_644 : i32
      %convert_element_type3A_646 = arith.extui %lt3A_645 : i1 to i32
      %cond3A_647 = arith.constant 0 : i32
      %cond3A_648 = arith.cmpi ne, %convert_element_type3A_646, %cond3A_647 : i32
      scf.if %cond3A_648 {
        %add3A_649 = arith.constant 1 : i32
        %add3A_650 = arith.addi %mul3A_629, %add3A_649 : i32
        %dma_wait3A_651 = arith.constant 0 : i32
        %dma_wait3A_652 = arith.constant 0 : i32
        %dma_wait3A_653 = arith.constant 0 : i32
        %dma_wait3A_654 = tpu.memref_slice %arg5[%dma_wait3A_651, %dma_wait3A_652, %dma_wait3A_653] : memref<2x25x80xi32, #tpu.memory_space<vmem>> -> memref<1x1x80xi32, #tpu.memory_space<vmem>>
        %dma_wait3A_655 = tpu.memref_squeeze %dma_wait3A_654 : memref<1x1x80xi32, #tpu.memory_space<vmem>> -> memref<80xi32, #tpu.memory_space<vmem>>
        %dma_wait3A_656 = arith.constant 0 : i32
        %dma_wait3A_657 = arith.constant 0 : i32
        %dma_wait3A_658 = tpu.memref_slice %arg2[%dma_wait3A_656, %dma_wait3A_657] : memref<10000x128xf32, #tpu.memory_space<hbm>> -> memref<10000x128xf32, #tpu.memory_space<hbm>>
        tpu.wait_indirect_dma semaphore(%arg11 : memref<!tpu.dma_semaphore, #tpu.memory_space<semaphore_mem>>) src(%dma_wait3A_658 : memref<10000x128xf32, #tpu.memory_space<hbm>>) dst(%arg8 : memref<80x128xf32, #tpu.memory_space<vmem>>)
        %run_scoped3A_659 = arith.constant 0 : i32
        "tpu.region"() ({
          %run_scoped3A_667 = tpu.sem_alloc : memref<!tpu.dma_semaphore, #tpu.memory_space<semaphore_mem>>
          %dma_start3A_668 = arith.constant 0 : i32
          %dma_start3A_669 = tpu.memref_slice %arg6[%run_scoped3A_659, %add3A_650, %dma_start3A_668] : memref<2x25x80xi32, #tpu.memory_space<vmem>> -> memref<1x1x80xi32, #tpu.memory_space<vmem>>
          %dma_start3A_670 = tpu.memref_squeeze %dma_start3A_669 : memref<1x1x80xi32, #tpu.memory_space<vmem>> -> memref<80xi32, #tpu.memory_space<vmem>>
          %dma_start3A_671 = arith.constant 0 : i32
          %dma_start3A_672 = arith.constant 0 : i32
          %dma_start3A_673 = tpu.memref_slice %arg9[%dma_start3A_671, %dma_start3A_672] : memref<10240x128xf32, #tpu.memory_space<vmem_shared>> -> memref<10240x128xf32, #tpu.memory_space<vmem_shared>>
          tpu.enqueue_indirect_dma source(%arg8 : memref<80x128xf32, #tpu.memory_space<vmem>>) target(%dma_start3A_673 : memref<10240x128xf32, #tpu.memory_space<vmem_shared>>) offsets(%dma_start3A_670 : memref<80xi32, #tpu.memory_space<vmem>>) semaphore(%run_scoped3A_667 : memref<!tpu.dma_semaphore, #tpu.memory_space<semaphore_mem>>) {add = true}
          %dma_wait3A_674 = arith.constant 0 : i32
          %dma_wait3A_675 = tpu.memref_slice %arg6[%run_scoped3A_659, %add3A_650, %dma_wait3A_674] : memref<2x25x80xi32, #tpu.memory_space<vmem>> -> memref<1x1x80xi32, #tpu.memory_space<vmem>>
          %dma_wait3A_676 = tpu.memref_squeeze %dma_wait3A_675 : memref<1x1x80xi32, #tpu.memory_space<vmem>> -> memref<80xi32, #tpu.memory_space<vmem>>
          %dma_wait3A_677 = arith.constant 0 : i32
          %dma_wait3A_678 = arith.constant 0 : i32
          %dma_wait3A_679 = tpu.memref_slice %arg9[%dma_wait3A_677, %dma_wait3A_678] : memref<10240x128xf32, #tpu.memory_space<vmem_shared>> -> memref<10240x128xf32, #tpu.memory_space<vmem_shared>>
          tpu.wait_indirect_dma semaphore(%run_scoped3A_667 : memref<!tpu.dma_semaphore, #tpu.memory_space<semaphore_mem>>) src(%arg8 : memref<80x128xf32, #tpu.memory_space<vmem>>) dst(%dma_wait3A_679 : memref<10240x128xf32, #tpu.memory_space<vmem_shared>>)
          tpu.yield
        }) : () -> ()
        %add3A_660 = arith.constant 2 : i32
        %add3A_661 = arith.addi %add3A_650, %add3A_660 : i32
        %lt3A_662 = arith.constant 25 : i32
        %lt3A_663 = arith.cmpi slt, %add3A_661, %lt3A_662 : i32
        %convert_element_type3A_664 = arith.extui %lt3A_663 : i1 to i32
        %cond3A_665 = arith.constant 0 : i32
        %cond3A_666 = arith.cmpi ne, %convert_element_type3A_664, %cond3A_665 : i32
        scf.if %cond3A_666 {
          %add3A_667 = arith.constant 2 : i32
          %add3A_668 = arith.addi %add3A_650, %add3A_667 : i32
          %dma_start3A_669 = arith.constant 0 : i32
          %dma_start3A_670 = arith.constant 0 : i32
          %dma_start3A_671 = tpu.memref_slice %arg5[%dma_start3A_669, %add3A_668, %dma_start3A_670] : memref<2x25x80xi32, #tpu.memory_space<vmem>> -> memref<1x1x80xi32, #tpu.memory_space<vmem>>
          %dma_start3A_672 = tpu.memref_squeeze %dma_start3A_671 : memref<1x1x80xi32, #tpu.memory_space<vmem>> -> memref<80xi32, #tpu.memory_space<vmem>>
          %dma_start3A_673 = arith.constant 0 : i32
          %dma_start3A_674 = arith.constant 0 : i32
          %dma_start3A_675 = tpu.memref_slice %arg2[%dma_start3A_673, %dma_start3A_674] : memref<10000x128xf32, #tpu.memory_space<hbm>> -> memref<10000x128xf32, #tpu.memory_space<hbm>>
          tpu.enqueue_indirect_dma source(%dma_start3A_675 : memref<10000x128xf32, #tpu.memory_space<hbm>>) target(%arg8 : memref<80x128xf32, #tpu.memory_space<vmem>>) offsets(%dma_start3A_672 : memref<80xi32, #tpu.memory_space<vmem>>) semaphore(%arg11 : memref<!tpu.dma_semaphore, #tpu.memory_space<semaphore_mem>>)
        } else {
        }
      } else {
      }
    }
    %scan3A_267 = arith.constant 13 : i32
    %dma_start3A_268 = arith.constant 0 : i32
    %dma_start3A_269 = arith.constant 2 : i32
    %dma_start3A_270 = arith.constant 0 : i32
    %dma_start3A_271 = arith.constant 0 : i32
    %dma_start3A_272 = arith.constant 0 : i32
    %dma_start3A_273 = tpu.memref_slice %arg5[%dma_start3A_270, %dma_start3A_271, %dma_start3A_272] : memref<2x25x80xi32, #tpu.memory_space<vmem>> -> memref<1x25x80xi32, #tpu.memory_space<vmem>>
    %dma_start3A_274 = tpu.memref_squeeze %dma_start3A_273 : memref<1x25x80xi32, #tpu.memory_space<vmem>> -> memref<25x80xi32, #tpu.memory_space<vmem>>
    %dma_start3A_275 = arith.constant 0 : i32
    %dma_start3A_276 = arith.constant 0 : i32
    %dma_start3A_277 = tpu.memref_slice %arg3[%dma_start3A_268, %add3A, %dma_start3A_269, %dma_start3A_275, %dma_start3A_276] : memref<2x32x5x25x80xi32, #tpu.memory_space<hbm>> -> memref<1x1x1x25x80xi32, #tpu.memory_space<hbm>>
    %dma_start3A_278 = tpu.memref_squeeze %dma_start3A_277 : memref<1x1x1x25x80xi32, #tpu.memory_space<hbm>> -> memref<25x80xi32, #tpu.memory_space<hbm>>
    %dma_start3A_279 = arith.constant 0 : i32
    %dma_start3A_280 = arith.constant 0 : i32
    %dma_start3A_281 = tpu.memref_slice %arg5[%dma_start3A_270, %dma_start3A_279, %dma_start3A_280] : memref<2x25x80xi32, #tpu.memory_space<vmem>> -> memref<1x25x80xi32, #tpu.memory_space<vmem>>
    %dma_start3A_282 = tpu.memref_squeeze %dma_start3A_281 : memref<1x25x80xi32, #tpu.memory_space<vmem>> -> memref<25x80xi32, #tpu.memory_space<vmem>>
    %dma_start3A_283 = arith.constant 0 : i32
    %dma_start3A_284 = arith.constant 0 : i32
    %dma_start3A_285 = tpu.memref_slice %arg3[%dma_start3A_268, %add3A, %dma_start3A_269, %dma_start3A_283, %dma_start3A_284] : memref<2x32x5x25x80xi32, #tpu.memory_space<hbm>> -> memref<1x1x1x25x80xi32, #tpu.memory_space<hbm>>
    %dma_start3A_286 = tpu.memref_squeeze %dma_start3A_285 : memref<1x1x1x25x80xi32, #tpu.memory_space<hbm>> -> memref<25x80xi32, #tpu.memory_space<hbm>>
    tpu.enqueue_dma source(%dma_start3A_286 : memref<25x80xi32, #tpu.memory_space<hbm>>) target(%dma_start3A_282 : memref<25x80xi32, #tpu.memory_space<vmem>>) target_semaphore(%arg12 : memref<!tpu.dma_semaphore, #tpu.memory_space<semaphore_mem>>)
    %dma_start3A_287 = arith.constant 1 : i32
    %dma_start3A_288 = arith.constant 2 : i32
    %dma_start3A_289 = arith.constant 0 : i32
    %dma_start3A_290 = arith.constant 0 : i32
    %dma_start3A_291 = arith.constant 0 : i32
    %dma_start3A_292 = tpu.memref_slice %arg6[%dma_start3A_289, %dma_start3A_290, %dma_start3A_291] : memref<2x25x80xi32, #tpu.memory_space<vmem>> -> memref<1x25x80xi32, #tpu.memory_space<vmem>>
    %dma_start3A_293 = tpu.memref_squeeze %dma_start3A_292 : memref<1x25x80xi32, #tpu.memory_space<vmem>> -> memref<25x80xi32, #tpu.memory_space<vmem>>
    %dma_start3A_294 = arith.constant 0 : i32
    %dma_start3A_295 = arith.constant 0 : i32
    %dma_start3A_296 = tpu.memref_slice %arg3[%dma_start3A_287, %add3A, %dma_start3A_288, %dma_start3A_294, %dma_start3A_295] : memref<2x32x5x25x80xi32, #tpu.memory_space<hbm>> -> memref<1x1x1x25x80xi32, #tpu.memory_space<hbm>>
    %dma_start3A_297 = tpu.memref_squeeze %dma_start3A_296 : memref<1x1x1x25x80xi32, #tpu.memory_space<hbm>> -> memref<25x80xi32, #tpu.memory_space<hbm>>
    %dma_start3A_298 = arith.constant 0 : i32
    %dma_start3A_299 = arith.constant 0 : i32
    %dma_start3A_300 = tpu.memref_slice %arg6[%dma_start3A_289, %dma_start3A_298, %dma_start3A_299] : memref<2x25x80xi32, #tpu.memory_space<vmem>> -> memref<1x25x80xi32, #tpu.memory_space<vmem>>
    %dma_start3A_301 = tpu.memref_squeeze %dma_start3A_300 : memref<1x25x80xi32, #tpu.memory_space<vmem>> -> memref<25x80xi32, #tpu.memory_space<vmem>>
    %dma_start3A_302 = arith.constant 0 : i32
    %dma_start3A_303 = arith.constant 0 : i32
    %dma_start3A_304 = tpu.memref_slice %arg3[%dma_start3A_287, %add3A, %dma_start3A_288, %dma_start3A_302, %dma_start3A_303] : memref<2x32x5x25x80xi32, #tpu.memory_space<hbm>> -> memref<1x1x1x25x80xi32, #tpu.memory_space<hbm>>
    %dma_start3A_305 = tpu.memref_squeeze %dma_start3A_304 : memref<1x1x1x25x80xi32, #tpu.memory_space<hbm>> -> memref<25x80xi32, #tpu.memory_space<hbm>>
    tpu.enqueue_dma source(%dma_start3A_305 : memref<25x80xi32, #tpu.memory_space<hbm>>) target(%dma_start3A_301 : memref<25x80xi32, #tpu.memory_space<vmem>>) target_semaphore(%arg12 : memref<!tpu.dma_semaphore, #tpu.memory_space<semaphore_mem>>)
    %dma_wait3A_306 = arith.constant 0 : i32
    %dma_wait3A_307 = arith.constant 0 : i32
    %dma_wait3A_308 = arith.constant 1 : i32
    %dma_wait3A_309 = arith.constant 0 : i32
    %dma_wait3A_310 = arith.constant 0 : i32
    %dma_wait3A_311 = tpu.memref_slice %arg5[%dma_wait3A_308, %dma_wait3A_309, %dma_wait3A_310] : memref<2x25x80xi32, #tpu.memory_space<vmem>> -> memref<1x25x80xi32, #tpu.memory_space<vmem>>
    %dma_wait3A_312 = tpu.memref_squeeze %dma_wait3A_311 : memref<1x25x80xi32, #tpu.memory_space<vmem>> -> memref<25x80xi32, #tpu.memory_space<vmem>>
    %dma_wait3A_313 = arith.constant 0 : i32
    %dma_wait3A_314 = arith.constant 0 : i32
    %dma_wait3A_315 = tpu.memref_slice %arg3[%dma_wait3A_306, %add3A, %dma_wait3A_307, %dma_wait3A_313, %dma_wait3A_314] : memref<2x32x5x25x80xi32, #tpu.memory_space<hbm>> -> memref<1x1x1x25x80xi32, #tpu.memory_space<hbm>>
    %dma_wait3A_316 = tpu.memref_squeeze %dma_wait3A_315 : memref<1x1x1x25x80xi32, #tpu.memory_space<hbm>> -> memref<25x80xi32, #tpu.memory_space<hbm>>
    %dma_wait3A_317 = arith.constant 0 : i32
    %dma_wait3A_318 = arith.constant 0 : i32
    %dma_wait3A_319 = tpu.memref_slice %arg5[%dma_wait3A_308, %dma_wait3A_317, %dma_wait3A_318] : memref<2x25x80xi32, #tpu.memory_space<vmem>> -> memref<1x25x80xi32, #tpu.memory_space<vmem>>
    %dma_wait3A_320 = tpu.memref_squeeze %dma_wait3A_319 : memref<1x25x80xi32, #tpu.memory_space<vmem>> -> memref<25x80xi32, #tpu.memory_space<vmem>>
    %dma_wait3A_321 = arith.constant 0 : i32
    %dma_wait3A_322 = arith.constant 0 : i32
    %dma_wait3A_323 = tpu.memref_slice %arg3[%dma_wait3A_306, %add3A, %dma_wait3A_307, %dma_wait3A_321, %dma_wait3A_322] : memref<2x32x5x25x80xi32, #tpu.memory_space<hbm>> -> memref<1x1x1x25x80xi32, #tpu.memory_space<hbm>>
    %dma_wait3A_324 = tpu.memref_squeeze %dma_wait3A_323 : memref<1x1x1x25x80xi32, #tpu.memory_space<hbm>> -> memref<25x80xi32, #tpu.memory_space<hbm>>
    tpu.wait_dma2 semaphore(%arg13 : memref<!tpu.dma_semaphore, #tpu.memory_space<semaphore_mem>>) src(%dma_wait3A_324 : memref<25x80xi32, #tpu.memory_space<hbm>>) dst(%dma_wait3A_320 : memref<25x80xi32, #tpu.memory_space<vmem>>)
    %dma_wait3A_325 = arith.constant 1 : i32
    %dma_wait3A_326 = arith.constant 0 : i32
    %dma_wait3A_327 = arith.constant 1 : i32
    %dma_wait3A_328 = arith.constant 0 : i32
    %dma_wait3A_329 = arith.constant 0 : i32
    %dma_wait3A_330 = tpu.memref_slice %arg6[%dma_wait3A_327, %dma_wait3A_328, %dma_wait3A_329] : memref<2x25x80xi32, #tpu.memory_space<vmem>> -> memref<1x25x80xi32, #tpu.memory_space<vmem>>
    %dma_wait3A_331 = tpu.memref_squeeze %dma_wait3A_330 : memref<1x25x80xi32, #tpu.memory_space<vmem>> -> memref<25x80xi32, #tpu.memory_space<vmem>>
    %dma_wait3A_332 = arith.constant 0 : i32
    %dma_wait3A_333 = arith.constant 0 : i32
    %dma_wait3A_334 = tpu.memref_slice %arg3[%dma_wait3A_325, %add3A, %dma_wait3A_326, %dma_wait3A_332, %dma_wait3A_333] : memref<2x32x5x25x80xi32, #tpu.memory_space<hbm>> -> memref<1x1x1x25x80xi32, #tpu.memory_space<hbm>>
    %dma_wait3A_335 = tpu.memref_squeeze %dma_wait3A_334 : memref<1x1x1x25x80xi32, #tpu.memory_space<hbm>> -> memref<25x80xi32, #tpu.memory_space<hbm>>
    %dma_wait3A_336 = arith.constant 0 : i32
    %dma_wait3A_337 = arith.constant 0 : i32
    %dma_wait3A_338 = tpu.memref_slice %arg6[%dma_wait3A_327, %dma_wait3A_336, %dma_wait3A_337] : memref<2x25x80xi32, #tpu.memory_space<vmem>> -> memref<1x25x80xi32, #tpu.memory_space<vmem>>
    %dma_wait3A_339 = tpu.memref_squeeze %dma_wait3A_338 : memref<1x25x80xi32, #tpu.memory_space<vmem>> -> memref<25x80xi32, #tpu.memory_space<vmem>>
    %dma_wait3A_340 = arith.constant 0 : i32
    %dma_wait3A_341 = arith.constant 0 : i32
    %dma_wait3A_342 = tpu.memref_slice %arg3[%dma_wait3A_325, %add3A, %dma_wait3A_326, %dma_wait3A_340, %dma_wait3A_341] : memref<2x32x5x25x80xi32, #tpu.memory_space<hbm>> -> memref<1x1x1x25x80xi32, #tpu.memory_space<hbm>>
    %dma_wait3A_343 = tpu.memref_squeeze %dma_wait3A_342 : memref<1x1x1x25x80xi32, #tpu.memory_space<hbm>> -> memref<25x80xi32, #tpu.memory_space<hbm>>
    tpu.wait_dma2 semaphore(%arg13 : memref<!tpu.dma_semaphore, #tpu.memory_space<semaphore_mem>>) src(%dma_wait3A_343 : memref<25x80xi32, #tpu.memory_space<hbm>>) dst(%dma_wait3A_339 : memref<25x80xi32, #tpu.memory_space<vmem>>)
    %dma_start3A_344 = arith.constant 1 : i32
    %dma_start3A_345 = arith.constant 0 : i32
    %dma_start3A_346 = arith.constant 0 : i32
    %dma_start3A_347 = tpu.memref_slice %arg5[%dma_start3A_344, %dma_start3A_345, %dma_start3A_346] : memref<2x25x80xi32, #tpu.memory_space<vmem>> -> memref<1x1x80xi32, #tpu.memory_space<vmem>>
    %dma_start3A_348 = tpu.memref_squeeze %dma_start3A_347 : memref<1x1x80xi32, #tpu.memory_space<vmem>> -> memref<80xi32, #tpu.memory_space<vmem>>
    %dma_start3A_349 = arith.constant 0 : i32
    %dma_start3A_350 = arith.constant 0 : i32
    %dma_start3A_351 = tpu.memref_slice %arg2[%dma_start3A_349, %dma_start3A_350] : memref<10000x128xf32, #tpu.memory_space<hbm>> -> memref<10000x128xf32, #tpu.memory_space<hbm>>
    tpu.enqueue_indirect_dma source(%dma_start3A_351 : memref<10000x128xf32, #tpu.memory_space<hbm>>) target(%arg7 : memref<80x128xf32, #tpu.memory_space<vmem>>) offsets(%dma_start3A_348 : memref<80xi32, #tpu.memory_space<vmem>>) semaphore(%arg10 : memref<!tpu.dma_semaphore, #tpu.memory_space<semaphore_mem>>)
    %dma_start3A_352 = arith.constant 1 : i32
    %dma_start3A_353 = arith.constant 1 : i32
    %dma_start3A_354 = arith.constant 0 : i32
    %dma_start3A_355 = tpu.memref_slice %arg5[%dma_start3A_352, %dma_start3A_353, %dma_start3A_354] : memref<2x25x80xi32, #tpu.memory_space<vmem>> -> memref<1x1x80xi32, #tpu.memory_space<vmem>>
    %dma_start3A_356 = tpu.memref_squeeze %dma_start3A_355 : memref<1x1x80xi32, #tpu.memory_space<vmem>> -> memref<80xi32, #tpu.memory_space<vmem>>
    %dma_start3A_357 = arith.constant 0 : i32
    %dma_start3A_358 = arith.constant 0 : i32
    %dma_start3A_359 = tpu.memref_slice %arg2[%dma_start3A_357, %dma_start3A_358] : memref<10000x128xf32, #tpu.memory_space<hbm>> -> memref<10000x128xf32, #tpu.memory_space<hbm>>
    tpu.enqueue_indirect_dma source(%dma_start3A_359 : memref<10000x128xf32, #tpu.memory_space<hbm>>) target(%arg8 : memref<80x128xf32, #tpu.memory_space<vmem>>) offsets(%dma_start3A_356 : memref<80xi32, #tpu.memory_space<vmem>>) semaphore(%arg11 : memref<!tpu.dma_semaphore, #tpu.memory_space<semaphore_mem>>)
    %scan3A_360 = arith.constant 0 : i32
    %scan3A_361 = arith.constant 0 : i32
    %scan3A_362 = arith.constant 13 : i32
    %scan3A_363 = arith.addi %scan3A_361, %scan3A_362 : i32
    %scan3A_364 = arith.constant 1 : i32
    scf.for %scan3A_627 = %scan3A_361 to %scan3A_363 step %scan3A_364  : i32 {
      %mul3A_628 = arith.constant 2 : i32
      %mul3A_629 = arith.muli %mul3A_628, %scan3A_627 : i32
      %dma_wait3A_630 = arith.constant 1 : i32
      %dma_wait3A_631 = arith.constant 0 : i32
      %dma_wait3A_632 = arith.constant 0 : i32
      %dma_wait3A_633 = tpu.memref_slice %arg5[%dma_wait3A_630, %dma_wait3A_631, %dma_wait3A_632] : memref<2x25x80xi32, #tpu.memory_space<vmem>> -> memref<1x1x80xi32, #tpu.memory_space<vmem>>
      %dma_wait3A_634 = tpu.memref_squeeze %dma_wait3A_633 : memref<1x1x80xi32, #tpu.memory_space<vmem>> -> memref<80xi32, #tpu.memory_space<vmem>>
      %dma_wait3A_635 = arith.constant 0 : i32
      %dma_wait3A_636 = arith.constant 0 : i32
      %dma_wait3A_637 = tpu.memref_slice %arg2[%dma_wait3A_635, %dma_wait3A_636] : memref<10000x128xf32, #tpu.memory_space<hbm>> -> memref<10000x128xf32, #tpu.memory_space<hbm>>
      tpu.wait_indirect_dma semaphore(%arg10 : memref<!tpu.dma_semaphore, #tpu.memory_space<semaphore_mem>>) src(%dma_wait3A_637 : memref<10000x128xf32, #tpu.memory_space<hbm>>) dst(%arg7 : memref<80x128xf32, #tpu.memory_space<vmem>>)
      %run_scoped3A = arith.constant 1 : i32
      "tpu.region"() ({
        %run_scoped3A_649 = tpu.sem_alloc : memref<!tpu.dma_semaphore, #tpu.memory_space<semaphore_mem>>
        %dma_start3A_650 = arith.constant 0 : i32
        %dma_start3A_651 = tpu.memref_slice %arg6[%run_scoped3A, %mul3A_629, %dma_start3A_650] : memref<2x25x80xi32, #tpu.memory_space<vmem>> -> memref<1x1x80xi32, #tpu.memory_space<vmem>>
        %dma_start3A_652 = tpu.memref_squeeze %dma_start3A_651 : memref<1x1x80xi32, #tpu.memory_space<vmem>> -> memref<80xi32, #tpu.memory_space<vmem>>
        %dma_start3A_653 = arith.constant 0 : i32
        %dma_start3A_654 = arith.constant 0 : i32
        %dma_start3A_655 = tpu.memref_slice %arg9[%dma_start3A_653, %dma_start3A_654] : memref<10240x128xf32, #tpu.memory_space<vmem_shared>> -> memref<10240x128xf32, #tpu.memory_space<vmem_shared>>
        tpu.enqueue_indirect_dma source(%arg7 : memref<80x128xf32, #tpu.memory_space<vmem>>) target(%dma_start3A_655 : memref<10240x128xf32, #tpu.memory_space<vmem_shared>>) offsets(%dma_start3A_652 : memref<80xi32, #tpu.memory_space<vmem>>) semaphore(%run_scoped3A_649 : memref<!tpu.dma_semaphore, #tpu.memory_space<semaphore_mem>>) {add = true}
        %dma_wait3A_656 = arith.constant 0 : i32
        %dma_wait3A_657 = tpu.memref_slice %arg6[%run_scoped3A, %mul3A_629, %dma_wait3A_656] : memref<2x25x80xi32, #tpu.memory_space<vmem>> -> memref<1x1x80xi32, #tpu.memory_space<vmem>>
        %dma_wait3A_658 = tpu.memref_squeeze %dma_wait3A_657 : memref<1x1x80xi32, #tpu.memory_space<vmem>> -> memref<80xi32, #tpu.memory_space<vmem>>
        %dma_wait3A_659 = arith.constant 0 : i32
        %dma_wait3A_660 = arith.constant 0 : i32
        %dma_wait3A_661 = tpu.memref_slice %arg9[%dma_wait3A_659, %dma_wait3A_660] : memref<10240x128xf32, #tpu.memory_space<vmem_shared>> -> memref<10240x128xf32, #tpu.memory_space<vmem_shared>>
        tpu.wait_indirect_dma semaphore(%run_scoped3A_649 : memref<!tpu.dma_semaphore, #tpu.memory_space<semaphore_mem>>) src(%arg7 : memref<80x128xf32, #tpu.memory_space<vmem>>) dst(%dma_wait3A_661 : memref<10240x128xf32, #tpu.memory_space<vmem_shared>>)
        tpu.yield
      }) : () -> ()
      %add3A_638 = arith.constant 2 : i32
      %add3A_639 = arith.addi %mul3A_629, %add3A_638 : i32
      %lt3A = arith.constant 25 : i32
      %lt3A_640 = arith.cmpi slt, %add3A_639, %lt3A : i32
      %convert_element_type3A = arith.extui %lt3A_640 : i1 to i32
      %cond3A = arith.constant 0 : i32
      %cond3A_641 = arith.cmpi ne, %convert_element_type3A, %cond3A : i32
      scf.if %cond3A_641 {
        %add3A_649 = arith.constant 2 : i32
        %add3A_650 = arith.addi %mul3A_629, %add3A_649 : i32
        %dma_start3A_651 = arith.constant 1 : i32
        %dma_start3A_652 = arith.constant 0 : i32
        %dma_start3A_653 = tpu.memref_slice %arg5[%dma_start3A_651, %add3A_650, %dma_start3A_652] : memref<2x25x80xi32, #tpu.memory_space<vmem>> -> memref<1x1x80xi32, #tpu.memory_space<vmem>>
        %dma_start3A_654 = tpu.memref_squeeze %dma_start3A_653 : memref<1x1x80xi32, #tpu.memory_space<vmem>> -> memref<80xi32, #tpu.memory_space<vmem>>
        %dma_start3A_655 = arith.constant 0 : i32
        %dma_start3A_656 = arith.constant 0 : i32
        %dma_start3A_657 = tpu.memref_slice %arg2[%dma_start3A_655, %dma_start3A_656] : memref<10000x128xf32, #tpu.memory_space<hbm>> -> memref<10000x128xf32, #tpu.memory_space<hbm>>
        tpu.enqueue_indirect_dma source(%dma_start3A_657 : memref<10000x128xf32, #tpu.memory_space<hbm>>) target(%arg7 : memref<80x128xf32, #tpu.memory_space<vmem>>) offsets(%dma_start3A_654 : memref<80xi32, #tpu.memory_space<vmem>>) semaphore(%arg10 : memref<!tpu.dma_semaphore, #tpu.memory_space<semaphore_mem>>)
      } else {
      }
      %add3A_642 = arith.constant 1 : i32
      %add3A_643 = arith.addi %mul3A_629, %add3A_642 : i32
      %lt3A_644 = arith.constant 25 : i32
      %lt3A_645 = arith.cmpi slt, %add3A_643, %lt3A_644 : i32
      %convert_element_type3A_646 = arith.extui %lt3A_645 : i1 to i32
      %cond3A_647 = arith.constant 0 : i32
      %cond3A_648 = arith.cmpi ne, %convert_element_type3A_646, %cond3A_647 : i32
      scf.if %cond3A_648 {
        %add3A_649 = arith.constant 1 : i32
        %add3A_650 = arith.addi %mul3A_629, %add3A_649 : i32
        %dma_wait3A_651 = arith.constant 1 : i32
        %dma_wait3A_652 = arith.constant 0 : i32
        %dma_wait3A_653 = arith.constant 0 : i32
        %dma_wait3A_654 = tpu.memref_slice %arg5[%dma_wait3A_651, %dma_wait3A_652, %dma_wait3A_653] : memref<2x25x80xi32, #tpu.memory_space<vmem>> -> memref<1x1x80xi32, #tpu.memory_space<vmem>>
        %dma_wait3A_655 = tpu.memref_squeeze %dma_wait3A_654 : memref<1x1x80xi32, #tpu.memory_space<vmem>> -> memref<80xi32, #tpu.memory_space<vmem>>
        %dma_wait3A_656 = arith.constant 0 : i32
        %dma_wait3A_657 = arith.constant 0 : i32
        %dma_wait3A_658 = tpu.memref_slice %arg2[%dma_wait3A_656, %dma_wait3A_657] : memref<10000x128xf32, #tpu.memory_space<hbm>> -> memref<10000x128xf32, #tpu.memory_space<hbm>>
        tpu.wait_indirect_dma semaphore(%arg11 : memref<!tpu.dma_semaphore, #tpu.memory_space<semaphore_mem>>) src(%dma_wait3A_658 : memref<10000x128xf32, #tpu.memory_space<hbm>>) dst(%arg8 : memref<80x128xf32, #tpu.memory_space<vmem>>)
        %run_scoped3A_659 = arith.constant 1 : i32
        "tpu.region"() ({
          %run_scoped3A_667 = tpu.sem_alloc : memref<!tpu.dma_semaphore, #tpu.memory_space<semaphore_mem>>
          %dma_start3A_668 = arith.constant 0 : i32
          %dma_start3A_669 = tpu.memref_slice %arg6[%run_scoped3A_659, %add3A_650, %dma_start3A_668] : memref<2x25x80xi32, #tpu.memory_space<vmem>> -> memref<1x1x80xi32, #tpu.memory_space<vmem>>
          %dma_start3A_670 = tpu.memref_squeeze %dma_start3A_669 : memref<1x1x80xi32, #tpu.memory_space<vmem>> -> memref<80xi32, #tpu.memory_space<vmem>>
          %dma_start3A_671 = arith.constant 0 : i32
          %dma_start3A_672 = arith.constant 0 : i32
          %dma_start3A_673 = tpu.memref_slice %arg9[%dma_start3A_671, %dma_start3A_672] : memref<10240x128xf32, #tpu.memory_space<vmem_shared>> -> memref<10240x128xf32, #tpu.memory_space<vmem_shared>>
          tpu.enqueue_indirect_dma source(%arg8 : memref<80x128xf32, #tpu.memory_space<vmem>>) target(%dma_start3A_673 : memref<10240x128xf32, #tpu.memory_space<vmem_shared>>) offsets(%dma_start3A_670 : memref<80xi32, #tpu.memory_space<vmem>>) semaphore(%run_scoped3A_667 : memref<!tpu.dma_semaphore, #tpu.memory_space<semaphore_mem>>) {add = true}
          %dma_wait3A_674 = arith.constant 0 : i32
          %dma_wait3A_675 = tpu.memref_slice %arg6[%run_scoped3A_659, %add3A_650, %dma_wait3A_674] : memref<2x25x80xi32, #tpu.memory_space<vmem>> -> memref<1x1x80xi32, #tpu.memory_space<vmem>>
          %dma_wait3A_676 = tpu.memref_squeeze %dma_wait3A_675 : memref<1x1x80xi32, #tpu.memory_space<vmem>> -> memref<80xi32, #tpu.memory_space<vmem>>
          %dma_wait3A_677 = arith.constant 0 : i32
          %dma_wait3A_678 = arith.constant 0 : i32
          %dma_wait3A_679 = tpu.memref_slice %arg9[%dma_wait3A_677, %dma_wait3A_678] : memref<10240x128xf32, #tpu.memory_space<vmem_shared>> -> memref<10240x128xf32, #tpu.memory_space<vmem_shared>>
          tpu.wait_indirect_dma semaphore(%run_scoped3A_667 : memref<!tpu.dma_semaphore, #tpu.memory_space<semaphore_mem>>) src(%arg8 : memref<80x128xf32, #tpu.memory_space<vmem>>) dst(%dma_wait3A_679 : memref<10240x128xf32, #tpu.memory_space<vmem_shared>>)
          tpu.yield
        }) : () -> ()
        %add3A_660 = arith.constant 2 : i32
        %add3A_661 = arith.addi %add3A_650, %add3A_660 : i32
        %lt3A_662 = arith.constant 25 : i32
        %lt3A_663 = arith.cmpi slt, %add3A_661, %lt3A_662 : i32
        %convert_element_type3A_664 = arith.extui %lt3A_663 : i1 to i32
        %cond3A_665 = arith.constant 0 : i32
        %cond3A_666 = arith.cmpi ne, %convert_element_type3A_664, %cond3A_665 : i32
        scf.if %cond3A_666 {
          %add3A_667 = arith.constant 2 : i32
          %add3A_668 = arith.addi %add3A_650, %add3A_667 : i32
          %dma_start3A_669 = arith.constant 1 : i32
          %dma_start3A_670 = arith.constant 0 : i32
          %dma_start3A_671 = tpu.memref_slice %arg5[%dma_start3A_669, %add3A_668, %dma_start3A_670] : memref<2x25x80xi32, #tpu.memory_space<vmem>> -> memref<1x1x80xi32, #tpu.memory_space<vmem>>
          %dma_start3A_672 = tpu.memref_squeeze %dma_start3A_671 : memref<1x1x80xi32, #tpu.memory_space<vmem>> -> memref<80xi32, #tpu.memory_space<vmem>>
          %dma_start3A_673 = arith.constant 0 : i32
          %dma_start3A_674 = arith.constant 0 : i32
          %dma_start3A_675 = tpu.memref_slice %arg2[%dma_start3A_673, %dma_start3A_674] : memref<10000x128xf32, #tpu.memory_space<hbm>> -> memref<10000x128xf32, #tpu.memory_space<hbm>>
          tpu.enqueue_indirect_dma source(%dma_start3A_675 : memref<10000x128xf32, #tpu.memory_space<hbm>>) target(%arg8 : memref<80x128xf32, #tpu.memory_space<vmem>>) offsets(%dma_start3A_672 : memref<80xi32, #tpu.memory_space<vmem>>) semaphore(%arg11 : memref<!tpu.dma_semaphore, #tpu.memory_space<semaphore_mem>>)
        } else {
        }
      } else {
      }
    }
    %scan3A_365 = arith.constant 13 : i32
    %dma_start3A_366 = arith.constant 0 : i32
    %dma_start3A_367 = arith.constant 3 : i32
    %dma_start3A_368 = arith.constant 1 : i32
    %dma_start3A_369 = arith.constant 0 : i32
    %dma_start3A_370 = arith.constant 0 : i32
    %dma_start3A_371 = tpu.memref_slice %arg5[%dma_start3A_368, %dma_start3A_369, %dma_start3A_370] : memref<2x25x80xi32, #tpu.memory_space<vmem>> -> memref<1x25x80xi32, #tpu.memory_space<vmem>>
    %dma_start3A_372 = tpu.memref_squeeze %dma_start3A_371 : memref<1x25x80xi32, #tpu.memory_space<vmem>> -> memref<25x80xi32, #tpu.memory_space<vmem>>
    %dma_start3A_373 = arith.constant 0 : i32
    %dma_start3A_374 = arith.constant 0 : i32
    %dma_start3A_375 = tpu.memref_slice %arg3[%dma_start3A_366, %add3A, %dma_start3A_367, %dma_start3A_373, %dma_start3A_374] : memref<2x32x5x25x80xi32, #tpu.memory_space<hbm>> -> memref<1x1x1x25x80xi32, #tpu.memory_space<hbm>>
    %dma_start3A_376 = tpu.memref_squeeze %dma_start3A_375 : memref<1x1x1x25x80xi32, #tpu.memory_space<hbm>> -> memref<25x80xi32, #tpu.memory_space<hbm>>
    %dma_start3A_377 = arith.constant 0 : i32
    %dma_start3A_378 = arith.constant 0 : i32
    %dma_start3A_379 = tpu.memref_slice %arg5[%dma_start3A_368, %dma_start3A_377, %dma_start3A_378] : memref<2x25x80xi32, #tpu.memory_space<vmem>> -> memref<1x25x80xi32, #tpu.memory_space<vmem>>
    %dma_start3A_380 = tpu.memref_squeeze %dma_start3A_379 : memref<1x25x80xi32, #tpu.memory_space<vmem>> -> memref<25x80xi32, #tpu.memory_space<vmem>>
    %dma_start3A_381 = arith.constant 0 : i32
    %dma_start3A_382 = arith.constant 0 : i32
    %dma_start3A_383 = tpu.memref_slice %arg3[%dma_start3A_366, %add3A, %dma_start3A_367, %dma_start3A_381, %dma_start3A_382] : memref<2x32x5x25x80xi32, #tpu.memory_space<hbm>> -> memref<1x1x1x25x80xi32, #tpu.memory_space<hbm>>
    %dma_start3A_384 = tpu.memref_squeeze %dma_start3A_383 : memref<1x1x1x25x80xi32, #tpu.memory_space<hbm>> -> memref<25x80xi32, #tpu.memory_space<hbm>>
    tpu.enqueue_dma source(%dma_start3A_384 : memref<25x80xi32, #tpu.memory_space<hbm>>) target(%dma_start3A_380 : memref<25x80xi32, #tpu.memory_space<vmem>>) target_semaphore(%arg13 : memref<!tpu.dma_semaphore, #tpu.memory_space<semaphore_mem>>)
    %dma_start3A_385 = arith.constant 1 : i32
    %dma_start3A_386 = arith.constant 3 : i32
    %dma_start3A_387 = arith.constant 1 : i32
    %dma_start3A_388 = arith.constant 0 : i32
    %dma_start3A_389 = arith.constant 0 : i32
    %dma_start3A_390 = tpu.memref_slice %arg6[%dma_start3A_387, %dma_start3A_388, %dma_start3A_389] : memref<2x25x80xi32, #tpu.memory_space<vmem>> -> memref<1x25x80xi32, #tpu.memory_space<vmem>>
    %dma_start3A_391 = tpu.memref_squeeze %dma_start3A_390 : memref<1x25x80xi32, #tpu.memory_space<vmem>> -> memref<25x80xi32, #tpu.memory_space<vmem>>
    %dma_start3A_392 = arith.constant 0 : i32
    %dma_start3A_393 = arith.constant 0 : i32
    %dma_start3A_394 = tpu.memref_slice %arg3[%dma_start3A_385, %add3A, %dma_start3A_386, %dma_start3A_392, %dma_start3A_393] : memref<2x32x5x25x80xi32, #tpu.memory_space<hbm>> -> memref<1x1x1x25x80xi32, #tpu.memory_space<hbm>>
    %dma_start3A_395 = tpu.memref_squeeze %dma_start3A_394 : memref<1x1x1x25x80xi32, #tpu.memory_space<hbm>> -> memref<25x80xi32, #tpu.memory_space<hbm>>
    %dma_start3A_396 = arith.constant 0 : i32
    %dma_start3A_397 = arith.constant 0 : i32
    %dma_start3A_398 = tpu.memref_slice %arg6[%dma_start3A_387, %dma_start3A_396, %dma_start3A_397] : memref<2x25x80xi32, #tpu.memory_space<vmem>> -> memref<1x25x80xi32, #tpu.memory_space<vmem>>
    %dma_start3A_399 = tpu.memref_squeeze %dma_start3A_398 : memref<1x25x80xi32, #tpu.memory_space<vmem>> -> memref<25x80xi32, #tpu.memory_space<vmem>>
    %dma_start3A_400 = arith.constant 0 : i32
    %dma_start3A_401 = arith.constant 0 : i32
    %dma_start3A_402 = tpu.memref_slice %arg3[%dma_start3A_385, %add3A, %dma_start3A_386, %dma_start3A_400, %dma_start3A_401] : memref<2x32x5x25x80xi32, #tpu.memory_space<hbm>> -> memref<1x1x1x25x80xi32, #tpu.memory_space<hbm>>
    %dma_start3A_403 = tpu.memref_squeeze %dma_start3A_402 : memref<1x1x1x25x80xi32, #tpu.memory_space<hbm>> -> memref<25x80xi32, #tpu.memory_space<hbm>>
    tpu.enqueue_dma source(%dma_start3A_403 : memref<25x80xi32, #tpu.memory_space<hbm>>) target(%dma_start3A_399 : memref<25x80xi32, #tpu.memory_space<vmem>>) target_semaphore(%arg13 : memref<!tpu.dma_semaphore, #tpu.memory_space<semaphore_mem>>)
    %dma_wait3A_404 = arith.constant 0 : i32
    %dma_wait3A_405 = arith.constant 0 : i32
    %dma_wait3A_406 = arith.constant 0 : i32
    %dma_wait3A_407 = arith.constant 0 : i32
    %dma_wait3A_408 = arith.constant 0 : i32
    %dma_wait3A_409 = tpu.memref_slice %arg5[%dma_wait3A_406, %dma_wait3A_407, %dma_wait3A_408] : memref<2x25x80xi32, #tpu.memory_space<vmem>> -> memref<1x25x80xi32, #tpu.memory_space<vmem>>
    %dma_wait3A_410 = tpu.memref_squeeze %dma_wait3A_409 : memref<1x25x80xi32, #tpu.memory_space<vmem>> -> memref<25x80xi32, #tpu.memory_space<vmem>>
    %dma_wait3A_411 = arith.constant 0 : i32
    %dma_wait3A_412 = arith.constant 0 : i32
    %dma_wait3A_413 = tpu.memref_slice %arg3[%dma_wait3A_404, %add3A, %dma_wait3A_405, %dma_wait3A_411, %dma_wait3A_412] : memref<2x32x5x25x80xi32, #tpu.memory_space<hbm>> -> memref<1x1x1x25x80xi32, #tpu.memory_space<hbm>>
    %dma_wait3A_414 = tpu.memref_squeeze %dma_wait3A_413 : memref<1x1x1x25x80xi32, #tpu.memory_space<hbm>> -> memref<25x80xi32, #tpu.memory_space<hbm>>
    %dma_wait3A_415 = arith.constant 0 : i32
    %dma_wait3A_416 = arith.constant 0 : i32
    %dma_wait3A_417 = tpu.memref_slice %arg5[%dma_wait3A_406, %dma_wait3A_415, %dma_wait3A_416] : memref<2x25x80xi32, #tpu.memory_space<vmem>> -> memref<1x25x80xi32, #tpu.memory_space<vmem>>
    %dma_wait3A_418 = tpu.memref_squeeze %dma_wait3A_417 : memref<1x25x80xi32, #tpu.memory_space<vmem>> -> memref<25x80xi32, #tpu.memory_space<vmem>>
    %dma_wait3A_419 = arith.constant 0 : i32
    %dma_wait3A_420 = arith.constant 0 : i32
    %dma_wait3A_421 = tpu.memref_slice %arg3[%dma_wait3A_404, %add3A, %dma_wait3A_405, %dma_wait3A_419, %dma_wait3A_420] : memref<2x32x5x25x80xi32, #tpu.memory_space<hbm>> -> memref<1x1x1x25x80xi32, #tpu.memory_space<hbm>>
    %dma_wait3A_422 = tpu.memref_squeeze %dma_wait3A_421 : memref<1x1x1x25x80xi32, #tpu.memory_space<hbm>> -> memref<25x80xi32, #tpu.memory_space<hbm>>
    tpu.wait_dma2 semaphore(%arg12 : memref<!tpu.dma_semaphore, #tpu.memory_space<semaphore_mem>>) src(%dma_wait3A_422 : memref<25x80xi32, #tpu.memory_space<hbm>>) dst(%dma_wait3A_418 : memref<25x80xi32, #tpu.memory_space<vmem>>)
    %dma_wait3A_423 = arith.constant 1 : i32
    %dma_wait3A_424 = arith.constant 0 : i32
    %dma_wait3A_425 = arith.constant 0 : i32
    %dma_wait3A_426 = arith.constant 0 : i32
    %dma_wait3A_427 = arith.constant 0 : i32
    %dma_wait3A_428 = tpu.memref_slice %arg6[%dma_wait3A_425, %dma_wait3A_426, %dma_wait3A_427] : memref<2x25x80xi32, #tpu.memory_space<vmem>> -> memref<1x25x80xi32, #tpu.memory_space<vmem>>
    %dma_wait3A_429 = tpu.memref_squeeze %dma_wait3A_428 : memref<1x25x80xi32, #tpu.memory_space<vmem>> -> memref<25x80xi32, #tpu.memory_space<vmem>>
    %dma_wait3A_430 = arith.constant 0 : i32
    %dma_wait3A_431 = arith.constant 0 : i32
    %dma_wait3A_432 = tpu.memref_slice %arg3[%dma_wait3A_423, %add3A, %dma_wait3A_424, %dma_wait3A_430, %dma_wait3A_431] : memref<2x32x5x25x80xi32, #tpu.memory_space<hbm>> -> memref<1x1x1x25x80xi32, #tpu.memory_space<hbm>>
    %dma_wait3A_433 = tpu.memref_squeeze %dma_wait3A_432 : memref<1x1x1x25x80xi32, #tpu.memory_space<hbm>> -> memref<25x80xi32, #tpu.memory_space<hbm>>
    %dma_wait3A_434 = arith.constant 0 : i32
    %dma_wait3A_435 = arith.constant 0 : i32
    %dma_wait3A_436 = tpu.memref_slice %arg6[%dma_wait3A_425, %dma_wait3A_434, %dma_wait3A_435] : memref<2x25x80xi32, #tpu.memory_space<vmem>> -> memref<1x25x80xi32, #tpu.memory_space<vmem>>
    %dma_wait3A_437 = tpu.memref_squeeze %dma_wait3A_436 : memref<1x25x80xi32, #tpu.memory_space<vmem>> -> memref<25x80xi32, #tpu.memory_space<vmem>>
    %dma_wait3A_438 = arith.constant 0 : i32
    %dma_wait3A_439 = arith.constant 0 : i32
    %dma_wait3A_440 = tpu.memref_slice %arg3[%dma_wait3A_423, %add3A, %dma_wait3A_424, %dma_wait3A_438, %dma_wait3A_439] : memref<2x32x5x25x80xi32, #tpu.memory_space<hbm>> -> memref<1x1x1x25x80xi32, #tpu.memory_space<hbm>>
    %dma_wait3A_441 = tpu.memref_squeeze %dma_wait3A_440 : memref<1x1x1x25x80xi32, #tpu.memory_space<hbm>> -> memref<25x80xi32, #tpu.memory_space<hbm>>
    tpu.wait_dma2 semaphore(%arg12 : memref<!tpu.dma_semaphore, #tpu.memory_space<semaphore_mem>>) src(%dma_wait3A_441 : memref<25x80xi32, #tpu.memory_space<hbm>>) dst(%dma_wait3A_437 : memref<25x80xi32, #tpu.memory_space<vmem>>)
    %dma_start3A_442 = arith.constant 0 : i32
    %dma_start3A_443 = arith.constant 0 : i32
    %dma_start3A_444 = arith.constant 0 : i32
    %dma_start3A_445 = tpu.memref_slice %arg5[%dma_start3A_442, %dma_start3A_443, %dma_start3A_444] : memref<2x25x80xi32, #tpu.memory_space<vmem>> -> memref<1x1x80xi32, #tpu.memory_space<vmem>>
    %dma_start3A_446 = tpu.memref_squeeze %dma_start3A_445 : memref<1x1x80xi32, #tpu.memory_space<vmem>> -> memref<80xi32, #tpu.memory_space<vmem>>
    %dma_start3A_447 = arith.constant 0 : i32
    %dma_start3A_448 = arith.constant 0 : i32
    %dma_start3A_449 = tpu.memref_slice %arg2[%dma_start3A_447, %dma_start3A_448] : memref<10000x128xf32, #tpu.memory_space<hbm>> -> memref<10000x128xf32, #tpu.memory_space<hbm>>
    tpu.enqueue_indirect_dma source(%dma_start3A_449 : memref<10000x128xf32, #tpu.memory_space<hbm>>) target(%arg7 : memref<80x128xf32, #tpu.memory_space<vmem>>) offsets(%dma_start3A_446 : memref<80xi32, #tpu.memory_space<vmem>>) semaphore(%arg10 : memref<!tpu.dma_semaphore, #tpu.memory_space<semaphore_mem>>)
    %dma_start3A_450 = arith.constant 0 : i32
    %dma_start3A_451 = arith.constant 1 : i32
    %dma_start3A_452 = arith.constant 0 : i32
    %dma_start3A_453 = tpu.memref_slice %arg5[%dma_start3A_450, %dma_start3A_451, %dma_start3A_452] : memref<2x25x80xi32, #tpu.memory_space<vmem>> -> memref<1x1x80xi32, #tpu.memory_space<vmem>>
    %dma_start3A_454 = tpu.memref_squeeze %dma_start3A_453 : memref<1x1x80xi32, #tpu.memory_space<vmem>> -> memref<80xi32, #tpu.memory_space<vmem>>
    %dma_start3A_455 = arith.constant 0 : i32
    %dma_start3A_456 = arith.constant 0 : i32
    %dma_start3A_457 = tpu.memref_slice %arg2[%dma_start3A_455, %dma_start3A_456] : memref<10000x128xf32, #tpu.memory_space<hbm>> -> memref<10000x128xf32, #tpu.memory_space<hbm>>
    tpu.enqueue_indirect_dma source(%dma_start3A_457 : memref<10000x128xf32, #tpu.memory_space<hbm>>) target(%arg8 : memref<80x128xf32, #tpu.memory_space<vmem>>) offsets(%dma_start3A_454 : memref<80xi32, #tpu.memory_space<vmem>>) semaphore(%arg11 : memref<!tpu.dma_semaphore, #tpu.memory_space<semaphore_mem>>)
    %scan3A_458 = arith.constant 0 : i32
    %scan3A_459 = arith.constant 0 : i32
    %scan3A_460 = arith.constant 13 : i32
    %scan3A_461 = arith.addi %scan3A_459, %scan3A_460 : i32
    %scan3A_462 = arith.constant 1 : i32
    scf.for %scan3A_627 = %scan3A_459 to %scan3A_461 step %scan3A_462  : i32 {
      %mul3A_628 = arith.constant 2 : i32
      %mul3A_629 = arith.muli %mul3A_628, %scan3A_627 : i32
      %dma_wait3A_630 = arith.constant 0 : i32
      %dma_wait3A_631 = arith.constant 0 : i32
      %dma_wait3A_632 = arith.constant 0 : i32
      %dma_wait3A_633 = tpu.memref_slice %arg5[%dma_wait3A_630, %dma_wait3A_631, %dma_wait3A_632] : memref<2x25x80xi32, #tpu.memory_space<vmem>> -> memref<1x1x80xi32, #tpu.memory_space<vmem>>
      %dma_wait3A_634 = tpu.memref_squeeze %dma_wait3A_633 : memref<1x1x80xi32, #tpu.memory_space<vmem>> -> memref<80xi32, #tpu.memory_space<vmem>>
      %dma_wait3A_635 = arith.constant 0 : i32
      %dma_wait3A_636 = arith.constant 0 : i32
      %dma_wait3A_637 = tpu.memref_slice %arg2[%dma_wait3A_635, %dma_wait3A_636] : memref<10000x128xf32, #tpu.memory_space<hbm>> -> memref<10000x128xf32, #tpu.memory_space<hbm>>
      tpu.wait_indirect_dma semaphore(%arg10 : memref<!tpu.dma_semaphore, #tpu.memory_space<semaphore_mem>>) src(%dma_wait3A_637 : memref<10000x128xf32, #tpu.memory_space<hbm>>) dst(%arg7 : memref<80x128xf32, #tpu.memory_space<vmem>>)
      %run_scoped3A = arith.constant 0 : i32
      "tpu.region"() ({
        %run_scoped3A_649 = tpu.sem_alloc : memref<!tpu.dma_semaphore, #tpu.memory_space<semaphore_mem>>
        %dma_start3A_650 = arith.constant 0 : i32
        %dma_start3A_651 = tpu.memref_slice %arg6[%run_scoped3A, %mul3A_629, %dma_start3A_650] : memref<2x25x80xi32, #tpu.memory_space<vmem>> -> memref<1x1x80xi32, #tpu.memory_space<vmem>>
        %dma_start3A_652 = tpu.memref_squeeze %dma_start3A_651 : memref<1x1x80xi32, #tpu.memory_space<vmem>> -> memref<80xi32, #tpu.memory_space<vmem>>
        %dma_start3A_653 = arith.constant 0 : i32
        %dma_start3A_654 = arith.constant 0 : i32
        %dma_start3A_655 = tpu.memref_slice %arg9[%dma_start3A_653, %dma_start3A_654] : memref<10240x128xf32, #tpu.memory_space<vmem_shared>> -> memref<10240x128xf32, #tpu.memory_space<vmem_shared>>
        tpu.enqueue_indirect_dma source(%arg7 : memref<80x128xf32, #tpu.memory_space<vmem>>) target(%dma_start3A_655 : memref<10240x128xf32, #tpu.memory_space<vmem_shared>>) offsets(%dma_start3A_652 : memref<80xi32, #tpu.memory_space<vmem>>) semaphore(%run_scoped3A_649 : memref<!tpu.dma_semaphore, #tpu.memory_space<semaphore_mem>>) {add = true}
        %dma_wait3A_656 = arith.constant 0 : i32
        %dma_wait3A_657 = tpu.memref_slice %arg6[%run_scoped3A, %mul3A_629, %dma_wait3A_656] : memref<2x25x80xi32, #tpu.memory_space<vmem>> -> memref<1x1x80xi32, #tpu.memory_space<vmem>>
        %dma_wait3A_658 = tpu.memref_squeeze %dma_wait3A_657 : memref<1x1x80xi32, #tpu.memory_space<vmem>> -> memref<80xi32, #tpu.memory_space<vmem>>
        %dma_wait3A_659 = arith.constant 0 : i32
        %dma_wait3A_660 = arith.constant 0 : i32
        %dma_wait3A_661 = tpu.memref_slice %arg9[%dma_wait3A_659, %dma_wait3A_660] : memref<10240x128xf32, #tpu.memory_space<vmem_shared>> -> memref<10240x128xf32, #tpu.memory_space<vmem_shared>>
        tpu.wait_indirect_dma semaphore(%run_scoped3A_649 : memref<!tpu.dma_semaphore, #tpu.memory_space<semaphore_mem>>) src(%arg7 : memref<80x128xf32, #tpu.memory_space<vmem>>) dst(%dma_wait3A_661 : memref<10240x128xf32, #tpu.memory_space<vmem_shared>>)
        tpu.yield
      }) : () -> ()
      %add3A_638 = arith.constant 2 : i32
      %add3A_639 = arith.addi %mul3A_629, %add3A_638 : i32
      %lt3A = arith.constant 25 : i32
      %lt3A_640 = arith.cmpi slt, %add3A_639, %lt3A : i32
      %convert_element_type3A = arith.extui %lt3A_640 : i1 to i32
      %cond3A = arith.constant 0 : i32
      %cond3A_641 = arith.cmpi ne, %convert_element_type3A, %cond3A : i32
      scf.if %cond3A_641 {
        %add3A_649 = arith.constant 2 : i32
        %add3A_650 = arith.addi %mul3A_629, %add3A_649 : i32
        %dma_start3A_651 = arith.constant 0 : i32
        %dma_start3A_652 = arith.constant 0 : i32
        %dma_start3A_653 = tpu.memref_slice %arg5[%dma_start3A_651, %add3A_650, %dma_start3A_652] : memref<2x25x80xi32, #tpu.memory_space<vmem>> -> memref<1x1x80xi32, #tpu.memory_space<vmem>>
        %dma_start3A_654 = tpu.memref_squeeze %dma_start3A_653 : memref<1x1x80xi32, #tpu.memory_space<vmem>> -> memref<80xi32, #tpu.memory_space<vmem>>
        %dma_start3A_655 = arith.constant 0 : i32
        %dma_start3A_656 = arith.constant 0 : i32
        %dma_start3A_657 = tpu.memref_slice %arg2[%dma_start3A_655, %dma_start3A_656] : memref<10000x128xf32, #tpu.memory_space<hbm>> -> memref<10000x128xf32, #tpu.memory_space<hbm>>
        tpu.enqueue_indirect_dma source(%dma_start3A_657 : memref<10000x128xf32, #tpu.memory_space<hbm>>) target(%arg7 : memref<80x128xf32, #tpu.memory_space<vmem>>) offsets(%dma_start3A_654 : memref<80xi32, #tpu.memory_space<vmem>>) semaphore(%arg10 : memref<!tpu.dma_semaphore, #tpu.memory_space<semaphore_mem>>)
      } else {
      }
      %add3A_642 = arith.constant 1 : i32
      %add3A_643 = arith.addi %mul3A_629, %add3A_642 : i32
      %lt3A_644 = arith.constant 25 : i32
      %lt3A_645 = arith.cmpi slt, %add3A_643, %lt3A_644 : i32
      %convert_element_type3A_646 = arith.extui %lt3A_645 : i1 to i32
      %cond3A_647 = arith.constant 0 : i32
      %cond3A_648 = arith.cmpi ne, %convert_element_type3A_646, %cond3A_647 : i32
      scf.if %cond3A_648 {
        %add3A_649 = arith.constant 1 : i32
        %add3A_650 = arith.addi %mul3A_629, %add3A_649 : i32
        %dma_wait3A_651 = arith.constant 0 : i32
        %dma_wait3A_652 = arith.constant 0 : i32
        %dma_wait3A_653 = arith.constant 0 : i32
        %dma_wait3A_654 = tpu.memref_slice %arg5[%dma_wait3A_651, %dma_wait3A_652, %dma_wait3A_653] : memref<2x25x80xi32, #tpu.memory_space<vmem>> -> memref<1x1x80xi32, #tpu.memory_space<vmem>>
        %dma_wait3A_655 = tpu.memref_squeeze %dma_wait3A_654 : memref<1x1x80xi32, #tpu.memory_space<vmem>> -> memref<80xi32, #tpu.memory_space<vmem>>
        %dma_wait3A_656 = arith.constant 0 : i32
        %dma_wait3A_657 = arith.constant 0 : i32
        %dma_wait3A_658 = tpu.memref_slice %arg2[%dma_wait3A_656, %dma_wait3A_657] : memref<10000x128xf32, #tpu.memory_space<hbm>> -> memref<10000x128xf32, #tpu.memory_space<hbm>>
        tpu.wait_indirect_dma semaphore(%arg11 : memref<!tpu.dma_semaphore, #tpu.memory_space<semaphore_mem>>) src(%dma_wait3A_658 : memref<10000x128xf32, #tpu.memory_space<hbm>>) dst(%arg8 : memref<80x128xf32, #tpu.memory_space<vmem>>)
        %run_scoped3A_659 = arith.constant 0 : i32
        "tpu.region"() ({
          %run_scoped3A_667 = tpu.sem_alloc : memref<!tpu.dma_semaphore, #tpu.memory_space<semaphore_mem>>
          %dma_start3A_668 = arith.constant 0 : i32
          %dma_start3A_669 = tpu.memref_slice %arg6[%run_scoped3A_659, %add3A_650, %dma_start3A_668] : memref<2x25x80xi32, #tpu.memory_space<vmem>> -> memref<1x1x80xi32, #tpu.memory_space<vmem>>
          %dma_start3A_670 = tpu.memref_squeeze %dma_start3A_669 : memref<1x1x80xi32, #tpu.memory_space<vmem>> -> memref<80xi32, #tpu.memory_space<vmem>>
          %dma_start3A_671 = arith.constant 0 : i32
          %dma_start3A_672 = arith.constant 0 : i32
          %dma_start3A_673 = tpu.memref_slice %arg9[%dma_start3A_671, %dma_start3A_672] : memref<10240x128xf32, #tpu.memory_space<vmem_shared>> -> memref<10240x128xf32, #tpu.memory_space<vmem_shared>>
          tpu.enqueue_indirect_dma source(%arg8 : memref<80x128xf32, #tpu.memory_space<vmem>>) target(%dma_start3A_673 : memref<10240x128xf32, #tpu.memory_space<vmem_shared>>) offsets(%dma_start3A_670 : memref<80xi32, #tpu.memory_space<vmem>>) semaphore(%run_scoped3A_667 : memref<!tpu.dma_semaphore, #tpu.memory_space<semaphore_mem>>) {add = true}
          %dma_wait3A_674 = arith.constant 0 : i32
          %dma_wait3A_675 = tpu.memref_slice %arg6[%run_scoped3A_659, %add3A_650, %dma_wait3A_674] : memref<2x25x80xi32, #tpu.memory_space<vmem>> -> memref<1x1x80xi32, #tpu.memory_space<vmem>>
          %dma_wait3A_676 = tpu.memref_squeeze %dma_wait3A_675 : memref<1x1x80xi32, #tpu.memory_space<vmem>> -> memref<80xi32, #tpu.memory_space<vmem>>
          %dma_wait3A_677 = arith.constant 0 : i32
          %dma_wait3A_678 = arith.constant 0 : i32
          %dma_wait3A_679 = tpu.memref_slice %arg9[%dma_wait3A_677, %dma_wait3A_678] : memref<10240x128xf32, #tpu.memory_space<vmem_shared>> -> memref<10240x128xf32, #tpu.memory_space<vmem_shared>>
          tpu.wait_indirect_dma semaphore(%run_scoped3A_667 : memref<!tpu.dma_semaphore, #tpu.memory_space<semaphore_mem>>) src(%arg8 : memref<80x128xf32, #tpu.memory_space<vmem>>) dst(%dma_wait3A_679 : memref<10240x128xf32, #tpu.memory_space<vmem_shared>>)
          tpu.yield
        }) : () -> ()
        %add3A_660 = arith.constant 2 : i32
        %add3A_661 = arith.addi %add3A_650, %add3A_660 : i32
        %lt3A_662 = arith.constant 25 : i32
        %lt3A_663 = arith.cmpi slt, %add3A_661, %lt3A_662 : i32
        %convert_element_type3A_664 = arith.extui %lt3A_663 : i1 to i32
        %cond3A_665 = arith.constant 0 : i32
        %cond3A_666 = arith.cmpi ne, %convert_element_type3A_664, %cond3A_665 : i32
        scf.if %cond3A_666 {
          %add3A_667 = arith.constant 2 : i32
          %add3A_668 = arith.addi %add3A_650, %add3A_667 : i32
          %dma_start3A_669 = arith.constant 0 : i32
          %dma_start3A_670 = arith.constant 0 : i32
          %dma_start3A_671 = tpu.memref_slice %arg5[%dma_start3A_669, %add3A_668, %dma_start3A_670] : memref<2x25x80xi32, #tpu.memory_space<vmem>> -> memref<1x1x80xi32, #tpu.memory_space<vmem>>
          %dma_start3A_672 = tpu.memref_squeeze %dma_start3A_671 : memref<1x1x80xi32, #tpu.memory_space<vmem>> -> memref<80xi32, #tpu.memory_space<vmem>>
          %dma_start3A_673 = arith.constant 0 : i32
          %dma_start3A_674 = arith.constant 0 : i32
          %dma_start3A_675 = tpu.memref_slice %arg2[%dma_start3A_673, %dma_start3A_674] : memref<10000x128xf32, #tpu.memory_space<hbm>> -> memref<10000x128xf32, #tpu.memory_space<hbm>>
          tpu.enqueue_indirect_dma source(%dma_start3A_675 : memref<10000x128xf32, #tpu.memory_space<hbm>>) target(%arg8 : memref<80x128xf32, #tpu.memory_space<vmem>>) offsets(%dma_start3A_672 : memref<80xi32, #tpu.memory_space<vmem>>) semaphore(%arg11 : memref<!tpu.dma_semaphore, #tpu.memory_space<semaphore_mem>>)
        } else {
        }
      } else {
      }
    }
    %scan3A_463 = arith.constant 13 : i32
    %dma_start3A_464 = arith.constant 0 : i32
    %dma_start3A_465 = arith.constant 4 : i32
    %dma_start3A_466 = arith.constant 0 : i32
    %dma_start3A_467 = arith.constant 0 : i32
    %dma_start3A_468 = arith.constant 0 : i32
    %dma_start3A_469 = tpu.memref_slice %arg5[%dma_start3A_466, %dma_start3A_467, %dma_start3A_468] : memref<2x25x80xi32, #tpu.memory_space<vmem>> -> memref<1x25x80xi32, #tpu.memory_space<vmem>>
    %dma_start3A_470 = tpu.memref_squeeze %dma_start3A_469 : memref<1x25x80xi32, #tpu.memory_space<vmem>> -> memref<25x80xi32, #tpu.memory_space<vmem>>
    %dma_start3A_471 = arith.constant 0 : i32
    %dma_start3A_472 = arith.constant 0 : i32
    %dma_start3A_473 = tpu.memref_slice %arg3[%dma_start3A_464, %add3A, %dma_start3A_465, %dma_start3A_471, %dma_start3A_472] : memref<2x32x5x25x80xi32, #tpu.memory_space<hbm>> -> memref<1x1x1x25x80xi32, #tpu.memory_space<hbm>>
    %dma_start3A_474 = tpu.memref_squeeze %dma_start3A_473 : memref<1x1x1x25x80xi32, #tpu.memory_space<hbm>> -> memref<25x80xi32, #tpu.memory_space<hbm>>
    %dma_start3A_475 = arith.constant 0 : i32
    %dma_start3A_476 = arith.constant 0 : i32
    %dma_start3A_477 = tpu.memref_slice %arg5[%dma_start3A_466, %dma_start3A_475, %dma_start3A_476] : memref<2x25x80xi32, #tpu.memory_space<vmem>> -> memref<1x25x80xi32, #tpu.memory_space<vmem>>
    %dma_start3A_478 = tpu.memref_squeeze %dma_start3A_477 : memref<1x25x80xi32, #tpu.memory_space<vmem>> -> memref<25x80xi32, #tpu.memory_space<vmem>>
    %dma_start3A_479 = arith.constant 0 : i32
    %dma_start3A_480 = arith.constant 0 : i32
    %dma_start3A_481 = tpu.memref_slice %arg3[%dma_start3A_464, %add3A, %dma_start3A_465, %dma_start3A_479, %dma_start3A_480] : memref<2x32x5x25x80xi32, #tpu.memory_space<hbm>> -> memref<1x1x1x25x80xi32, #tpu.memory_space<hbm>>
    %dma_start3A_482 = tpu.memref_squeeze %dma_start3A_481 : memref<1x1x1x25x80xi32, #tpu.memory_space<hbm>> -> memref<25x80xi32, #tpu.memory_space<hbm>>
    tpu.enqueue_dma source(%dma_start3A_482 : memref<25x80xi32, #tpu.memory_space<hbm>>) target(%dma_start3A_478 : memref<25x80xi32, #tpu.memory_space<vmem>>) target_semaphore(%arg12 : memref<!tpu.dma_semaphore, #tpu.memory_space<semaphore_mem>>)
    %dma_start3A_483 = arith.constant 1 : i32
    %dma_start3A_484 = arith.constant 4 : i32
    %dma_start3A_485 = arith.constant 0 : i32
    %dma_start3A_486 = arith.constant 0 : i32
    %dma_start3A_487 = arith.constant 0 : i32
    %dma_start3A_488 = tpu.memref_slice %arg6[%dma_start3A_485, %dma_start3A_486, %dma_start3A_487] : memref<2x25x80xi32, #tpu.memory_space<vmem>> -> memref<1x25x80xi32, #tpu.memory_space<vmem>>
    %dma_start3A_489 = tpu.memref_squeeze %dma_start3A_488 : memref<1x25x80xi32, #tpu.memory_space<vmem>> -> memref<25x80xi32, #tpu.memory_space<vmem>>
    %dma_start3A_490 = arith.constant 0 : i32
    %dma_start3A_491 = arith.constant 0 : i32
    %dma_start3A_492 = tpu.memref_slice %arg3[%dma_start3A_483, %add3A, %dma_start3A_484, %dma_start3A_490, %dma_start3A_491] : memref<2x32x5x25x80xi32, #tpu.memory_space<hbm>> -> memref<1x1x1x25x80xi32, #tpu.memory_space<hbm>>
    %dma_start3A_493 = tpu.memref_squeeze %dma_start3A_492 : memref<1x1x1x25x80xi32, #tpu.memory_space<hbm>> -> memref<25x80xi32, #tpu.memory_space<hbm>>
    %dma_start3A_494 = arith.constant 0 : i32
    %dma_start3A_495 = arith.constant 0 : i32
    %dma_start3A_496 = tpu.memref_slice %arg6[%dma_start3A_485, %dma_start3A_494, %dma_start3A_495] : memref<2x25x80xi32, #tpu.memory_space<vmem>> -> memref<1x25x80xi32, #tpu.memory_space<vmem>>
    %dma_start3A_497 = tpu.memref_squeeze %dma_start3A_496 : memref<1x25x80xi32, #tpu.memory_space<vmem>> -> memref<25x80xi32, #tpu.memory_space<vmem>>
    %dma_start3A_498 = arith.constant 0 : i32
    %dma_start3A_499 = arith.constant 0 : i32
    %dma_start3A_500 = tpu.memref_slice %arg3[%dma_start3A_483, %add3A, %dma_start3A_484, %dma_start3A_498, %dma_start3A_499] : memref<2x32x5x25x80xi32, #tpu.memory_space<hbm>> -> memref<1x1x1x25x80xi32, #tpu.memory_space<hbm>>
    %dma_start3A_501 = tpu.memref_squeeze %dma_start3A_500 : memref<1x1x1x25x80xi32, #tpu.memory_space<hbm>> -> memref<25x80xi32, #tpu.memory_space<hbm>>
    tpu.enqueue_dma source(%dma_start3A_501 : memref<25x80xi32, #tpu.memory_space<hbm>>) target(%dma_start3A_497 : memref<25x80xi32, #tpu.memory_space<vmem>>) target_semaphore(%arg12 : memref<!tpu.dma_semaphore, #tpu.memory_space<semaphore_mem>>)
    %dma_wait3A_502 = arith.constant 0 : i32
    %dma_wait3A_503 = arith.constant 0 : i32
    %dma_wait3A_504 = arith.constant 1 : i32
    %dma_wait3A_505 = arith.constant 0 : i32
    %dma_wait3A_506 = arith.constant 0 : i32
    %dma_wait3A_507 = tpu.memref_slice %arg5[%dma_wait3A_504, %dma_wait3A_505, %dma_wait3A_506] : memref<2x25x80xi32, #tpu.memory_space<vmem>> -> memref<1x25x80xi32, #tpu.memory_space<vmem>>
    %dma_wait3A_508 = tpu.memref_squeeze %dma_wait3A_507 : memref<1x25x80xi32, #tpu.memory_space<vmem>> -> memref<25x80xi32, #tpu.memory_space<vmem>>
    %dma_wait3A_509 = arith.constant 0 : i32
    %dma_wait3A_510 = arith.constant 0 : i32
    %dma_wait3A_511 = tpu.memref_slice %arg3[%dma_wait3A_502, %add3A, %dma_wait3A_503, %dma_wait3A_509, %dma_wait3A_510] : memref<2x32x5x25x80xi32, #tpu.memory_space<hbm>> -> memref<1x1x1x25x80xi32, #tpu.memory_space<hbm>>
    %dma_wait3A_512 = tpu.memref_squeeze %dma_wait3A_511 : memref<1x1x1x25x80xi32, #tpu.memory_space<hbm>> -> memref<25x80xi32, #tpu.memory_space<hbm>>
    %dma_wait3A_513 = arith.constant 0 : i32
    %dma_wait3A_514 = arith.constant 0 : i32
    %dma_wait3A_515 = tpu.memref_slice %arg5[%dma_wait3A_504, %dma_wait3A_513, %dma_wait3A_514] : memref<2x25x80xi32, #tpu.memory_space<vmem>> -> memref<1x25x80xi32, #tpu.memory_space<vmem>>
    %dma_wait3A_516 = tpu.memref_squeeze %dma_wait3A_515 : memref<1x25x80xi32, #tpu.memory_space<vmem>> -> memref<25x80xi32, #tpu.memory_space<vmem>>
    %dma_wait3A_517 = arith.constant 0 : i32
    %dma_wait3A_518 = arith.constant 0 : i32
    %dma_wait3A_519 = tpu.memref_slice %arg3[%dma_wait3A_502, %add3A, %dma_wait3A_503, %dma_wait3A_517, %dma_wait3A_518] : memref<2x32x5x25x80xi32, #tpu.memory_space<hbm>> -> memref<1x1x1x25x80xi32, #tpu.memory_space<hbm>>
    %dma_wait3A_520 = tpu.memref_squeeze %dma_wait3A_519 : memref<1x1x1x25x80xi32, #tpu.memory_space<hbm>> -> memref<25x80xi32, #tpu.memory_space<hbm>>
    tpu.wait_dma2 semaphore(%arg13 : memref<!tpu.dma_semaphore, #tpu.memory_space<semaphore_mem>>) src(%dma_wait3A_520 : memref<25x80xi32, #tpu.memory_space<hbm>>) dst(%dma_wait3A_516 : memref<25x80xi32, #tpu.memory_space<vmem>>)
    %dma_wait3A_521 = arith.constant 1 : i32
    %dma_wait3A_522 = arith.constant 0 : i32
    %dma_wait3A_523 = arith.constant 1 : i32
    %dma_wait3A_524 = arith.constant 0 : i32
    %dma_wait3A_525 = arith.constant 0 : i32
    %dma_wait3A_526 = tpu.memref_slice %arg6[%dma_wait3A_523, %dma_wait3A_524, %dma_wait3A_525] : memref<2x25x80xi32, #tpu.memory_space<vmem>> -> memref<1x25x80xi32, #tpu.memory_space<vmem>>
    %dma_wait3A_527 = tpu.memref_squeeze %dma_wait3A_526 : memref<1x25x80xi32, #tpu.memory_space<vmem>> -> memref<25x80xi32, #tpu.memory_space<vmem>>
    %dma_wait3A_528 = arith.constant 0 : i32
    %dma_wait3A_529 = arith.constant 0 : i32
    %dma_wait3A_530 = tpu.memref_slice %arg3[%dma_wait3A_521, %add3A, %dma_wait3A_522, %dma_wait3A_528, %dma_wait3A_529] : memref<2x32x5x25x80xi32, #tpu.memory_space<hbm>> -> memref<1x1x1x25x80xi32, #tpu.memory_space<hbm>>
    %dma_wait3A_531 = tpu.memref_squeeze %dma_wait3A_530 : memref<1x1x1x25x80xi32, #tpu.memory_space<hbm>> -> memref<25x80xi32, #tpu.memory_space<hbm>>
    %dma_wait3A_532 = arith.constant 0 : i32
    %dma_wait3A_533 = arith.constant 0 : i32
    %dma_wait3A_534 = tpu.memref_slice %arg6[%dma_wait3A_523, %dma_wait3A_532, %dma_wait3A_533] : memref<2x25x80xi32, #tpu.memory_space<vmem>> -> memref<1x25x80xi32, #tpu.memory_space<vmem>>
    %dma_wait3A_535 = tpu.memref_squeeze %dma_wait3A_534 : memref<1x25x80xi32, #tpu.memory_space<vmem>> -> memref<25x80xi32, #tpu.memory_space<vmem>>
    %dma_wait3A_536 = arith.constant 0 : i32
    %dma_wait3A_537 = arith.constant 0 : i32
    %dma_wait3A_538 = tpu.memref_slice %arg3[%dma_wait3A_521, %add3A, %dma_wait3A_522, %dma_wait3A_536, %dma_wait3A_537] : memref<2x32x5x25x80xi32, #tpu.memory_space<hbm>> -> memref<1x1x1x25x80xi32, #tpu.memory_space<hbm>>
    %dma_wait3A_539 = tpu.memref_squeeze %dma_wait3A_538 : memref<1x1x1x25x80xi32, #tpu.memory_space<hbm>> -> memref<25x80xi32, #tpu.memory_space<hbm>>
    tpu.wait_dma2 semaphore(%arg13 : memref<!tpu.dma_semaphore, #tpu.memory_space<semaphore_mem>>) src(%dma_wait3A_539 : memref<25x80xi32, #tpu.memory_space<hbm>>) dst(%dma_wait3A_535 : memref<25x80xi32, #tpu.memory_space<vmem>>)
    %dma_start3A_540 = arith.constant 1 : i32
    %dma_start3A_541 = arith.constant 0 : i32
    %dma_start3A_542 = arith.constant 0 : i32
    %dma_start3A_543 = tpu.memref_slice %arg5[%dma_start3A_540, %dma_start3A_541, %dma_start3A_542] : memref<2x25x80xi32, #tpu.memory_space<vmem>> -> memref<1x1x80xi32, #tpu.memory_space<vmem>>
    %dma_start3A_544 = tpu.memref_squeeze %dma_start3A_543 : memref<1x1x80xi32, #tpu.memory_space<vmem>> -> memref<80xi32, #tpu.memory_space<vmem>>
    %dma_start3A_545 = arith.constant 0 : i32
    %dma_start3A_546 = arith.constant 0 : i32
    %dma_start3A_547 = tpu.memref_slice %arg2[%dma_start3A_545, %dma_start3A_546] : memref<10000x128xf32, #tpu.memory_space<hbm>> -> memref<10000x128xf32, #tpu.memory_space<hbm>>
    tpu.enqueue_indirect_dma source(%dma_start3A_547 : memref<10000x128xf32, #tpu.memory_space<hbm>>) target(%arg7 : memref<80x128xf32, #tpu.memory_space<vmem>>) offsets(%dma_start3A_544 : memref<80xi32, #tpu.memory_space<vmem>>) semaphore(%arg10 : memref<!tpu.dma_semaphore, #tpu.memory_space<semaphore_mem>>)
    %dma_start3A_548 = arith.constant 1 : i32
    %dma_start3A_549 = arith.constant 1 : i32
    %dma_start3A_550 = arith.constant 0 : i32
    %dma_start3A_551 = tpu.memref_slice %arg5[%dma_start3A_548, %dma_start3A_549, %dma_start3A_550] : memref<2x25x80xi32, #tpu.memory_space<vmem>> -> memref<1x1x80xi32, #tpu.memory_space<vmem>>
    %dma_start3A_552 = tpu.memref_squeeze %dma_start3A_551 : memref<1x1x80xi32, #tpu.memory_space<vmem>> -> memref<80xi32, #tpu.memory_space<vmem>>
    %dma_start3A_553 = arith.constant 0 : i32
    %dma_start3A_554 = arith.constant 0 : i32
    %dma_start3A_555 = tpu.memref_slice %arg2[%dma_start3A_553, %dma_start3A_554] : memref<10000x128xf32, #tpu.memory_space<hbm>> -> memref<10000x128xf32, #tpu.memory_space<hbm>>
    tpu.enqueue_indirect_dma source(%dma_start3A_555 : memref<10000x128xf32, #tpu.memory_space<hbm>>) target(%arg8 : memref<80x128xf32, #tpu.memory_space<vmem>>) offsets(%dma_start3A_552 : memref<80xi32, #tpu.memory_space<vmem>>) semaphore(%arg11 : memref<!tpu.dma_semaphore, #tpu.memory_space<semaphore_mem>>)
    %scan3A_556 = arith.constant 0 : i32
    %scan3A_557 = arith.constant 0 : i32
    %scan3A_558 = arith.constant 13 : i32
    %scan3A_559 = arith.addi %scan3A_557, %scan3A_558 : i32
    %scan3A_560 = arith.constant 1 : i32
    scf.for %scan3A_627 = %scan3A_557 to %scan3A_559 step %scan3A_560  : i32 {
      %mul3A_628 = arith.constant 2 : i32
      %mul3A_629 = arith.muli %mul3A_628, %scan3A_627 : i32
      %dma_wait3A_630 = arith.constant 1 : i32
      %dma_wait3A_631 = arith.constant 0 : i32
      %dma_wait3A_632 = arith.constant 0 : i32
      %dma_wait3A_633 = tpu.memref_slice %arg5[%dma_wait3A_630, %dma_wait3A_631, %dma_wait3A_632] : memref<2x25x80xi32, #tpu.memory_space<vmem>> -> memref<1x1x80xi32, #tpu.memory_space<vmem>>
      %dma_wait3A_634 = tpu.memref_squeeze %dma_wait3A_633 : memref<1x1x80xi32, #tpu.memory_space<vmem>> -> memref<80xi32, #tpu.memory_space<vmem>>
      %dma_wait3A_635 = arith.constant 0 : i32
      %dma_wait3A_636 = arith.constant 0 : i32
      %dma_wait3A_637 = tpu.memref_slice %arg2[%dma_wait3A_635, %dma_wait3A_636] : memref<10000x128xf32, #tpu.memory_space<hbm>> -> memref<10000x128xf32, #tpu.memory_space<hbm>>
      tpu.wait_indirect_dma semaphore(%arg10 : memref<!tpu.dma_semaphore, #tpu.memory_space<semaphore_mem>>) src(%dma_wait3A_637 : memref<10000x128xf32, #tpu.memory_space<hbm>>) dst(%arg7 : memref<80x128xf32, #tpu.memory_space<vmem>>)
      %run_scoped3A = arith.constant 1 : i32
      "tpu.region"() ({
        %run_scoped3A_649 = tpu.sem_alloc : memref<!tpu.dma_semaphore, #tpu.memory_space<semaphore_mem>>
        %dma_start3A_650 = arith.constant 0 : i32
        %dma_start3A_651 = tpu.memref_slice %arg6[%run_scoped3A, %mul3A_629, %dma_start3A_650] : memref<2x25x80xi32, #tpu.memory_space<vmem>> -> memref<1x1x80xi32, #tpu.memory_space<vmem>>
        %dma_start3A_652 = tpu.memref_squeeze %dma_start3A_651 : memref<1x1x80xi32, #tpu.memory_space<vmem>> -> memref<80xi32, #tpu.memory_space<vmem>>
        %dma_start3A_653 = arith.constant 0 : i32
        %dma_start3A_654 = arith.constant 0 : i32
        %dma_start3A_655 = tpu.memref_slice %arg9[%dma_start3A_653, %dma_start3A_654] : memref<10240x128xf32, #tpu.memory_space<vmem_shared>> -> memref<10240x128xf32, #tpu.memory_space<vmem_shared>>
        tpu.enqueue_indirect_dma source(%arg7 : memref<80x128xf32, #tpu.memory_space<vmem>>) target(%dma_start3A_655 : memref<10240x128xf32, #tpu.memory_space<vmem_shared>>) offsets(%dma_start3A_652 : memref<80xi32, #tpu.memory_space<vmem>>) semaphore(%run_scoped3A_649 : memref<!tpu.dma_semaphore, #tpu.memory_space<semaphore_mem>>) {add = true}
        %dma_wait3A_656 = arith.constant 0 : i32
        %dma_wait3A_657 = tpu.memref_slice %arg6[%run_scoped3A, %mul3A_629, %dma_wait3A_656] : memref<2x25x80xi32, #tpu.memory_space<vmem>> -> memref<1x1x80xi32, #tpu.memory_space<vmem>>
        %dma_wait3A_658 = tpu.memref_squeeze %dma_wait3A_657 : memref<1x1x80xi32, #tpu.memory_space<vmem>> -> memref<80xi32, #tpu.memory_space<vmem>>
        %dma_wait3A_659 = arith.constant 0 : i32
        %dma_wait3A_660 = arith.constant 0 : i32
        %dma_wait3A_661 = tpu.memref_slice %arg9[%dma_wait3A_659, %dma_wait3A_660] : memref<10240x128xf32, #tpu.memory_space<vmem_shared>> -> memref<10240x128xf32, #tpu.memory_space<vmem_shared>>
        tpu.wait_indirect_dma semaphore(%run_scoped3A_649 : memref<!tpu.dma_semaphore, #tpu.memory_space<semaphore_mem>>) src(%arg7 : memref<80x128xf32, #tpu.memory_space<vmem>>) dst(%dma_wait3A_661 : memref<10240x128xf32, #tpu.memory_space<vmem_shared>>)
        tpu.yield
      }) : () -> ()
      %add3A_638 = arith.constant 2 : i32
      %add3A_639 = arith.addi %mul3A_629, %add3A_638 : i32
      %lt3A = arith.constant 25 : i32
      %lt3A_640 = arith.cmpi slt, %add3A_639, %lt3A : i32
      %convert_element_type3A = arith.extui %lt3A_640 : i1 to i32
      %cond3A = arith.constant 0 : i32
      %cond3A_641 = arith.cmpi ne, %convert_element_type3A, %cond3A : i32
      scf.if %cond3A_641 {
        %add3A_649 = arith.constant 2 : i32
        %add3A_650 = arith.addi %mul3A_629, %add3A_649 : i32
        %dma_start3A_651 = arith.constant 1 : i32
        %dma_start3A_652 = arith.constant 0 : i32
        %dma_start3A_653 = tpu.memref_slice %arg5[%dma_start3A_651, %add3A_650, %dma_start3A_652] : memref<2x25x80xi32, #tpu.memory_space<vmem>> -> memref<1x1x80xi32, #tpu.memory_space<vmem>>
        %dma_start3A_654 = tpu.memref_squeeze %dma_start3A_653 : memref<1x1x80xi32, #tpu.memory_space<vmem>> -> memref<80xi32, #tpu.memory_space<vmem>>
        %dma_start3A_655 = arith.constant 0 : i32
        %dma_start3A_656 = arith.constant 0 : i32
        %dma_start3A_657 = tpu.memref_slice %arg2[%dma_start3A_655, %dma_start3A_656] : memref<10000x128xf32, #tpu.memory_space<hbm>> -> memref<10000x128xf32, #tpu.memory_space<hbm>>
        tpu.enqueue_indirect_dma source(%dma_start3A_657 : memref<10000x128xf32, #tpu.memory_space<hbm>>) target(%arg7 : memref<80x128xf32, #tpu.memory_space<vmem>>) offsets(%dma_start3A_654 : memref<80xi32, #tpu.memory_space<vmem>>) semaphore(%arg10 : memref<!tpu.dma_semaphore, #tpu.memory_space<semaphore_mem>>)
      } else {
      }
      %add3A_642 = arith.constant 1 : i32
      %add3A_643 = arith.addi %mul3A_629, %add3A_642 : i32
      %lt3A_644 = arith.constant 25 : i32
      %lt3A_645 = arith.cmpi slt, %add3A_643, %lt3A_644 : i32
      %convert_element_type3A_646 = arith.extui %lt3A_645 : i1 to i32
      %cond3A_647 = arith.constant 0 : i32
      %cond3A_648 = arith.cmpi ne, %convert_element_type3A_646, %cond3A_647 : i32
      scf.if %cond3A_648 {
        %add3A_649 = arith.constant 1 : i32
        %add3A_650 = arith.addi %mul3A_629, %add3A_649 : i32
        %dma_wait3A_651 = arith.constant 1 : i32
        %dma_wait3A_652 = arith.constant 0 : i32
        %dma_wait3A_653 = arith.constant 0 : i32
        %dma_wait3A_654 = tpu.memref_slice %arg5[%dma_wait3A_651, %dma_wait3A_652, %dma_wait3A_653] : memref<2x25x80xi32, #tpu.memory_space<vmem>> -> memref<1x1x80xi32, #tpu.memory_space<vmem>>
        %dma_wait3A_655 = tpu.memref_squeeze %dma_wait3A_654 : memref<1x1x80xi32, #tpu.memory_space<vmem>> -> memref<80xi32, #tpu.memory_space<vmem>>
        %dma_wait3A_656 = arith.constant 0 : i32
        %dma_wait3A_657 = arith.constant 0 : i32
        %dma_wait3A_658 = tpu.memref_slice %arg2[%dma_wait3A_656, %dma_wait3A_657] : memref<10000x128xf32, #tpu.memory_space<hbm>> -> memref<10000x128xf32, #tpu.memory_space<hbm>>
        tpu.wait_indirect_dma semaphore(%arg11 : memref<!tpu.dma_semaphore, #tpu.memory_space<semaphore_mem>>) src(%dma_wait3A_658 : memref<10000x128xf32, #tpu.memory_space<hbm>>) dst(%arg8 : memref<80x128xf32, #tpu.memory_space<vmem>>)
        %run_scoped3A_659 = arith.constant 1 : i32
        "tpu.region"() ({
          %run_scoped3A_667 = tpu.sem_alloc : memref<!tpu.dma_semaphore, #tpu.memory_space<semaphore_mem>>
          %dma_start3A_668 = arith.constant 0 : i32
          %dma_start3A_669 = tpu.memref_slice %arg6[%run_scoped3A_659, %add3A_650, %dma_start3A_668] : memref<2x25x80xi32, #tpu.memory_space<vmem>> -> memref<1x1x80xi32, #tpu.memory_space<vmem>>
          %dma_start3A_670 = tpu.memref_squeeze %dma_start3A_669 : memref<1x1x80xi32, #tpu.memory_space<vmem>> -> memref<80xi32, #tpu.memory_space<vmem>>
          %dma_start3A_671 = arith.constant 0 : i32
          %dma_start3A_672 = arith.constant 0 : i32
          %dma_start3A_673 = tpu.memref_slice %arg9[%dma_start3A_671, %dma_start3A_672] : memref<10240x128xf32, #tpu.memory_space<vmem_shared>> -> memref<10240x128xf32, #tpu.memory_space<vmem_shared>>
          tpu.enqueue_indirect_dma source(%arg8 : memref<80x128xf32, #tpu.memory_space<vmem>>) target(%dma_start3A_673 : memref<10240x128xf32, #tpu.memory_space<vmem_shared>>) offsets(%dma_start3A_670 : memref<80xi32, #tpu.memory_space<vmem>>) semaphore(%run_scoped3A_667 : memref<!tpu.dma_semaphore, #tpu.memory_space<semaphore_mem>>) {add = true}
          %dma_wait3A_674 = arith.constant 0 : i32
          %dma_wait3A_675 = tpu.memref_slice %arg6[%run_scoped3A_659, %add3A_650, %dma_wait3A_674] : memref<2x25x80xi32, #tpu.memory_space<vmem>> -> memref<1x1x80xi32, #tpu.memory_space<vmem>>
          %dma_wait3A_676 = tpu.memref_squeeze %dma_wait3A_675 : memref<1x1x80xi32, #tpu.memory_space<vmem>> -> memref<80xi32, #tpu.memory_space<vmem>>
          %dma_wait3A_677 = arith.constant 0 : i32
          %dma_wait3A_678 = arith.constant 0 : i32
          %dma_wait3A_679 = tpu.memref_slice %arg9[%dma_wait3A_677, %dma_wait3A_678] : memref<10240x128xf32, #tpu.memory_space<vmem_shared>> -> memref<10240x128xf32, #tpu.memory_space<vmem_shared>>
          tpu.wait_indirect_dma semaphore(%run_scoped3A_667 : memref<!tpu.dma_semaphore, #tpu.memory_space<semaphore_mem>>) src(%arg8 : memref<80x128xf32, #tpu.memory_space<vmem>>) dst(%dma_wait3A_679 : memref<10240x128xf32, #tpu.memory_space<vmem_shared>>)
          tpu.yield
        }) : () -> ()
        %add3A_660 = arith.constant 2 : i32
        %add3A_661 = arith.addi %add3A_650, %add3A_660 : i32
        %lt3A_662 = arith.constant 25 : i32
        %lt3A_663 = arith.cmpi slt, %add3A_661, %lt3A_662 : i32
        %convert_element_type3A_664 = arith.extui %lt3A_663 : i1 to i32
        %cond3A_665 = arith.constant 0 : i32
        %cond3A_666 = arith.cmpi ne, %convert_element_type3A_664, %cond3A_665 : i32
        scf.if %cond3A_666 {
          %add3A_667 = arith.constant 2 : i32
          %add3A_668 = arith.addi %add3A_650, %add3A_667 : i32
          %dma_start3A_669 = arith.constant 1 : i32
          %dma_start3A_670 = arith.constant 0 : i32
          %dma_start3A_671 = tpu.memref_slice %arg5[%dma_start3A_669, %add3A_668, %dma_start3A_670] : memref<2x25x80xi32, #tpu.memory_space<vmem>> -> memref<1x1x80xi32, #tpu.memory_space<vmem>>
          %dma_start3A_672 = tpu.memref_squeeze %dma_start3A_671 : memref<1x1x80xi32, #tpu.memory_space<vmem>> -> memref<80xi32, #tpu.memory_space<vmem>>
          %dma_start3A_673 = arith.constant 0 : i32
          %dma_start3A_674 = arith.constant 0 : i32
          %dma_start3A_675 = tpu.memref_slice %arg2[%dma_start3A_673, %dma_start3A_674] : memref<10000x128xf32, #tpu.memory_space<hbm>> -> memref<10000x128xf32, #tpu.memory_space<hbm>>
          tpu.enqueue_indirect_dma source(%dma_start3A_675 : memref<10000x128xf32, #tpu.memory_space<hbm>>) target(%arg8 : memref<80x128xf32, #tpu.memory_space<vmem>>) offsets(%dma_start3A_672 : memref<80xi32, #tpu.memory_space<vmem>>) semaphore(%arg11 : memref<!tpu.dma_semaphore, #tpu.memory_space<semaphore_mem>>)
        } else {
        }
      } else {
      }
    }
    %scan3A_561 = arith.constant 13 : i32
    %dma_wait3A_562 = arith.constant 0 : i32
    %dma_wait3A_563 = arith.constant 0 : i32
    %dma_wait3A_564 = arith.constant 0 : i32
    %dma_wait3A_565 = arith.constant 0 : i32
    %dma_wait3A_566 = arith.constant 0 : i32
    %dma_wait3A_567 = tpu.memref_slice %arg5[%dma_wait3A_564, %dma_wait3A_565, %dma_wait3A_566] : memref<2x25x80xi32, #tpu.memory_space<vmem>> -> memref<1x25x80xi32, #tpu.memory_space<vmem>>
    %dma_wait3A_568 = tpu.memref_squeeze %dma_wait3A_567 : memref<1x25x80xi32, #tpu.memory_space<vmem>> -> memref<25x80xi32, #tpu.memory_space<vmem>>
    %dma_wait3A_569 = arith.constant 0 : i32
    %dma_wait3A_570 = arith.constant 0 : i32
    %dma_wait3A_571 = tpu.memref_slice %arg3[%dma_wait3A_562, %add3A, %dma_wait3A_563, %dma_wait3A_569, %dma_wait3A_570] : memref<2x32x5x25x80xi32, #tpu.memory_space<hbm>> -> memref<1x1x1x25x80xi32, #tpu.memory_space<hbm>>
    %dma_wait3A_572 = tpu.memref_squeeze %dma_wait3A_571 : memref<1x1x1x25x80xi32, #tpu.memory_space<hbm>> -> memref<25x80xi32, #tpu.memory_space<hbm>>
    %dma_wait3A_573 = arith.constant 0 : i32
    %dma_wait3A_574 = arith.constant 0 : i32
    %dma_wait3A_575 = tpu.memref_slice %arg5[%dma_wait3A_564, %dma_wait3A_573, %dma_wait3A_574] : memref<2x25x80xi32, #tpu.memory_space<vmem>> -> memref<1x25x80xi32, #tpu.memory_space<vmem>>
    %dma_wait3A_576 = tpu.memref_squeeze %dma_wait3A_575 : memref<1x25x80xi32, #tpu.memory_space<vmem>> -> memref<25x80xi32, #tpu.memory_space<vmem>>
    %dma_wait3A_577 = arith.constant 0 : i32
    %dma_wait3A_578 = arith.constant 0 : i32
    %dma_wait3A_579 = tpu.memref_slice %arg3[%dma_wait3A_562, %add3A, %dma_wait3A_563, %dma_wait3A_577, %dma_wait3A_578] : memref<2x32x5x25x80xi32, #tpu.memory_space<hbm>> -> memref<1x1x1x25x80xi32, #tpu.memory_space<hbm>>
    %dma_wait3A_580 = tpu.memref_squeeze %dma_wait3A_579 : memref<1x1x1x25x80xi32, #tpu.memory_space<hbm>> -> memref<25x80xi32, #tpu.memory_space<hbm>>
    tpu.wait_dma2 semaphore(%arg12 : memref<!tpu.dma_semaphore, #tpu.memory_space<semaphore_mem>>) src(%dma_wait3A_580 : memref<25x80xi32, #tpu.memory_space<hbm>>) dst(%dma_wait3A_576 : memref<25x80xi32, #tpu.memory_space<vmem>>)
    %dma_wait3A_581 = arith.constant 1 : i32
    %dma_wait3A_582 = arith.constant 0 : i32
    %dma_wait3A_583 = arith.constant 0 : i32
    %dma_wait3A_584 = arith.constant 0 : i32
    %dma_wait3A_585 = arith.constant 0 : i32
    %dma_wait3A_586 = tpu.memref_slice %arg6[%dma_wait3A_583, %dma_wait3A_584, %dma_wait3A_585] : memref<2x25x80xi32, #tpu.memory_space<vmem>> -> memref<1x25x80xi32, #tpu.memory_space<vmem>>
    %dma_wait3A_587 = tpu.memref_squeeze %dma_wait3A_586 : memref<1x25x80xi32, #tpu.memory_space<vmem>> -> memref<25x80xi32, #tpu.memory_space<vmem>>
    %dma_wait3A_588 = arith.constant 0 : i32
    %dma_wait3A_589 = arith.constant 0 : i32
    %dma_wait3A_590 = tpu.memref_slice %arg3[%dma_wait3A_581, %add3A, %dma_wait3A_582, %dma_wait3A_588, %dma_wait3A_589] : memref<2x32x5x25x80xi32, #tpu.memory_space<hbm>> -> memref<1x1x1x25x80xi32, #tpu.memory_space<hbm>>
    %dma_wait3A_591 = tpu.memref_squeeze %dma_wait3A_590 : memref<1x1x1x25x80xi32, #tpu.memory_space<hbm>> -> memref<25x80xi32, #tpu.memory_space<hbm>>
    %dma_wait3A_592 = arith.constant 0 : i32
    %dma_wait3A_593 = arith.constant 0 : i32
    %dma_wait3A_594 = tpu.memref_slice %arg6[%dma_wait3A_583, %dma_wait3A_592, %dma_wait3A_593] : memref<2x25x80xi32, #tpu.memory_space<vmem>> -> memref<1x25x80xi32, #tpu.memory_space<vmem>>
    %dma_wait3A_595 = tpu.memref_squeeze %dma_wait3A_594 : memref<1x25x80xi32, #tpu.memory_space<vmem>> -> memref<25x80xi32, #tpu.memory_space<vmem>>
    %dma_wait3A_596 = arith.constant 0 : i32
    %dma_wait3A_597 = arith.constant 0 : i32
    %dma_wait3A_598 = tpu.memref_slice %arg3[%dma_wait3A_581, %add3A, %dma_wait3A_582, %dma_wait3A_596, %dma_wait3A_597] : memref<2x32x5x25x80xi32, #tpu.memory_space<hbm>> -> memref<1x1x1x25x80xi32, #tpu.memory_space<hbm>>
    %dma_wait3A_599 = tpu.memref_squeeze %dma_wait3A_598 : memref<1x1x1x25x80xi32, #tpu.memory_space<hbm>> -> memref<25x80xi32, #tpu.memory_space<hbm>>
    tpu.wait_dma2 semaphore(%arg12 : memref<!tpu.dma_semaphore, #tpu.memory_space<semaphore_mem>>) src(%dma_wait3A_599 : memref<25x80xi32, #tpu.memory_space<hbm>>) dst(%dma_wait3A_595 : memref<25x80xi32, #tpu.memory_space<vmem>>)
    %dma_start3A_600 = arith.constant 0 : i32
    %dma_start3A_601 = arith.constant 0 : i32
    %dma_start3A_602 = arith.constant 0 : i32
    %dma_start3A_603 = tpu.memref_slice %arg5[%dma_start3A_600, %dma_start3A_601, %dma_start3A_602] : memref<2x25x80xi32, #tpu.memory_space<vmem>> -> memref<1x1x80xi32, #tpu.memory_space<vmem>>
    %dma_start3A_604 = tpu.memref_squeeze %dma_start3A_603 : memref<1x1x80xi32, #tpu.memory_space<vmem>> -> memref<80xi32, #tpu.memory_space<vmem>>
    %dma_start3A_605 = arith.constant 0 : i32
    %dma_start3A_606 = arith.constant 0 : i32
    %dma_start3A_607 = tpu.memref_slice %arg2[%dma_start3A_605, %dma_start3A_606] : memref<10000x128xf32, #tpu.memory_space<hbm>> -> memref<10000x128xf32, #tpu.memory_space<hbm>>
    tpu.enqueue_indirect_dma source(%dma_start3A_607 : memref<10000x128xf32, #tpu.memory_space<hbm>>) target(%arg7 : memref<80x128xf32, #tpu.memory_space<vmem>>) offsets(%dma_start3A_604 : memref<80xi32, #tpu.memory_space<vmem>>) semaphore(%arg10 : memref<!tpu.dma_semaphore, #tpu.memory_space<semaphore_mem>>)
    %dma_start3A_608 = arith.constant 0 : i32
    %dma_start3A_609 = arith.constant 1 : i32
    %dma_start3A_610 = arith.constant 0 : i32
    %dma_start3A_611 = tpu.memref_slice %arg5[%dma_start3A_608, %dma_start3A_609, %dma_start3A_610] : memref<2x25x80xi32, #tpu.memory_space<vmem>> -> memref<1x1x80xi32, #tpu.memory_space<vmem>>
    %dma_start3A_612 = tpu.memref_squeeze %dma_start3A_611 : memref<1x1x80xi32, #tpu.memory_space<vmem>> -> memref<80xi32, #tpu.memory_space<vmem>>
    %dma_start3A_613 = arith.constant 0 : i32
    %dma_start3A_614 = arith.constant 0 : i32
    %dma_start3A_615 = tpu.memref_slice %arg2[%dma_start3A_613, %dma_start3A_614] : memref<10000x128xf32, #tpu.memory_space<hbm>> -> memref<10000x128xf32, #tpu.memory_space<hbm>>
    tpu.enqueue_indirect_dma source(%dma_start3A_615 : memref<10000x128xf32, #tpu.memory_space<hbm>>) target(%arg8 : memref<80x128xf32, #tpu.memory_space<vmem>>) offsets(%dma_start3A_612 : memref<80xi32, #tpu.memory_space<vmem>>) semaphore(%arg11 : memref<!tpu.dma_semaphore, #tpu.memory_space<semaphore_mem>>)
    %scan3A_616 = arith.constant 0 : i32
    %scan3A_617 = arith.constant 0 : i32
    %scan3A_618 = arith.constant 13 : i32
    %scan3A_619 = arith.addi %scan3A_617, %scan3A_618 : i32
    %scan3A_620 = arith.constant 1 : i32
    scf.for %scan3A_627 = %scan3A_617 to %scan3A_619 step %scan3A_620  : i32 {
      %mul3A_628 = arith.constant 2 : i32
      %mul3A_629 = arith.muli %mul3A_628, %scan3A_627 : i32
      %dma_wait3A_630 = arith.constant 0 : i32
      %dma_wait3A_631 = arith.constant 0 : i32
      %dma_wait3A_632 = arith.constant 0 : i32
      %dma_wait3A_633 = tpu.memref_slice %arg5[%dma_wait3A_630, %dma_wait3A_631, %dma_wait3A_632] : memref<2x25x80xi32, #tpu.memory_space<vmem>> -> memref<1x1x80xi32, #tpu.memory_space<vmem>>
      %dma_wait3A_634 = tpu.memref_squeeze %dma_wait3A_633 : memref<1x1x80xi32, #tpu.memory_space<vmem>> -> memref<80xi32, #tpu.memory_space<vmem>>
      %dma_wait3A_635 = arith.constant 0 : i32
      %dma_wait3A_636 = arith.constant 0 : i32
      %dma_wait3A_637 = tpu.memref_slice %arg2[%dma_wait3A_635, %dma_wait3A_636] : memref<10000x128xf32, #tpu.memory_space<hbm>> -> memref<10000x128xf32, #tpu.memory_space<hbm>>
      tpu.wait_indirect_dma semaphore(%arg10 : memref<!tpu.dma_semaphore, #tpu.memory_space<semaphore_mem>>) src(%dma_wait3A_637 : memref<10000x128xf32, #tpu.memory_space<hbm>>) dst(%arg7 : memref<80x128xf32, #tpu.memory_space<vmem>>)
      %run_scoped3A = arith.constant 0 : i32
      "tpu.region"() ({
        %run_scoped3A_649 = tpu.sem_alloc : memref<!tpu.dma_semaphore, #tpu.memory_space<semaphore_mem>>
        %dma_start3A_650 = arith.constant 0 : i32
        %dma_start3A_651 = tpu.memref_slice %arg6[%run_scoped3A, %mul3A_629, %dma_start3A_650] : memref<2x25x80xi32, #tpu.memory_space<vmem>> -> memref<1x1x80xi32, #tpu.memory_space<vmem>>
        %dma_start3A_652 = tpu.memref_squeeze %dma_start3A_651 : memref<1x1x80xi32, #tpu.memory_space<vmem>> -> memref<80xi32, #tpu.memory_space<vmem>>
        %dma_start3A_653 = arith.constant 0 : i32
        %dma_start3A_654 = arith.constant 0 : i32
        %dma_start3A_655 = tpu.memref_slice %arg9[%dma_start3A_653, %dma_start3A_654] : memref<10240x128xf32, #tpu.memory_space<vmem_shared>> -> memref<10240x128xf32, #tpu.memory_space<vmem_shared>>
        tpu.enqueue_indirect_dma source(%arg7 : memref<80x128xf32, #tpu.memory_space<vmem>>) target(%dma_start3A_655 : memref<10240x128xf32, #tpu.memory_space<vmem_shared>>) offsets(%dma_start3A_652 : memref<80xi32, #tpu.memory_space<vmem>>) semaphore(%run_scoped3A_649 : memref<!tpu.dma_semaphore, #tpu.memory_space<semaphore_mem>>) {add = true}
        %dma_wait3A_656 = arith.constant 0 : i32
        %dma_wait3A_657 = tpu.memref_slice %arg6[%run_scoped3A, %mul3A_629, %dma_wait3A_656] : memref<2x25x80xi32, #tpu.memory_space<vmem>> -> memref<1x1x80xi32, #tpu.memory_space<vmem>>
        %dma_wait3A_658 = tpu.memref_squeeze %dma_wait3A_657 : memref<1x1x80xi32, #tpu.memory_space<vmem>> -> memref<80xi32, #tpu.memory_space<vmem>>
        %dma_wait3A_659 = arith.constant 0 : i32
        %dma_wait3A_660 = arith.constant 0 : i32
        %dma_wait3A_661 = tpu.memref_slice %arg9[%dma_wait3A_659, %dma_wait3A_660] : memref<10240x128xf32, #tpu.memory_space<vmem_shared>> -> memref<10240x128xf32, #tpu.memory_space<vmem_shared>>
        tpu.wait_indirect_dma semaphore(%run_scoped3A_649 : memref<!tpu.dma_semaphore, #tpu.memory_space<semaphore_mem>>) src(%arg7 : memref<80x128xf32, #tpu.memory_space<vmem>>) dst(%dma_wait3A_661 : memref<10240x128xf32, #tpu.memory_space<vmem_shared>>)
        tpu.yield
      }) : () -> ()
      %add3A_638 = arith.constant 2 : i32
      %add3A_639 = arith.addi %mul3A_629, %add3A_638 : i32
      %lt3A = arith.constant 25 : i32
      %lt3A_640 = arith.cmpi slt, %add3A_639, %lt3A : i32
      %convert_element_type3A = arith.extui %lt3A_640 : i1 to i32
      %cond3A = arith.constant 0 : i32
      %cond3A_641 = arith.cmpi ne, %convert_element_type3A, %cond3A : i32
      scf.if %cond3A_641 {
        %add3A_649 = arith.constant 2 : i32
        %add3A_650 = arith.addi %mul3A_629, %add3A_649 : i32
        %dma_start3A_651 = arith.constant 0 : i32
        %dma_start3A_652 = arith.constant 0 : i32
        %dma_start3A_653 = tpu.memref_slice %arg5[%dma_start3A_651, %add3A_650, %dma_start3A_652] : memref<2x25x80xi32, #tpu.memory_space<vmem>> -> memref<1x1x80xi32, #tpu.memory_space<vmem>>
        %dma_start3A_654 = tpu.memref_squeeze %dma_start3A_653 : memref<1x1x80xi32, #tpu.memory_space<vmem>> -> memref<80xi32, #tpu.memory_space<vmem>>
        %dma_start3A_655 = arith.constant 0 : i32
        %dma_start3A_656 = arith.constant 0 : i32
        %dma_start3A_657 = tpu.memref_slice %arg2[%dma_start3A_655, %dma_start3A_656] : memref<10000x128xf32, #tpu.memory_space<hbm>> -> memref<10000x128xf32, #tpu.memory_space<hbm>>
        tpu.enqueue_indirect_dma source(%dma_start3A_657 : memref<10000x128xf32, #tpu.memory_space<hbm>>) target(%arg7 : memref<80x128xf32, #tpu.memory_space<vmem>>) offsets(%dma_start3A_654 : memref<80xi32, #tpu.memory_space<vmem>>) semaphore(%arg10 : memref<!tpu.dma_semaphore, #tpu.memory_space<semaphore_mem>>)
      } else {
      }
      %add3A_642 = arith.constant 1 : i32
      %add3A_643 = arith.addi %mul3A_629, %add3A_642 : i32
      %lt3A_644 = arith.constant 25 : i32
      %lt3A_645 = arith.cmpi slt, %add3A_643, %lt3A_644 : i32
      %convert_element_type3A_646 = arith.extui %lt3A_645 : i1 to i32
      %cond3A_647 = arith.constant 0 : i32
      %cond3A_648 = arith.cmpi ne, %convert_element_type3A_646, %cond3A_647 : i32
      scf.if %cond3A_648 {
        %add3A_649 = arith.constant 1 : i32
        %add3A_650 = arith.addi %mul3A_629, %add3A_649 : i32
        %dma_wait3A_651 = arith.constant 0 : i32
        %dma_wait3A_652 = arith.constant 0 : i32
        %dma_wait3A_653 = arith.constant 0 : i32
        %dma_wait3A_654 = tpu.memref_slice %arg5[%dma_wait3A_651, %dma_wait3A_652, %dma_wait3A_653] : memref<2x25x80xi32, #tpu.memory_space<vmem>> -> memref<1x1x80xi32, #tpu.memory_space<vmem>>
        %dma_wait3A_655 = tpu.memref_squeeze %dma_wait3A_654 : memref<1x1x80xi32, #tpu.memory_space<vmem>> -> memref<80xi32, #tpu.memory_space<vmem>>
        %dma_wait3A_656 = arith.constant 0 : i32
        %dma_wait3A_657 = arith.constant 0 : i32
        %dma_wait3A_658 = tpu.memref_slice %arg2[%dma_wait3A_656, %dma_wait3A_657] : memref<10000x128xf32, #tpu.memory_space<hbm>> -> memref<10000x128xf32, #tpu.memory_space<hbm>>
        tpu.wait_indirect_dma semaphore(%arg11 : memref<!tpu.dma_semaphore, #tpu.memory_space<semaphore_mem>>) src(%dma_wait3A_658 : memref<10000x128xf32, #tpu.memory_space<hbm>>) dst(%arg8 : memref<80x128xf32, #tpu.memory_space<vmem>>)
        %run_scoped3A_659 = arith.constant 0 : i32
        "tpu.region"() ({
          %run_scoped3A_667 = tpu.sem_alloc : memref<!tpu.dma_semaphore, #tpu.memory_space<semaphore_mem>>
          %dma_start3A_668 = arith.constant 0 : i32
          %dma_start3A_669 = tpu.memref_slice %arg6[%run_scoped3A_659, %add3A_650, %dma_start3A_668] : memref<2x25x80xi32, #tpu.memory_space<vmem>> -> memref<1x1x80xi32, #tpu.memory_space<vmem>>
          %dma_start3A_670 = tpu.memref_squeeze %dma_start3A_669 : memref<1x1x80xi32, #tpu.memory_space<vmem>> -> memref<80xi32, #tpu.memory_space<vmem>>
          %dma_start3A_671 = arith.constant 0 : i32
          %dma_start3A_672 = arith.constant 0 : i32
          %dma_start3A_673 = tpu.memref_slice %arg9[%dma_start3A_671, %dma_start3A_672] : memref<10240x128xf32, #tpu.memory_space<vmem_shared>> -> memref<10240x128xf32, #tpu.memory_space<vmem_shared>>
          tpu.enqueue_indirect_dma source(%arg8 : memref<80x128xf32, #tpu.memory_space<vmem>>) target(%dma_start3A_673 : memref<10240x128xf32, #tpu.memory_space<vmem_shared>>) offsets(%dma_start3A_670 : memref<80xi32, #tpu.memory_space<vmem>>) semaphore(%run_scoped3A_667 : memref<!tpu.dma_semaphore, #tpu.memory_space<semaphore_mem>>) {add = true}
          %dma_wait3A_674 = arith.constant 0 : i32
          %dma_wait3A_675 = tpu.memref_slice %arg6[%run_scoped3A_659, %add3A_650, %dma_wait3A_674] : memref<2x25x80xi32, #tpu.memory_space<vmem>> -> memref<1x1x80xi32, #tpu.memory_space<vmem>>
          %dma_wait3A_676 = tpu.memref_squeeze %dma_wait3A_675 : memref<1x1x80xi32, #tpu.memory_space<vmem>> -> memref<80xi32, #tpu.memory_space<vmem>>
          %dma_wait3A_677 = arith.constant 0 : i32
          %dma_wait3A_678 = arith.constant 0 : i32
          %dma_wait3A_679 = tpu.memref_slice %arg9[%dma_wait3A_677, %dma_wait3A_678] : memref<10240x128xf32, #tpu.memory_space<vmem_shared>> -> memref<10240x128xf32, #tpu.memory_space<vmem_shared>>
          tpu.wait_indirect_dma semaphore(%run_scoped3A_667 : memref<!tpu.dma_semaphore, #tpu.memory_space<semaphore_mem>>) src(%arg8 : memref<80x128xf32, #tpu.memory_space<vmem>>) dst(%dma_wait3A_679 : memref<10240x128xf32, #tpu.memory_space<vmem_shared>>)
          tpu.yield
        }) : () -> ()
        %add3A_660 = arith.constant 2 : i32
        %add3A_661 = arith.addi %add3A_650, %add3A_660 : i32
        %lt3A_662 = arith.constant 25 : i32
        %lt3A_663 = arith.cmpi slt, %add3A_661, %lt3A_662 : i32
        %convert_element_type3A_664 = arith.extui %lt3A_663 : i1 to i32
        %cond3A_665 = arith.constant 0 : i32
        %cond3A_666 = arith.cmpi ne, %convert_element_type3A_664, %cond3A_665 : i32
        scf.if %cond3A_666 {
          %add3A_667 = arith.constant 2 : i32
          %add3A_668 = arith.addi %add3A_650, %add3A_667 : i32
          %dma_start3A_669 = arith.constant 0 : i32
          %dma_start3A_670 = arith.constant 0 : i32
          %dma_start3A_671 = tpu.memref_slice %arg5[%dma_start3A_669, %add3A_668, %dma_start3A_670] : memref<2x25x80xi32, #tpu.memory_space<vmem>> -> memref<1x1x80xi32, #tpu.memory_space<vmem>>
          %dma_start3A_672 = tpu.memref_squeeze %dma_start3A_671 : memref<1x1x80xi32, #tpu.memory_space<vmem>> -> memref<80xi32, #tpu.memory_space<vmem>>
          %dma_start3A_673 = arith.constant 0 : i32
          %dma_start3A_674 = arith.constant 0 : i32
          %dma_start3A_675 = tpu.memref_slice %arg2[%dma_start3A_673, %dma_start3A_674] : memref<10000x128xf32, #tpu.memory_space<hbm>> -> memref<10000x128xf32, #tpu.memory_space<hbm>>
          tpu.enqueue_indirect_dma source(%dma_start3A_675 : memref<10000x128xf32, #tpu.memory_space<hbm>>) target(%arg8 : memref<80x128xf32, #tpu.memory_space<vmem>>) offsets(%dma_start3A_672 : memref<80xi32, #tpu.memory_space<vmem>>) semaphore(%arg11 : memref<!tpu.dma_semaphore, #tpu.memory_space<semaphore_mem>>)
        } else {
        }
      } else {
      }
    }
    %scan3A_621 = arith.constant 13 : i32
    %barrier3A_622 = arith.constant 0 : index
    tpu.barrier barrier_id(%barrier3A_622)
    %mul3A_623 = arith.constant 640 : i32
    %mul3A_624 = arith.muli %arg1, %mul3A_623 : i32
    %mul3A_625 = arith.constant 640 : i32
    %mul3A_626 = arith.muli %arg1, %mul3A_625 : i32
    "tpu.region"() ({
      %run_scoped3A = tpu.sem_alloc : memref<!tpu.dma_semaphore, #tpu.memory_space<semaphore_mem>>
      %dma_start3A_627 = arith.constant 0 : i32
      %dma_start3A_628 = tpu.memref_slice %arg4[%arg0, %mul3A_626, %dma_start3A_627] : memref<2x10240x128xf32, #tpu.memory_space<hbm>> -> memref<1x640x128xf32, #tpu.memory_space<hbm>>
      %dma_start3A_629 = tpu.memref_squeeze %dma_start3A_628 : memref<1x640x128xf32, #tpu.memory_space<hbm>> -> memref<640x128xf32, #tpu.memory_space<hbm>>
      %dma_start3A_630 = arith.constant 0 : i32
      %dma_start3A_631 = tpu.memref_slice %arg9[%mul3A_624, %dma_start3A_630] : memref<10240x128xf32, #tpu.memory_space<vmem_shared>> -> memref<640x128xf32, #tpu.memory_space<vmem_shared>>
      tpu.enqueue_dma source(%dma_start3A_631 : memref<640x128xf32, #tpu.memory_space<vmem_shared>>) target(%dma_start3A_629 : memref<640x128xf32, #tpu.memory_space<hbm>>) target_semaphore(%run_scoped3A : memref<!tpu.dma_semaphore, #tpu.memory_space<semaphore_mem>>)
      %dma_wait3A_632 = arith.constant 0 : i32
      %dma_wait3A_633 = tpu.memref_slice %arg4[%arg0, %mul3A_626, %dma_wait3A_632] : memref<2x10240x128xf32, #tpu.memory_space<hbm>> -> memref<1x640x128xf32, #tpu.memory_space<hbm>>
      %dma_wait3A_634 = tpu.memref_squeeze %dma_wait3A_633 : memref<1x640x128xf32, #tpu.memory_space<hbm>> -> memref<640x128xf32, #tpu.memory_space<hbm>>
      %dma_wait3A_635 = arith.constant 0 : i32
      %dma_wait3A_636 = tpu.memref_slice %arg9[%mul3A_624, %dma_wait3A_635] : memref<10240x128xf32, #tpu.memory_space<vmem_shared>> -> memref<640x128xf32, #tpu.memory_space<vmem_shared>>
      tpu.wait_dma2 semaphore(%run_scoped3A : memref<!tpu.dma_semaphore, #tpu.memory_space<semaphore_mem>>) src(%dma_wait3A_636 : memref<640x128xf32, #tpu.memory_space<vmem_shared>>) dst(%dma_wait3A_634 : memref<640x128xf32, #tpu.memory_space<hbm>>)
      tpu.yield
    }) : () -> ()
    return
  }
}

module attributes {stable_mosaic.version = 14 : i64} {
  func.func @body(%arg0: i32, %arg1: memref<2x2048x128xf32, #tpu.memory_space<vmem>>, %arg2: memref<2x2048xf32, #tpu.memory_space<vmem>>, %arg3: memref<2048x128xf32, #tpu.memory_space<vmem>>, %arg4: memref<128x128xf32, #tpu.memory_space<vmem>>, %arg5: memref<1x128xf32, #tpu.memory_space<vmem>>, %arg6: memref<128x128xf32, #tpu.memory_space<vmem>>, %arg7: memref<1x128xf32, #tpu.memory_space<vmem>>, %arg8: memref<2048x128xf32, #tpu.memory_space<vmem>>) attributes {dimension_semantics = [#tpu.dimension_semantics<arbitrary>], iteration_bounds = array<i64: 5>, scalar_prefetch = 0 : i64, scratch_operands = 0 : i64, tpu.core_type = #tpu.core_type<tc>, window_params = [{transform_indices = @transform_0, window_bounds = array<i64: 2, 2048, 128>}, {transform_indices = @transform_1, window_bounds = array<i64: 2, 2048>}, {transform_indices = @transform_2, window_bounds = array<i64: 2048, 128>}, {pipeline_mode = #tpu.pipeline_mode<synchronous>, transform_indices = @transform_3, window_bounds = array<i64: 128, 128>}, {pipeline_mode = #tpu.pipeline_mode<synchronous>, transform_indices = @transform_4, window_bounds = array<i64: 1, 128>}, {pipeline_mode = #tpu.pipeline_mode<synchronous>, transform_indices = @transform_5, window_bounds = array<i64: 128, 128>}, {pipeline_mode = #tpu.pipeline_mode<synchronous>, transform_indices = @transform_6, window_bounds = array<i64: 1, 128>}, {transform_indices = @transform_7, window_bounds = array<i64: 2048, 128>}]} {
    %get3A = arith.constant 0 : index
    %get3A_0 = arith.constant 0 : index
    %get3A_1 = arith.constant 0 : index
    %get3A_2 = vector.load %arg1[%get3A, %get3A_0, %get3A_1] : memref<2x2048x128xf32, #tpu.memory_space<vmem>>, vector<1x2048x128xf32>
    %get3A_3 = vector.shape_cast %get3A_2 : vector<1x2048x128xf32> to vector<2048x128xf32>
    %get3A_4 = arith.constant 1 : index
    %get3A_5 = arith.constant 0 : index
    %get3A_6 = arith.constant 0 : index
    %get3A_7 = vector.load %arg1[%get3A_4, %get3A_5, %get3A_6] : memref<2x2048x128xf32, #tpu.memory_space<vmem>>, vector<1x2048x128xf32>
    %get3A_8 = vector.shape_cast %get3A_7 : vector<1x2048x128xf32> to vector<2048x128xf32>
    %add3A = arith.addf %get3A_3, %get3A_8 : vector<2048x128xf32>
    %get3A_9 = arith.constant 0 : index
    %get3A_10 = arith.constant 0 : index
    %get3A_11 = vector.load %arg2[%get3A_9, %get3A_10] : memref<2x2048xf32, #tpu.memory_space<vmem>>, vector<1x2048xf32>
    %get3A_12 = vector.shape_cast %get3A_11 : vector<1x2048xf32> to vector<2048xf32>
    %get3A_13 = arith.constant 1 : index
    %get3A_14 = arith.constant 0 : index
    %get3A_15 = vector.load %arg2[%get3A_13, %get3A_14] : memref<2x2048xf32, #tpu.memory_space<vmem>>, vector<1x2048xf32>
    %get3A_16 = vector.shape_cast %get3A_15 : vector<1x2048xf32> to vector<2048xf32>
    %add3A_17 = arith.addf %get3A_12, %get3A_16 : vector<2048xf32>
    %jit3A = arith.constant 1.000000e+00 : f32
    %max3A = vector.broadcast %jit3A : f32 to vector<2048xf32>
    %max3A_18 = arith.maximumf %max3A, %add3A_17 : vector<2048xf32>
    %broadcast_in_dim3A = vector.shape_cast %max3A_18 : vector<2048xf32> to vector<2048x1xf32>
    %div3A = vector.broadcast %broadcast_in_dim3A : vector<2048x1xf32> to vector<2048x128xf32>
    %div3A_19 = arith.divf %add3A, %div3A : vector<2048x128xf32>
    %get3A_20 = arith.constant 0 : index
    %get3A_21 = arith.constant 0 : index
    %get3A_22 = vector.load %arg4[%get3A_20, %get3A_21] : memref<128x128xf32, #tpu.memory_space<vmem>>, vector<128x128xf32>
    %dot_general3A = arith.constant dense<0.000000e+00> : vector<2048x128xf32>
    %dot_general3A_23 = tpu.matmul %div3A_19, %get3A_22, %dot_general3A {dimension_numbers = #tpu.dot_dimension_numbers<[1], [1], [0], [0], [0, 0, 1, 0], [], []>, transpose_lhs_hint = false} : vector<2048x128xf32>, vector<128x128xf32>, vector<2048x128xf32> -> vector<2048x128xf32>
    %get3A_24 = arith.constant 0 : index
    %get3A_25 = arith.constant 0 : index
    %get3A_26 = vector.load %arg5[%get3A_24, %get3A_25] : memref<1x128xf32, #tpu.memory_space<vmem>>, vector<1x128xf32>
    %add3A_27 = vector.broadcast %get3A_26 : vector<1x128xf32> to vector<2048x128xf32>
    %add3A_28 = arith.addf %dot_general3A_23, %add3A_27 : vector<2048x128xf32>
    %get3A_29 = arith.constant 0 : index
    %get3A_30 = arith.constant 0 : index
    %get3A_31 = vector.load %arg3[%get3A_29, %get3A_30] : memref<2048x128xf32, #tpu.memory_space<vmem>>, vector<2048x128xf32>
    %get3A_32 = arith.constant 0 : index
    %get3A_33 = arith.constant 0 : index
    %get3A_34 = vector.load %arg6[%get3A_32, %get3A_33] : memref<128x128xf32, #tpu.memory_space<vmem>>, vector<128x128xf32>
    %dot_general3A_35 = arith.constant dense<0.000000e+00> : vector<2048x128xf32>
    %dot_general3A_36 = tpu.matmul %get3A_31, %get3A_34, %dot_general3A_35 {dimension_numbers = #tpu.dot_dimension_numbers<[1], [1], [0], [0], [0, 0, 1, 0], [], []>, transpose_lhs_hint = false} : vector<2048x128xf32>, vector<128x128xf32>, vector<2048x128xf32> -> vector<2048x128xf32>
    %add3A_37 = arith.addf %add3A_28, %dot_general3A_36 : vector<2048x128xf32>
    %get3A_38 = arith.constant 0 : index
    %get3A_39 = arith.constant 0 : index
    %get3A_40 = vector.load %arg7[%get3A_38, %get3A_39] : memref<1x128xf32, #tpu.memory_space<vmem>>, vector<1x128xf32>
    %add3A_41 = vector.broadcast %get3A_40 : vector<1x128xf32> to vector<2048x128xf32>
    %add3A_42 = arith.addf %add3A_37, %add3A_41 : vector<2048x128xf32>
    %gt3A = arith.constant 0.000000e+00 : f32
    %gt3A_43 = vector.broadcast %gt3A : f32 to vector<2048x128xf32>
    %gt3A_44 = arith.cmpf ogt, %add3A_42, %gt3A_43 : vector<2048x128xf32>
    %min3A = arith.constant 0.000000e+00 : f32
    %min3A_45 = vector.broadcast %min3A : f32 to vector<2048x128xf32>
    %min3A_46 = arith.minimumf %add3A_42, %min3A_45 : vector<2048x128xf32>
    %exp3A = math.exp %min3A_46 : vector<2048x128xf32>
    %sub3A = arith.constant 1.000000e+00 : f32
    %sub3A_47 = vector.broadcast %sub3A : f32 to vector<2048x128xf32>
    %sub3A_48 = arith.subf %exp3A, %sub3A_47 : vector<2048x128xf32>
    %select_n3A = arith.select %gt3A_44, %add3A_42, %sub3A_48 : vector<2048x128xi1>, vector<2048x128xf32>
    %reduce_max3A = arith.constant dense<0xFF800000> : vector<2048xf32>
    %reduce_max3A_49 = vector.multi_reduction <maximumf>, %select_n3A, %reduce_max3A [1] : vector<2048x128xf32> to vector<2048xf32>
    %broadcast_in_dim3A_50 = vector.shape_cast %reduce_max3A_49 : vector<2048xf32> to vector<2048x1xf32>
    %sub3A_51 = vector.broadcast %broadcast_in_dim3A_50 : vector<2048x1xf32> to vector<2048x128xf32>
    %sub3A_52 = arith.subf %select_n3A, %sub3A_51 : vector<2048x128xf32>
    %exp3A_53 = math.exp %sub3A_52 : vector<2048x128xf32>
    %reduce_sum3A = arith.constant dense<0.000000e+00> : vector<2048xf32>
    %reduce_sum3A_54 = vector.multi_reduction <add>, %exp3A_53, %reduce_sum3A [1] : vector<2048x128xf32> to vector<2048xf32>
    %broadcast_in_dim3A_55 = vector.shape_cast %reduce_sum3A_54 : vector<2048xf32> to vector<2048x1xf32>
    %log3A = math.log %broadcast_in_dim3A_55 : vector<2048x1xf32>
    %sub3A_56 = vector.broadcast %log3A : vector<2048x1xf32> to vector<2048x128xf32>
    %sub3A_57 = arith.subf %sub3A_52, %sub3A_56 : vector<2048x128xf32>
    %swap3A = arith.constant 0 : index
    %swap3A_58 = arith.constant 0 : index
    %swap3A_59 = vector.load %arg8[%swap3A, %swap3A_58] : memref<2048x128xf32, #tpu.memory_space<vmem>>, vector<2048x128xf32>
    tpu.vector_store %arg8[%swap3A, %swap3A_58], %sub3A_57 {strides = array<i32>} : memref<2048x128xf32, #tpu.memory_space<vmem>>, vector<2048x128xf32>,
    return
  }
  func.func @transform_0(%arg0: i32) -> (i32, i32, i32) {
    %c0_i32 = arith.constant 0 : i32
    %c0_i32_0 = arith.constant 0 : i32
    %c0_i32_1 = arith.constant 0 : i32
    return %c0_i32, %arg0, %c0_i32_0 : i32, i32, i32
  }
  func.func @transform_1(%arg0: i32) -> (i32, i32) {
    %c0_i32 = arith.constant 0 : i32
    %c0_i32_0 = arith.constant 0 : i32
    return %c0_i32, %arg0 : i32, i32
  }
  func.func @transform_2(%arg0: i32) -> (i32, i32) {
    %c0_i32 = arith.constant 0 : i32
    %c0_i32_0 = arith.constant 0 : i32
    return %arg0, %c0_i32 : i32, i32
  }
  func.func @transform_3(%arg0: i32) -> (i32, i32) {
    %c0_i32 = arith.constant 0 : i32
    %c0_i32_0 = arith.constant 0 : i32
    %c0_i32_1 = arith.constant 0 : i32
    return %c0_i32, %c0_i32_0 : i32, i32
  }
  func.func @transform_4(%arg0: i32) -> (i32, i32) {
    %c0_i32 = arith.constant 0 : i32
    %c0_i32_0 = arith.constant 0 : i32
    %c0_i32_1 = arith.constant 0 : i32
    return %c0_i32, %c0_i32_0 : i32, i32
  }
  func.func @transform_5(%arg0: i32) -> (i32, i32) {
    %c0_i32 = arith.constant 0 : i32
    %c0_i32_0 = arith.constant 0 : i32
    %c0_i32_1 = arith.constant 0 : i32
    return %c0_i32, %c0_i32_0 : i32, i32
  }
  func.func @transform_6(%arg0: i32) -> (i32, i32) {
    %c0_i32 = arith.constant 0 : i32
    %c0_i32_0 = arith.constant 0 : i32
    %c0_i32_1 = arith.constant 0 : i32
    return %c0_i32, %c0_i32_0 : i32, i32
  }
  func.func @transform_7(%arg0: i32) -> (i32, i32) {
    %c0_i32 = arith.constant 0 : i32
    %c0_i32_0 = arith.constant 0 : i32
    return %arg0, %c0_i32 : i32, i32
  }
}

module attributes {stable_mosaic.version = 14 : i64} {
  func.func @body(%arg0: i32, %arg1: memref<2x2048x128xf32, #tpu.memory_space<vmem>>, %arg2: memref<2x2048xf32, #tpu.memory_space<vmem>>, %arg3: memref<2048x128xf32, #tpu.memory_space<vmem>>, %arg4: memref<128x128xf32, #tpu.memory_space<vmem>>, %arg5: memref<1x128xf32, #tpu.memory_space<vmem>>, %arg6: memref<128x128xf32, #tpu.memory_space<vmem>>, %arg7: memref<1x128xf32, #tpu.memory_space<vmem>>, %arg8: memref<2048x128xf32, #tpu.memory_space<vmem>>) attributes {dimension_semantics = [#tpu.dimension_semantics<arbitrary>], iteration_bounds = array<i64: 5>, scalar_prefetch = 0 : i64, scratch_operands = 0 : i64, tpu.core_type = #tpu.core_type<tc>, window_params = [{transform_indices = @transform_0, window_bounds = array<i64: 2, 2048, 128>}, {transform_indices = @transform_1, window_bounds = array<i64: 2, 2048>}, {transform_indices = @transform_2, window_bounds = array<i64: 2048, 128>}, {pipeline_mode = #tpu.pipeline_mode<synchronous>, transform_indices = @transform_3, window_bounds = array<i64: 128, 128>}, {pipeline_mode = #tpu.pipeline_mode<synchronous>, transform_indices = @transform_4, window_bounds = array<i64: 1, 128>}, {pipeline_mode = #tpu.pipeline_mode<synchronous>, transform_indices = @transform_5, window_bounds = array<i64: 128, 128>}, {pipeline_mode = #tpu.pipeline_mode<synchronous>, transform_indices = @transform_6, window_bounds = array<i64: 1, 128>}, {transform_indices = @transform_7, window_bounds = array<i64: 2048, 128>}]} {
    %get3A = arith.constant 0 : index
    %get3A_0 = arith.constant 0 : index
    %get3A_1 = arith.constant 0 : index
    %get3A_2 = vector.load %arg1[%get3A, %get3A_0, %get3A_1] : memref<2x2048x128xf32, #tpu.memory_space<vmem>>, vector<1x2048x128xf32>
    %get3A_3 = vector.shape_cast %get3A_2 : vector<1x2048x128xf32> to vector<2048x128xf32>
    %get3A_4 = arith.constant 1 : index
    %get3A_5 = arith.constant 0 : index
    %get3A_6 = arith.constant 0 : index
    %get3A_7 = vector.load %arg1[%get3A_4, %get3A_5, %get3A_6] : memref<2x2048x128xf32, #tpu.memory_space<vmem>>, vector<1x2048x128xf32>
    %get3A_8 = vector.shape_cast %get3A_7 : vector<1x2048x128xf32> to vector<2048x128xf32>
    %add3A = arith.addf %get3A_3, %get3A_8 : vector<2048x128xf32>
    %get3A_9 = arith.constant 0 : index
    %get3A_10 = arith.constant 0 : index
    %get3A_11 = vector.load %arg2[%get3A_9, %get3A_10] : memref<2x2048xf32, #tpu.memory_space<vmem>>, vector<1x2048xf32>
    %get3A_12 = vector.shape_cast %get3A_11 : vector<1x2048xf32> to vector<2048xf32>
    %get3A_13 = arith.constant 1 : index
    %get3A_14 = arith.constant 0 : index
    %get3A_15 = vector.load %arg2[%get3A_13, %get3A_14] : memref<2x2048xf32, #tpu.memory_space<vmem>>, vector<1x2048xf32>
    %get3A_16 = vector.shape_cast %get3A_15 : vector<1x2048xf32> to vector<2048xf32>
    %add3A_17 = arith.addf %get3A_12, %get3A_16 : vector<2048xf32>
    %jit3A = arith.constant 1.000000e+00 : f32
    %max3A = vector.broadcast %jit3A : f32 to vector<2048xf32>
    %max3A_18 = arith.maximumf %max3A, %add3A_17 : vector<2048xf32>
    %broadcast_in_dim3A = vector.shape_cast %max3A_18 : vector<2048xf32> to vector<2048x1xf32>
    %div3A = vector.broadcast %broadcast_in_dim3A : vector<2048x1xf32> to vector<2048x128xf32>
    %div3A_19 = arith.divf %add3A, %div3A : vector<2048x128xf32>
    %get3A_20 = arith.constant 0 : index
    %get3A_21 = arith.constant 0 : index
    %get3A_22 = vector.load %arg4[%get3A_20, %get3A_21] : memref<128x128xf32, #tpu.memory_space<vmem>>, vector<128x128xf32>
    %dot_general3A = arith.constant dense<0.000000e+00> : vector<2048x128xf32>
    %dot_general3A_23 = tpu.matmul %div3A_19, %get3A_22, %dot_general3A {dimension_numbers = #tpu.dot_dimension_numbers<[1], [1], [0], [0], [0, 0, 1, 0], [], []>, transpose_lhs_hint = false} : vector<2048x128xf32>, vector<128x128xf32>, vector<2048x128xf32> -> vector<2048x128xf32>
    %get3A_24 = arith.constant 0 : index
    %get3A_25 = arith.constant 0 : index
    %get3A_26 = vector.load %arg5[%get3A_24, %get3A_25] : memref<1x128xf32, #tpu.memory_space<vmem>>, vector<1x128xf32>
    %add3A_27 = vector.broadcast %get3A_26 : vector<1x128xf32> to vector<2048x128xf32>
    %add3A_28 = arith.addf %dot_general3A_23, %add3A_27 : vector<2048x128xf32>
    %get3A_29 = arith.constant 0 : index
    %get3A_30 = arith.constant 0 : index
    %get3A_31 = vector.load %arg3[%get3A_29, %get3A_30] : memref<2048x128xf32, #tpu.memory_space<vmem>>, vector<2048x128xf32>
    %get3A_32 = arith.constant 0 : index
    %get3A_33 = arith.constant 0 : index
    %get3A_34 = vector.load %arg6[%get3A_32, %get3A_33] : memref<128x128xf32, #tpu.memory_space<vmem>>, vector<128x128xf32>
    %dot_general3A_35 = arith.constant dense<0.000000e+00> : vector<2048x128xf32>
    %dot_general3A_36 = tpu.matmul %get3A_31, %get3A_34, %dot_general3A_35 {dimension_numbers = #tpu.dot_dimension_numbers<[1], [1], [0], [0], [0, 0, 1, 0], [], []>, transpose_lhs_hint = false} : vector<2048x128xf32>, vector<128x128xf32>, vector<2048x128xf32> -> vector<2048x128xf32>
    %add3A_37 = arith.addf %add3A_28, %dot_general3A_36 : vector<2048x128xf32>
    %get3A_38 = arith.constant 0 : index
    %get3A_39 = arith.constant 0 : index
    %get3A_40 = vector.load %arg7[%get3A_38, %get3A_39] : memref<1x128xf32, #tpu.memory_space<vmem>>, vector<1x128xf32>
    %add3A_41 = vector.broadcast %get3A_40 : vector<1x128xf32> to vector<2048x128xf32>
    %add3A_42 = arith.addf %add3A_37, %add3A_41 : vector<2048x128xf32>
    %gt3A = arith.constant 0.000000e+00 : f32
    %gt3A_43 = vector.broadcast %gt3A : f32 to vector<2048x128xf32>
    %gt3A_44 = arith.cmpf ogt, %add3A_42, %gt3A_43 : vector<2048x128xf32>
    %min3A = arith.constant 0.000000e+00 : f32
    %min3A_45 = vector.broadcast %min3A : f32 to vector<2048x128xf32>
    %min3A_46 = arith.minimumf %add3A_42, %min3A_45 : vector<2048x128xf32>
    %exp3A = math.exp %min3A_46 : vector<2048x128xf32>
    %sub3A = arith.constant 1.000000e+00 : f32
    %sub3A_47 = vector.broadcast %sub3A : f32 to vector<2048x128xf32>
    %sub3A_48 = arith.subf %exp3A, %sub3A_47 : vector<2048x128xf32>
    %select_n3A = arith.select %gt3A_44, %add3A_42, %sub3A_48 : vector<2048x128xi1>, vector<2048x128xf32>
    %swap3A = arith.constant 0 : index
    %swap3A_49 = arith.constant 0 : index
    %swap3A_50 = vector.load %arg8[%swap3A, %swap3A_49] : memref<2048x128xf32, #tpu.memory_space<vmem>>, vector<2048x128xf32>
    tpu.vector_store %arg8[%swap3A, %swap3A_49], %select_n3A {strides = array<i32>} : memref<2048x128xf32, #tpu.memory_space<vmem>>, vector<2048x128xf32>,
    return
  }
  func.func @transform_0(%arg0: i32) -> (i32, i32, i32) {
    %c0_i32 = arith.constant 0 : i32
    %c0_i32_0 = arith.constant 0 : i32
    %c0_i32_1 = arith.constant 0 : i32
    return %c0_i32, %arg0, %c0_i32_0 : i32, i32, i32
  }
  func.func @transform_1(%arg0: i32) -> (i32, i32) {
    %c0_i32 = arith.constant 0 : i32
    %c0_i32_0 = arith.constant 0 : i32
    return %c0_i32, %arg0 : i32, i32
  }
  func.func @transform_2(%arg0: i32) -> (i32, i32) {
    %c0_i32 = arith.constant 0 : i32
    %c0_i32_0 = arith.constant 0 : i32
    return %arg0, %c0_i32 : i32, i32
  }
  func.func @transform_3(%arg0: i32) -> (i32, i32) {
    %c0_i32 = arith.constant 0 : i32
    %c0_i32_0 = arith.constant 0 : i32
    %c0_i32_1 = arith.constant 0 : i32
    return %c0_i32, %c0_i32_0 : i32, i32
  }
  func.func @transform_4(%arg0: i32) -> (i32, i32) {
    %c0_i32 = arith.constant 0 : i32
    %c0_i32_0 = arith.constant 0 : i32
    %c0_i32_1 = arith.constant 0 : i32
    return %c0_i32, %c0_i32_0 : i32, i32
  }
  func.func @transform_5(%arg0: i32) -> (i32, i32) {
    %c0_i32 = arith.constant 0 : i32
    %c0_i32_0 = arith.constant 0 : i32
    %c0_i32_1 = arith.constant 0 : i32
    return %c0_i32, %c0_i32_0 : i32, i32
  }
  func.func @transform_6(%arg0: i32) -> (i32, i32) {
    %c0_i32 = arith.constant 0 : i32
    %c0_i32_0 = arith.constant 0 : i32
    %c0_i32_1 = arith.constant 0 : i32
    return %c0_i32, %c0_i32_0 : i32, i32
  }
  func.func @transform_7(%arg0: i32) -> (i32, i32) {
    %c0_i32 = arith.constant 0 : i32
    %c0_i32_0 = arith.constant 0 : i32
    return %arg0, %c0_i32 : i32, i32
  }
}

</mosaic_0001>

<sc_bundles>
// kernel: kernel.6.cloned.1.call-start
scs
__scs_entry_jumppad:
0x0: {  	(pc) =	sbr.rel $0x88, $3  }
0x1: {  	(tag) =	ssettag $0x0;
	lr =	simm.s32 $0x1  }
0x2: {  	[smem:$0x3F97] =	sst lr;
	_ =	strace $0xD0000000  }
0x3: {  	_ = 	snop  }
0x4: {  	_ = 	snop  }
0x5: {  	_ = 	snop  }
0x6: {  	_ = 	snop  }
0x7: {  	_ = 	snop  }
__scs_overlays_trampoline_lowered:
0x8: {  	[smem:$0x3FA6] =	sst s0  }
0x9: {  	[smem:$0x3FA7] =	sst s1  }
0xa: {  	[smem:$0x3FA8] =	sst s2  }
0xb: {  	[smem:$0x3FA9] =	sst s3  }
0xc: {  	[smem:$0x3FAA] =	sst s4  }
0xd: {  	[smem:$0x3FAB] =	sst s5  }
0xe: {  	[smem:$0x3FAC] =	sst s6  }
0xf: {  	[smem:$0x3FAD] =	sst s7  }
0x10: {  	[smem:$0x3FAE] =	sst s8  }
0x11: {  	[smem:$0x3FAF] =	sst s9;
	s0 =	simm.s32 @!p0 $0x0  }
0x12: {  	s1 =	sld [smem:$0x3F95];
	s0 =	simm.s32 @p0 $0x1  }
0x13: {  	[smem:$0x3FB0] =	sst s0;
	s0 =	simm.s32 @!p1 $0x0  }
0x14: {  	s2 =	sld [smem:$0x3F94];
	s0 =	simm.s32 @p1 $0x1  }
0x15: {  	[smem:$0x3FB1] =	sst s0;
	s0 =	simm.s32 @!p2 $0x0  }
0x16: {  	s3 =	sld [smem:$0x3FDB];
	s0 =	simm.s32 @p2 $0x1  }
0x17: {  	s4 =	simm.s32 $0x1BF5;
	[smem:$0x3FB3] =	sst s0  }
0x18: {  	s0 =	sld [smem:$0x3F96];
	_ =	swait.ge [sflag:s4], $0x0  }
0x19: {  	s7 =	sld [smem:$0x3F97]  }
0x1a: {  	s8 =	sadd.s32 $0xFFFFE003, lr  }
0x1b: {  	s9 =	sadd.s32 $0xFFFFFEF7, lr;
	s5 =	simm.s32 $0xFFFFFFFF;
	p2 =	slt.u32 s8, $0xFFFFF086  }
0x1c: {  	p1 =	slt.u32 s9, $0xF7A;
	s5 =	simm.s32 @!p2 $0x0  }
0x1d: {  	s5 =	simm.s32 @p1 $0x1;
	p0 =	seq.s32 s7, s2  }
0x1e: {  	s7 =	smul.u32 @!p0 $0xF7A, s2;
	p2 =	seq.s32 @!p0 s5, $0x0  }
0x1f: {  	s9 =	smul.u32 $0xF7A, s1;
	s8 =	simm.s32 @!p0 $0x1BF5;
	p2 =	por !p2, p0  }
0x20: {  	[sflag:s8] =	ssyncset.s32 @!p0 $0xFFFFF086;
	s6 =	sadd.s32 @!p0 s3, s7;
	s7 =	simm.s32 @!p0 $0x108  }
0x21: {  	s3 =	sadd.s32 s3, s9;
	s6 =	sadd.s32 @!p0 $0x88, s6;
	s7 =	simm.s32 @p2 $0x1082  }
0x22: {  	[simem:s7], [sflag:s8] =	dma.local @!p0 [hbm:s6], $0xF7A  }
0x23: {  	s9 =	sor.u32 $0xD0000000, s2;
	s6 =	simm.s32 $0x108;
	_ =	swait.ge @!p0 [sflag:s8], $0x0  }
0x24: {  	s3 =	sadd.s32 $0x88, s3;
	s6 =	simm.s32 @!p1 $0x1082;
	[sflag:s4] =	ssyncset.s32 $0xFFFFF086  }
0x25: {  	[simem:s6], [sflag:s4] =	dma.local [hbm:s3], $0xF7A  }
0x26: {  	[smem:$0x3F97] =	sst s1;
	(tag) =	ssettag s2;
	_ =	strace s9  }
0x27: {  	s1 =	sld [smem:$0x3FA7]  }
0x28: {  	s2 =	sld [smem:$0x3FA8]  }
0x29: {  	s4 =	sld [smem:$0x3FAA]  }
0x2a: {  	p0 =	seq.s32 s5, $0x0;
	s5 =	sld [smem:$0x3FAB]  }
0x2b: {  	s6 =	sld [smem:$0x3FAC]  }
0x2c: {  	s7 =	sld [smem:$0x3FAD]  }
0x2d: {  	s3 =	simm.s32 $0x108;
	s8 =	sld [smem:$0x3FAE]  }
0x2e: {  	s3 =	simm.s32 @!p0 $0x1082;
	s9 =	sld [smem:$0x3FAF]  }
0x2f: {  	lr =	sadd.s32 s0, s3;
	s0 =	sld [smem:$0x3FA6]  }
0x30: {  	s3 =	sld [smem:$0x3FA9]  }
0x31: {  	[smem:$0x3FB2] =	sst s10  }
0x32: {  	s10 =	sld [smem:$0x3FB0];
	_ =	sdelay $0x3  }
0x33: {  	p0 =	seq.s32 s10, $0x1;
	s10 =	sld [smem:$0x3FB2];
	_ =	sdelay $0x3  }
0x34: {  	[smem:$0x3FB2] =	sst s10  }
0x35: {  	s10 =	sld [smem:$0x3FB1];
	_ =	sdelay $0x3  }
0x36: {  	p1 =	seq.s32 s10, $0x1;
	s10 =	sld [smem:$0x3FB2];
	_ =	sdelay $0x3  }
0x37: {  	[smem:$0x3FB2] =	sst s10  }
0x38: {  	s10 =	sld [smem:$0x3FB3]  }
0x39: {  	_ = 	snop;
	(pc) =	sbr.ind lr, $3  }
0x3a: {  	_ = 	snop  }
0x3b: {  	_ = 	snop  }
0x3c: {  	p2 =	seq.s32 s10, $0x1;
	s10 =	sld [smem:$0x3FB2]  }
0x3d: {  	_ =	shalt  }
0x3e: {  	_ =	shalt  }
0x3f: {  	_ =	shalt  }
0x40: {  	_ =	shalt  }
0x41: {  	_ =	shalt  }
0x42: {  	_ =	shalt  }
0x43: {  	_ =	shalt  }
0x44: {  	_ =	shalt  }
0x45: {  	_ =	shalt  }
0x46: {  	_ =	shalt  }
0x47: {  	_ =	shalt  }
0x48: {  	_ =	shalt  }
0x49: {  	_ =	shalt  }
0x4a: {  	_ =	shalt  }
0x4b: {  	_ =	shalt  }
0x4c: {  	_ =	shalt  }
0x4d: {  	_ =	shalt  }
0x4e: {  	_ =	shalt  }
0x4f: {  	_ =	shalt  }
0x50: {  	_ =	shalt  }
0x51: {  	_ =	shalt  }
0x52: {  	_ =	shalt  }
0x53: {  	_ =	shalt  }
0x54: {  	_ =	shalt  }
0x55: {  	_ =	shalt  }
0x56: {  	_ =	shalt  }
0x57: {  	_ =	shalt  }
0x58: {  	_ =	shalt  }
0x59: {  	_ =	shalt  }
0x5a: {  	_ =	shalt  }
0x5b: {  	_ =	shalt  }
0x5c: {  	_ =	shalt  }
0x5d: {  	_ =	shalt  }
0x5e: {  	_ =	shalt  }
0x5f: {  	_ =	shalt  }
0x60: {  	_ =	shalt  }
0x61: {  	_ =	shalt  }
0x62: {  	_ =	shalt  }
0x63: {  	_ =	shalt  }
0x64: {  	_ =	shalt  }
0x65: {  	_ =	shalt  }
0x66: {  	_ =	shalt  }
0x67: {  	_ =	shalt  }
0x68: {  	_ =	shalt  }
0x69: {  	_ =	shalt  }
0x6a: {  	_ =	shalt  }
0x6b: {  	_ =	shalt  }
0x6c: {  	_ =	shalt  }
0x6d: {  	_ =	shalt  }
0x6e: {  	_ =	shalt  }
0x6f: {  	_ =	shalt  }
0x70: {  	_ =	shalt  }
0x71: {  	_ =	shalt  }
0x72: {  	_ =	shalt  }
0x73: {  	_ =	shalt  }
0x74: {  	_ =	shalt  }
0x75: {  	_ =	shalt  }
0x76: {  	_ =	shalt  }
0x77: {  	_ =	shalt  }
0x78: {  	_ =	shalt  }
0x79: {  	_ =	shalt  }
0x7a: {  	_ =	shalt  }
0x7b: {  	_ =	shalt  }
0x7c: {  	_ =	shalt  }
0x7d: {  	_ =	shalt  }
0x7e: {  	_ =	shalt  }
0x7f: {  	_ =	shalt  }
0x80: {  	_ =	shalt  }
0x81: {  	_ =	shalt  }
0x82: {  	_ =	shalt  }
0x83: {  	_ =	shalt  }
0x84: {  	_ =	shalt  }
0x85: {  	_ =	shalt  }
0x86: {  	_ =	shalt  }
0x87: {  	_ =	shalt  }
.Lfunc_end0:
.L_simem_size_0:
called_computation_lowered:
.L_overlay_start_0:
0x88: {  	s2 =	sld [smem:$0x3FD9]  }
0x89: {  	s3 =	sld [smem:$0x3FFE];
	_ =	sdelay $0x1  }
0x8a: {  	s1 =	srdreg.scid  }
0x8b: {  	s0 =	sand.u32 $0x1, s1  }
0x8c: {  	s17 =	sshll.u32 s0, $0xA;
	s2 =	sadd.s32 s3, s2  }
0x8d: {  	s2 =	sadd.s32 s2, s17  }
0x8e: {  	[smem:$0x3FBE] =	sst s2  }
0x8f: {  	_ = 	snop  }
0x90: {  	s2 =	sld [smem:$0x3FC9];
	(tm) =	ssettm $0x1  }
0x91: {  	s18 =	sld [smem:$0x3FFB];
	_ =	sdelay $0x3  }
0x92: {  	_ =	strace s18  }
0x93: {  	s3 =	sld [smem:$0x3FFC];
	_ =	sdelay $0x3  }
0x94: {  	_ =	strace s3  }
0x95: {  	s3 =	sld [smem:$0x3FFD];
	_ =	sdelay $0x3  }
0x96: {  	_ =	strace s3  }
0x97: {  	_ =	strace $0x8FFFFFFF  }
0x98: {  	s19 =	sld [smem:$0x3FDB];
	_ =	sdelay $0x1  }
0x99: {  	s4 =	simm.s32 $_scs_section_size  }
0x9a: {  	s5 =	simm.s32 $_size__tile_overlayer_lowered;
	s6 =	simm.s32 $_tile_overlayer_lowered  }
0x9b: {  	s22 =	simm.s32 $0x1BFF;
	s21 =	sshll.u32 s6, $0x1;
	s3 =	sadd.s32 s4, s19  }
0x9c: {  	s7 =	simm.s32 $0x0;
	s20 =	sshll.u32 s5, $0x1;
	s5 =	sadd.s32 s21, s3  }
0x9d: {  	[timem:s7], [sflag:s22] =	dma.local [hbm:s5], s20  }
0x9e: {  	_ =	swait.ge [sflag:s22], s20  }
0x9f: {  	s4 =	ssub.s32 $0x0, s20;
	[sflag:s22] =	ssyncset.done $0x0  }
0xa0: {  	[sflag:s22] =	ssyncadd.s32 s4;
	_ =	sdelay $0x1  }
0xa1: {  	s23 =	simm.s32 $0x1B8B  }
0xa2: {  	_ =	swait.ge [sflag:s23], $0x1  }
0xa3: {  	[sflag:s23] =	ssyncset.done $0x0  }
0xa4: {  	s25 =	simm.s32 $0x1B8E;
	s24 =	sld [smem:$0x3FFE];
	[sflag:s23] =	ssyncadd.s32 $0xFFFFFFFF  }
0xa5: {  	s26 =	simm.s32 $execute0_lowered;
	[smem:$0x3FD2] =	sst s25  }
0xa6: {  	s5 =	sshll.u32 s26, $0x1;
	_ =	strace $0x80000046;
	[dreg:$0x1] =	wrdreg $0xFFFFFFFF  }
0xa7: {  	s28 =	simm.s32 $_size_execute0_lowered;
	s3 =	sadd.s32 s3, s5;
	[dreg:$0x0] =	wrdreg $0x0  }
0xa8: {  	s5 =	sshll.u32 s28, $0x1;
	[dreg:$0x2] =	wrdreg s3  }
0xa9: {  	[dreg:$0x3] =	wrdreg s5  }
0xaa: {  	[dreg:$0x4] =	wrdreg $0xC0  }
0xab: {  	_ =	task [dreg:s7], $0x5FFFF  }
0xac: {  	[dreg:$0x1] =	wrdreg $0xFFFFFFFF  }
0xad: {  	[dreg:$0x0] =	wrdreg $0x60  }
0xae: {  	[dreg:$0x2] =	wrdreg s2  }
0xaf: {  	[dreg:$0x3] =	wrdreg s24  }
0xb0: {  	[dreg:$0x4] =	wrdreg $0x90000  }
0xb1: {  	[dreg:$0x5] =	wrdreg $0x1D3000  }
0xb2: {  	[dreg:$0x6] =	wrdreg $0x9  }
0xb3: {  	_ =	task.clear_ibuf [dreg:s7], $0x7FFFF;
	_ =	strace $0x90000046  }
0xb4: {  	s29 =	simm.s32 $0x9;
	_ =	strace $0x80000048  }
0xb5: {  	_ =	swait.ge [sflag:s29], $0x1  }
0xb6: {  	[sflag:s29] =	ssyncadd.s32 $0xFFFFFFFF  }
0xb7: {  	_ =	strace $0x90000048  }
0xb8: {  	_ =	sfence  }
0xb9: {  	s30 =	sld [smem:$0x0];
	_ =	sdelay $0x2  }
0xba: {  	s31 =	sshll.u32 s1, $0xD;
	s1 =	sshrl.u32 s1, $0x2  }
0xbb: {  	s3 =	sand.u32 $0x4000, s31;
	s1 =	sadd.s32 s1, s30  }
0xbc: {  	s0 =	sor.u32 s3, s0;
	s1 =	sshll.u32 s1, $0x11  }
0xbd: {  	s0 =	sor.u32 s1, s0  }
0xbe: {  	s0 =	sadd.s32 $0x8F2B, s0  }
0xbf: {  	[sflag:s0] =	ssyncadd.remote.s32 $0x1  }
0xc0: {  	_ =	sfence.sel $0xFFFF  }
0xc1: {  	[dreg:$0x0] =	wrdreg $0xFFFFFFFF;
	(pc) =	sbr.abs _section_cstart, $3  }
0xc2: {  	[dreg:$0x1] =	wrdreg $0xFFFFFFFF  }
0xc3: {  	_ =	task.clear_ibuf [dreg:s7], $0x2FFFF;
	_ =	strace $0x9FFFFFFF  }
0xc4: {  	(tm) =	ssettm $0x7FFFFFFF  }
0xc5: {  	_ =	shalt  }
tec
execute0_lowered:
.L_overlay_start_1:
0x0: {  	(tag) =	ssettag $0x1  }
0x1: {  	s1 =	rddreg [dreg:$0x0]  }
0x2: {  	s0 =	srdreg.scid;
	s6 =	rddreg [dreg:$0x1]  }
0x3: {  	s10 =	stileid.u32;
	s3 =	rddreg [dreg:$0x2]  }
0x4: {  	s4 =	rddreg [dreg:$0x3];
	s5 =	simm.s32 $0x0;
	s8 =	smul.u32 $0x14000, s10  }
0x5: {  	s0 =	sand.u32 $0x1, s0;
	s2 =	sshll.u32 s10, $0x1;
	s24 =	smul.u32 $0x50000, s10  }
0x6: {  	[smem:$0x7FF] =	sst s5;
	s2 =	sor.u32 s0, s2;
	s7 =	smul.u32 $0x140000, s0  }
0x7: {  	_ =	strace $0x80000047;
	s9 =	sshll.u32 s0, $0x4;
	s0 =	ssub.s32 $0x2, s0  }
0x8: {  	s2 =	smul.u32 $0x5000, s2;
	s9 =	sadd.s32 s9, s6;
	s25 =	sshrl.u32 s0, $0x1  }
0x9: {  	s7 =	sadd.s32 s8, s7;
	s8 =	sshrl.u32 s24, $0x2;
	s0 =	ssub.s32 s0, s25  }
0xa: {  	s25 =	sadd.s32 $0x7B000, s9;
	s2 =	sshrl.u32 s2, $0x3;
	s7 =	sshrl.u32 s7, $0x3  }
0xb: {  	[dreg:$0x16] =	wrdreg s25;
	s0 =	smax.u32 s0, $0x1;
	s2 =	sadd.s32 s2, s6  }
0xc: {  	s7 =	sadd.s32 s7, s6;
	[dreg:$0x17] =	wrdreg s0;
	s11 =	sadd.s32 $0x3000, s2  }
0xd: {  	s6 =	sadd.s32 s8, s3;
	s28 =	sadd.s32 $0x17000, s2;
	[dreg:$0x5] =	wrdreg s11  }
0xe: {  	s12 =	sadd.s32 $0x2800, s6;
	[dreg:$0x6] =	wrdreg s28  }
0xf: {  	s13 =	sadd.s32 $0x5000, s6;
	[dreg:$0x7] =	wrdreg s12  }
0x10: {  	s26 =	smul.u32 $0xA00, s10;
	s14 =	sadd.s32 $0x7800, s6;
	[dreg:$0x8] =	wrdreg s13  }
0x11: {  	s15 =	sadd.s32 $0xA000, s6;
	[dreg:$0x9] =	wrdreg s14  }
0x12: {  	s8 =	sshrl.u32 s26, $0x2;
	s16 =	sadd.s32 $0xC800, s6;
	[dreg:$0xa] =	wrdreg s15  }
0x13: {  	s8 =	sadd.s32 s8, s4;
	[dreg:$0xb] =	wrdreg s16  }
0x14: {  	s17 =	sadd.s32 $0x3200, s2;
	[dreg:$0xc] =	wrdreg s8  }
0x15: {  	s18 =	sadd.s32 $0x17200, s2;
	[dreg:$0xd] =	wrdreg s17  }
0x16: {  	s30 =	simm.s32 $0x4000;
	s19 =	sadd.s32 $0x3400, s2;
	[dreg:$0xe] =	wrdreg s18  }
0x17: {  	s31 =	simm.s32 $0x1000;
	s20 =	sadd.s32 $0x17400, s2;
	[dreg:$0xf] =	wrdreg s19  }
0x18: {  	s29 =	simm.s32 $0x3000;
	s21 =	sadd.s32 $0x3600, s2;
	[dreg:$0x10] =	wrdreg s20  }
0x19: {  	p0 =	sne.s32 s10, $0x0;
	s22 =	sadd.s32 $0x17600, s2;
	[dreg:$0x11] =	wrdreg s21  }
0x1a: {  	s10 =	simm.s32 $0x6800;
	s23 =	sadd.s32 $0x3800, s2;
	[dreg:$0x12] =	wrdreg s22  }
0x1b: {  	s9 =	simm.s32 $0x80;
	s2 =	sadd.s32 $0x17800, s2;
	[dreg:$0x13] =	wrdreg s23  }
0x1c: {  	s0 =	simm.s32 $0x3B80;
	s24 =	sadd.s32 $0x2B000, s7;
	[dreg:$0x14] =	wrdreg s2  }
0x1d: {  	s26 =	sadd.s32 $0xF000, s6;
	s7 =	simm.s32 $0x3;
	[dreg:$0x15] =	wrdreg s24  }
0x1e: {  	[dreg:$0x18] =	wrdreg s26;
	s28 =	sadd.s32 $0x11800, s6;
	s22 =	simm.s32 $0x2000  }
0x1f: {  	s2 =	simm.s32 $0x5;
	s8 =	simm.s32 $0x50;
	s11 =	simm.s32 $0x1  }
0x20: {  	s12 =	simm.s32 $0x6;
	s13 =	simm.s32 $0x1D280;
	s14 =	simm.s32 $0x2  }
0x21: {  	s15 =	simm.s32 $0x2B00;
	s16 =	simm.s32 $0xC00;
	s17 =	simm.s32 $0x2B80  }
0x22: {  	s18 =	simm.s32 $0x2C00;
	s19 =	simm.s32 $0x4;
	s21 =	simm.s32 $0x3B00  }
0x23: {  	v0 =	vimm.f32 $0.0e+00;
	v1 =	vimm.f32 $1.000000000e+00;
	s23 =	simm.s32 $0x3C00;
	s24 =	simm.s32 $0x0;
	[dreg:$0x19] =	wrdreg s28  }
.LBB2_1:
0x24: {  	s20 =	rddreg [dreg:$0x5]  }
0x25: {  	[tilespmem:s5], [sflag:$0x3] =	stream.linear.gather [hbm4b:s20+s5], $0xC80, $0x38;
	[tilespmem:$0x1D580] =	vst v63  }
0x26: {  	s28 =	rddreg [dreg:$0x6];
	s25 =	simm.s32 $0x0;
	s26 =	simm.s32 $0x200  }
0x27: {  	[tilespmem:s22], [sflag:$0x3] =	stream.linear.gather [hbm4b:s28+s5], $0xC80, $0x38;
	[tilespmem:$0x1D580] =	vst v63  }
.LBB2_2:
0x28: {  	p1 =	sne.s32 s26, $0x9E00;
	[tilespmem:s25+$0x4070] =	vst v0  }
0x29: {  	[tilespmem:s25+$0x4000] =	vst v0  }
0x2a: {  	[tilespmem:s25+$0x4010] =	vst v0  }
.Ltmp0:
0x2b: {  	[tilespmem:s25+$0x4020] =	vst v0;
	(pc) =	sbr.rel @p1 .LBB2_2-.Ltmp0, $4  }
0x2c: {  	[tilespmem:s25+$0x4030] =	vst v0  }
0x2d: {  	[tilespmem:s25+$0x4040] =	vst v0  }
0x2e: {  	[tilespmem:s25+$0x4050] =	vst v0  }
0x2f: {  	[tilespmem:s25+$0x4060] =	vst v0;
	s25 =	sshra.s32 s26, $0x2;
	s26 =	sadd.s32 $0x200, s26  }
0x30: {  	[tilespmem:s25+$0x4070] =	vst v0  }
0x31: {  	[tilespmem:s25+$0x4000] =	vst v0  }
0x32: {  	[tilespmem:s25+$0x4010] =	vst v0  }
0x33: {  	[tilespmem:s25+$0x4020] =	vst v0  }
0x34: {  	[tilespmem:s25+$0x4030] =	vst v0  }
0x35: {  	[tilespmem:s25+$0x4040] =	vst v0  }
0x36: {  	[tilespmem:s25+$0x4050] =	vst v0  }
0x37: {  	[tilespmem:s25+$0x4060] =	vst v0  }
0x38: {  	[spmem:s6] =	stream.linear.scatter [tilespmem:s30], [sflag:$0x5], $0x2800, $0x38;
	[tilespmem:$0x1D580] =	vst v63  }
0x39: {  	s20 =	rddreg [dreg:$0x7]  }
0x3a: {  	[spmem:s20] =	stream.linear.scatter [tilespmem:s30], [sflag:$0x5], $0x2800, $0x38;
	[tilespmem:$0x1D580] =	vst v63  }
0x3b: {  	s26 =	rddreg [dreg:$0x8]  }
0x3c: {  	[spmem:s26] =	stream.linear.scatter [tilespmem:s30], [sflag:$0x5], $0x2800, $0x38;
	[tilespmem:$0x1D580] =	vst v63  }
0x3d: {  	s28 =	rddreg [dreg:$0x9]  }
0x3e: {  	[spmem:s28] =	stream.linear.scatter [tilespmem:s30], [sflag:$0x5], $0x2800, $0x38;
	[tilespmem:$0x1D580] =	vst v63  }
0x3f: {  	s25 =	rddreg [dreg:$0xa]  }
0x40: {  	[spmem:s25] =	stream.linear.scatter [tilespmem:s30], [sflag:$0x5], $0x2800, $0x38;
	[tilespmem:$0x1D580] =	vst v63  }
0x41: {  	s26 =	rddreg [dreg:$0xb]  }
0x42: {  	[spmem:s26] =	stream.linear.scatter [tilespmem:s30], [sflag:$0x5], $0x2800, $0x38;
	[tilespmem:$0x1D580] =	vst v63  }
0x43: {  	s28 =	rddreg [dreg:$0x18]  }
0x44: {  	[spmem:s28] =	stream.linear.scatter [tilespmem:s30], [sflag:$0x5], $0x2800, $0x38;
	[tilespmem:$0x1D580] =	vst v63  }
0x45: {  	s25 =	rddreg [dreg:$0x19]  }
0x46: {  	[spmem:s25] =	stream.linear.scatter [tilespmem:s30], [sflag:$0x5], $0x2800, $0x38;
	[tilespmem:$0x1D580] =	vst v63  }
0x47: {  	[tilespmem:$0x1D000] =	vst v0  }
0x48: {  	[tilespmem:$0x1D010] =	vst v0  }
0x49: {  	[tilespmem:$0x1D020] =	vst v0  }
0x4a: {  	[tilespmem:$0x1D030] =	vst v0  }
0x4b: {  	[tilespmem:$0x1D040] =	vst v0  }
0x4c: {  	[tilespmem:$0x1D050] =	vst v0  }
0x4d: {  	[tilespmem:$0x1D060] =	vst v0  }
0x4e: {  	[tilespmem:$0x1D070] =	vst v0  }
0x4f: {  	[tilespmem:$0x1D080] =	vst v0  }
0x50: {  	[tilespmem:$0x1D090] =	vst v0  }
0x51: {  	[tilespmem:$0x1D0A0] =	vst v0  }
0x52: {  	[tilespmem:$0x1D0B0] =	vst v0  }
0x53: {  	[tilespmem:$0x1D0C0] =	vst v0  }
0x54: {  	[tilespmem:$0x1D0D0] =	vst v0  }
0x55: {  	[tilespmem:$0x1D0E0] =	vst v0  }
0x56: {  	[tilespmem:$0x1D0F0] =	vst v0  }
0x57: {  	[tilespmem:$0x1D100] =	vst v0  }
0x58: {  	[tilespmem:$0x1D110] =	vst v0  }
0x59: {  	[tilespmem:$0x1D120] =	vst v0  }
0x5a: {  	[tilespmem:$0x1D130] =	vst v0  }
0x5b: {  	[tilespmem:$0x1D140] =	vst v0  }
0x5c: {  	[tilespmem:$0x1D150] =	vst v0  }
0x5d: {  	[tilespmem:$0x1D160] =	vst v0  }
0x5e: {  	[tilespmem:$0x1D170] =	vst v0  }
0x5f: {  	[tilespmem:$0x1D180] =	vst v0  }
0x60: {  	[tilespmem:$0x1D190] =	vst v0  }
0x61: {  	[tilespmem:$0x1D1A0] =	vst v0  }
0x62: {  	[tilespmem:$0x1D1B0] =	vst v0  }
0x63: {  	[tilespmem:$0x1D1C0] =	vst v0  }
0x64: {  	[tilespmem:$0x1D1D0] =	vst v0  }
0x65: {  	[tilespmem:$0x1D1E0] =	vst v0  }
0x66: {  	[tilespmem:$0x1D1F0] =	vst v0  }
0x67: {  	[tilespmem:$0x1D200] =	vst v0  }
0x68: {  	[tilespmem:$0x1D210] =	vst v0  }
0x69: {  	[tilespmem:$0x1D220] =	vst v0  }
0x6a: {  	[tilespmem:$0x1D230] =	vst v0  }
0x6b: {  	[tilespmem:$0x1D240] =	vst v0  }
0x6c: {  	[tilespmem:$0x1D250] =	vst v0  }
0x6d: {  	[tilespmem:$0x1D260] =	vst v0  }
0x6e: {  	s26 =	rddreg [dreg:$0xc];
	s28 =	simm.s32 $0x1D000;
	[tilespmem:$0x1D270] =	vst v0  }
0x6f: {  	[spmem:s26] =	stream.linear.scatter [tilespmem:s28], [sflag:$0x5], $0x280, $0x38;
	[tilespmem:$0x1D580] =	vst v63  }
0x70: {  	[tilespmem:$0x1D280] =	vst v1  }
0x71: {  	[tilespmem:$0x1D290] =	vst v1  }
0x72: {  	[tilespmem:$0x1D2A0] =	vst v1  }
0x73: {  	[tilespmem:$0x1D2B0] =	vst v1  }
0x74: {  	[tilespmem:$0x1D2C0] =	vst v1  }
0x75: {  	_ =	swait.ge [sflag:s2], $0x280  }
0x76: {  	[sflag:s2] =	ssyncset.done $0x0  }
0x77: {  	[sflag:s2] =	ssyncadd.s32 $0xFFFFFD80  }
0x78: {  	_ =	swait.ge [sflag:s2], $0x2800  }
0x79: {  	[sflag:s2] =	ssyncset.done $0x0  }
0x7a: {  	[sflag:s2] =	ssyncadd.s32 $0xFFFFD800  }
0x7b: {  	_ =	swait.ge [sflag:s2], $0x2800  }
0x7c: {  	[sflag:s2] =	ssyncset.done $0x0  }
0x7d: {  	[sflag:s2] =	ssyncadd.s32 $0xFFFFD800  }
0x7e: {  	_ =	swait.ge [sflag:s2], $0x2800  }
0x7f: {  	[sflag:s2] =	ssyncset.done $0x0  }
0x80: {  	[sflag:s2] =	ssyncadd.s32 $0xFFFFD800  }
0x81: {  	_ =	swait.ge [sflag:s2], $0x2800  }
0x82: {  	[sflag:s2] =	ssyncset.done $0x0  }
0x83: {  	[sflag:s2] =	ssyncadd.s32 $0xFFFFD800  }
0x84: {  	_ =	swait.ge [sflag:s2], $0x2800  }
0x85: {  	[sflag:s2] =	ssyncset.done $0x0  }
0x86: {  	[sflag:s2] =	ssyncadd.s32 $0xFFFFD800  }
0x87: {  	_ =	swait.ge [sflag:s2], $0x2800  }
0x88: {  	[sflag:s2] =	ssyncset.done $0x0  }
0x89: {  	[sflag:s2] =	ssyncadd.s32 $0xFFFFD800  }
0x8a: {  	_ =	swait.ge [sflag:s2], $0x2800  }
0x8b: {  	[sflag:s2] =	ssyncset.done $0x0  }
0x8c: {  	[sflag:s2] =	ssyncadd.s32 $0xFFFFD800  }
0x8d: {  	_ =	swait.ge [sflag:s2], $0x2800  }
0x8e: {  	[sflag:s2] =	ssyncset.done $0x0  }
0x8f: {  	[sflag:s2] =	ssyncadd.s32 $0xFFFFD800  }
0x90: {  	[bflag:$0x0] =	sbarrier.arrive $0xFFFF  }
0x91: {  	s25 =	simm.s32 $0x0;
	s26 =	rddreg [dreg:$0xd]  }
0x92: {  	[tilespmem:s31], [sflag:$0x4] =	stream.linear.gather [hbm4b:s26+s25], $0xC80, $0x38;
	[tilespmem:$0x1D580] =	vst v63  }
0x93: {  	s28 =	rddreg [dreg:$0xe]  }
0x94: {  	[tilespmem:s29], [sflag:$0x4] =	stream.linear.gather [hbm4b:s28+s25], $0xC80, $0x38;
	[tilespmem:$0x1D580] =	vst v63  }
0x95: {  	_ =	swait.ge [sflag:s7], $0xC80  }
0x96: {  	[sflag:s7] =	ssyncset.done $0x0  }
0x97: {  	[sflag:s7] =	ssyncadd.s32 $0xFFFFF380  }
0x98: {  	_ =	swait.ge [sflag:s7], $0xC80  }
0x99: {  	[sflag:s7] =	ssyncset.done $0x0  }
0x9a: {  	[sflag:s7] =	ssyncadd.s32 $0xFFFFF380  }
0x9b: {  	[tilespmem:s30], [sflag:$0x1] =	stream.indirect.gather [hbm4b:s1+s8], $0x80, s25, s8, $0xb8;
	[tilespmem:$0x1D580] =	vst v63  }
0x9c: {  	_ = 	snop  }
0x9d: {  	[tilespmem:s10], [sflag:$0x2] =	stream.indirect.gather [hbm4b:s1+s8], $0x80, s9, s8, $0xb8;
	[tilespmem:$0x1D580] =	vst v63  }
0x9e: {  	_ =	swait.ge [sflag:s11], $0x2800  }
0x9f: {  	[sflag:s11] =	ssyncset.done $0x0  }
0xa0: {  	s20 =	simm.s32 $0x2000;
	[sflag:s11] =	ssyncadd.s32 $0xFFFFD800  }
0xa1: {  	[spmem:s3] =	stream.indirect.scatter.add.f32 [tilespmem:s30], [sflag:$0x6], $0x80, s20, s8, $0xb8;
	[tilespmem:$0x1D580] =	vst v63  }
0xa2: {  	_ =	swait.ge [sflag:s12], $0x2800  }
0xa3: {  	[sflag:s12] =	ssyncset.done $0x0  }
0xa4: {  	[sflag:s12] =	ssyncadd.s32 $0xFFFFD800  }
0xa5: {  	[spmem:s4] =	stream.indirect.scatter.add.f32 [tilespmem:s13], [sflag:$0x5], $0x1, s20, s8, $0xb8;
	[tilespmem:$0x1D580] =	vst v63  }
0xa6: {  	s26 =	simm.s32 $0x100  }
0xa7: {  	[tilespmem:s30], [sflag:$0x1] =	stream.indirect.gather [hbm4b:s1+s8], $0x80, s26, s8, $0xb8;
	[tilespmem:$0x1D580] =	vst v63  }
0xa8: {  	_ =	swait.ge [sflag:s14], $0x2800  }
0xa9: {  	[sflag:s14] =	ssyncset.done $0x0  }
0xaa: {  	s28 =	simm.s32 $0x2080;
	[sflag:s14] =	ssyncadd.s32 $0xFFFFD800  }
0xab: {  	[spmem:s3] =	stream.indirect.scatter.add.f32 [tilespmem:s10], [sflag:$0x6], $0x80, s28, s8, $0xb8;
	[tilespmem:$0x1D580] =	vst v63  }
0xac: {  	_ =	swait.ge [sflag:s12], $0x2800  }
0xad: {  	[sflag:s12] =	ssyncset.done $0x0  }
0xae: {  	s25 =	simm.s32 $0x400;
	s26 =	simm.s32 $0x180;
	[sflag:s12] =	ssyncadd.s32 $0xFFFFD800  }
0xaf: {  	[spmem:s4] =	stream.indirect.scatter.add.f32 [tilespmem:s13], [sflag:$0x5], $0x1, s28, s8, $0xb8;
	[tilespmem:$0x1D580] =	vst v63  }
.LBB2_4:
0xb0: {  	[tilespmem:s10], [sflag:$0x2] =	stream.indirect.gather [hbm4b:s1+s8], $0x80, s26, s8, $0xb8;
	[tilespmem:$0x1D580] =	vst v63  }
0xb1: {  	s26 =	smov.u32 s25  }
0xb2: {  	p1 =	sne.s32 s25, $0x2800;
	s25 =	sadd.s32 $0x400, s25;
	_ =	swait.ge [sflag:s11], $0x2800  }
0xb3: {  	s26 =	sshra.s32 s26, $0x2;
	[sflag:s11] =	ssyncset.done $0x0  }
0xb4: {  	s28 =	sadd.s32 $0x2000, s26;
	[sflag:s11] =	ssyncadd.s32 $0xFFFFD800  }
0xb5: {  	[spmem:s3] =	stream.indirect.scatter.add.f32 [tilespmem:s30], [sflag:$0x6], $0x80, s28, s8, $0xb8;
	[tilespmem:$0x1D580] =	vst v63  }
0xb6: {  	_ =	swait.ge [sflag:s12], $0x2800  }
0xb7: {  	[sflag:s12] =	ssyncset.done $0x0  }
0xb8: {  	[sflag:s12] =	ssyncadd.s32 $0xFFFFD800  }
0xb9: {  	[spmem:s4] =	stream.indirect.scatter.add.f32 [tilespmem:s13], [sflag:$0x5], $0x1, s28, s8, $0xb8;
	[tilespmem:$0x1D580] =	vst v63  }
0xba: {  	s28 =	sadd.s32 $0x100, s26  }
0xbb: {  	[tilespmem:s30], [sflag:$0x1] =	stream.indirect.gather [hbm4b:s1+s8], $0x80, s28, s8, $0xb8;
	[tilespmem:$0x1D580] =	vst v63  }
0xbc: {  	_ =	swait.ge [sflag:s14], $0x2800  }
0xbd: {  	[sflag:s14] =	ssyncset.done $0x0  }
0xbe: {  	s28 =	sadd.s32 $0x2080, s26;
	[sflag:s14] =	ssyncadd.s32 $0xFFFFD800  }
0xbf: {  	[spmem:s3] =	stream.indirect.scatter.add.f32 [tilespmem:s10], [sflag:$0x6], $0x80, s28, s8, $0xb8;
	[tilespmem:$0x1D580] =	vst v63  }
.Ltmp1:
0xc0: {  	_ =	swait.ge [sflag:s12], $0x2800;
	(pc) =	sbr.rel @p1 .LBB2_4-.Ltmp1, $4  }
0xc1: {  	[sflag:s12] =	ssyncset.done $0x0  }
0xc2: {  	[sflag:s12] =	ssyncadd.s32 $0xFFFFD800  }
0xc3: {  	[spmem:s4] =	stream.indirect.scatter.add.f32 [tilespmem:s13], [sflag:$0x5], $0x1, s28, s8, $0xb8;
	[tilespmem:$0x1D580] =	vst v63  }
0xc4: {  	s26 =	sadd.s32 $0x180, s26  }
0xc5: {  	[tilespmem:s10], [sflag:$0x2] =	stream.indirect.gather [hbm4b:s1+s8], $0x80, s26, s8, $0xb8;
	[tilespmem:$0x1D580] =	vst v63  }
0xc6: {  	_ =	swait.ge [sflag:s11], $0x2800  }
0xc7: {  	[sflag:s11] =	ssyncset.done $0x0  }
0xc8: {  	[sflag:s11] =	ssyncadd.s32 $0xFFFFD800  }
0xc9: {  	[spmem:s3] =	stream.indirect.scatter.add.f32 [tilespmem:s30], [sflag:$0x6], $0x80, s15, s8, $0xb8;
	[tilespmem:$0x1D580] =	vst v63  }
0xca: {  	_ =	swait.ge [sflag:s12], $0x2800  }
0xcb: {  	[sflag:s12] =	ssyncset.done $0x0  }
0xcc: {  	[sflag:s12] =	ssyncadd.s32 $0xFFFFD800  }
0xcd: {  	[spmem:s4] =	stream.indirect.scatter.add.f32 [tilespmem:s13], [sflag:$0x5], $0x1, s15, s8, $0xb8;
	[tilespmem:$0x1D580] =	vst v63  }
0xce: {  	_ = 	snop  }
0xcf: {  	[tilespmem:s30], [sflag:$0x1] =	stream.indirect.gather [hbm4b:s1+s8], $0x80, s16, s8, $0xb8;
	[tilespmem:$0x1D580] =	vst v63  }
0xd0: {  	_ =	swait.ge [sflag:s14], $0x2800  }
0xd1: {  	[sflag:s14] =	ssyncset.done $0x0  }
0xd2: {  	[sflag:s14] =	ssyncadd.s32 $0xFFFFD800  }
0xd3: {  	[spmem:s3] =	stream.indirect.scatter.add.f32 [tilespmem:s10], [sflag:$0x6], $0x80, s17, s8, $0xb8;
	[tilespmem:$0x1D580] =	vst v63  }
0xd4: {  	_ =	swait.ge [sflag:s12], $0x2800  }
0xd5: {  	[sflag:s12] =	ssyncset.done $0x0  }
0xd6: {  	[sflag:s12] =	ssyncadd.s32 $0xFFFFD800  }
0xd7: {  	[spmem:s4] =	stream.indirect.scatter.add.f32 [tilespmem:s13], [sflag:$0x5], $0x1, s17, s8, $0xb8;
	[tilespmem:$0x1D580] =	vst v63  }
0xd8: {  	_ =	swait.ge [sflag:s11], $0x2800  }
0xd9: {  	[sflag:s11] =	ssyncset.done $0x0  }
0xda: {  	[sflag:s11] =	ssyncadd.s32 $0xFFFFD800  }
0xdb: {  	[spmem:s3] =	stream.indirect.scatter.add.f32 [tilespmem:s30], [sflag:$0x6], $0x80, s18, s8, $0xb8;
	[tilespmem:$0x1D580] =	vst v63  }
0xdc: {  	_ =	swait.ge [sflag:s12], $0x2800  }
0xdd: {  	[sflag:s12] =	ssyncset.done $0x0  }
0xde: {  	[sflag:s12] =	ssyncadd.s32 $0xFFFFD800  }
0xdf: {  	[spmem:s4] =	stream.indirect.scatter.add.f32 [tilespmem:s13], [sflag:$0x5], $0x1, s18, s8, $0xb8;
	[tilespmem:$0x1D580] =	vst v63  }
0xe0: {  	s20 =	rddreg [dreg:$0xf]  }
0xe1: {  	[tilespmem:s5], [sflag:$0x3] =	stream.linear.gather [hbm4b:s20+s5], $0xC80, $0x38;
	[tilespmem:$0x1D580] =	vst v63  }
0xe2: {  	s28 =	rddreg [dreg:$0x10]  }
0xe3: {  	[tilespmem:s22], [sflag:$0x3] =	stream.linear.gather [hbm4b:s28+s5], $0xC80, $0x38;
	[tilespmem:$0x1D580] =	vst v63  }
0xe4: {  	_ =	swait.ge [sflag:s19], $0xC80  }
0xe5: {  	[sflag:s19] =	ssyncset.done $0x0  }
0xe6: {  	[sflag:s19] =	ssyncadd.s32 $0xFFFFF380  }
0xe7: {  	_ =	swait.ge [sflag:s19], $0xC80  }
0xe8: {  	[sflag:s19] =	ssyncset.done $0x0  }
0xe9: {  	[sflag:s19] =	ssyncadd.s32 $0xFFFFF380  }
0xea: {  	[tilespmem:s30], [sflag:$0x1] =	stream.indirect.gather [hbm4b:s1+s8], $0x80, s31, s8, $0xb8;
	[tilespmem:$0x1D580] =	vst v63  }
0xeb: {  	s25 =	simm.s32 $0x1080  }
0xec: {  	[tilespmem:s10], [sflag:$0x2] =	stream.indirect.gather [hbm4b:s1+s8], $0x80, s25, s8, $0xb8;
	[tilespmem:$0x1D580] =	vst v63  }
0xed: {  	_ =	swait.ge [sflag:s11], $0x2800  }
0xee: {  	[sflag:s11] =	ssyncset.done $0x0  }
0xef: {  	s25 =	simm.s32 $0x3000;
	[sflag:s11] =	ssyncadd.s32 $0xFFFFD800  }
0xf0: {  	[spmem:s3] =	stream.indirect.scatter.add.f32 [tilespmem:s30], [sflag:$0x6], $0x80, s25, s8, $0xb8;
	[tilespmem:$0x1D580] =	vst v63  }
0xf1: {  	_ =	swait.ge [sflag:s12], $0x2800  }
0xf2: {  	[sflag:s12] =	ssyncset.done $0x0  }
0xf3: {  	[sflag:s12] =	ssyncadd.s32 $0xFFFFD800  }
0xf4: {  	[spmem:s4] =	stream.indirect.scatter.add.f32 [tilespmem:s13], [sflag:$0x5], $0x1, s25, s8, $0xb8;
	[tilespmem:$0x1D580] =	vst v63  }
0xf5: {  	s26 =	simm.s32 $0x1100  }
0xf6: {  	[tilespmem:s30], [sflag:$0x1] =	stream.indirect.gather [hbm4b:s1+s8], $0x80, s26, s8, $0xb8;
	[tilespmem:$0x1D580] =	vst v63  }
0xf7: {  	_ =	swait.ge [sflag:s14], $0x2800  }
0xf8: {  	[sflag:s14] =	ssyncset.done $0x0  }
0xf9: {  	s28 =	simm.s32 $0x3080;
	[sflag:s14] =	ssyncadd.s32 $0xFFFFD800  }
0xfa: {  	[spmem:s3] =	stream.indirect.scatter.add.f32 [tilespmem:s10], [sflag:$0x6], $0x80, s28, s8, $0xb8;
	[tilespmem:$0x1D580] =	vst v63  }
0xfb: {  	_ =	swait.ge [sflag:s12], $0x2800  }
0xfc: {  	[sflag:s12] =	ssyncset.done $0x0  }
0xfd: {  	s25 =	simm.s32 $0xFFFFD800;
	s26 =	simm.s32 $0x1180;
	[sflag:s12] =	ssyncadd.s32 $0xFFFFD800  }
0xfe: {  	[spmem:s4] =	stream.indirect.scatter.add.f32 [tilespmem:s13], [sflag:$0x5], $0x1, s28, s8, $0xb8;
	[tilespmem:$0x1D580] =	vst v63  }
.LBB2_6:
0xff: {  	[tilespmem:s10], [sflag:$0x2] =	stream.indirect.gather [hbm4b:s1+s8], $0x80, s26, s8, $0xb8;
	[tilespmem:$0x1D580] =	vst v63  }
0x100: {  	s26 =	smov.u32 s25  }
0x101: {  	p1 =	sne.s32 s25, $0xFFFFFC00;
	s25 =	sadd.s32 $0x400, s25;
	_ =	swait.ge [sflag:s11], $0x2800  }
0x102: {  	s26 =	sshra.s32 s26, $0x2;
	[sflag:s11] =	ssyncset.done $0x0  }
0x103: {  	s28 =	sadd.s32 $0x3B00, s26;
	[sflag:s11] =	ssyncadd.s32 $0xFFFFD800  }
0x104: {  	[spmem:s3] =	stream.indirect.scatter.add.f32 [tilespmem:s30], [sflag:$0x6], $0x80, s28, s8, $0xb8;
	[tilespmem:$0x1D580] =	vst v63  }
0x105: {  	_ =	swait.ge [sflag:s12], $0x2800  }
0x106: {  	[sflag:s12] =	ssyncset.done $0x0  }
0x107: {  	[sflag:s12] =	ssyncadd.s32 $0xFFFFD800  }
0x108: {  	[spmem:s4] =	stream.indirect.scatter.add.f32 [tilespmem:s13], [sflag:$0x5], $0x1, s28, s8, $0xb8;
	[tilespmem:$0x1D580] =	vst v63  }
0x109: {  	s28 =	sadd.s32 $0x1C00, s26  }
0x10a: {  	[tilespmem:s30], [sflag:$0x1] =	stream.indirect.gather [hbm4b:s1+s8], $0x80, s28, s8, $0xb8;
	[tilespmem:$0x1D580] =	vst v63  }
0x10b: {  	_ =	swait.ge [sflag:s14], $0x2800  }
0x10c: {  	[sflag:s14] =	ssyncset.done $0x0  }
0x10d: {  	s28 =	sadd.s32 $0x3B80, s26;
	[sflag:s14] =	ssyncadd.s32 $0xFFFFD800  }
0x10e: {  	[spmem:s3] =	stream.indirect.scatter.add.f32 [tilespmem:s10], [sflag:$0x6], $0x80, s28, s8, $0xb8;
	[tilespmem:$0x1D580] =	vst v63  }
.Ltmp2:
0x10f: {  	_ =	swait.ge [sflag:s12], $0x2800;
	(pc) =	sbr.rel @p1 .LBB2_6-.Ltmp2, $4  }
0x110: {  	[sflag:s12] =	ssyncset.done $0x0  }
0x111: {  	[sflag:s12] =	ssyncadd.s32 $0xFFFFD800  }
0x112: {  	[spmem:s4] =	stream.indirect.scatter.add.f32 [tilespmem:s13], [sflag:$0x5], $0x1, s28, s8, $0xb8;
	[tilespmem:$0x1D580] =	vst v63  }
0x113: {  	s26 =	sadd.s32 $0x1C80, s26  }
0x114: {  	[tilespmem:s10], [sflag:$0x2] =	stream.indirect.gather [hbm4b:s1+s8], $0x80, s26, s8, $0xb8;
	[tilespmem:$0x1D580] =	vst v63  }
0x115: {  	_ =	swait.ge [sflag:s11], $0x2800  }
0x116: {  	[sflag:s11] =	ssyncset.done $0x0  }
0x117: {  	[sflag:s11] =	ssyncadd.s32 $0xFFFFD800  }
0x118: {  	[spmem:s3] =	stream.indirect.scatter.add.f32 [tilespmem:s30], [sflag:$0x6], $0x80, s21, s8, $0xb8;
	[tilespmem:$0x1D580] =	vst v63  }
0x119: {  	_ =	swait.ge [sflag:s12], $0x2800  }
0x11a: {  	[sflag:s12] =	ssyncset.done $0x0  }
0x11b: {  	[sflag:s12] =	ssyncadd.s32 $0xFFFFD800  }
0x11c: {  	[spmem:s4] =	stream.indirect.scatter.add.f32 [tilespmem:s13], [sflag:$0x5], $0x1, s21, s8, $0xb8;
	[tilespmem:$0x1D580] =	vst v63  }
0x11d: {  	s20 =	simm.s32 $0x1C00  }
0x11e: {  	[tilespmem:s30], [sflag:$0x1] =	stream.indirect.gather [hbm4b:s1+s8], $0x80, s20, s8, $0xb8;
	[tilespmem:$0x1D580] =	vst v63  }
0x11f: {  	_ =	swait.ge [sflag:s14], $0x2800  }
0x120: {  	[sflag:s14] =	ssyncset.done $0x0  }
0x121: {  	[sflag:s14] =	ssyncadd.s32 $0xFFFFD800  }
0x122: {  	[spmem:s3] =	stream.indirect.scatter.add.f32 [tilespmem:s10], [sflag:$0x6], $0x80, s0, s8, $0xb8;
	[tilespmem:$0x1D580] =	vst v63  }
0x123: {  	_ =	swait.ge [sflag:s12], $0x2800  }
0x124: {  	[sflag:s12] =	ssyncset.done $0x0  }
0x125: {  	[sflag:s12] =	ssyncadd.s32 $0xFFFFD800  }
0x126: {  	[spmem:s4] =	stream.indirect.scatter.add.f32 [tilespmem:s13], [sflag:$0x5], $0x1, s0, s8, $0xb8;
	[tilespmem:$0x1D580] =	vst v63  }
0x127: {  	_ =	swait.ge [sflag:s11], $0x2800  }
0x128: {  	[sflag:s11] =	ssyncset.done $0x0  }
0x129: {  	[sflag:s11] =	ssyncadd.s32 $0xFFFFD800  }
0x12a: {  	[spmem:s3] =	stream.indirect.scatter.add.f32 [tilespmem:s30], [sflag:$0x6], $0x80, s23, s8, $0xb8;
	[tilespmem:$0x1D580] =	vst v63  }
0x12b: {  	_ =	swait.ge [sflag:s12], $0x2800  }
0x12c: {  	[sflag:s12] =	ssyncset.done $0x0  }
0x12d: {  	[sflag:s12] =	ssyncadd.s32 $0xFFFFD800  }
0x12e: {  	[spmem:s4] =	stream.indirect.scatter.add.f32 [tilespmem:s13], [sflag:$0x5], $0x1, s23, s8, $0xb8;
	[tilespmem:$0x1D580] =	vst v63  }
0x12f: {  	s25 =	simm.s32 $0x0;
	s26 =	rddreg [dreg:$0x11]  }
0x130: {  	[tilespmem:s31], [sflag:$0x4] =	stream.linear.gather [hbm4b:s26+s25], $0xC80, $0x38;
	[tilespmem:$0x1D580] =	vst v63  }
0x131: {  	s28 =	rddreg [dreg:$0x12]  }
0x132: {  	[tilespmem:s29], [sflag:$0x4] =	stream.linear.gather [hbm4b:s28+s25], $0xC80, $0x38;
	[tilespmem:$0x1D580] =	vst v63  }
0x133: {  	_ =	swait.ge [sflag:s7], $0xC80  }
0x134: {  	[sflag:s7] =	ssyncset.done $0x0  }
0x135: {  	[sflag:s7] =	ssyncadd.s32 $0xFFFFF380  }
0x136: {  	_ =	swait.ge [sflag:s7], $0xC80  }
0x137: {  	[sflag:s7] =	ssyncset.done $0x0  }
0x138: {  	[sflag:s7] =	ssyncadd.s32 $0xFFFFF380  }
0x139: {  	[tilespmem:s30], [sflag:$0x1] =	stream.indirect.gather [hbm4b:s1+s8], $0x80, s25, s8, $0xb8;
	[tilespmem:$0x1D580] =	vst v63  }
0x13a: {  	_ = 	snop  }
0x13b: {  	[tilespmem:s10], [sflag:$0x2] =	stream.indirect.gather [hbm4b:s1+s8], $0x80, s9, s8, $0xb8;
	[tilespmem:$0x1D580] =	vst v63  }
0x13c: {  	_ =	swait.ge [sflag:s11], $0x2800  }
0x13d: {  	[sflag:s11] =	ssyncset.done $0x0  }
0x13e: {  	s26 =	simm.s32 $0x2000;
	[sflag:s11] =	ssyncadd.s32 $0xFFFFD800  }
0x13f: {  	[spmem:s3] =	stream.indirect.scatter.add.f32 [tilespmem:s30], [sflag:$0x6], $0x80, s26, s8, $0xb8;
	[tilespmem:$0x1D580] =	vst v63  }
0x140: {  	_ =	swait.ge [sflag:s12], $0x2800  }
0x141: {  	[sflag:s12] =	ssyncset.done $0x0  }
0x142: {  	[sflag:s12] =	ssyncadd.s32 $0xFFFFD800  }
0x143: {  	[spmem:s4] =	stream.indirect.scatter.add.f32 [tilespmem:s13], [sflag:$0x5], $0x1, s26, s8, $0xb8;
	[tilespmem:$0x1D580] =	vst v63  }
0x144: {  	s28 =	simm.s32 $0x100  }
0x145: {  	[tilespmem:s30], [sflag:$0x1] =	stream.indirect.gather [hbm4b:s1+s8], $0x80, s28, s8, $0xb8;
	[tilespmem:$0x1D580] =	vst v63  }
0x146: {  	_ =	swait.ge [sflag:s14], $0x2800  }
0x147: {  	[sflag:s14] =	ssyncset.done $0x0  }
0x148: {  	s29 =	simm.s32 $0x2080;
	[sflag:s14] =	ssyncadd.s32 $0xFFFFD800  }
0x149: {  	[spmem:s3] =	stream.indirect.scatter.add.f32 [tilespmem:s10], [sflag:$0x6], $0x80, s29, s8, $0xb8;
	[tilespmem:$0x1D580] =	vst v63  }
0x14a: {  	_ =	swait.ge [sflag:s12], $0x2800  }
0x14b: {  	[sflag:s12] =	ssyncset.done $0x0  }
0x14c: {  	s25 =	simm.s32 $0x400;
	s26 =	simm.s32 $0x180;
	[sflag:s12] =	ssyncadd.s32 $0xFFFFD800  }
0x14d: {  	[spmem:s4] =	stream.indirect.scatter.add.f32 [tilespmem:s13], [sflag:$0x5], $0x1, s29, s8, $0xb8;
	[tilespmem:$0x1D580] =	vst v63  }
.LBB2_8:
0x14e: {  	[tilespmem:s10], [sflag:$0x2] =	stream.indirect.gather [hbm4b:s1+s8], $0x80, s26, s8, $0xb8;
	[tilespmem:$0x1D580] =	vst v63  }
0x14f: {  	s26 =	smov.u32 s25  }
0x150: {  	p1 =	sne.s32 s25, $0x2800;
	s25 =	sadd.s32 $0x400, s25;
	_ =	swait.ge [sflag:s11], $0x2800  }
0x151: {  	s26 =	sshra.s32 s26, $0x2;
	[sflag:s11] =	ssyncset.done $0x0  }
0x152: {  	s28 =	sadd.s32 $0x2000, s26;
	[sflag:s11] =	ssyncadd.s32 $0xFFFFD800  }
0x153: {  	[spmem:s3] =	stream.indirect.scatter.add.f32 [tilespmem:s30], [sflag:$0x6], $0x80, s28, s8, $0xb8;
	[tilespmem:$0x1D580] =	vst v63  }
0x154: {  	_ =	swait.ge [sflag:s12], $0x2800  }
0x155: {  	[sflag:s12] =	ssyncset.done $0x0  }
0x156: {  	[sflag:s12] =	ssyncadd.s32 $0xFFFFD800  }
0x157: {  	[spmem:s4] =	stream.indirect.scatter.add.f32 [tilespmem:s13], [sflag:$0x5], $0x1, s28, s8, $0xb8;
	[tilespmem:$0x1D580] =	vst v63  }
0x158: {  	s28 =	sadd.s32 $0x100, s26  }
0x159: {  	[tilespmem:s30], [sflag:$0x1] =	stream.indirect.gather [hbm4b:s1+s8], $0x80, s28, s8, $0xb8;
	[tilespmem:$0x1D580] =	vst v63  }
0x15a: {  	_ =	swait.ge [sflag:s14], $0x2800  }
0x15b: {  	[sflag:s14] =	ssyncset.done $0x0  }
0x15c: {  	s28 =	sadd.s32 $0x2080, s26;
	[sflag:s14] =	ssyncadd.s32 $0xFFFFD800  }
0x15d: {  	[spmem:s3] =	stream.indirect.scatter.add.f32 [tilespmem:s10], [sflag:$0x6], $0x80, s28, s8, $0xb8;
	[tilespmem:$0x1D580] =	vst v63  }
.Ltmp3:
0x15e: {  	_ =	swait.ge [sflag:s12], $0x2800;
	(pc) =	sbr.rel @p1 .LBB2_8-.Ltmp3, $4  }
0x15f: {  	[sflag:s12] =	ssyncset.done $0x0  }
0x160: {  	[sflag:s12] =	ssyncadd.s32 $0xFFFFD800  }
0x161: {  	[spmem:s4] =	stream.indirect.scatter.add.f32 [tilespmem:s13], [sflag:$0x5], $0x1, s28, s8, $0xb8;
	[tilespmem:$0x1D580] =	vst v63  }
0x162: {  	s26 =	sadd.s32 $0x180, s26  }
0x163: {  	[tilespmem:s10], [sflag:$0x2] =	stream.indirect.gather [hbm4b:s1+s8], $0x80, s26, s8, $0xb8;
	[tilespmem:$0x1D580] =	vst v63  }
0x164: {  	_ =	swait.ge [sflag:s11], $0x2800  }
0x165: {  	[sflag:s11] =	ssyncset.done $0x0  }
0x166: {  	[sflag:s11] =	ssyncadd.s32 $0xFFFFD800  }
0x167: {  	[spmem:s3] =	stream.indirect.scatter.add.f32 [tilespmem:s30], [sflag:$0x6], $0x80, s15, s8, $0xb8;
	[tilespmem:$0x1D580] =	vst v63  }
0x168: {  	_ =	swait.ge [sflag:s12], $0x2800  }
0x169: {  	[sflag:s12] =	ssyncset.done $0x0  }
0x16a: {  	[sflag:s12] =	ssyncadd.s32 $0xFFFFD800  }
0x16b: {  	[spmem:s4] =	stream.indirect.scatter.add.f32 [tilespmem:s13], [sflag:$0x5], $0x1, s15, s8, $0xb8;
	[tilespmem:$0x1D580] =	vst v63  }
0x16c: {  	_ = 	snop  }
0x16d: {  	[tilespmem:s30], [sflag:$0x1] =	stream.indirect.gather [hbm4b:s1+s8], $0x80, s16, s8, $0xb8;
	[tilespmem:$0x1D580] =	vst v63  }
0x16e: {  	_ =	swait.ge [sflag:s14], $0x2800  }
0x16f: {  	[sflag:s14] =	ssyncset.done $0x0  }
0x170: {  	[sflag:s14] =	ssyncadd.s32 $0xFFFFD800  }
0x171: {  	[spmem:s3] =	stream.indirect.scatter.add.f32 [tilespmem:s10], [sflag:$0x6], $0x80, s17, s8, $0xb8;
	[tilespmem:$0x1D580] =	vst v63  }
0x172: {  	_ =	swait.ge [sflag:s12], $0x2800  }
0x173: {  	[sflag:s12] =	ssyncset.done $0x0  }
0x174: {  	[sflag:s12] =	ssyncadd.s32 $0xFFFFD800  }
0x175: {  	[spmem:s4] =	stream.indirect.scatter.add.f32 [tilespmem:s13], [sflag:$0x5], $0x1, s17, s8, $0xb8;
	[tilespmem:$0x1D580] =	vst v63  }
0x176: {  	_ =	swait.ge [sflag:s11], $0x2800  }
0x177: {  	[sflag:s11] =	ssyncset.done $0x0  }
0x178: {  	[sflag:s11] =	ssyncadd.s32 $0xFFFFD800  }
0x179: {  	[spmem:s3] =	stream.indirect.scatter.add.f32 [tilespmem:s30], [sflag:$0x6], $0x80, s18, s8, $0xb8;
	[tilespmem:$0x1D580] =	vst v63  }
0x17a: {  	_ =	swait.ge [sflag:s12], $0x2800  }
0x17b: {  	[sflag:s12] =	ssyncset.done $0x0  }
0x17c: {  	[sflag:s12] =	ssyncadd.s32 $0xFFFFD800  }
0x17d: {  	[spmem:s4] =	stream.indirect.scatter.add.f32 [tilespmem:s13], [sflag:$0x5], $0x1, s18, s8, $0xb8;
	[tilespmem:$0x1D580] =	vst v63  }
0x17e: {  	s20 =	rddreg [dreg:$0x13]  }
0x17f: {  	[tilespmem:s5], [sflag:$0x3] =	stream.linear.gather [hbm4b:s20+s5], $0xC80, $0x38;
	[tilespmem:$0x1D580] =	vst v63  }
0x180: {  	s25 =	rddreg [dreg:$0x14]  }
0x181: {  	[tilespmem:s22], [sflag:$0x3] =	stream.linear.gather [hbm4b:s25+s5], $0xC80, $0x38;
	[tilespmem:$0x1D580] =	vst v63  }
0x182: {  	_ =	swait.ge [sflag:s19], $0xC80  }
0x183: {  	[sflag:s19] =	ssyncset.done $0x0  }
0x184: {  	[sflag:s19] =	ssyncadd.s32 $0xFFFFF380  }
0x185: {  	_ =	swait.ge [sflag:s19], $0xC80  }
0x186: {  	[sflag:s19] =	ssyncset.done $0x0  }
0x187: {  	[sflag:s19] =	ssyncadd.s32 $0xFFFFF380  }
0x188: {  	[tilespmem:s30], [sflag:$0x1] =	stream.indirect.gather [hbm4b:s1+s8], $0x80, s31, s8, $0xb8;
	[tilespmem:$0x1D580] =	vst v63  }
0x189: {  	s26 =	simm.s32 $0x1080  }
0x18a: {  	[tilespmem:s10], [sflag:$0x2] =	stream.indirect.gather [hbm4b:s1+s8], $0x80, s26, s8, $0xb8;
	[tilespmem:$0x1D580] =	vst v63  }
0x18b: {  	_ =	swait.ge [sflag:s11], $0x2800  }
0x18c: {  	[sflag:s11] =	ssyncset.done $0x0  }
0x18d: {  	s25 =	simm.s32 $0x3000;
	[sflag:s11] =	ssyncadd.s32 $0xFFFFD800  }
0x18e: {  	[spmem:s3] =	stream.indirect.scatter.add.f32 [tilespmem:s30], [sflag:$0x6], $0x80, s25, s8, $0xb8;
	[tilespmem:$0x1D580] =	vst v63  }
0x18f: {  	_ =	swait.ge [sflag:s12], $0x2800  }
0x190: {  	[sflag:s12] =	ssyncset.done $0x0  }
0x191: {  	[sflag:s12] =	ssyncadd.s32 $0xFFFFD800  }
0x192: {  	[spmem:s4] =	stream.indirect.scatter.add.f32 [tilespmem:s13], [sflag:$0x5], $0x1, s25, s8, $0xb8;
	[tilespmem:$0x1D580] =	vst v63  }
0x193: {  	s28 =	simm.s32 $0x1100  }
0x194: {  	[tilespmem:s30], [sflag:$0x1] =	stream.indirect.gather [hbm4b:s1+s8], $0x80, s28, s8, $0xb8;
	[tilespmem:$0x1D580] =	vst v63  }
0x195: {  	_ =	swait.ge [sflag:s14], $0x2800  }
0x196: {  	[sflag:s14] =	ssyncset.done $0x0  }
0x197: {  	s29 =	simm.s32 $0x3080;
	[sflag:s14] =	ssyncadd.s32 $0xFFFFD800  }
0x198: {  	[spmem:s3] =	stream.indirect.scatter.add.f32 [tilespmem:s10], [sflag:$0x6], $0x80, s29, s8, $0xb8;
	[tilespmem:$0x1D580] =	vst v63  }
0x199: {  	_ =	swait.ge [sflag:s12], $0x2800  }
0x19a: {  	[sflag:s12] =	ssyncset.done $0x0  }
0x19b: {  	s26 =	simm.s32 $0x1180;
	s25 =	simm.s32 $0xFFFFD800;
	[sflag:s12] =	ssyncadd.s32 $0xFFFFD800  }
0x19c: {  	[spmem:s4] =	stream.indirect.scatter.add.f32 [tilespmem:s13], [sflag:$0x5], $0x1, s29, s8, $0xb8;
	[tilespmem:$0x1D580] =	vst v63  }
.LBB2_10:
0x19d: {  	[tilespmem:s10], [sflag:$0x2] =	stream.indirect.gather [hbm4b:s1+s8], $0x80, s26, s8, $0xb8;
	[tilespmem:$0x1D580] =	vst v63  }
0x19e: {  	s26 =	smov.u32 s25  }
0x19f: {  	p1 =	sne.s32 s25, $0xFFFFFC00;
	s25 =	sadd.s32 $0x400, s25;
	_ =	swait.ge [sflag:s11], $0x2800  }
0x1a0: {  	s26 =	sshra.s32 s26, $0x2;
	[sflag:s11] =	ssyncset.done $0x0  }
0x1a1: {  	s28 =	sadd.s32 $0x3B00, s26;
	[sflag:s11] =	ssyncadd.s32 $0xFFFFD800  }
0x1a2: {  	[spmem:s3] =	stream.indirect.scatter.add.f32 [tilespmem:s30], [sflag:$0x6], $0x80, s28, s8, $0xb8;
	[tilespmem:$0x1D580] =	vst v63  }
0x1a3: {  	_ =	swait.ge [sflag:s12], $0x2800  }
0x1a4: {  	[sflag:s12] =	ssyncset.done $0x0  }
0x1a5: {  	[sflag:s12] =	ssyncadd.s32 $0xFFFFD800  }
0x1a6: {  	[spmem:s4] =	stream.indirect.scatter.add.f32 [tilespmem:s13], [sflag:$0x5], $0x1, s28, s8, $0xb8;
	[tilespmem:$0x1D580] =	vst v63  }
0x1a7: {  	s28 =	sadd.s32 $0x1C00, s26  }
0x1a8: {  	[tilespmem:s30], [sflag:$0x1] =	stream.indirect.gather [hbm4b:s1+s8], $0x80, s28, s8, $0xb8;
	[tilespmem:$0x1D580] =	vst v63  }
0x1a9: {  	_ =	swait.ge [sflag:s14], $0x2800  }
0x1aa: {  	[sflag:s14] =	ssyncset.done $0x0  }
0x1ab: {  	s28 =	sadd.s32 $0x3B80, s26;
	[sflag:s14] =	ssyncadd.s32 $0xFFFFD800  }
0x1ac: {  	[spmem:s3] =	stream.indirect.scatter.add.f32 [tilespmem:s10], [sflag:$0x6], $0x80, s28, s8, $0xb8;
	[tilespmem:$0x1D580] =	vst v63  }
.Ltmp4:
0x1ad: {  	_ =	swait.ge [sflag:s12], $0x2800;
	(pc) =	sbr.rel @p1 .LBB2_10-.Ltmp4, $4  }
0x1ae: {  	[sflag:s12] =	ssyncset.done $0x0  }
0x1af: {  	[sflag:s12] =	ssyncadd.s32 $0xFFFFD800  }
0x1b0: {  	[spmem:s4] =	stream.indirect.scatter.add.f32 [tilespmem:s13], [sflag:$0x5], $0x1, s28, s8, $0xb8;
	[tilespmem:$0x1D580] =	vst v63  }
0x1b1: {  	s26 =	sadd.s32 $0x1C80, s26  }
0x1b2: {  	[tilespmem:s10], [sflag:$0x2] =	stream.indirect.gather [hbm4b:s1+s8], $0x80, s26, s8, $0xb8;
	[tilespmem:$0x1D580] =	vst v63  }
0x1b3: {  	_ =	swait.ge [sflag:s11], $0x2800  }
0x1b4: {  	[sflag:s11] =	ssyncset.done $0x0  }
0x1b5: {  	[sflag:s11] =	ssyncadd.s32 $0xFFFFD800  }
0x1b6: {  	[spmem:s3] =	stream.indirect.scatter.add.f32 [tilespmem:s30], [sflag:$0x6], $0x80, s21, s8, $0xb8;
	[tilespmem:$0x1D580] =	vst v63  }
0x1b7: {  	_ =	swait.ge [sflag:s12], $0x2800  }
0x1b8: {  	[sflag:s12] =	ssyncset.done $0x0  }
0x1b9: {  	[sflag:s12] =	ssyncadd.s32 $0xFFFFD800  }
0x1ba: {  	[spmem:s4] =	stream.indirect.scatter.add.f32 [tilespmem:s13], [sflag:$0x5], $0x1, s21, s8, $0xb8;
	[tilespmem:$0x1D580] =	vst v63  }
0x1bb: {  	s20 =	simm.s32 $0x1C00  }
0x1bc: {  	[tilespmem:s30], [sflag:$0x1] =	stream.indirect.gather [hbm4b:s1+s8], $0x80, s20, s8, $0xb8;
	[tilespmem:$0x1D580] =	vst v63  }
0x1bd: {  	_ =	swait.ge [sflag:s14], $0x2800  }
0x1be: {  	[sflag:s14] =	ssyncset.done $0x0  }
0x1bf: {  	[sflag:s14] =	ssyncadd.s32 $0xFFFFD800  }
0x1c0: {  	[spmem:s3] =	stream.indirect.scatter.add.f32 [tilespmem:s10], [sflag:$0x6], $0x80, s0, s8, $0xb8;
	[tilespmem:$0x1D580] =	vst v63  }
0x1c1: {  	_ =	swait.ge [sflag:s12], $0x2800  }
0x1c2: {  	[sflag:s12] =	ssyncset.done $0x0  }
0x1c3: {  	[sflag:s12] =	ssyncadd.s32 $0xFFFFD800  }
0x1c4: {  	[spmem:s4] =	stream.indirect.scatter.add.f32 [tilespmem:s13], [sflag:$0x5], $0x1, s0, s8, $0xb8;
	[tilespmem:$0x1D580] =	vst v63  }
0x1c5: {  	_ =	swait.ge [sflag:s11], $0x2800  }
0x1c6: {  	[sflag:s11] =	ssyncset.done $0x0  }
0x1c7: {  	[sflag:s11] =	ssyncadd.s32 $0xFFFFD800  }
0x1c8: {  	[spmem:s3] =	stream.indirect.scatter.add.f32 [tilespmem:s30], [sflag:$0x6], $0x80, s23, s8, $0xb8;
	[tilespmem:$0x1D580] =	vst v63  }
0x1c9: {  	_ =	swait.ge [sflag:s12], $0x2800  }
0x1ca: {  	[sflag:s12] =	ssyncset.done $0x0  }
0x1cb: {  	[sflag:s12] =	ssyncadd.s32 $0xFFFFD800  }
0x1cc: {  	[spmem:s4] =	stream.indirect.scatter.add.f32 [tilespmem:s13], [sflag:$0x5], $0x1, s23, s8, $0xb8;
	[tilespmem:$0x1D580] =	vst v63  }
0x1cd: {  	_ =	swait.ge [sflag:s7], $0xC80  }
0x1ce: {  	[sflag:s7] =	ssyncset.done $0x0  }
0x1cf: {  	[sflag:s7] =	ssyncadd.s32 $0xFFFFF380  }
0x1d0: {  	_ =	swait.ge [sflag:s7], $0xC80  }
0x1d1: {  	[sflag:s7] =	ssyncset.done $0x0  }
0x1d2: {  	s25 =	simm.s32 $0x0;
	[sflag:s7] =	ssyncadd.s32 $0xFFFFF380  }
0x1d3: {  	[tilespmem:s30], [sflag:$0x1] =	stream.indirect.gather [hbm4b:s1+s8], $0x80, s25, s8, $0xb8;
	[tilespmem:$0x1D580] =	vst v63  }
0x1d4: {  	_ = 	snop  }
0x1d5: {  	[tilespmem:s10], [sflag:$0x2] =	stream.indirect.gather [hbm4b:s1+s8], $0x80, s9, s8, $0xb8;
	[tilespmem:$0x1D580] =	vst v63  }
0x1d6: {  	_ =	swait.ge [sflag:s11], $0x2800  }
0x1d7: {  	[sflag:s11] =	ssyncset.done $0x0  }
0x1d8: {  	s26 =	simm.s32 $0x2000;
	[sflag:s11] =	ssyncadd.s32 $0xFFFFD800  }
0x1d9: {  	[spmem:s3] =	stream.indirect.scatter.add.f32 [tilespmem:s30], [sflag:$0x6], $0x80, s26, s8, $0xb8;
	[tilespmem:$0x1D580] =	vst v63  }
0x1da: {  	_ =	swait.ge [sflag:s12], $0x2800  }
0x1db: {  	[sflag:s12] =	ssyncset.done $0x0  }
0x1dc: {  	[sflag:s12] =	ssyncadd.s32 $0xFFFFD800  }
0x1dd: {  	[spmem:s4] =	stream.indirect.scatter.add.f32 [tilespmem:s13], [sflag:$0x5], $0x1, s26, s8, $0xb8;
	[tilespmem:$0x1D580] =	vst v63  }
0x1de: {  	s28 =	simm.s32 $0x100  }
0x1df: {  	[tilespmem:s30], [sflag:$0x1] =	stream.indirect.gather [hbm4b:s1+s8], $0x80, s28, s8, $0xb8;
	[tilespmem:$0x1D580] =	vst v63  }
0x1e0: {  	_ =	swait.ge [sflag:s14], $0x2800  }
0x1e1: {  	[sflag:s14] =	ssyncset.done $0x0  }
0x1e2: {  	s29 =	simm.s32 $0x2080;
	[sflag:s14] =	ssyncadd.s32 $0xFFFFD800  }
0x1e3: {  	[spmem:s3] =	stream.indirect.scatter.add.f32 [tilespmem:s10], [sflag:$0x6], $0x80, s29, s8, $0xb8;
	[tilespmem:$0x1D580] =	vst v63  }
0x1e4: {  	_ =	swait.ge [sflag:s12], $0x2800  }
0x1e5: {  	[sflag:s12] =	ssyncset.done $0x0  }
0x1e6: {  	s25 =	simm.s32 $0x400;
	s26 =	simm.s32 $0x180;
	[sflag:s12] =	ssyncadd.s32 $0xFFFFD800  }
0x1e7: {  	[spmem:s4] =	stream.indirect.scatter.add.f32 [tilespmem:s13], [sflag:$0x5], $0x1, s29, s8, $0xb8;
	[tilespmem:$0x1D580] =	vst v63  }
.LBB2_12:
0x1e8: {  	[tilespmem:s10], [sflag:$0x2] =	stream.indirect.gather [hbm4b:s1+s8], $0x80, s26, s8, $0xb8;
	[tilespmem:$0x1D580] =	vst v63  }
0x1e9: {  	s26 =	smov.u32 s25  }
0x1ea: {  	p1 =	sne.s32 s25, $0x2800;
	s25 =	sadd.s32 $0x400, s25;
	_ =	swait.ge [sflag:s11], $0x2800  }
0x1eb: {  	s26 =	sshra.s32 s26, $0x2;
	[sflag:s11] =	ssyncset.done $0x0  }
0x1ec: {  	s28 =	sadd.s32 $0x2000, s26;
	[sflag:s11] =	ssyncadd.s32 $0xFFFFD800  }
0x1ed: {  	[spmem:s3] =	stream.indirect.scatter.add.f32 [tilespmem:s30], [sflag:$0x6], $0x80, s28, s8, $0xb8;
	[tilespmem:$0x1D580] =	vst v63  }
0x1ee: {  	_ =	swait.ge [sflag:s12], $0x2800  }
0x1ef: {  	[sflag:s12] =	ssyncset.done $0x0  }
0x1f0: {  	[sflag:s12] =	ssyncadd.s32 $0xFFFFD800  }
0x1f1: {  	[spmem:s4] =	stream.indirect.scatter.add.f32 [tilespmem:s13], [sflag:$0x5], $0x1, s28, s8, $0xb8;
	[tilespmem:$0x1D580] =	vst v63  }
0x1f2: {  	s28 =	sadd.s32 $0x100, s26  }
0x1f3: {  	[tilespmem:s30], [sflag:$0x1] =	stream.indirect.gather [hbm4b:s1+s8], $0x80, s28, s8, $0xb8;
	[tilespmem:$0x1D580] =	vst v63  }
0x1f4: {  	_ =	swait.ge [sflag:s14], $0x2800  }
0x1f5: {  	[sflag:s14] =	ssyncset.done $0x0  }
0x1f6: {  	s28 =	sadd.s32 $0x2080, s26;
	[sflag:s14] =	ssyncadd.s32 $0xFFFFD800  }
0x1f7: {  	[spmem:s3] =	stream.indirect.scatter.add.f32 [tilespmem:s10], [sflag:$0x6], $0x80, s28, s8, $0xb8;
	[tilespmem:$0x1D580] =	vst v63  }
.Ltmp5:
0x1f8: {  	_ =	swait.ge [sflag:s12], $0x2800;
	(pc) =	sbr.rel @p1 .LBB2_12-.Ltmp5, $4  }
0x1f9: {  	[sflag:s12] =	ssyncset.done $0x0  }
0x1fa: {  	[sflag:s12] =	ssyncadd.s32 $0xFFFFD800  }
0x1fb: {  	[spmem:s4] =	stream.indirect.scatter.add.f32 [tilespmem:s13], [sflag:$0x5], $0x1, s28, s8, $0xb8;
	[tilespmem:$0x1D580] =	vst v63  }
0x1fc: {  	s26 =	sadd.s32 $0x180, s26  }
0x1fd: {  	[tilespmem:s10], [sflag:$0x2] =	stream.indirect.gather [hbm4b:s1+s8], $0x80, s26, s8, $0xb8;
	[tilespmem:$0x1D580] =	vst v63  }
0x1fe: {  	_ =	swait.ge [sflag:s11], $0x2800  }
0x1ff: {  	[sflag:s11] =	ssyncset.done $0x0  }
0x200: {  	[sflag:s11] =	ssyncadd.s32 $0xFFFFD800  }
0x201: {  	[spmem:s3] =	stream.indirect.scatter.add.f32 [tilespmem:s30], [sflag:$0x6], $0x80, s15, s8, $0xb8;
	[tilespmem:$0x1D580] =	vst v63  }
0x202: {  	_ =	swait.ge [sflag:s12], $0x2800  }
0x203: {  	[sflag:s12] =	ssyncset.done $0x0  }
0x204: {  	[sflag:s12] =	ssyncadd.s32 $0xFFFFD800  }
0x205: {  	[spmem:s4] =	stream.indirect.scatter.add.f32 [tilespmem:s13], [sflag:$0x5], $0x1, s15, s8, $0xb8;
	[tilespmem:$0x1D580] =	vst v63  }
0x206: {  	_ = 	snop  }
0x207: {  	[tilespmem:s30], [sflag:$0x1] =	stream.indirect.gather [hbm4b:s1+s8], $0x80, s16, s8, $0xb8;
	[tilespmem:$0x1D580] =	vst v63  }
0x208: {  	_ =	swait.ge [sflag:s14], $0x2800  }
0x209: {  	[sflag:s14] =	ssyncset.done $0x0  }
0x20a: {  	[sflag:s14] =	ssyncadd.s32 $0xFFFFD800  }
0x20b: {  	[spmem:s3] =	stream.indirect.scatter.add.f32 [tilespmem:s10], [sflag:$0x6], $0x80, s17, s8, $0xb8;
	[tilespmem:$0x1D580] =	vst v63  }
0x20c: {  	_ =	swait.ge [sflag:s12], $0x2800  }
0x20d: {  	[sflag:s12] =	ssyncset.done $0x0  }
0x20e: {  	[sflag:s12] =	ssyncadd.s32 $0xFFFFD800  }
0x20f: {  	[spmem:s4] =	stream.indirect.scatter.add.f32 [tilespmem:s13], [sflag:$0x5], $0x1, s17, s8, $0xb8;
	[tilespmem:$0x1D580] =	vst v63  }
0x210: {  	_ =	swait.ge [sflag:s11], $0x2800  }
0x211: {  	[sflag:s11] =	ssyncset.done $0x0  }
0x212: {  	[sflag:s11] =	ssyncadd.s32 $0xFFFFD800  }
0x213: {  	[spmem:s3] =	stream.indirect.scatter.add.f32 [tilespmem:s30], [sflag:$0x6], $0x80, s18, s8, $0xb8;
	[tilespmem:$0x1D580] =	vst v63  }
0x214: {  	_ =	swait.ge [sflag:s12], $0x2800  }
0x215: {  	[sflag:s12] =	ssyncset.done $0x0  }
0x216: {  	[sflag:s12] =	ssyncadd.s32 $0xFFFFD800  }
0x217: {  	[spmem:s4] =	stream.indirect.scatter.add.f32 [tilespmem:s13], [sflag:$0x5], $0x1, s18, s8, $0xb8;
	[tilespmem:$0x1D580] =	vst v63  }
0x218: {  	_ =	swait.ge [sflag:s2], $0x50  }
0x219: {  	s25 =	simm.s32 $0x7C;
	[sflag:s2] =	ssyncset.done $0x0  }
.LBB2_14:
0x21a: {  	p1 =	sne.s32 s25, $0x1;
	s25 =	sadd.s32 $0xFFFFFFFF, s25;
	[sflag:s2] =	ssyncadd.s32 $0xFFFFFFB0  }
.Ltmp6:
0x21b: {  	(pc) =	sbr.rel @p1 .LBB2_14-.Ltmp6, $3  }
0x21c: {  	_ =	sdelay $0x1  }
0x21d: {  	_ =	swait.ge [sflag:s2], $0x50  }
0x21e: {  	[sflag:s2] =	ssyncset.done $0x0  }
0x21f: {  	[sflag:s2] =	ssyncadd.s32 $0xFFFFFFB0;
	s20 =	stileid.u32  }
0x220: {  	s25 =	sshll.u32 s20, $0x6;
	[bflag:$0x0] =	sbarrier.arrive $0xFFFF  }
0x221: {  	s26 =	sshrl.u32 s6, $0x3;
	s25 =	sor.u32 $0x1C06, s25;
	s22 =	rddreg [dreg:$0x15]  }
0x222: {  	[hbm:s22], [sflag:s25] =	dma.local [spmem:s26], $0x2800  }
0x223: {  	s28 =	simm.s32 @!p0 $0x1;
	_ =	swait.ge [sflag:s12], $0x2800  }
0x224: {  	s20 =	simm.s32 @!p0 $0x20;
	s26 =	sshrl.u32 @!p0 s4, $0x3;
	[sflag:s12] =	ssyncset.done $0x0  }
0x225: {  	s22 =	simm.s32 @!p0 $0x10;
	s29 =	rddreg [dreg:$0x16];
	[sflag:s12] =	ssyncadd.s32 $0xFFFFD800  }
0x226: {  	[hbm:s29@s20], [sflag:s25] =	dma.strided @!p0 [spmem:s26@s22], $0x500, s28, $0x10   }
0x227: {  	s20 =	simm.s32 @!p0 $0x6  }
0x228: {  	_ =	swait.ge @!p0 [sflag:s20], $0x500  }
0x229: {  	s24 =	sadd.s32 $0x1, s24;
	s28 =	rddreg [dreg:$0x17]  }
0x22a: {  	p1 =	sne.s32 s24, s28  }
.Ltmp7:
0x22b: {  	_ = 	snop;
	(pc) =	sbr.rel @p1 .LBB2_1-.Ltmp7, $3  }
0x22c: {  	_ =	sdelay $0x1  }
0x22d: {  	[sflag:s20] =	ssyncset.done @!p0 $0x0  }
0x22e: {  	s22 =	simm.s32 $0x2000;
	s29 =	simm.s32 $0x3000;
	[sflag:s20] =	ssyncadd.s32 @!p0 $0xFFFFFB00  }
0x22f: {  	_ =	sfence.sel $0x180000  }
0x230: {  	[bflag:$0x0] =	sbarrier.arrive $0xFFFF  }
0x231: {  	_ =	strace $0x90000047  }
0x232: {  	[bflag:$0x2] =	sbarrier.arrive $0xFFFF  }
0x233: {  	s0 =	rddreg [dreg:$0x4]  }
0x234: {  	s0 =	sadd.s32 @!p0 $0x100000, s0  }
0x235: {  	[sflag:s0] =	ssyncadd.tile.s32 @!p0 $0x1;
	_ =	shalt  }
.Lfunc_end2:
_tile_overlayer_lowered:
.L_overlay_start_2:
0x236: {  	(tag) =	ssettag $0x2  }
0x237: {  	s0 =	rddreg [dreg:$0x0];
	s2 =	stileid.u32  }
0x238: {  	s1 =	rddreg [dreg:$0x1];
	p0 =	sne.s32 s2, $0x0  }
0x239: {  	s3 =	rddreg [dreg:$0x2];
	[bflag:$0x3] =	sbarrier.arrive $0xFFFF;
	s2 =	simm.s32 @!p0 $0x1C06  }
0x23a: {  	[timem:s3], [sflag:s2] =	dma.local @!p0 [hbm:s0], s1  }
0x23b: {  	s0 =	simm.s32 @!p0 $0x6  }
0x23c: {  	_ =	swait.ge @!p0 [sflag:s0], s1  }
0x23d: {  	s1 =	ssub.s32 @!p0 $0x0, s1;
	[sflag:s0] =	ssyncset.done @!p0 $0x0  }
0x23e: {  	[sflag:s0] =	ssyncadd.s32 @!p0 s1  }
0x23f: {  	[bflag:$0x3] =	sbarrier.arrive $0xFFFF  }
0x240: {  	_ =	shalt  }

// kernel: kernel.9.cloned.1.call-start
scs
__scs_entry_jumppad:
0x0: {  	(pc) =	sbr.rel $0x88, $3  }
0x1: {  	(tag) =	ssettag $0x0;
	lr =	simm.s32 $0x1  }
0x2: {  	[smem:$0x3F97] =	sst lr;
	_ =	strace $0xD0000000  }
0x3: {  	_ = 	snop  }
0x4: {  	_ = 	snop  }
0x5: {  	_ = 	snop  }
0x6: {  	_ = 	snop  }
0x7: {  	_ = 	snop  }
__scs_overlays_trampoline_lowered:
0x8: {  	[smem:$0x3FA6] =	sst s0  }
0x9: {  	[smem:$0x3FA7] =	sst s1  }
0xa: {  	[smem:$0x3FA8] =	sst s2  }
0xb: {  	[smem:$0x3FA9] =	sst s3  }
0xc: {  	[smem:$0x3FAA] =	sst s4  }
0xd: {  	[smem:$0x3FAB] =	sst s5  }
0xe: {  	[smem:$0x3FAC] =	sst s6  }
0xf: {  	[smem:$0x3FAD] =	sst s7  }
0x10: {  	[smem:$0x3FAE] =	sst s8  }
0x11: {  	[smem:$0x3FAF] =	sst s9;
	s0 =	simm.s32 @!p0 $0x0  }
0x12: {  	s1 =	sld [smem:$0x3F95];
	s0 =	simm.s32 @p0 $0x1  }
0x13: {  	[smem:$0x3FB0] =	sst s0;
	s0 =	simm.s32 @!p1 $0x0  }
0x14: {  	s2 =	sld [smem:$0x3F94];
	s0 =	simm.s32 @p1 $0x1  }
0x15: {  	[smem:$0x3FB1] =	sst s0;
	s0 =	simm.s32 @!p2 $0x0  }
0x16: {  	s3 =	sld [smem:$0x3FDB];
	s0 =	simm.s32 @p2 $0x1  }
0x17: {  	s4 =	simm.s32 $0x1BF5;
	[smem:$0x3FB3] =	sst s0  }
0x18: {  	s0 =	sld [smem:$0x3F96];
	_ =	swait.ge [sflag:s4], $0x0  }
0x19: {  	s7 =	sld [smem:$0x3F97]  }
0x1a: {  	s8 =	sadd.s32 $0xFFFFE003, lr  }
0x1b: {  	s9 =	sadd.s32 $0xFFFFFEF7, lr;
	s5 =	simm.s32 $0xFFFFFFFF;
	p2 =	slt.u32 s8, $0xFFFFF086  }
0x1c: {  	p1 =	slt.u32 s9, $0xF7A;
	s5 =	simm.s32 @!p2 $0x0  }
0x1d: {  	s5 =	simm.s32 @p1 $0x1;
	p0 =	seq.s32 s7, s2  }
0x1e: {  	s7 =	smul.u32 @!p0 $0xF7A, s2;
	p2 =	seq.s32 @!p0 s5, $0x0  }
0x1f: {  	s9 =	smul.u32 $0xF7A, s1;
	s8 =	simm.s32 @!p0 $0x1BF5;
	p2 =	por !p2, p0  }
0x20: {  	[sflag:s8] =	ssyncset.s32 @!p0 $0xFFFFF086;
	s6 =	sadd.s32 @!p0 s3, s7;
	s7 =	simm.s32 @!p0 $0x108  }
0x21: {  	s3 =	sadd.s32 s3, s9;
	s6 =	sadd.s32 @!p0 $0x88, s6;
	s7 =	simm.s32 @p2 $0x1082  }
0x22: {  	[simem:s7], [sflag:s8] =	dma.local @!p0 [hbm:s6], $0xF7A  }
0x23: {  	s9 =	sor.u32 $0xD0000000, s2;
	s6 =	simm.s32 $0x108;
	_ =	swait.ge @!p0 [sflag:s8], $0x0  }
0x24: {  	s3 =	sadd.s32 $0x88, s3;
	s6 =	simm.s32 @!p1 $0x1082;
	[sflag:s4] =	ssyncset.s32 $0xFFFFF086  }
0x25: {  	[simem:s6], [sflag:s4] =	dma.local [hbm:s3], $0xF7A  }
0x26: {  	[smem:$0x3F97] =	sst s1;
	(tag) =	ssettag s2;
	_ =	strace s9  }
0x27: {  	s1 =	sld [smem:$0x3FA7]  }
0x28: {  	s2 =	sld [smem:$0x3FA8]  }
0x29: {  	s4 =	sld [smem:$0x3FAA]  }
0x2a: {  	p0 =	seq.s32 s5, $0x0;
	s5 =	sld [smem:$0x3FAB]  }
0x2b: {  	s6 =	sld [smem:$0x3FAC]  }
0x2c: {  	s7 =	sld [smem:$0x3FAD]  }
0x2d: {  	s3 =	simm.s32 $0x108;
	s8 =	sld [smem:$0x3FAE]  }
0x2e: {  	s3 =	simm.s32 @!p0 $0x1082;
	s9 =	sld [smem:$0x3FAF]  }
0x2f: {  	lr =	sadd.s32 s0, s3;
	s0 =	sld [smem:$0x3FA6]  }
0x30: {  	s3 =	sld [smem:$0x3FA9]  }
0x31: {  	[smem:$0x3FB2] =	sst s10  }
0x32: {  	s10 =	sld [smem:$0x3FB0];
	_ =	sdelay $0x3  }
0x33: {  	p0 =	seq.s32 s10, $0x1;
	s10 =	sld [smem:$0x3FB2];
	_ =	sdelay $0x3  }
0x34: {  	[smem:$0x3FB2] =	sst s10  }
0x35: {  	s10 =	sld [smem:$0x3FB1];
	_ =	sdelay $0x3  }
0x36: {  	p1 =	seq.s32 s10, $0x1;
	s10 =	sld [smem:$0x3FB2];
	_ =	sdelay $0x3  }
0x37: {  	[smem:$0x3FB2] =	sst s10  }
0x38: {  	s10 =	sld [smem:$0x3FB3]  }
0x39: {  	_ = 	snop;
	(pc) =	sbr.ind lr, $3  }
0x3a: {  	_ = 	snop  }
0x3b: {  	_ = 	snop  }
0x3c: {  	p2 =	seq.s32 s10, $0x1;
	s10 =	sld [smem:$0x3FB2]  }
0x3d: {  	_ =	shalt  }
0x3e: {  	_ =	shalt  }
0x3f: {  	_ =	shalt  }
0x40: {  	_ =	shalt  }
0x41: {  	_ =	shalt  }
0x42: {  	_ =	shalt  }
0x43: {  	_ =	shalt  }
0x44: {  	_ =	shalt  }
0x45: {  	_ =	shalt  }
0x46: {  	_ =	shalt  }
0x47: {  	_ =	shalt  }
0x48: {  	_ =	shalt  }
0x49: {  	_ =	shalt  }
0x4a: {  	_ =	shalt  }
0x4b: {  	_ =	shalt  }
0x4c: {  	_ =	shalt  }
0x4d: {  	_ =	shalt  }
0x4e: {  	_ =	shalt  }
0x4f: {  	_ =	shalt  }
0x50: {  	_ =	shalt  }
0x51: {  	_ =	shalt  }
0x52: {  	_ =	shalt  }
0x53: {  	_ =	shalt  }
0x54: {  	_ =	shalt  }
0x55: {  	_ =	shalt  }
0x56: {  	_ =	shalt  }
0x57: {  	_ =	shalt  }
0x58: {  	_ =	shalt  }
0x59: {  	_ =	shalt  }
0x5a: {  	_ =	shalt  }
0x5b: {  	_ =	shalt  }
0x5c: {  	_ =	shalt  }
0x5d: {  	_ =	shalt  }
0x5e: {  	_ =	shalt  }
0x5f: {  	_ =	shalt  }
0x60: {  	_ =	shalt  }
0x61: {  	_ =	shalt  }
0x62: {  	_ =	shalt  }
0x63: {  	_ =	shalt  }
0x64: {  	_ =	shalt  }
0x65: {  	_ =	shalt  }
0x66: {  	_ =	shalt  }
0x67: {  	_ =	shalt  }
0x68: {  	_ =	shalt  }
0x69: {  	_ =	shalt  }
0x6a: {  	_ =	shalt  }
0x6b: {  	_ =	shalt  }
0x6c: {  	_ =	shalt  }
0x6d: {  	_ =	shalt  }
0x6e: {  	_ =	shalt  }
0x6f: {  	_ =	shalt  }
0x70: {  	_ =	shalt  }
0x71: {  	_ =	shalt  }
0x72: {  	_ =	shalt  }
0x73: {  	_ =	shalt  }
0x74: {  	_ =	shalt  }
0x75: {  	_ =	shalt  }
0x76: {  	_ =	shalt  }
0x77: {  	_ =	shalt  }
0x78: {  	_ =	shalt  }
0x79: {  	_ =	shalt  }
0x7a: {  	_ =	shalt  }
0x7b: {  	_ =	shalt  }
0x7c: {  	_ =	shalt  }
0x7d: {  	_ =	shalt  }
0x7e: {  	_ =	shalt  }
0x7f: {  	_ =	shalt  }
0x80: {  	_ =	shalt  }
0x81: {  	_ =	shalt  }
0x82: {  	_ =	shalt  }
0x83: {  	_ =	shalt  }
0x84: {  	_ =	shalt  }
0x85: {  	_ =	shalt  }
0x86: {  	_ =	shalt  }
0x87: {  	_ =	shalt  }
.Lfunc_end0:
.L_simem_size_0:
called_computation.1_lowered:
.L_overlay_start_0:
0x88: {  	s2 =	sld [smem:$0x3FD9]  }
0x89: {  	s3 =	sld [smem:$0x3FFE];
	_ =	sdelay $0x1  }
0x8a: {  	s1 =	srdreg.scid  }
0x8b: {  	s0 =	sand.u32 $0x1, s1  }
0x8c: {  	s17 =	sshll.u32 s0, $0xA;
	s2 =	sadd.s32 s3, s2  }
0x8d: {  	s2 =	sadd.s32 s2, s17  }
0x8e: {  	[smem:$0x3FBE] =	sst s2  }
0x8f: {  	_ = 	snop  }
0x90: {  	s2 =	sld [smem:$0x3FD0];
	(tm) =	ssettm $0x1  }
0x91: {  	s18 =	sld [smem:$0x3FFB];
	_ =	sdelay $0x3  }
0x92: {  	_ =	strace s18  }
0x93: {  	s3 =	sld [smem:$0x3FFC];
	_ =	sdelay $0x3  }
0x94: {  	_ =	strace s3  }
0x95: {  	s3 =	sld [smem:$0x3FFD];
	_ =	sdelay $0x3  }
0x96: {  	_ =	strace s3  }
0x97: {  	_ =	strace $0x8FFFFFFF  }
0x98: {  	s19 =	sld [smem:$0x3FDB];
	_ =	sdelay $0x1  }
0x99: {  	s4 =	simm.s32 $_scs_section_size  }
0x9a: {  	s5 =	simm.s32 $_size__tile_overlayer_lowered;
	s6 =	simm.s32 $_tile_overlayer_lowered  }
0x9b: {  	s22 =	simm.s32 $0x1BFF;
	s21 =	sshll.u32 s6, $0x1;
	s3 =	sadd.s32 s4, s19  }
0x9c: {  	s7 =	simm.s32 $0x0;
	s20 =	sshll.u32 s5, $0x1;
	s5 =	sadd.s32 s21, s3  }
0x9d: {  	[timem:s7], [sflag:s22] =	dma.local [hbm:s5], s20  }
0x9e: {  	_ =	swait.ge [sflag:s22], s20  }
0x9f: {  	s4 =	ssub.s32 $0x0, s20;
	[sflag:s22] =	ssyncset.done $0x0  }
0xa0: {  	[sflag:s22] =	ssyncadd.s32 s4;
	_ =	sdelay $0x1  }
0xa1: {  	s23 =	simm.s32 $0x1B8B  }
0xa2: {  	_ =	swait.ge [sflag:s23], $0x1  }
0xa3: {  	[sflag:s23] =	ssyncset.done $0x0  }
0xa4: {  	s25 =	simm.s32 $0x1B8E;
	s24 =	sld [smem:$0x3FFE];
	[sflag:s23] =	ssyncadd.s32 $0xFFFFFFFF  }
0xa5: {  	s26 =	simm.s32 $execute0_lowered;
	[smem:$0x3FD2] =	sst s25  }
0xa6: {  	s5 =	sshll.u32 s26, $0x1;
	_ =	strace $0x80000049;
	[dreg:$0x1] =	wrdreg $0xFFFFFFFF  }
0xa7: {  	s28 =	simm.s32 $_size_execute0_lowered;
	s3 =	sadd.s32 s3, s5;
	[dreg:$0x0] =	wrdreg $0x0  }
0xa8: {  	s5 =	sshll.u32 s28, $0x1;
	[dreg:$0x2] =	wrdreg s3  }
0xa9: {  	[dreg:$0x3] =	wrdreg s5  }
0xaa: {  	[dreg:$0x4] =	wrdreg $0xC0  }
0xab: {  	_ =	task [dreg:s7], $0x5FFFF  }
0xac: {  	[dreg:$0x1] =	wrdreg $0xFFFFFFFF  }
0xad: {  	[dreg:$0x0] =	wrdreg $0x60  }
0xae: {  	[dreg:$0x2] =	wrdreg s2  }
0xaf: {  	[dreg:$0x3] =	wrdreg s24  }
0xb0: {  	[dreg:$0x4] =	wrdreg $0x90000  }
0xb1: {  	[dreg:$0x5] =	wrdreg $0x9  }
0xb2: {  	_ =	task.clear_ibuf [dreg:s7], $0x6FFFF;
	_ =	strace $0x90000049  }
0xb3: {  	s29 =	simm.s32 $0x9;
	_ =	strace $0x8000004B  }
0xb4: {  	_ =	swait.ge [sflag:s29], $0x1  }
0xb5: {  	[sflag:s29] =	ssyncadd.s32 $0xFFFFFFFF  }
0xb6: {  	_ =	strace $0x9000004B  }
0xb7: {  	_ =	sfence  }
0xb8: {  	s30 =	sld [smem:$0x0];
	_ =	sdelay $0x2  }
0xb9: {  	s31 =	sshll.u32 s1, $0xD;
	s1 =	sshrl.u32 s1, $0x2  }
0xba: {  	s3 =	sand.u32 $0x4000, s31;
	s1 =	sadd.s32 s1, s30  }
0xbb: {  	s0 =	sor.u32 s3, s0;
	s1 =	sshll.u32 s1, $0x11  }
0xbc: {  	s0 =	sor.u32 s1, s0  }
0xbd: {  	s0 =	sadd.s32 $0x8F2B, s0  }
0xbe: {  	[sflag:s0] =	ssyncadd.remote.s32 $0x1  }
0xbf: {  	_ =	sfence.sel $0xFFFF  }
0xc0: {  	[dreg:$0x0] =	wrdreg $0xFFFFFFFF;
	(pc) =	sbr.abs _section_cstart, $3  }
0xc1: {  	[dreg:$0x1] =	wrdreg $0xFFFFFFFF  }
0xc2: {  	_ =	task.clear_ibuf [dreg:s7], $0x2FFFF;
	_ =	strace $0x9FFFFFFF  }
0xc3: {  	(tm) =	ssettm $0x7FFFFFFF  }
tec
execute0_lowered:
.L_overlay_start_1:
0x0: {  	(tag) =	ssettag $0x1  }
0x1: {  	s0 =	srdreg.scid  }
0x2: {  	s8 =	stileid.u32;
	s1 =	rddreg [dreg:$0x0]  }
0x3: {  	s0 =	sand.u32 $0x1, s0;
	s2 =	sshll.u32 s8, $0x1;
	s7 =	smul.u32 $0x14000, s8  }
0x4: {  	s5 =	rddreg [dreg:$0x1];
	s2 =	sor.u32 s0, s2;
	s6 =	smul.u32 $0x140000, s0  }
0x5: {  	s3 =	rddreg [dreg:$0x2];
	s4 =	simm.s32 $0x0;
	s2 =	smul.u32 $0x5000, s2  }
0x6: {  	[smem:$0x7FF] =	sst s4  }
0x7: {  	s8 =	smul.u32 $0x50000, s8;
	s6 =	sadd.s32 s7, s6;
	s2 =	sshrl.u32 s2, $0x3  }
0x8: {  	_ =	strace $0x8000004A;
	s6 =	sshrl.u32 s6, $0x3;
	s2 =	sadd.s32 s2, s5  }
0x9: {  	s8 =	sshrl.u32 s8, $0x2;
	s6 =	sadd.s32 s6, s5;
	s11 =	sadd.s32 $0x3000, s2  }
0xa: {  	s5 =	sadd.s32 s8, s3;
	s12 =	sadd.s32 $0x17000, s2;
	[dreg:$0x4] =	wrdreg s11  }
0xb: {  	s13 =	sadd.s32 $0x2800, s5;
	[dreg:$0x5] =	wrdreg s12  }
0xc: {  	s14 =	sadd.s32 $0x5000, s5;
	[dreg:$0x6] =	wrdreg s13  }
0xd: {  	s15 =	sadd.s32 $0x7800, s5;
	[dreg:$0x7] =	wrdreg s14  }
0xe: {  	s16 =	sadd.s32 $0xA000, s5;
	[dreg:$0x8] =	wrdreg s15  }
0xf: {  	s17 =	sadd.s32 $0xC800, s5;
	[dreg:$0x9] =	wrdreg s16  }
0x10: {  	s28 =	simm.s32 $0x5;
	s18 =	sadd.s32 $0xF000, s5;
	[dreg:$0xa] =	wrdreg s17  }
0x11: {  	s29 =	simm.s32 $0x1000;
	s19 =	sadd.s32 $0x11800, s5;
	[dreg:$0xb] =	wrdreg s18  }
0x12: {  	s31 =	simm.s32 $0x3;
	s20 =	sadd.s32 $0x3200, s2;
	[dreg:$0xc] =	wrdreg s19  }
0x13: {  	s9 =	simm.s32 $0x2;
	s21 =	sadd.s32 $0x17200, s2;
	[dreg:$0xd] =	wrdreg s20  }
0x14: {  	s30 =	simm.s32 $0x0;
	s22 =	sadd.s32 $0x3400, s2;
	[dreg:$0xe] =	wrdreg s21  }
0x15: {  	s0 =	ssub.s32 $0x2, s0;
	s23 =	sadd.s32 $0x17400, s2;
	[dreg:$0xf] =	wrdreg s22  }
0x16: {  	s10 =	sshrl.u32 s0, $0x1;
	s24 =	sadd.s32 $0x3600, s2;
	[dreg:$0x10] =	wrdreg s23  }
0x17: {  	s0 =	ssub.s32 s0, s10;
	s25 =	sadd.s32 $0x17600, s2;
	[dreg:$0x11] =	wrdreg s24  }
0x18: {  	s7 =	simm.s32 $0x1;
	s26 =	sadd.s32 $0x3800, s2;
	[dreg:$0x12] =	wrdreg s25  }
0x19: {  	s10 =	simm.s32 $0x2B00;
	s2 =	sadd.s32 $0x17800, s2;
	[dreg:$0x13] =	wrdreg s26  }
0x1a: {  	s8 =	simm.s32 $0x6;
	[dreg:$0x14] =	wrdreg s2;
	s23 =	sadd.s32 $0x2B000, s6  }
0x1b: {  	s24 =	smax.u32 s0, $0x1;
	s25 =	simm.s32 $0x2000;
	s26 =	simm.s32 $0x4000  }
0x1c: {  	s2 =	simm.s32 $0x50;
	s0 =	simm.s32 $0x80;
	s6 =	simm.s32 $0x6800  }
0x1d: {  	s11 =	simm.s32 $0xC00;
	s12 =	simm.s32 $0x2B80;
	s13 =	simm.s32 $0x2C00  }
0x1e: {  	s14 =	simm.s32 $0x4;
	s15 =	simm.s32 $0x1080;
	s16 =	simm.s32 $0x3B00  }
0x1f: {  	v0 =	vimm.f32 $0.0e+00;
	s17 =	simm.s32 $0x1C00;
	s18 =	simm.s32 $0x3B80;
	s19 =	simm.s32 $0x3C00  }
.LBB2_1:
0x20: {  	s20 =	rddreg [dreg:$0x4]  }
0x21: {  	[tilespmem:s4], [sflag:$0x3] =	stream.linear.gather [hbm4b:s20+s4], $0xC80, $0x38;
	[tilespmem:$0x1D000] =	vst v63  }
0x22: {  	s22 =	rddreg [dreg:$0x5];
	s21 =	simm.s32 $0x200;
	s20 =	simm.s32 $0x0  }
0x23: {  	[tilespmem:s25], [sflag:$0x3] =	stream.linear.gather [hbm4b:s22+s4], $0xC80, $0x38;
	[tilespmem:$0x1D000] =	vst v63  }
.LBB2_2:
0x24: {  	p0 =	sne.s32 s21, $0x9E00;
	[tilespmem:s20+$0x4070] =	vst v0  }
0x25: {  	[tilespmem:s20+$0x4000] =	vst v0  }
0x26: {  	[tilespmem:s20+$0x4010] =	vst v0  }
.Ltmp0:
0x27: {  	[tilespmem:s20+$0x4020] =	vst v0;
	(pc) =	sbr.rel @p0 .LBB2_2-.Ltmp0, $4  }
0x28: {  	[tilespmem:s20+$0x4030] =	vst v0  }
0x29: {  	[tilespmem:s20+$0x4040] =	vst v0  }
0x2a: {  	[tilespmem:s20+$0x4050] =	vst v0  }
0x2b: {  	[tilespmem:s20+$0x4060] =	vst v0;
	s20 =	sshra.s32 s21, $0x2;
	s21 =	sadd.s32 $0x200, s21  }
0x2c: {  	[tilespmem:s20+$0x4070] =	vst v0  }
0x2d: {  	[tilespmem:s20+$0x4000] =	vst v0  }
0x2e: {  	[tilespmem:s20+$0x4010] =	vst v0  }
0x2f: {  	[tilespmem:s20+$0x4020] =	vst v0  }
0x30: {  	[tilespmem:s20+$0x4030] =	vst v0  }
0x31: {  	[tilespmem:s20+$0x4040] =	vst v0  }
0x32: {  	[tilespmem:s20+$0x4050] =	vst v0  }
0x33: {  	[tilespmem:s20+$0x4060] =	vst v0  }
0x34: {  	[spmem:s5] =	stream.linear.scatter [tilespmem:s26], [sflag:$0x5], $0x2800, $0x38;
	[tilespmem:$0x1D000] =	vst v63  }
0x35: {  	s21 =	rddreg [dreg:$0x6]  }
0x36: {  	[spmem:s21] =	stream.linear.scatter [tilespmem:s26], [sflag:$0x5], $0x2800, $0x38;
	[tilespmem:$0x1D000] =	vst v63  }
0x37: {  	s22 =	rddreg [dreg:$0x7]  }
0x38: {  	[spmem:s22] =	stream.linear.scatter [tilespmem:s26], [sflag:$0x5], $0x2800, $0x38;
	[tilespmem:$0x1D000] =	vst v63  }
0x39: {  	s21 =	rddreg [dreg:$0x8]  }
0x3a: {  	[spmem:s21] =	stream.linear.scatter [tilespmem:s26], [sflag:$0x5], $0x2800, $0x38;
	[tilespmem:$0x1D000] =	vst v63  }
0x3b: {  	s22 =	rddreg [dreg:$0x9]  }
0x3c: {  	[spmem:s22] =	stream.linear.scatter [tilespmem:s26], [sflag:$0x5], $0x2800, $0x38;
	[tilespmem:$0x1D000] =	vst v63  }
0x3d: {  	s21 =	rddreg [dreg:$0xa]  }
0x3e: {  	[spmem:s21] =	stream.linear.scatter [tilespmem:s26], [sflag:$0x5], $0x2800, $0x38;
	[tilespmem:$0x1D000] =	vst v63  }
0x3f: {  	s22 =	rddreg [dreg:$0xb]  }
0x40: {  	[spmem:s22] =	stream.linear.scatter [tilespmem:s26], [sflag:$0x5], $0x2800, $0x38;
	[tilespmem:$0x1D000] =	vst v63  }
0x41: {  	s21 =	rddreg [dreg:$0xc]  }
0x42: {  	[spmem:s21] =	stream.linear.scatter [tilespmem:s26], [sflag:$0x5], $0x2800, $0x38;
	[tilespmem:$0x1D000] =	vst v63  }
0x43: {  	_ =	swait.ge [sflag:s28], $0x2800  }
0x44: {  	[sflag:s28] =	ssyncset.done $0x0  }
0x45: {  	[sflag:s28] =	ssyncadd.s32 $0xFFFFD800  }
0x46: {  	_ =	swait.ge [sflag:s28], $0x2800  }
0x47: {  	[sflag:s28] =	ssyncset.done $0x0  }
0x48: {  	[sflag:s28] =	ssyncadd.s32 $0xFFFFD800  }
0x49: {  	_ =	swait.ge [sflag:s28], $0x2800  }
0x4a: {  	[sflag:s28] =	ssyncset.done $0x0  }
0x4b: {  	[sflag:s28] =	ssyncadd.s32 $0xFFFFD800  }
0x4c: {  	_ =	swait.ge [sflag:s28], $0x2800  }
0x4d: {  	[sflag:s28] =	ssyncset.done $0x0  }
0x4e: {  	[sflag:s28] =	ssyncadd.s32 $0xFFFFD800  }
0x4f: {  	_ =	swait.ge [sflag:s28], $0x2800  }
0x50: {  	[sflag:s28] =	ssyncset.done $0x0  }
0x51: {  	[sflag:s28] =	ssyncadd.s32 $0xFFFFD800  }
0x52: {  	_ =	swait.ge [sflag:s28], $0x2800  }
0x53: {  	[sflag:s28] =	ssyncset.done $0x0  }
0x54: {  	[sflag:s28] =	ssyncadd.s32 $0xFFFFD800  }
0x55: {  	_ =	swait.ge [sflag:s28], $0x2800  }
0x56: {  	[sflag:s28] =	ssyncset.done $0x0  }
0x57: {  	[sflag:s28] =	ssyncadd.s32 $0xFFFFD800  }
0x58: {  	_ =	swait.ge [sflag:s28], $0x2800  }
0x59: {  	[sflag:s28] =	ssyncset.done $0x0  }
0x5a: {  	[sflag:s28] =	ssyncadd.s32 $0xFFFFD800  }
0x5b: {  	[bflag:$0x0] =	sbarrier.arrive $0xFFFF  }
0x5c: {  	s20 =	simm.s32 $0x0;
	s21 =	rddreg [dreg:$0xd]  }
0x5d: {  	[tilespmem:s29], [sflag:$0x4] =	stream.linear.gather [hbm4b:s21+s20], $0xC80, $0x38;
	[tilespmem:$0x1D000] =	vst v63  }
0x5e: {  	s22 =	simm.s32 $0x3000;
	s21 =	rddreg [dreg:$0xe]  }
0x5f: {  	[tilespmem:s22], [sflag:$0x4] =	stream.linear.gather [hbm4b:s21+s20], $0xC80, $0x38;
	[tilespmem:$0x1D000] =	vst v63  }
0x60: {  	_ =	swait.ge [sflag:s31], $0xC80  }
0x61: {  	[sflag:s31] =	ssyncset.done $0x0  }
0x62: {  	[sflag:s31] =	ssyncadd.s32 $0xFFFFF380  }
0x63: {  	_ =	swait.ge [sflag:s31], $0xC80  }
0x64: {  	[sflag:s31] =	ssyncset.done $0x0  }
0x65: {  	[sflag:s31] =	ssyncadd.s32 $0xFFFFF380  }
0x66: {  	[tilespmem:s26], [sflag:$0x1] =	stream.indirect.gather [hbm4b:s1+s2], $0x80, s20, s2, $0xb8;
	[tilespmem:$0x1D000] =	vst v63  }
0x67: {  	_ = 	snop  }
0x68: {  	[tilespmem:s6], [sflag:$0x2] =	stream.indirect.gather [hbm4b:s1+s2], $0x80, s0, s2, $0xb8;
	[tilespmem:$0x1D000] =	vst v63  }
0x69: {  	_ =	swait.ge [sflag:s7], $0x2800  }
0x6a: {  	[sflag:s7] =	ssyncset.done $0x0  }
0x6b: {  	s22 =	simm.s32 $0x2000;
	[sflag:s7] =	ssyncadd.s32 $0xFFFFD800  }
0x6c: {  	[spmem:s3] =	stream.indirect.scatter.add.f32 [tilespmem:s26], [sflag:$0x6], $0x80, s22, s2, $0xb8;
	[tilespmem:$0x1D000] =	vst v63  }
0x6d: {  	_ =	swait.ge [sflag:s8], $0x2800  }
0x6e: {  	[sflag:s8] =	ssyncset.done $0x0  }
0x6f: {  	s21 =	simm.s32 $0x100;
	[sflag:s8] =	ssyncadd.s32 $0xFFFFD800  }
0x70: {  	[tilespmem:s26], [sflag:$0x1] =	stream.indirect.gather [hbm4b:s1+s2], $0x80, s21, s2, $0xb8;
	[tilespmem:$0x1D000] =	vst v63  }
0x71: {  	_ =	swait.ge [sflag:s9], $0x2800  }
0x72: {  	[sflag:s9] =	ssyncset.done $0x0  }
0x73: {  	s22 =	simm.s32 $0x2080;
	[sflag:s9] =	ssyncadd.s32 $0xFFFFD800  }
0x74: {  	[spmem:s3] =	stream.indirect.scatter.add.f32 [tilespmem:s6], [sflag:$0x6], $0x80, s22, s2, $0xb8;
	[tilespmem:$0x1D000] =	vst v63  }
0x75: {  	_ =	swait.ge [sflag:s8], $0x2800  }
0x76: {  	[sflag:s8] =	ssyncset.done $0x0  }
0x77: {  	s20 =	simm.s32 $0x400;
	s21 =	simm.s32 $0x180;
	[sflag:s8] =	ssyncadd.s32 $0xFFFFD800  }
.LBB2_4:
0x78: {  	[tilespmem:s6], [sflag:$0x2] =	stream.indirect.gather [hbm4b:s1+s2], $0x80, s21, s2, $0xb8;
	[tilespmem:$0x1D000] =	vst v63  }
0x79: {  	s21 =	smov.u32 s20  }
0x7a: {  	p0 =	sne.s32 s20, $0x2800;
	s20 =	sadd.s32 $0x400, s20;
	_ =	swait.ge [sflag:s7], $0x2800  }
0x7b: {  	s21 =	sshra.s32 s21, $0x2;
	[sflag:s7] =	ssyncset.done $0x0  }
0x7c: {  	s22 =	sadd.s32 $0x2000, s21;
	[sflag:s7] =	ssyncadd.s32 $0xFFFFD800  }
0x7d: {  	[spmem:s3] =	stream.indirect.scatter.add.f32 [tilespmem:s26], [sflag:$0x6], $0x80, s22, s2, $0xb8;
	[tilespmem:$0x1D000] =	vst v63  }
0x7e: {  	_ =	swait.ge [sflag:s8], $0x2800  }
0x7f: {  	[sflag:s8] =	ssyncset.done $0x0  }
0x80: {  	s22 =	sadd.s32 $0x100, s21;
	[sflag:s8] =	ssyncadd.s32 $0xFFFFD800  }
0x81: {  	[tilespmem:s26], [sflag:$0x1] =	stream.indirect.gather [hbm4b:s1+s2], $0x80, s22, s2, $0xb8;
	[tilespmem:$0x1D000] =	vst v63  }
0x82: {  	_ =	swait.ge [sflag:s9], $0x2800  }
0x83: {  	[sflag:s9] =	ssyncset.done $0x0  }
.Ltmp1:
0x84: {  	s22 =	sadd.s32 $0x2080, s21;
	[sflag:s9] =	ssyncadd.s32 $0xFFFFD800;
	(pc) =	sbr.rel @p0 .LBB2_4-.Ltmp1, $4  }
0x85: {  	[spmem:s3] =	stream.indirect.scatter.add.f32 [tilespmem:s6], [sflag:$0x6], $0x80, s22, s2, $0xb8;
	[tilespmem:$0x1D000] =	vst v63  }
0x86: {  	_ =	swait.ge [sflag:s8], $0x2800  }
0x87: {  	[sflag:s8] =	ssyncset.done $0x0  }
0x88: {  	s21 =	sadd.s32 $0x180, s21;
	[sflag:s8] =	ssyncadd.s32 $0xFFFFD800  }
0x89: {  	[tilespmem:s6], [sflag:$0x2] =	stream.indirect.gather [hbm4b:s1+s2], $0x80, s21, s2, $0xb8;
	[tilespmem:$0x1D000] =	vst v63  }
0x8a: {  	_ =	swait.ge [sflag:s7], $0x2800  }
0x8b: {  	[sflag:s7] =	ssyncset.done $0x0  }
0x8c: {  	[sflag:s7] =	ssyncadd.s32 $0xFFFFD800  }
0x8d: {  	[spmem:s3] =	stream.indirect.scatter.add.f32 [tilespmem:s26], [sflag:$0x6], $0x80, s10, s2, $0xb8;
	[tilespmem:$0x1D000] =	vst v63  }
0x8e: {  	_ =	swait.ge [sflag:s8], $0x2800  }
0x8f: {  	[sflag:s8] =	ssyncset.done $0x0  }
0x90: {  	[sflag:s8] =	ssyncadd.s32 $0xFFFFD800  }
0x91: {  	[tilespmem:s26], [sflag:$0x1] =	stream.indirect.gather [hbm4b:s1+s2], $0x80, s11, s2, $0xb8;
	[tilespmem:$0x1D000] =	vst v63  }
0x92: {  	_ =	swait.ge [sflag:s9], $0x2800  }
0x93: {  	[sflag:s9] =	ssyncset.done $0x0  }
0x94: {  	[sflag:s9] =	ssyncadd.s32 $0xFFFFD800  }
0x95: {  	[spmem:s3] =	stream.indirect.scatter.add.f32 [tilespmem:s6], [sflag:$0x6], $0x80, s12, s2, $0xb8;
	[tilespmem:$0x1D000] =	vst v63  }
0x96: {  	_ =	swait.ge [sflag:s8], $0x2800  }
0x97: {  	[sflag:s8] =	ssyncset.done $0x0  }
0x98: {  	[sflag:s8] =	ssyncadd.s32 $0xFFFFD800  }
0x99: {  	_ =	swait.ge [sflag:s7], $0x2800  }
0x9a: {  	[sflag:s7] =	ssyncset.done $0x0  }
0x9b: {  	[sflag:s7] =	ssyncadd.s32 $0xFFFFD800  }
0x9c: {  	[spmem:s3] =	stream.indirect.scatter.add.f32 [tilespmem:s26], [sflag:$0x6], $0x80, s13, s2, $0xb8;
	[tilespmem:$0x1D000] =	vst v63  }
0x9d: {  	_ =	swait.ge [sflag:s8], $0x2800  }
0x9e: {  	[sflag:s8] =	ssyncset.done $0x0  }
0x9f: {  	s20 =	rddreg [dreg:$0xf];
	[sflag:s8] =	ssyncadd.s32 $0xFFFFD800  }
0xa0: {  	[tilespmem:s4], [sflag:$0x3] =	stream.linear.gather [hbm4b:s20+s4], $0xC80, $0x38;
	[tilespmem:$0x1D000] =	vst v63  }
0xa1: {  	s21 =	rddreg [dreg:$0x10]  }
0xa2: {  	[tilespmem:s25], [sflag:$0x3] =	stream.linear.gather [hbm4b:s21+s4], $0xC80, $0x38;
	[tilespmem:$0x1D000] =	vst v63  }
0xa3: {  	_ =	swait.ge [sflag:s14], $0xC80  }
0xa4: {  	[sflag:s14] =	ssyncset.done $0x0  }
0xa5: {  	[sflag:s14] =	ssyncadd.s32 $0xFFFFF380  }
0xa6: {  	_ =	swait.ge [sflag:s14], $0xC80  }
0xa7: {  	[sflag:s14] =	ssyncset.done $0x0  }
0xa8: {  	[sflag:s14] =	ssyncadd.s32 $0xFFFFF380  }
0xa9: {  	[tilespmem:s26], [sflag:$0x1] =	stream.indirect.gather [hbm4b:s1+s2], $0x80, s29, s2, $0xb8;
	[tilespmem:$0x1D000] =	vst v63  }
0xaa: {  	_ = 	snop  }
0xab: {  	[tilespmem:s6], [sflag:$0x2] =	stream.indirect.gather [hbm4b:s1+s2], $0x80, s15, s2, $0xb8;
	[tilespmem:$0x1D000] =	vst v63  }
0xac: {  	_ =	swait.ge [sflag:s7], $0x2800  }
0xad: {  	[sflag:s7] =	ssyncset.done $0x0  }
0xae: {  	s22 =	simm.s32 $0x3000;
	[sflag:s7] =	ssyncadd.s32 $0xFFFFD800  }
0xaf: {  	[spmem:s3] =	stream.indirect.scatter.add.f32 [tilespmem:s26], [sflag:$0x6], $0x80, s22, s2, $0xb8;
	[tilespmem:$0x1D000] =	vst v63  }
0xb0: {  	_ =	swait.ge [sflag:s8], $0x2800  }
0xb1: {  	[sflag:s8] =	ssyncset.done $0x0  }
0xb2: {  	s21 =	simm.s32 $0x1100;
	[sflag:s8] =	ssyncadd.s32 $0xFFFFD800  }
0xb3: {  	[tilespmem:s26], [sflag:$0x1] =	stream.indirect.gather [hbm4b:s1+s2], $0x80, s21, s2, $0xb8;
	[tilespmem:$0x1D000] =	vst v63  }
0xb4: {  	_ =	swait.ge [sflag:s9], $0x2800  }
0xb5: {  	[sflag:s9] =	ssyncset.done $0x0  }
0xb6: {  	s22 =	simm.s32 $0x3080;
	[sflag:s9] =	ssyncadd.s32 $0xFFFFD800  }
0xb7: {  	[spmem:s3] =	stream.indirect.scatter.add.f32 [tilespmem:s6], [sflag:$0x6], $0x80, s22, s2, $0xb8;
	[tilespmem:$0x1D000] =	vst v63  }
0xb8: {  	_ =	swait.ge [sflag:s8], $0x2800  }
0xb9: {  	[sflag:s8] =	ssyncset.done $0x0  }
0xba: {  	s20 =	simm.s32 $0xFFFFD800;
	s21 =	simm.s32 $0x1180;
	[sflag:s8] =	ssyncadd.s32 $0xFFFFD800  }
.LBB2_6:
0xbb: {  	[tilespmem:s6], [sflag:$0x2] =	stream.indirect.gather [hbm4b:s1+s2], $0x80, s21, s2, $0xb8;
	[tilespmem:$0x1D000] =	vst v63  }
0xbc: {  	s21 =	smov.u32 s20  }
0xbd: {  	p0 =	sne.s32 s20, $0xFFFFFC00;
	s20 =	sadd.s32 $0x400, s20;
	_ =	swait.ge [sflag:s7], $0x2800  }
0xbe: {  	s21 =	sshra.s32 s21, $0x2;
	[sflag:s7] =	ssyncset.done $0x0  }
0xbf: {  	s22 =	sadd.s32 $0x3B00, s21;
	[sflag:s7] =	ssyncadd.s32 $0xFFFFD800  }
0xc0: {  	[spmem:s3] =	stream.indirect.scatter.add.f32 [tilespmem:s26], [sflag:$0x6], $0x80, s22, s2, $0xb8;
	[tilespmem:$0x1D000] =	vst v63  }
0xc1: {  	_ =	swait.ge [sflag:s8], $0x2800  }
0xc2: {  	[sflag:s8] =	ssyncset.done $0x0  }
0xc3: {  	s22 =	sadd.s32 $0x1C00, s21;
	[sflag:s8] =	ssyncadd.s32 $0xFFFFD800  }
0xc4: {  	[tilespmem:s26], [sflag:$0x1] =	stream.indirect.gather [hbm4b:s1+s2], $0x80, s22, s2, $0xb8;
	[tilespmem:$0x1D000] =	vst v63  }
0xc5: {  	_ =	swait.ge [sflag:s9], $0x2800  }
0xc6: {  	[sflag:s9] =	ssyncset.done $0x0  }
.Ltmp2:
0xc7: {  	s22 =	sadd.s32 $0x3B80, s21;
	[sflag:s9] =	ssyncadd.s32 $0xFFFFD800;
	(pc) =	sbr.rel @p0 .LBB2_6-.Ltmp2, $4  }
0xc8: {  	[spmem:s3] =	stream.indirect.scatter.add.f32 [tilespmem:s6], [sflag:$0x6], $0x80, s22, s2, $0xb8;
	[tilespmem:$0x1D000] =	vst v63  }
0xc9: {  	_ =	swait.ge [sflag:s8], $0x2800  }
0xca: {  	[sflag:s8] =	ssyncset.done $0x0  }
0xcb: {  	s21 =	sadd.s32 $0x1C80, s21;
	[sflag:s8] =	ssyncadd.s32 $0xFFFFD800  }
0xcc: {  	[tilespmem:s6], [sflag:$0x2] =	stream.indirect.gather [hbm4b:s1+s2], $0x80, s21, s2, $0xb8;
	[tilespmem:$0x1D000] =	vst v63  }
0xcd: {  	_ =	swait.ge [sflag:s7], $0x2800  }
0xce: {  	[sflag:s7] =	ssyncset.done $0x0  }
0xcf: {  	[sflag:s7] =	ssyncadd.s32 $0xFFFFD800  }
0xd0: {  	[spmem:s3] =	stream.indirect.scatter.add.f32 [tilespmem:s26], [sflag:$0x6], $0x80, s16, s2, $0xb8;
	[tilespmem:$0x1D000] =	vst v63  }
0xd1: {  	_ =	swait.ge [sflag:s8], $0x2800  }
0xd2: {  	[sflag:s8] =	ssyncset.done $0x0  }
0xd3: {  	[sflag:s8] =	ssyncadd.s32 $0xFFFFD800  }
0xd4: {  	[tilespmem:s26], [sflag:$0x1] =	stream.indirect.gather [hbm4b:s1+s2], $0x80, s17, s2, $0xb8;
	[tilespmem:$0x1D000] =	vst v63  }
0xd5: {  	_ =	swait.ge [sflag:s9], $0x2800  }
0xd6: {  	[sflag:s9] =	ssyncset.done $0x0  }
0xd7: {  	[sflag:s9] =	ssyncadd.s32 $0xFFFFD800  }
0xd8: {  	[spmem:s3] =	stream.indirect.scatter.add.f32 [tilespmem:s6], [sflag:$0x6], $0x80, s18, s2, $0xb8;
	[tilespmem:$0x1D000] =	vst v63  }
0xd9: {  	_ =	swait.ge [sflag:s8], $0x2800  }
0xda: {  	[sflag:s8] =	ssyncset.done $0x0  }
0xdb: {  	[sflag:s8] =	ssyncadd.s32 $0xFFFFD800  }
0xdc: {  	_ =	swait.ge [sflag:s7], $0x2800  }
0xdd: {  	[sflag:s7] =	ssyncset.done $0x0  }
0xde: {  	[sflag:s7] =	ssyncadd.s32 $0xFFFFD800  }
0xdf: {  	[spmem:s3] =	stream.indirect.scatter.add.f32 [tilespmem:s26], [sflag:$0x6], $0x80, s19, s2, $0xb8;
	[tilespmem:$0x1D000] =	vst v63  }
0xe0: {  	_ =	swait.ge [sflag:s8], $0x2800  }
0xe1: {  	[sflag:s8] =	ssyncset.done $0x0  }
0xe2: {  	s20 =	simm.s32 $0x0;
	s22 =	rddreg [dreg:$0x11];
	[sflag:s8] =	ssyncadd.s32 $0xFFFFD800  }
0xe3: {  	[tilespmem:s29], [sflag:$0x4] =	stream.linear.gather [hbm4b:s22+s20], $0xC80, $0x38;
	[tilespmem:$0x1D000] =	vst v63  }
0xe4: {  	s21 =	rddreg [dreg:$0x12];
	s22 =	simm.s32 $0x3000  }
0xe5: {  	[tilespmem:s22], [sflag:$0x4] =	stream.linear.gather [hbm4b:s21+s20], $0xC80, $0x38;
	[tilespmem:$0x1D000] =	vst v63  }
0xe6: {  	_ =	swait.ge [sflag:s31], $0xC80  }
0xe7: {  	[sflag:s31] =	ssyncset.done $0x0  }
0xe8: {  	[sflag:s31] =	ssyncadd.s32 $0xFFFFF380  }
0xe9: {  	_ =	swait.ge [sflag:s31], $0xC80  }
0xea: {  	[sflag:s31] =	ssyncset.done $0x0  }
0xeb: {  	[sflag:s31] =	ssyncadd.s32 $0xFFFFF380  }
0xec: {  	[tilespmem:s26], [sflag:$0x1] =	stream.indirect.gather [hbm4b:s1+s2], $0x80, s20, s2, $0xb8;
	[tilespmem:$0x1D000] =	vst v63  }
0xed: {  	_ = 	snop  }
0xee: {  	[tilespmem:s6], [sflag:$0x2] =	stream.indirect.gather [hbm4b:s1+s2], $0x80, s0, s2, $0xb8;
	[tilespmem:$0x1D000] =	vst v63  }
0xef: {  	_ =	swait.ge [sflag:s7], $0x2800  }
0xf0: {  	[sflag:s7] =	ssyncset.done $0x0  }
0xf1: {  	s22 =	simm.s32 $0x2000;
	[sflag:s7] =	ssyncadd.s32 $0xFFFFD800  }
0xf2: {  	[spmem:s3] =	stream.indirect.scatter.add.f32 [tilespmem:s26], [sflag:$0x6], $0x80, s22, s2, $0xb8;
	[tilespmem:$0x1D000] =	vst v63  }
0xf3: {  	_ =	swait.ge [sflag:s8], $0x2800  }
0xf4: {  	[sflag:s8] =	ssyncset.done $0x0  }
0xf5: {  	s21 =	simm.s32 $0x100;
	[sflag:s8] =	ssyncadd.s32 $0xFFFFD800  }
0xf6: {  	[tilespmem:s26], [sflag:$0x1] =	stream.indirect.gather [hbm4b:s1+s2], $0x80, s21, s2, $0xb8;
	[tilespmem:$0x1D000] =	vst v63  }
0xf7: {  	_ =	swait.ge [sflag:s9], $0x2800  }
0xf8: {  	[sflag:s9] =	ssyncset.done $0x0  }
0xf9: {  	s22 =	simm.s32 $0x2080;
	[sflag:s9] =	ssyncadd.s32 $0xFFFFD800  }
0xfa: {  	[spmem:s3] =	stream.indirect.scatter.add.f32 [tilespmem:s6], [sflag:$0x6], $0x80, s22, s2, $0xb8;
	[tilespmem:$0x1D000] =	vst v63  }
0xfb: {  	_ =	swait.ge [sflag:s8], $0x2800  }
0xfc: {  	[sflag:s8] =	ssyncset.done $0x0  }
0xfd: {  	s20 =	simm.s32 $0x400;
	s21 =	simm.s32 $0x180;
	[sflag:s8] =	ssyncadd.s32 $0xFFFFD800  }
.LBB2_8:
0xfe: {  	[tilespmem:s6], [sflag:$0x2] =	stream.indirect.gather [hbm4b:s1+s2], $0x80, s21, s2, $0xb8;
	[tilespmem:$0x1D000] =	vst v63  }
0xff: {  	s21 =	smov.u32 s20  }
0x100: {  	p0 =	sne.s32 s20, $0x2800;
	s20 =	sadd.s32 $0x400, s20;
	_ =	swait.ge [sflag:s7], $0x2800  }
0x101: {  	s21 =	sshra.s32 s21, $0x2;
	[sflag:s7] =	ssyncset.done $0x0  }
0x102: {  	s22 =	sadd.s32 $0x2000, s21;
	[sflag:s7] =	ssyncadd.s32 $0xFFFFD800  }
0x103: {  	[spmem:s3] =	stream.indirect.scatter.add.f32 [tilespmem:s26], [sflag:$0x6], $0x80, s22, s2, $0xb8;
	[tilespmem:$0x1D000] =	vst v63  }
0x104: {  	_ =	swait.ge [sflag:s8], $0x2800  }
0x105: {  	[sflag:s8] =	ssyncset.done $0x0  }
0x106: {  	s22 =	sadd.s32 $0x100, s21;
	[sflag:s8] =	ssyncadd.s32 $0xFFFFD800  }
0x107: {  	[tilespmem:s26], [sflag:$0x1] =	stream.indirect.gather [hbm4b:s1+s2], $0x80, s22, s2, $0xb8;
	[tilespmem:$0x1D000] =	vst v63  }
0x108: {  	_ =	swait.ge [sflag:s9], $0x2800  }
0x109: {  	[sflag:s9] =	ssyncset.done $0x0  }
.Ltmp3:
0x10a: {  	s22 =	sadd.s32 $0x2080, s21;
	[sflag:s9] =	ssyncadd.s32 $0xFFFFD800;
	(pc) =	sbr.rel @p0 .LBB2_8-.Ltmp3, $4  }
0x10b: {  	[spmem:s3] =	stream.indirect.scatter.add.f32 [tilespmem:s6], [sflag:$0x6], $0x80, s22, s2, $0xb8;
	[tilespmem:$0x1D000] =	vst v63  }
0x10c: {  	_ =	swait.ge [sflag:s8], $0x2800  }
0x10d: {  	[sflag:s8] =	ssyncset.done $0x0  }
0x10e: {  	s21 =	sadd.s32 $0x180, s21;
	[sflag:s8] =	ssyncadd.s32 $0xFFFFD800  }
0x10f: {  	[tilespmem:s6], [sflag:$0x2] =	stream.indirect.gather [hbm4b:s1+s2], $0x80, s21, s2, $0xb8;
	[tilespmem:$0x1D000] =	vst v63  }
0x110: {  	_ =	swait.ge [sflag:s7], $0x2800  }
0x111: {  	[sflag:s7] =	ssyncset.done $0x0  }
0x112: {  	[sflag:s7] =	ssyncadd.s32 $0xFFFFD800  }
0x113: {  	[spmem:s3] =	stream.indirect.scatter.add.f32 [tilespmem:s26], [sflag:$0x6], $0x80, s10, s2, $0xb8;
	[tilespmem:$0x1D000] =	vst v63  }
0x114: {  	_ =	swait.ge [sflag:s8], $0x2800  }
0x115: {  	[sflag:s8] =	ssyncset.done $0x0  }
0x116: {  	[sflag:s8] =	ssyncadd.s32 $0xFFFFD800  }
0x117: {  	[tilespmem:s26], [sflag:$0x1] =	stream.indirect.gather [hbm4b:s1+s2], $0x80, s11, s2, $0xb8;
	[tilespmem:$0x1D000] =	vst v63  }
0x118: {  	_ =	swait.ge [sflag:s9], $0x2800  }
0x119: {  	[sflag:s9] =	ssyncset.done $0x0  }
0x11a: {  	[sflag:s9] =	ssyncadd.s32 $0xFFFFD800  }
0x11b: {  	[spmem:s3] =	stream.indirect.scatter.add.f32 [tilespmem:s6], [sflag:$0x6], $0x80, s12, s2, $0xb8;
	[tilespmem:$0x1D000] =	vst v63  }
0x11c: {  	_ =	swait.ge [sflag:s8], $0x2800  }
0x11d: {  	[sflag:s8] =	ssyncset.done $0x0  }
0x11e: {  	[sflag:s8] =	ssyncadd.s32 $0xFFFFD800  }
0x11f: {  	_ =	swait.ge [sflag:s7], $0x2800  }
0x120: {  	[sflag:s7] =	ssyncset.done $0x0  }
0x121: {  	[sflag:s7] =	ssyncadd.s32 $0xFFFFD800  }
0x122: {  	[spmem:s3] =	stream.indirect.scatter.add.f32 [tilespmem:s26], [sflag:$0x6], $0x80, s13, s2, $0xb8;
	[tilespmem:$0x1D000] =	vst v63  }
0x123: {  	_ =	swait.ge [sflag:s8], $0x2800  }
0x124: {  	[sflag:s8] =	ssyncset.done $0x0  }
0x125: {  	s20 =	rddreg [dreg:$0x13];
	[sflag:s8] =	ssyncadd.s32 $0xFFFFD800  }
0x126: {  	[tilespmem:s4], [sflag:$0x3] =	stream.linear.gather [hbm4b:s20+s4], $0xC80, $0x38;
	[tilespmem:$0x1D000] =	vst v63  }
0x127: {  	s21 =	rddreg [dreg:$0x14]  }
0x128: {  	[tilespmem:s25], [sflag:$0x3] =	stream.linear.gather [hbm4b:s21+s4], $0xC80, $0x38;
	[tilespmem:$0x1D000] =	vst v63  }
0x129: {  	_ =	swait.ge [sflag:s14], $0xC80  }
0x12a: {  	[sflag:s14] =	ssyncset.done $0x0  }
0x12b: {  	[sflag:s14] =	ssyncadd.s32 $0xFFFFF380  }
0x12c: {  	_ =	swait.ge [sflag:s14], $0xC80  }
0x12d: {  	[sflag:s14] =	ssyncset.done $0x0  }
0x12e: {  	[sflag:s14] =	ssyncadd.s32 $0xFFFFF380  }
0x12f: {  	[tilespmem:s26], [sflag:$0x1] =	stream.indirect.gather [hbm4b:s1+s2], $0x80, s29, s2, $0xb8;
	[tilespmem:$0x1D000] =	vst v63  }
0x130: {  	_ = 	snop  }
0x131: {  	[tilespmem:s6], [sflag:$0x2] =	stream.indirect.gather [hbm4b:s1+s2], $0x80, s15, s2, $0xb8;
	[tilespmem:$0x1D000] =	vst v63  }
0x132: {  	_ =	swait.ge [sflag:s7], $0x2800  }
0x133: {  	[sflag:s7] =	ssyncset.done $0x0  }
0x134: {  	s22 =	simm.s32 $0x3000;
	[sflag:s7] =	ssyncadd.s32 $0xFFFFD800  }
0x135: {  	[spmem:s3] =	stream.indirect.scatter.add.f32 [tilespmem:s26], [sflag:$0x6], $0x80, s22, s2, $0xb8;
	[tilespmem:$0x1D000] =	vst v63  }
0x136: {  	_ =	swait.ge [sflag:s8], $0x2800  }
0x137: {  	[sflag:s8] =	ssyncset.done $0x0  }
0x138: {  	s21 =	simm.s32 $0x1100;
	[sflag:s8] =	ssyncadd.s32 $0xFFFFD800  }
0x139: {  	[tilespmem:s26], [sflag:$0x1] =	stream.indirect.gather [hbm4b:s1+s2], $0x80, s21, s2, $0xb8;
	[tilespmem:$0x1D000] =	vst v63  }
0x13a: {  	_ =	swait.ge [sflag:s9], $0x2800  }
0x13b: {  	[sflag:s9] =	ssyncset.done $0x0  }
0x13c: {  	s22 =	simm.s32 $0x3080;
	[sflag:s9] =	ssyncadd.s32 $0xFFFFD800  }
0x13d: {  	[spmem:s3] =	stream.indirect.scatter.add.f32 [tilespmem:s6], [sflag:$0x6], $0x80, s22, s2, $0xb8;
	[tilespmem:$0x1D000] =	vst v63  }
0x13e: {  	_ =	swait.ge [sflag:s8], $0x2800  }
0x13f: {  	[sflag:s8] =	ssyncset.done $0x0  }
0x140: {  	s20 =	simm.s32 $0xFFFFD800;
	s21 =	simm.s32 $0x1180;
	[sflag:s8] =	ssyncadd.s32 $0xFFFFD800  }
.LBB2_10:
0x141: {  	[tilespmem:s6], [sflag:$0x2] =	stream.indirect.gather [hbm4b:s1+s2], $0x80, s21, s2, $0xb8;
	[tilespmem:$0x1D000] =	vst v63  }
0x142: {  	s21 =	smov.u32 s20  }
0x143: {  	p0 =	sne.s32 s20, $0xFFFFFC00;
	s20 =	sadd.s32 $0x400, s20;
	_ =	swait.ge [sflag:s7], $0x2800  }
0x144: {  	s21 =	sshra.s32 s21, $0x2;
	[sflag:s7] =	ssyncset.done $0x0  }
0x145: {  	s22 =	sadd.s32 $0x3B00, s21;
	[sflag:s7] =	ssyncadd.s32 $0xFFFFD800  }
0x146: {  	[spmem:s3] =	stream.indirect.scatter.add.f32 [tilespmem:s26], [sflag:$0x6], $0x80, s22, s2, $0xb8;
	[tilespmem:$0x1D000] =	vst v63  }
0x147: {  	_ =	swait.ge [sflag:s8], $0x2800  }
0x148: {  	[sflag:s8] =	ssyncset.done $0x0  }
0x149: {  	s22 =	sadd.s32 $0x1C00, s21;
	[sflag:s8] =	ssyncadd.s32 $0xFFFFD800  }
0x14a: {  	[tilespmem:s26], [sflag:$0x1] =	stream.indirect.gather [hbm4b:s1+s2], $0x80, s22, s2, $0xb8;
	[tilespmem:$0x1D000] =	vst v63  }
0x14b: {  	_ =	swait.ge [sflag:s9], $0x2800  }
0x14c: {  	[sflag:s9] =	ssyncset.done $0x0  }
.Ltmp4:
0x14d: {  	s22 =	sadd.s32 $0x3B80, s21;
	[sflag:s9] =	ssyncadd.s32 $0xFFFFD800;
	(pc) =	sbr.rel @p0 .LBB2_10-.Ltmp4, $4  }
0x14e: {  	[spmem:s3] =	stream.indirect.scatter.add.f32 [tilespmem:s6], [sflag:$0x6], $0x80, s22, s2, $0xb8;
	[tilespmem:$0x1D000] =	vst v63  }
0x14f: {  	_ =	swait.ge [sflag:s8], $0x2800  }
0x150: {  	[sflag:s8] =	ssyncset.done $0x0  }
0x151: {  	s21 =	sadd.s32 $0x1C80, s21;
	[sflag:s8] =	ssyncadd.s32 $0xFFFFD800  }
0x152: {  	[tilespmem:s6], [sflag:$0x2] =	stream.indirect.gather [hbm4b:s1+s2], $0x80, s21, s2, $0xb8;
	[tilespmem:$0x1D000] =	vst v63  }
0x153: {  	_ =	swait.ge [sflag:s7], $0x2800  }
0x154: {  	[sflag:s7] =	ssyncset.done $0x0  }
0x155: {  	[sflag:s7] =	ssyncadd.s32 $0xFFFFD800  }
0x156: {  	[spmem:s3] =	stream.indirect.scatter.add.f32 [tilespmem:s26], [sflag:$0x6], $0x80, s16, s2, $0xb8;
	[tilespmem:$0x1D000] =	vst v63  }
0x157: {  	_ =	swait.ge [sflag:s8], $0x2800  }
0x158: {  	[sflag:s8] =	ssyncset.done $0x0  }
0x159: {  	[sflag:s8] =	ssyncadd.s32 $0xFFFFD800  }
0x15a: {  	[tilespmem:s26], [sflag:$0x1] =	stream.indirect.gather [hbm4b:s1+s2], $0x80, s17, s2, $0xb8;
	[tilespmem:$0x1D000] =	vst v63  }
0x15b: {  	_ =	swait.ge [sflag:s9], $0x2800  }
0x15c: {  	[sflag:s9] =	ssyncset.done $0x0  }
0x15d: {  	[sflag:s9] =	ssyncadd.s32 $0xFFFFD800  }
0x15e: {  	[spmem:s3] =	stream.indirect.scatter.add.f32 [tilespmem:s6], [sflag:$0x6], $0x80, s18, s2, $0xb8;
	[tilespmem:$0x1D000] =	vst v63  }
0x15f: {  	_ =	swait.ge [sflag:s8], $0x2800  }
0x160: {  	[sflag:s8] =	ssyncset.done $0x0  }
0x161: {  	[sflag:s8] =	ssyncadd.s32 $0xFFFFD800  }
0x162: {  	_ =	swait.ge [sflag:s7], $0x2800  }
0x163: {  	[sflag:s7] =	ssyncset.done $0x0  }
0x164: {  	[sflag:s7] =	ssyncadd.s32 $0xFFFFD800  }
0x165: {  	[spmem:s3] =	stream.indirect.scatter.add.f32 [tilespmem:s26], [sflag:$0x6], $0x80, s19, s2, $0xb8;
	[tilespmem:$0x1D000] =	vst v63  }
0x166: {  	_ =	swait.ge [sflag:s8], $0x2800  }
0x167: {  	[sflag:s8] =	ssyncset.done $0x0  }
0x168: {  	[sflag:s8] =	ssyncadd.s32 $0xFFFFD800  }
0x169: {  	_ =	swait.ge [sflag:s31], $0xC80  }
0x16a: {  	[sflag:s31] =	ssyncset.done $0x0  }
0x16b: {  	[sflag:s31] =	ssyncadd.s32 $0xFFFFF380  }
0x16c: {  	_ =	swait.ge [sflag:s31], $0xC80  }
0x16d: {  	[sflag:s31] =	ssyncset.done $0x0  }
0x16e: {  	s20 =	simm.s32 $0x0;
	[sflag:s31] =	ssyncadd.s32 $0xFFFFF380  }
0x16f: {  	[tilespmem:s26], [sflag:$0x1] =	stream.indirect.gather [hbm4b:s1+s2], $0x80, s20, s2, $0xb8;
	[tilespmem:$0x1D000] =	vst v63  }
0x170: {  	_ = 	snop  }
0x171: {  	[tilespmem:s6], [sflag:$0x2] =	stream.indirect.gather [hbm4b:s1+s2], $0x80, s0, s2, $0xb8;
	[tilespmem:$0x1D000] =	vst v63  }
0x172: {  	_ =	swait.ge [sflag:s7], $0x2800  }
0x173: {  	[sflag:s7] =	ssyncset.done $0x0  }
0x174: {  	s22 =	simm.s32 $0x2000;
	[sflag:s7] =	ssyncadd.s32 $0xFFFFD800  }
0x175: {  	[spmem:s3] =	stream.indirect.scatter.add.f32 [tilespmem:s26], [sflag:$0x6], $0x80, s22, s2, $0xb8;
	[tilespmem:$0x1D000] =	vst v63  }
0x176: {  	_ =	swait.ge [sflag:s8], $0x2800  }
0x177: {  	[sflag:s8] =	ssyncset.done $0x0  }
0x178: {  	s21 =	simm.s32 $0x100;
	[sflag:s8] =	ssyncadd.s32 $0xFFFFD800  }
0x179: {  	[tilespmem:s26], [sflag:$0x1] =	stream.indirect.gather [hbm4b:s1+s2], $0x80, s21, s2, $0xb8;
	[tilespmem:$0x1D000] =	vst v63  }
0x17a: {  	_ =	swait.ge [sflag:s9], $0x2800  }
0x17b: {  	[sflag:s9] =	ssyncset.done $0x0  }
0x17c: {  	s22 =	simm.s32 $0x2080;
	[sflag:s9] =	ssyncadd.s32 $0xFFFFD800  }
0x17d: {  	[spmem:s3] =	stream.indirect.scatter.add.f32 [tilespmem:s6], [sflag:$0x6], $0x80, s22, s2, $0xb8;
	[tilespmem:$0x1D000] =	vst v63  }
0x17e: {  	_ =	swait.ge [sflag:s8], $0x2800  }
0x17f: {  	[sflag:s8] =	ssyncset.done $0x0  }
0x180: {  	s20 =	simm.s32 $0x400;
	s21 =	simm.s32 $0x180;
	[sflag:s8] =	ssyncadd.s32 $0xFFFFD800  }
.LBB2_12:
0x181: {  	[tilespmem:s6], [sflag:$0x2] =	stream.indirect.gather [hbm4b:s1+s2], $0x80, s21, s2, $0xb8;
	[tilespmem:$0x1D000] =	vst v63  }
0x182: {  	s21 =	smov.u32 s20  }
0x183: {  	p0 =	sne.s32 s20, $0x2800;
	s20 =	sadd.s32 $0x400, s20;
	_ =	swait.ge [sflag:s7], $0x2800  }
0x184: {  	s21 =	sshra.s32 s21, $0x2;
	[sflag:s7] =	ssyncset.done $0x0  }
0x185: {  	s22 =	sadd.s32 $0x2000, s21;
	[sflag:s7] =	ssyncadd.s32 $0xFFFFD800  }
0x186: {  	[spmem:s3] =	stream.indirect.scatter.add.f32 [tilespmem:s26], [sflag:$0x6], $0x80, s22, s2, $0xb8;
	[tilespmem:$0x1D000] =	vst v63  }
0x187: {  	_ =	swait.ge [sflag:s8], $0x2800  }
0x188: {  	[sflag:s8] =	ssyncset.done $0x0  }
0x189: {  	s22 =	sadd.s32 $0x100, s21;
	[sflag:s8] =	ssyncadd.s32 $0xFFFFD800  }
0x18a: {  	[tilespmem:s26], [sflag:$0x1] =	stream.indirect.gather [hbm4b:s1+s2], $0x80, s22, s2, $0xb8;
	[tilespmem:$0x1D000] =	vst v63  }
0x18b: {  	_ =	swait.ge [sflag:s9], $0x2800  }
0x18c: {  	[sflag:s9] =	ssyncset.done $0x0  }
.Ltmp5:
0x18d: {  	s22 =	sadd.s32 $0x2080, s21;
	[sflag:s9] =	ssyncadd.s32 $0xFFFFD800;
	(pc) =	sbr.rel @p0 .LBB2_12-.Ltmp5, $4  }
0x18e: {  	[spmem:s3] =	stream.indirect.scatter.add.f32 [tilespmem:s6], [sflag:$0x6], $0x80, s22, s2, $0xb8;
	[tilespmem:$0x1D000] =	vst v63  }
0x18f: {  	_ =	swait.ge [sflag:s8], $0x2800  }
0x190: {  	[sflag:s8] =	ssyncset.done $0x0  }
0x191: {  	s21 =	sadd.s32 $0x180, s21;
	[sflag:s8] =	ssyncadd.s32 $0xFFFFD800  }
0x192: {  	[tilespmem:s6], [sflag:$0x2] =	stream.indirect.gather [hbm4b:s1+s2], $0x80, s21, s2, $0xb8;
	[tilespmem:$0x1D000] =	vst v63  }
0x193: {  	_ =	swait.ge [sflag:s7], $0x2800  }
0x194: {  	[sflag:s7] =	ssyncset.done $0x0  }
0x195: {  	[sflag:s7] =	ssyncadd.s32 $0xFFFFD800  }
0x196: {  	[spmem:s3] =	stream.indirect.scatter.add.f32 [tilespmem:s26], [sflag:$0x6], $0x80, s10, s2, $0xb8;
	[tilespmem:$0x1D000] =	vst v63  }
0x197: {  	_ =	swait.ge [sflag:s8], $0x2800  }
0x198: {  	[sflag:s8] =	ssyncset.done $0x0  }
0x199: {  	[sflag:s8] =	ssyncadd.s32 $0xFFFFD800  }
0x19a: {  	[tilespmem:s26], [sflag:$0x1] =	stream.indirect.gather [hbm4b:s1+s2], $0x80, s11, s2, $0xb8;
	[tilespmem:$0x1D000] =	vst v63  }
0x19b: {  	_ =	swait.ge [sflag:s9], $0x2800  }
0x19c: {  	[sflag:s9] =	ssyncset.done $0x0  }
0x19d: {  	[sflag:s9] =	ssyncadd.s32 $0xFFFFD800  }
0x19e: {  	[spmem:s3] =	stream.indirect.scatter.add.f32 [tilespmem:s6], [sflag:$0x6], $0x80, s12, s2, $0xb8;
	[tilespmem:$0x1D000] =	vst v63  }
0x19f: {  	_ =	swait.ge [sflag:s8], $0x2800  }
0x1a0: {  	[sflag:s8] =	ssyncset.done $0x0  }
0x1a1: {  	[sflag:s8] =	ssyncadd.s32 $0xFFFFD800  }
0x1a2: {  	_ =	swait.ge [sflag:s7], $0x2800  }
0x1a3: {  	[sflag:s7] =	ssyncset.done $0x0  }
0x1a4: {  	[sflag:s7] =	ssyncadd.s32 $0xFFFFD800  }
0x1a5: {  	[spmem:s3] =	stream.indirect.scatter.add.f32 [tilespmem:s26], [sflag:$0x6], $0x80, s13, s2, $0xb8;
	[tilespmem:$0x1D000] =	vst v63  }
0x1a6: {  	s20 =	stileid.u32;
	_ =	swait.ge [sflag:s8], $0x2800  }
0x1a7: {  	s22 =	sshrl.u32 s5, $0x3;
	s30 =	sadd.s32 $0x1, s30;
	[sflag:s8] =	ssyncset.done $0x0  }
0x1a8: {  	s20 =	sshll.u32 s20, $0x6;
	p0 =	sne.s32 s30, s24;
	[sflag:s8] =	ssyncadd.s32 $0xFFFFD800  }
.Ltmp6:
0x1a9: {  	s20 =	sor.u32 $0x1C06, s20;
	[bflag:$0x0] =	sbarrier.arrive $0xFFFF;
	(pc) =	sbr.rel @p0 .LBB2_1-.Ltmp6, $4  }
0x1aa: {  	[hbm:s23], [sflag:s20] =	dma.local [spmem:s22], $0x2800  }
0x1ab: {  	_ =	swait.ge [sflag:s8], $0x2800  }
0x1ac: {  	[sflag:s8] =	ssyncset.done $0x0  }
0x1ad: {  	[sflag:s8] =	ssyncadd.s32 $0xFFFFD800  }
0x1ae: {  	_ =	sfence.sel $0x180000  }
0x1af: {  	[bflag:$0x0] =	sbarrier.arrive $0xFFFF  }
0x1b0: {  	_ =	strace $0x9000004A  }
0x1b1: {  	s0 =	stileid.u32;
	[bflag:$0x2] =	sbarrier.arrive $0xFFFF  }
0x1b2: {  	p0 =	sne.s32 s0, $0x0;
	s0 =	rddreg [dreg:$0x3]  }
0x1b3: {  	s0 =	sadd.s32 @!p0 $0x100000, s0  }
0x1b4: {  	[sflag:s0] =	ssyncadd.tile.s32 @!p0 $0x1;
	_ =	shalt  }
.Lfunc_end2:
_tile_overlayer_lowered:
.L_overlay_start_2:
0x1b5: {  	(tag) =	ssettag $0x2  }
0x1b6: {  	s0 =	rddreg [dreg:$0x0];
	s2 =	stileid.u32  }
0x1b7: {  	s1 =	rddreg [dreg:$0x1];
	p0 =	sne.s32 s2, $0x0  }
0x1b8: {  	s3 =	rddreg [dreg:$0x2];
	[bflag:$0x3] =	sbarrier.arrive $0xFFFF;
	s2 =	simm.s32 @!p0 $0x1C06  }
0x1b9: {  	[timem:s3], [sflag:s2] =	dma.local @!p0 [hbm:s0], s1  }
0x1ba: {  	s0 =	simm.s32 @!p0 $0x6  }
0x1bb: {  	_ =	swait.ge @!p0 [sflag:s0], s1  }
0x1bc: {  	s1 =	ssub.s32 @!p0 $0x0, s1;
	[sflag:s0] =	ssyncset.done @!p0 $0x0  }
0x1bd: {  	[sflag:s0] =	ssyncadd.s32 @!p0 s1  }
0x1be: {  	[bflag:$0x3] =	sbarrier.arrive $0xFFFF  }
0x1bf: {  	_ =	shalt  }

</sc_bundles>
